<compile_context>
chip_gen: v7x
topology: tpu7x:2x2x1
jax: 0.10.2.dev20260603
libtpu: 0.0.44.dev20260713+nightly
codegen_flags: <defaults>
</compile_context>

<pallas_src>
import jax
import jax.numpy as jnp
from jax import lax
from jax.experimental import pallas as pl
from jax.experimental.pallas import tpu as pltpu
from jax.experimental.pallas import tpu_sc as plsc

B = 16384
F = 128
NC = 2
NS = 16
NW = NC * NS
BPW = B // NW
CHUNK = 128
NCHUNK = BPW // CHUNK
GROUPS = CHUNK // 16


def _sc_body(users, items, uw, iw, ub, ib, out,
             uidx, iidx, urows0, urows1, irows0, irows1,
             ubv, ibv, outv, sems):
    wid = lax.axis_index("s") * NC + lax.axis_index("c")
    base = wid * BPW

    urows = (urows0, urows1)
    irows = (irows0, irows1)

    hu = pltpu.async_copy(users.at[pl.ds(base, BPW)], uidx, sems.at[0])
    hi = pltpu.async_copy(items.at[pl.ds(base, BPW)], iidx, sems.at[1])
    hu.wait()
    hi.wait()

    def issue(c, slot):
        uc = uidx.at[pl.ds(c * CHUNK, CHUNK)]
        ic = iidx.at[pl.ds(c * CHUNK, CHUNK)]
        return [
            pltpu.async_copy(uw.at[uc], urows[slot], sems.at[slot]),
            pltpu.async_copy(iw.at[ic], irows[slot], sems.at[slot]),
        ]

    def compute(c, slot, g_lo=0, g_hi=GROUPS):
        ur = urows[slot]
        ir = irows[slot]

        lane = lax.iota(jnp.int32, 16)

        def gbody(g, carry):
            def tbody(t, sums):
                for j in range(8):
                    r = g * 16 + t * 8 + j
                    acc = ur[r, pl.ds(0, 16)] * ir[r, pl.ds(0, 16)]
                    for k in range(1, F // 16):
                        acc = acc + (ur[r, pl.ds(k * 16, 16)]
                                     * ir[r, pl.ds(k * 16, 16)])
                    s = jnp.sum(acc)
                    sums = jnp.where(lane == t * 8 + j,
                                     jnp.full((16,), s), sums)
                return sums

            sums = lax.fori_loop(0, 2, tbody, jnp.zeros((16,), jnp.float32))
            off = c * CHUNK + g * 16
            res = sums + ubv[pl.ds(off, 16)] + ibv[pl.ds(off, 16)]
            y = 5.0 / (1.0 + jnp.exp(-res))
            outv[pl.ds(off, 16)] = y
            return carry

        lax.fori_loop(g_lo, g_hi, gbody, 0)

    HALF = CHUNK // 2
    w0 = [pltpu.async_copy(uw.at[uidx.at[pl.ds(0, HALF)]],
                           urows[0].at[pl.ds(0, HALF)], sems.at[0]),
          pltpu.async_copy(iw.at[iidx.at[pl.ds(0, HALF)]],
                           irows[0].at[pl.ds(0, HALF)], sems.at[0])]
    w1 = [pltpu.async_copy(uw.at[uidx.at[pl.ds(HALF, HALF)]],
                           urows[0].at[pl.ds(HALF, HALF)], sems.at[0]),
          pltpu.async_copy(iw.at[iidx.at[pl.ds(HALF, HALF)]],
                           irows[0].at[pl.ds(HALF, HALF)], sems.at[0])]
    hb = [pltpu.async_copy(ub.at[uidx], ubv, sems.at[1]),
          pltpu.async_copy(ib.at[iidx], ibv, sems.at[1])]
    handles = issue(1, 1)
    for h in w0 + hb:
        h.wait()
    compute(0, 0, 0, GROUPS // 2)
    for h in w1:
        h.wait()
    compute(0, 0, GROUPS // 2, GROUPS)

    def flush(c):
        return pltpu.async_copy(
            outv.at[pl.ds(c * CHUNK, CHUNK)],
            out.at[pl.ds(base + c * CHUNK, CHUNK)], sems.at[2])

    hout = [flush(0)]
    for c in range(1, NCHUNK):
        slot = c % 2
        for h in handles:
            h.wait()
        if c + 1 < NCHUNK:
            handles = issue(c + 1, 1 - slot)
        compute(c, slot)
        hout.append(flush(c))

    for h in hout:
        h.wait()


@jax.jit
def kernel(users, items, u_weight, i_weight, u_bias, i_bias):
    mesh = plsc.VectorSubcoreMesh(core_axis_name="c", subcore_axis_name="s",
                                  num_cores=NC, num_subcores=NS)
    run = pl.kernel(
        _sc_body,
        out_type=jax.ShapeDtypeStruct((B,), jnp.float32),
        mesh=mesh,
        compiler_params=pltpu.CompilerParams(
            needs_layout_passes=False,
            disable_bounds_checks=True,
            disable_semaphore_checks=True,
        ),
        scratch_types=[
            pltpu.VMEM((BPW,), jnp.int32),
            pltpu.VMEM((BPW,), jnp.int32),
            pltpu.VMEM((CHUNK, F), jnp.float32),
            pltpu.VMEM((CHUNK, F), jnp.float32),
            pltpu.VMEM((CHUNK, F), jnp.float32),
            pltpu.VMEM((CHUNK, F), jnp.float32),
            pltpu.VMEM((BPW,), jnp.float32),
            pltpu.VMEM((BPW,), jnp.float32),
            pltpu.VMEM((BPW,), jnp.float32),
            pltpu.SemaphoreType.DMA((3,)),
        ],
    )
    return run(users.astype(jnp.int32), items.astype(jnp.int32),
               u_weight, i_weight, u_bias.reshape(-1), i_bias.reshape(-1))

# --- scband reference (transcript-rebuilt; emitter-appended) ---
"""Pipeline reference for scband-embedding-net-17489106829720 (READ-ONLY COPY).

The authoritative reference and input builder live on the scoring server;
editing this copy changes nothing except your own understanding.
"""

import jax, jax.numpy as jnp
import numpy as np

N_USERS = 100000
N_ITEMS = 100000
N_FACTORS = 128
BATCH = 16384
Y_RANGE = (0.0, 5.0)


def setup_inputs(seed: int = 0) -> dict:
    key = jax.random.key(seed)
    k_u, k_i, k_uw, k_iw, k_ub, k_ib = jax.random.split(key, 6)
    users = jax.random.randint(k_u, (BATCH,), 0, N_USERS, dtype=jnp.int64 if jax.config.jax_enable_x64 else jnp.int32)
    items = jax.random.randint(k_i, (BATCH,), 0, N_ITEMS, dtype=jnp.int64 if jax.config.jax_enable_x64 else jnp.int32)
    u_weight = jax.random.normal(k_uw, (N_USERS, N_FACTORS), dtype=jnp.float32) * 0.01
    i_weight = jax.random.normal(k_iw, (N_ITEMS, N_FACTORS), dtype=jnp.float32) * 0.01
    u_bias = jax.random.normal(k_ub, (N_USERS, 1), dtype=jnp.float32) * 0.01
    i_bias = jax.random.normal(k_ib, (N_ITEMS, 1), dtype=jnp.float32) * 0.01
    return {"users": users, "items": items, "u_weight": u_weight, "i_weight": i_weight, "u_bias": u_bias, "i_bias": i_bias}


def reference(users, items, u_weight, i_weight, u_bias, i_bias):
    u_emb = jnp.take(u_weight, users, axis=0)        # [B, F]
    i_emb = jnp.take(i_weight, items, axis=0)        # [B, F]
    dot = u_emb * i_emb
    res = dot.sum(axis=1) + jnp.take(u_bias, users, axis=0).squeeze() + jnp.take(i_bias, items, axis=0).squeeze()
    lo, hi = Y_RANGE
    return jax.nn.sigmoid(res) * (hi - lo) + lo

if __name__ == "__main__":
    import jax
    _d = setup_inputs()
    print(jax.jit(kernel)(*tuple(_d.values())))

</pallas_src>

<mosaic_0001>
#map = affine_map<(d0, d1) -> (0)>
#map1 = affine_map<(d0, d1) -> (0, 0)>
module attributes {stable_mosaic.version = 14 : i64} {
  func.func @_sc_body(%arg0: i32, %arg1: i32, %arg2: memref<16384xi32, #tpu.memory_space<hbm>>, %arg3: memref<16384xi32, #tpu.memory_space<hbm>>, %arg4: memref<100000x128xf32, #tpu.memory_space<hbm>>, %arg5: memref<100000x128xf32, #tpu.memory_space<hbm>>, %arg6: memref<100000xf32, #tpu.memory_space<hbm>>, %arg7: memref<100000xf32, #tpu.memory_space<hbm>>, %arg8: memref<16384xf32, #tpu.memory_space<hbm>>, %arg9: memref<512xi32, #tpu.memory_space<vmem>>, %arg10: memref<512xi32, #tpu.memory_space<vmem>>, %arg11: memref<128x128xf32, #tpu.memory_space<vmem>>, %arg12: memref<128x128xf32, #tpu.memory_space<vmem>>, %arg13: memref<128x128xf32, #tpu.memory_space<vmem>>, %arg14: memref<128x128xf32, #tpu.memory_space<vmem>>, %arg15: memref<512xf32, #tpu.memory_space<vmem>>, %arg16: memref<512xf32, #tpu.memory_space<vmem>>, %arg17: memref<512xf32, #tpu.memory_space<vmem>>, %arg18: memref<3x!tpu.dma_semaphore, #tpu.memory_space<semaphore_mem>>) attributes {dimension_semantics = [#tpu.dimension_semantics<core_parallel>, #tpu.dimension_semantics<subcore_parallel>], iteration_bounds = array<i64: 2, 16>, scalar_prefetch = 0 : i64, scratch_operands = 10 : i64, tpu.core_type = #tpu.core_type<sc_vector_subcore>, window_params = [{transform_indices = #map}, {transform_indices = #map}, {transform_indices = #map1}, {transform_indices = #map1}, {transform_indices = #map}, {transform_indices = #map}, {transform_indices = #map}]} {
    %mul3A = arith.constant 2 : i32
    %mul3A_0 = arith.muli %arg1, %mul3A : i32
    %add3A = arith.addi %mul3A_0, %arg0 : i32
    %mul3A_1 = arith.constant 512 : i32
    %mul3A_2 = arith.muli %add3A, %mul3A_1 : i32
    %dma_start3A = arith.constant 0 : i32
    %dma_start3A_3 = tpu.memref_slice %arg2[%mul3A_2] : memref<16384xi32, #tpu.memory_space<hbm>> -> memref<512xi32, #tpu.memory_space<hbm>>
    %dma_start3A_4 = tpu.memref_slice %arg18[%dma_start3A] : memref<3x!tpu.dma_semaphore, #tpu.memory_space<semaphore_mem>> -> memref<1x!tpu.dma_semaphore, #tpu.memory_space<semaphore_mem>>
    %dma_start3A_5 = tpu.memref_squeeze %dma_start3A_4 : memref<1x!tpu.dma_semaphore, #tpu.memory_space<semaphore_mem>> -> memref<!tpu.dma_semaphore, #tpu.memory_space<semaphore_mem>>
    %dma_start3A_6 = tpu.memref_slice %arg2[%mul3A_2] : memref<16384xi32, #tpu.memory_space<hbm>> -> memref<512xi32, #tpu.memory_space<hbm>>
    tpu.enqueue_dma source(%dma_start3A_6 : memref<512xi32, #tpu.memory_space<hbm>>) target(%arg9 : memref<512xi32, #tpu.memory_space<vmem>>) target_semaphore(%dma_start3A_5 : memref<!tpu.dma_semaphore, #tpu.memory_space<semaphore_mem>>)
    %dma_start3A_7 = arith.constant 1 : i32
    %dma_start3A_8 = tpu.memref_slice %arg3[%mul3A_2] : memref<16384xi32, #tpu.memory_space<hbm>> -> memref<512xi32, #tpu.memory_space<hbm>>
    %dma_start3A_9 = tpu.memref_slice %arg18[%dma_start3A_7] : memref<3x!tpu.dma_semaphore, #tpu.memory_space<semaphore_mem>> -> memref<1x!tpu.dma_semaphore, #tpu.memory_space<semaphore_mem>>
    %dma_start3A_10 = tpu.memref_squeeze %dma_start3A_9 : memref<1x!tpu.dma_semaphore, #tpu.memory_space<semaphore_mem>> -> memref<!tpu.dma_semaphore, #tpu.memory_space<semaphore_mem>>
    %dma_start3A_11 = tpu.memref_slice %arg3[%mul3A_2] : memref<16384xi32, #tpu.memory_space<hbm>> -> memref<512xi32, #tpu.memory_space<hbm>>
    tpu.enqueue_dma source(%dma_start3A_11 : memref<512xi32, #tpu.memory_space<hbm>>) target(%arg10 : memref<512xi32, #tpu.memory_space<vmem>>) target_semaphore(%dma_start3A_10 : memref<!tpu.dma_semaphore, #tpu.memory_space<semaphore_mem>>)
    %dma_wait3A = arith.constant 0 : i32
    %dma_wait3A_12 = tpu.memref_slice %arg2[%mul3A_2] : memref<16384xi32, #tpu.memory_space<hbm>> -> memref<512xi32, #tpu.memory_space<hbm>>
    %dma_wait3A_13 = tpu.memref_slice %arg18[%dma_wait3A] : memref<3x!tpu.dma_semaphore, #tpu.memory_space<semaphore_mem>> -> memref<1x!tpu.dma_semaphore, #tpu.memory_space<semaphore_mem>>
    %dma_wait3A_14 = tpu.memref_squeeze %dma_wait3A_13 : memref<1x!tpu.dma_semaphore, #tpu.memory_space<semaphore_mem>> -> memref<!tpu.dma_semaphore, #tpu.memory_space<semaphore_mem>>
    %dma_wait3A_15 = tpu.memref_slice %arg2[%mul3A_2] : memref<16384xi32, #tpu.memory_space<hbm>> -> memref<512xi32, #tpu.memory_space<hbm>>
    tpu.wait_dma2 semaphore(%dma_wait3A_14 : memref<!tpu.dma_semaphore, #tpu.memory_space<semaphore_mem>>) src(%dma_wait3A_15 : memref<512xi32, #tpu.memory_space<hbm>>) dst(%arg9 : memref<512xi32, #tpu.memory_space<vmem>>)
    %dma_wait3A_16 = arith.constant 1 : i32
    %dma_wait3A_17 = tpu.memref_slice %arg3[%mul3A_2] : memref<16384xi32, #tpu.memory_space<hbm>> -> memref<512xi32, #tpu.memory_space<hbm>>
    %dma_wait3A_18 = tpu.memref_slice %arg18[%dma_wait3A_16] : memref<3x!tpu.dma_semaphore, #tpu.memory_space<semaphore_mem>> -> memref<1x!tpu.dma_semaphore, #tpu.memory_space<semaphore_mem>>
    %dma_wait3A_19 = tpu.memref_squeeze %dma_wait3A_18 : memref<1x!tpu.dma_semaphore, #tpu.memory_space<semaphore_mem>> -> memref<!tpu.dma_semaphore, #tpu.memory_space<semaphore_mem>>
    %dma_wait3A_20 = tpu.memref_slice %arg3[%mul3A_2] : memref<16384xi32, #tpu.memory_space<hbm>> -> memref<512xi32, #tpu.memory_space<hbm>>
    tpu.wait_dma2 semaphore(%dma_wait3A_19 : memref<!tpu.dma_semaphore, #tpu.memory_space<semaphore_mem>>) src(%dma_wait3A_20 : memref<512xi32, #tpu.memory_space<hbm>>) dst(%arg10 : memref<512xi32, #tpu.memory_space<vmem>>)
    %dma_start3A_21 = arith.constant 0 : i32
    %dma_start3A_22 = arith.constant 0 : i32
    %dma_start3A_23 = arith.constant 0 : i32
    %dma_start3A_24 = tpu.memref_slice %arg11[%dma_start3A_22, %dma_start3A_23] : memref<128x128xf32, #tpu.memory_space<vmem>> -> memref<64x128xf32, #tpu.memory_space<vmem>>
    %dma_start3A_25 = arith.constant 0 : i32
    %dma_start3A_26 = tpu.memref_slice %arg9[%dma_start3A_25] : memref<512xi32, #tpu.memory_space<vmem>> -> memref<64xi32, #tpu.memory_space<vmem>>
    %dma_start3A_27 = arith.constant 0 : i32
    %dma_start3A_28 = arith.constant 0 : i32
    %dma_start3A_29 = tpu.memref_slice %arg4[%dma_start3A_27, %dma_start3A_28] : memref<100000x128xf32, #tpu.memory_space<hbm>> -> memref<100000x128xf32, #tpu.memory_space<hbm>>
    %dma_start3A_30 = tpu.memref_slice %arg18[%dma_start3A_21] : memref<3x!tpu.dma_semaphore, #tpu.memory_space<semaphore_mem>> -> memref<1x!tpu.dma_semaphore, #tpu.memory_space<semaphore_mem>>
    %dma_start3A_31 = tpu.memref_squeeze %dma_start3A_30 : memref<1x!tpu.dma_semaphore, #tpu.memory_space<semaphore_mem>> -> memref<!tpu.dma_semaphore, #tpu.memory_space<semaphore_mem>>
    tpu.enqueue_indirect_dma source(%dma_start3A_29 : memref<100000x128xf32, #tpu.memory_space<hbm>>) target(%dma_start3A_24 : memref<64x128xf32, #tpu.memory_space<vmem>>) offsets(%dma_start3A_26 : memref<64xi32, #tpu.memory_space<vmem>>) semaphore(%dma_start3A_31 : memref<!tpu.dma_semaphore, #tpu.memory_space<semaphore_mem>>)
    %dma_start3A_32 = arith.constant 0 : i32
    %dma_start3A_33 = arith.constant 0 : i32
    %dma_start3A_34 = arith.constant 0 : i32
    %dma_start3A_35 = tpu.memref_slice %arg13[%dma_start3A_33, %dma_start3A_34] : memref<128x128xf32, #tpu.memory_space<vmem>> -> memref<64x128xf32, #tpu.memory_space<vmem>>
    %dma_start3A_36 = arith.constant 0 : i32
    %dma_start3A_37 = tpu.memref_slice %arg10[%dma_start3A_36] : memref<512xi32, #tpu.memory_space<vmem>> -> memref<64xi32, #tpu.memory_space<vmem>>
    %dma_start3A_38 = arith.constant 0 : i32
    %dma_start3A_39 = arith.constant 0 : i32
    %dma_start3A_40 = tpu.memref_slice %arg5[%dma_start3A_38, %dma_start3A_39] : memref<100000x128xf32, #tpu.memory_space<hbm>> -> memref<100000x128xf32, #tpu.memory_space<hbm>>
    %dma_start3A_41 = tpu.memref_slice %arg18[%dma_start3A_32] : memref<3x!tpu.dma_semaphore, #tpu.memory_space<semaphore_mem>> -> memref<1x!tpu.dma_semaphore, #tpu.memory_space<semaphore_mem>>
    %dma_start3A_42 = tpu.memref_squeeze %dma_start3A_41 : memref<1x!tpu.dma_semaphore, #tpu.memory_space<semaphore_mem>> -> memref<!tpu.dma_semaphore, #tpu.memory_space<semaphore_mem>>
    tpu.enqueue_indirect_dma source(%dma_start3A_40 : memref<100000x128xf32, #tpu.memory_space<hbm>>) target(%dma_start3A_35 : memref<64x128xf32, #tpu.memory_space<vmem>>) offsets(%dma_start3A_37 : memref<64xi32, #tpu.memory_space<vmem>>) semaphore(%dma_start3A_42 : memref<!tpu.dma_semaphore, #tpu.memory_space<semaphore_mem>>)
    %dma_start3A_43 = arith.constant 0 : i32
    %dma_start3A_44 = arith.constant 64 : i32
    %dma_start3A_45 = arith.constant 0 : i32
    %dma_start3A_46 = tpu.memref_slice %arg11[%dma_start3A_44, %dma_start3A_45] : memref<128x128xf32, #tpu.memory_space<vmem>> -> memref<64x128xf32, #tpu.memory_space<vmem>>
    %dma_start3A_47 = arith.constant 64 : i32
    %dma_start3A_48 = tpu.memref_slice %arg9[%dma_start3A_47] : memref<512xi32, #tpu.memory_space<vmem>> -> memref<64xi32, #tpu.memory_space<vmem>>
    %dma_start3A_49 = arith.constant 0 : i32
    %dma_start3A_50 = arith.constant 0 : i32
    %dma_start3A_51 = tpu.memref_slice %arg4[%dma_start3A_49, %dma_start3A_50] : memref<100000x128xf32, #tpu.memory_space<hbm>> -> memref<100000x128xf32, #tpu.memory_space<hbm>>
    %dma_start3A_52 = tpu.memref_slice %arg18[%dma_start3A_43] : memref<3x!tpu.dma_semaphore, #tpu.memory_space<semaphore_mem>> -> memref<1x!tpu.dma_semaphore, #tpu.memory_space<semaphore_mem>>
    %dma_start3A_53 = tpu.memref_squeeze %dma_start3A_52 : memref<1x!tpu.dma_semaphore, #tpu.memory_space<semaphore_mem>> -> memref<!tpu.dma_semaphore, #tpu.memory_space<semaphore_mem>>
    tpu.enqueue_indirect_dma source(%dma_start3A_51 : memref<100000x128xf32, #tpu.memory_space<hbm>>) target(%dma_start3A_46 : memref<64x128xf32, #tpu.memory_space<vmem>>) offsets(%dma_start3A_48 : memref<64xi32, #tpu.memory_space<vmem>>) semaphore(%dma_start3A_53 : memref<!tpu.dma_semaphore, #tpu.memory_space<semaphore_mem>>)
    %dma_start3A_54 = arith.constant 0 : i32
    %dma_start3A_55 = arith.constant 64 : i32
    %dma_start3A_56 = arith.constant 0 : i32
    %dma_start3A_57 = tpu.memref_slice %arg13[%dma_start3A_55, %dma_start3A_56] : memref<128x128xf32, #tpu.memory_space<vmem>> -> memref<64x128xf32, #tpu.memory_space<vmem>>
    %dma_start3A_58 = arith.constant 64 : i32
    %dma_start3A_59 = tpu.memref_slice %arg10[%dma_start3A_58] : memref<512xi32, #tpu.memory_space<vmem>> -> memref<64xi32, #tpu.memory_space<vmem>>
    %dma_start3A_60 = arith.constant 0 : i32
    %dma_start3A_61 = arith.constant 0 : i32
    %dma_start3A_62 = tpu.memref_slice %arg5[%dma_start3A_60, %dma_start3A_61] : memref<100000x128xf32, #tpu.memory_space<hbm>> -> memref<100000x128xf32, #tpu.memory_space<hbm>>
    %dma_start3A_63 = tpu.memref_slice %arg18[%dma_start3A_54] : memref<3x!tpu.dma_semaphore, #tpu.memory_space<semaphore_mem>> -> memref<1x!tpu.dma_semaphore, #tpu.memory_space<semaphore_mem>>
    %dma_start3A_64 = tpu.memref_squeeze %dma_start3A_63 : memref<1x!tpu.dma_semaphore, #tpu.memory_space<semaphore_mem>> -> memref<!tpu.dma_semaphore, #tpu.memory_space<semaphore_mem>>
    tpu.enqueue_indirect_dma source(%dma_start3A_62 : memref<100000x128xf32, #tpu.memory_space<hbm>>) target(%dma_start3A_57 : memref<64x128xf32, #tpu.memory_space<vmem>>) offsets(%dma_start3A_59 : memref<64xi32, #tpu.memory_space<vmem>>) semaphore(%dma_start3A_64 : memref<!tpu.dma_semaphore, #tpu.memory_space<semaphore_mem>>)
    %dma_start3A_65 = arith.constant 1 : i32
    %dma_start3A_66 = arith.constant 0 : i32
    %dma_start3A_67 = tpu.memref_slice %arg6[%dma_start3A_66] : memref<100000xf32, #tpu.memory_space<hbm>> -> memref<100000xf32, #tpu.memory_space<hbm>>
    %dma_start3A_68 = tpu.memref_slice %arg18[%dma_start3A_65] : memref<3x!tpu.dma_semaphore, #tpu.memory_space<semaphore_mem>> -> memref<1x!tpu.dma_semaphore, #tpu.memory_space<semaphore_mem>>
    %dma_start3A_69 = tpu.memref_squeeze %dma_start3A_68 : memref<1x!tpu.dma_semaphore, #tpu.memory_space<semaphore_mem>> -> memref<!tpu.dma_semaphore, #tpu.memory_space<semaphore_mem>>
    tpu.enqueue_indirect_dma source(%dma_start3A_67 : memref<100000xf32, #tpu.memory_space<hbm>>) target(%arg15 : memref<512xf32, #tpu.memory_space<vmem>>) offsets(%arg9 : memref<512xi32, #tpu.memory_space<vmem>>) semaphore(%dma_start3A_69 : memref<!tpu.dma_semaphore, #tpu.memory_space<semaphore_mem>>)
    %dma_start3A_70 = arith.constant 1 : i32
    %dma_start3A_71 = arith.constant 0 : i32
    %dma_start3A_72 = tpu.memref_slice %arg7[%dma_start3A_71] : memref<100000xf32, #tpu.memory_space<hbm>> -> memref<100000xf32, #tpu.memory_space<hbm>>
    %dma_start3A_73 = tpu.memref_slice %arg18[%dma_start3A_70] : memref<3x!tpu.dma_semaphore, #tpu.memory_space<semaphore_mem>> -> memref<1x!tpu.dma_semaphore, #tpu.memory_space<semaphore_mem>>
    %dma_start3A_74 = tpu.memref_squeeze %dma_start3A_73 : memref<1x!tpu.dma_semaphore, #tpu.memory_space<semaphore_mem>> -> memref<!tpu.dma_semaphore, #tpu.memory_space<semaphore_mem>>
    tpu.enqueue_indirect_dma source(%dma_start3A_72 : memref<100000xf32, #tpu.memory_space<hbm>>) target(%arg16 : memref<512xf32, #tpu.memory_space<vmem>>) offsets(%arg10 : memref<512xi32, #tpu.memory_space<vmem>>) semaphore(%dma_start3A_74 : memref<!tpu.dma_semaphore, #tpu.memory_space<semaphore_mem>>)
    %dma_start3A_75 = arith.constant 1 : i32
    %dma_start3A_76 = arith.constant 128 : i32
    %dma_start3A_77 = tpu.memref_slice %arg9[%dma_start3A_76] : memref<512xi32, #tpu.memory_space<vmem>> -> memref<128xi32, #tpu.memory_space<vmem>>
    %dma_start3A_78 = arith.constant 0 : i32
    %dma_start3A_79 = arith.constant 0 : i32
    %dma_start3A_80 = tpu.memref_slice %arg4[%dma_start3A_78, %dma_start3A_79] : memref<100000x128xf32, #tpu.memory_space<hbm>> -> memref<100000x128xf32, #tpu.memory_space<hbm>>
    %dma_start3A_81 = tpu.memref_slice %arg18[%dma_start3A_75] : memref<3x!tpu.dma_semaphore, #tpu.memory_space<semaphore_mem>> -> memref<1x!tpu.dma_semaphore, #tpu.memory_space<semaphore_mem>>
    %dma_start3A_82 = tpu.memref_squeeze %dma_start3A_81 : memref<1x!tpu.dma_semaphore, #tpu.memory_space<semaphore_mem>> -> memref<!tpu.dma_semaphore, #tpu.memory_space<semaphore_mem>>
    tpu.enqueue_indirect_dma source(%dma_start3A_80 : memref<100000x128xf32, #tpu.memory_space<hbm>>) target(%arg12 : memref<128x128xf32, #tpu.memory_space<vmem>>) offsets(%dma_start3A_77 : memref<128xi32, #tpu.memory_space<vmem>>) semaphore(%dma_start3A_82 : memref<!tpu.dma_semaphore, #tpu.memory_space<semaphore_mem>>)
    %dma_start3A_83 = arith.constant 1 : i32
    %dma_start3A_84 = arith.constant 128 : i32
    %dma_start3A_85 = tpu.memref_slice %arg10[%dma_start3A_84] : memref<512xi32, #tpu.memory_space<vmem>> -> memref<128xi32, #tpu.memory_space<vmem>>
    %dma_start3A_86 = arith.constant 0 : i32
    %dma_start3A_87 = arith.constant 0 : i32
    %dma_start3A_88 = tpu.memref_slice %arg5[%dma_start3A_86, %dma_start3A_87] : memref<100000x128xf32, #tpu.memory_space<hbm>> -> memref<100000x128xf32, #tpu.memory_space<hbm>>
    %dma_start3A_89 = tpu.memref_slice %arg18[%dma_start3A_83] : memref<3x!tpu.dma_semaphore, #tpu.memory_space<semaphore_mem>> -> memref<1x!tpu.dma_semaphore, #tpu.memory_space<semaphore_mem>>
    %dma_start3A_90 = tpu.memref_squeeze %dma_start3A_89 : memref<1x!tpu.dma_semaphore, #tpu.memory_space<semaphore_mem>> -> memref<!tpu.dma_semaphore, #tpu.memory_space<semaphore_mem>>
    tpu.enqueue_indirect_dma source(%dma_start3A_88 : memref<100000x128xf32, #tpu.memory_space<hbm>>) target(%arg14 : memref<128x128xf32, #tpu.memory_space<vmem>>) offsets(%dma_start3A_85 : memref<128xi32, #tpu.memory_space<vmem>>) semaphore(%dma_start3A_90 : memref<!tpu.dma_semaphore, #tpu.memory_space<semaphore_mem>>)
    %dma_wait3A_91 = arith.constant 0 : i32
    %dma_wait3A_92 = arith.constant 0 : i32
    %dma_wait3A_93 = arith.constant 0 : i32
    %dma_wait3A_94 = tpu.memref_slice %arg11[%dma_wait3A_92, %dma_wait3A_93] : memref<128x128xf32, #tpu.memory_space<vmem>> -> memref<64x128xf32, #tpu.memory_space<vmem>>
    %dma_wait3A_95 = arith.constant 0 : i32
    %dma_wait3A_96 = tpu.memref_slice %arg9[%dma_wait3A_95] : memref<512xi32, #tpu.memory_space<vmem>> -> memref<64xi32, #tpu.memory_space<vmem>>
    %dma_wait3A_97 = arith.constant 0 : i32
    %dma_wait3A_98 = arith.constant 0 : i32
    %dma_wait3A_99 = tpu.memref_slice %arg4[%dma_wait3A_97, %dma_wait3A_98] : memref<100000x128xf32, #tpu.memory_space<hbm>> -> memref<100000x128xf32, #tpu.memory_space<hbm>>
    %dma_wait3A_100 = tpu.memref_slice %arg18[%dma_wait3A_91] : memref<3x!tpu.dma_semaphore, #tpu.memory_space<semaphore_mem>> -> memref<1x!tpu.dma_semaphore, #tpu.memory_space<semaphore_mem>>
    %dma_wait3A_101 = tpu.memref_squeeze %dma_wait3A_100 : memref<1x!tpu.dma_semaphore, #tpu.memory_space<semaphore_mem>> -> memref<!tpu.dma_semaphore, #tpu.memory_space<semaphore_mem>>
    tpu.wait_indirect_dma semaphore(%dma_wait3A_101 : memref<!tpu.dma_semaphore, #tpu.memory_space<semaphore_mem>>) src(%dma_wait3A_99 : memref<100000x128xf32, #tpu.memory_space<hbm>>) dst(%dma_wait3A_94 : memref<64x128xf32, #tpu.memory_space<vmem>>)
    %dma_wait3A_102 = arith.constant 0 : i32
    %dma_wait3A_103 = arith.constant 0 : i32
    %dma_wait3A_104 = arith.constant 0 : i32
    %dma_wait3A_105 = tpu.memref_slice %arg13[%dma_wait3A_103, %dma_wait3A_104] : memref<128x128xf32, #tpu.memory_space<vmem>> -> memref<64x128xf32, #tpu.memory_space<vmem>>
    %dma_wait3A_106 = arith.constant 0 : i32
    %dma_wait3A_107 = tpu.memref_slice %arg10[%dma_wait3A_106] : memref<512xi32, #tpu.memory_space<vmem>> -> memref<64xi32, #tpu.memory_space<vmem>>
    %dma_wait3A_108 = arith.constant 0 : i32
    %dma_wait3A_109 = arith.constant 0 : i32
    %dma_wait3A_110 = tpu.memref_slice %arg5[%dma_wait3A_108, %dma_wait3A_109] : memref<100000x128xf32, #tpu.memory_space<hbm>> -> memref<100000x128xf32, #tpu.memory_space<hbm>>
    %dma_wait3A_111 = tpu.memref_slice %arg18[%dma_wait3A_102] : memref<3x!tpu.dma_semaphore, #tpu.memory_space<semaphore_mem>> -> memref<1x!tpu.dma_semaphore, #tpu.memory_space<semaphore_mem>>
    %dma_wait3A_112 = tpu.memref_squeeze %dma_wait3A_111 : memref<1x!tpu.dma_semaphore, #tpu.memory_space<semaphore_mem>> -> memref<!tpu.dma_semaphore, #tpu.memory_space<semaphore_mem>>
    tpu.wait_indirect_dma semaphore(%dma_wait3A_112 : memref<!tpu.dma_semaphore, #tpu.memory_space<semaphore_mem>>) src(%dma_wait3A_110 : memref<100000x128xf32, #tpu.memory_space<hbm>>) dst(%dma_wait3A_105 : memref<64x128xf32, #tpu.memory_space<vmem>>)
    %dma_wait3A_113 = arith.constant 1 : i32
    %dma_wait3A_114 = arith.constant 0 : i32
    %dma_wait3A_115 = tpu.memref_slice %arg6[%dma_wait3A_114] : memref<100000xf32, #tpu.memory_space<hbm>> -> memref<100000xf32, #tpu.memory_space<hbm>>
    %dma_wait3A_116 = tpu.memref_slice %arg18[%dma_wait3A_113] : memref<3x!tpu.dma_semaphore, #tpu.memory_space<semaphore_mem>> -> memref<1x!tpu.dma_semaphore, #tpu.memory_space<semaphore_mem>>
    %dma_wait3A_117 = tpu.memref_squeeze %dma_wait3A_116 : memref<1x!tpu.dma_semaphore, #tpu.memory_space<semaphore_mem>> -> memref<!tpu.dma_semaphore, #tpu.memory_space<semaphore_mem>>
    tpu.wait_indirect_dma semaphore(%dma_wait3A_117 : memref<!tpu.dma_semaphore, #tpu.memory_space<semaphore_mem>>) src(%dma_wait3A_115 : memref<100000xf32, #tpu.memory_space<hbm>>) dst(%arg15 : memref<512xf32, #tpu.memory_space<vmem>>)
    %dma_wait3A_118 = arith.constant 1 : i32
    %dma_wait3A_119 = arith.constant 0 : i32
    %dma_wait3A_120 = tpu.memref_slice %arg7[%dma_wait3A_119] : memref<100000xf32, #tpu.memory_space<hbm>> -> memref<100000xf32, #tpu.memory_space<hbm>>
    %dma_wait3A_121 = tpu.memref_slice %arg18[%dma_wait3A_118] : memref<3x!tpu.dma_semaphore, #tpu.memory_space<semaphore_mem>> -> memref<1x!tpu.dma_semaphore, #tpu.memory_space<semaphore_mem>>
    %dma_wait3A_122 = tpu.memref_squeeze %dma_wait3A_121 : memref<1x!tpu.dma_semaphore, #tpu.memory_space<semaphore_mem>> -> memref<!tpu.dma_semaphore, #tpu.memory_space<semaphore_mem>>
    tpu.wait_indirect_dma semaphore(%dma_wait3A_122 : memref<!tpu.dma_semaphore, #tpu.memory_space<semaphore_mem>>) src(%dma_wait3A_120 : memref<100000xf32, #tpu.memory_space<hbm>>) dst(%arg16 : memref<512xf32, #tpu.memory_space<vmem>>)
    %iota3A = tpu.iota {dimensions = array<i32: 0>} : vector<16xi32>
    %scan3A = arith.constant 0 : i32
    %scan3A_123 = arith.constant 0 : i32
    %scan3A_124 = arith.constant 4 : i32
    %scan3A_125 = arith.addi %scan3A_123, %scan3A_124 : i32
    %scan3A_126 = arith.constant 1 : i32
    scf.for %scan3A_338 = %scan3A_123 to %scan3A_125 step %scan3A_126  : i32 {
      %broadcast_in_dim3A = arith.constant 0.000000e+00 : f32
      %broadcast_in_dim3A_339 = vector.broadcast %broadcast_in_dim3A : f32 to vector<16xf32>
      %scan3A_340 = arith.constant 0 : i32
      %scan3A_341 = arith.constant 2 : i32
      %scan3A_342 = arith.addi %scan3A_340, %scan3A_341 : i32
      %scan3A_343 = arith.constant 1 : i32
      %scan3A_344 = scf.for %scan3A_363 = %scan3A_340 to %scan3A_342 step %scan3A_343 iter_args(%scan3A_364 = %broadcast_in_dim3A_339) -> (vector<16xf32>)  : i32 {
        %mul3A_365 = arith.constant 16 : i32
        %mul3A_366 = arith.muli %scan3A_338, %mul3A_365 : i32
        %mul3A_367 = arith.constant 8 : i32
        %mul3A_368 = arith.muli %scan3A_363, %mul3A_367 : i32
        %add3A_369 = arith.addi %mul3A_366, %mul3A_368 : i32
        %add3A_370 = arith.constant 0 : i32
        %add3A_371 = arith.addi %add3A_369, %add3A_370 : i32
        %get3A_372 = arith.index_cast %add3A_371 : i32 to index
        %get3A_373 = arith.constant 0 : index
        %get3A_374 = tpu.vector_load %arg11[%get3A_372, %get3A_373] {strides = array<i32>} : memref<128x128xf32, #tpu.memory_space<vmem>>, vector<16xf32>,
        %get3A_375 = arith.index_cast %add3A_371 : i32 to index
        %get3A_376 = arith.constant 0 : index
        %get3A_377 = tpu.vector_load %arg13[%get3A_375, %get3A_376] {strides = array<i32>} : memref<128x128xf32, #tpu.memory_space<vmem>>, vector<16xf32>,
        %mul3A_378 = arith.mulf %get3A_374, %get3A_377 : vector<16xf32>
        %get3A_379 = arith.index_cast %add3A_371 : i32 to index
        %get3A_380 = arith.constant 16 : index
        %get3A_381 = tpu.vector_load %arg11[%get3A_379, %get3A_380] {strides = array<i32>} : memref<128x128xf32, #tpu.memory_space<vmem>>, vector<16xf32>,
        %get3A_382 = arith.index_cast %add3A_371 : i32 to index
        %get3A_383 = arith.constant 16 : index
        %get3A_384 = tpu.vector_load %arg13[%get3A_382, %get3A_383] {strides = array<i32>} : memref<128x128xf32, #tpu.memory_space<vmem>>, vector<16xf32>,
        %mul3A_385 = arith.mulf %get3A_381, %get3A_384 : vector<16xf32>
        %add3A_386 = arith.addf %mul3A_378, %mul3A_385 : vector<16xf32>
        %get3A_387 = arith.index_cast %add3A_371 : i32 to index
        %get3A_388 = arith.constant 32 : index
        %get3A_389 = tpu.vector_load %arg11[%get3A_387, %get3A_388] {strides = array<i32>} : memref<128x128xf32, #tpu.memory_space<vmem>>, vector<16xf32>,
        %get3A_390 = arith.index_cast %add3A_371 : i32 to index
        %get3A_391 = arith.constant 32 : index
        %get3A_392 = tpu.vector_load %arg13[%get3A_390, %get3A_391] {strides = array<i32>} : memref<128x128xf32, #tpu.memory_space<vmem>>, vector<16xf32>,
        %mul3A_393 = arith.mulf %get3A_389, %get3A_392 : vector<16xf32>
        %add3A_394 = arith.addf %add3A_386, %mul3A_393 : vector<16xf32>
        %get3A_395 = arith.index_cast %add3A_371 : i32 to index
        %get3A_396 = arith.constant 48 : index
        %get3A_397 = tpu.vector_load %arg11[%get3A_395, %get3A_396] {strides = array<i32>} : memref<128x128xf32, #tpu.memory_space<vmem>>, vector<16xf32>,
        %get3A_398 = arith.index_cast %add3A_371 : i32 to index
        %get3A_399 = arith.constant 48 : index
        %get3A_400 = tpu.vector_load %arg13[%get3A_398, %get3A_399] {strides = array<i32>} : memref<128x128xf32, #tpu.memory_space<vmem>>, vector<16xf32>,
        %mul3A_401 = arith.mulf %get3A_397, %get3A_400 : vector<16xf32>
        %add3A_402 = arith.addf %add3A_394, %mul3A_401 : vector<16xf32>
        %get3A_403 = arith.index_cast %add3A_371 : i32 to index
        %get3A_404 = arith.constant 64 : index
        %get3A_405 = tpu.vector_load %arg11[%get3A_403, %get3A_404] {strides = array<i32>} : memref<128x128xf32, #tpu.memory_space<vmem>>, vector<16xf32>,
        %get3A_406 = arith.index_cast %add3A_371 : i32 to index
        %get3A_407 = arith.constant 64 : index
        %get3A_408 = tpu.vector_load %arg13[%get3A_406, %get3A_407] {strides = array<i32>} : memref<128x128xf32, #tpu.memory_space<vmem>>, vector<16xf32>,
        %mul3A_409 = arith.mulf %get3A_405, %get3A_408 : vector<16xf32>
        %add3A_410 = arith.addf %add3A_402, %mul3A_409 : vector<16xf32>
        %get3A_411 = arith.index_cast %add3A_371 : i32 to index
        %get3A_412 = arith.constant 80 : index
        %get3A_413 = tpu.vector_load %arg11[%get3A_411, %get3A_412] {strides = array<i32>} : memref<128x128xf32, #tpu.memory_space<vmem>>, vector<16xf32>,
        %get3A_414 = arith.index_cast %add3A_371 : i32 to index
        %get3A_415 = arith.constant 80 : index
        %get3A_416 = tpu.vector_load %arg13[%get3A_414, %get3A_415] {strides = array<i32>} : memref<128x128xf32, #tpu.memory_space<vmem>>, vector<16xf32>,
        %mul3A_417 = arith.mulf %get3A_413, %get3A_416 : vector<16xf32>
        %add3A_418 = arith.addf %add3A_410, %mul3A_417 : vector<16xf32>
        %get3A_419 = arith.index_cast %add3A_371 : i32 to index
        %get3A_420 = arith.constant 96 : index
        %get3A_421 = tpu.vector_load %arg11[%get3A_419, %get3A_420] {strides = array<i32>} : memref<128x128xf32, #tpu.memory_space<vmem>>, vector<16xf32>,
        %get3A_422 = arith.index_cast %add3A_371 : i32 to index
        %get3A_423 = arith.constant 96 : index
        %get3A_424 = tpu.vector_load %arg13[%get3A_422, %get3A_423] {strides = array<i32>} : memref<128x128xf32, #tpu.memory_space<vmem>>, vector<16xf32>,
        %mul3A_425 = arith.mulf %get3A_421, %get3A_424 : vector<16xf32>
        %add3A_426 = arith.addf %add3A_418, %mul3A_425 : vector<16xf32>
        %get3A_427 = arith.index_cast %add3A_371 : i32 to index
        %get3A_428 = arith.constant 112 : index
        %get3A_429 = tpu.vector_load %arg11[%get3A_427, %get3A_428] {strides = array<i32>} : memref<128x128xf32, #tpu.memory_space<vmem>>, vector<16xf32>,
        %get3A_430 = arith.index_cast %add3A_371 : i32 to index
        %get3A_431 = arith.constant 112 : index
        %get3A_432 = tpu.vector_load %arg13[%get3A_430, %get3A_431] {strides = array<i32>} : memref<128x128xf32, #tpu.memory_space<vmem>>, vector<16xf32>,
        %mul3A_433 = arith.mulf %get3A_429, %get3A_432 : vector<16xf32>
        %add3A_434 = arith.addf %add3A_426, %mul3A_433 : vector<16xf32>
        %reduce_sum3A = arith.constant true
        %reduce_sum3A_435 = vector.broadcast %reduce_sum3A : i1 to vector<16xi1>
        %reduce_sum3A_436 = tpu.scan <sum>, %add3A_434 masked %reduce_sum3A_435 : vector<16xf32>, vector<16xi1> -> vector<16xf32>
        %reduce_sum3A_437 = vector.extract %reduce_sum3A_436[15] : f32 from vector<16xf32>
        %mul3A_438 = arith.constant 8 : i32
        %mul3A_439 = arith.muli %scan3A_363, %mul3A_438 : i32
        %add3A_440 = arith.constant 0 : i32
        %add3A_441 = arith.addi %mul3A_439, %add3A_440 : i32
        %eq3A = vector.broadcast %add3A_441 : i32 to vector<16xi32>
        %eq3A_442 = arith.cmpi eq, %iota3A, %eq3A : vector<16xi32>
        %broadcast_in_dim3A_443 = vector.broadcast %reduce_sum3A_437 : f32 to vector<16xf32>
        %select_n3A = arith.select %eq3A_442, %broadcast_in_dim3A_443, %scan3A_364 : vector<16xi1>, vector<16xf32>
        %mul3A_444 = arith.constant 16 : i32
        %mul3A_445 = arith.muli %scan3A_338, %mul3A_444 : i32
        %mul3A_446 = arith.constant 8 : i32
        %mul3A_447 = arith.muli %scan3A_363, %mul3A_446 : i32
        %add3A_448 = arith.addi %mul3A_445, %mul3A_447 : i32
        %add3A_449 = arith.constant 1 : i32
        %add3A_450 = arith.addi %add3A_448, %add3A_449 : i32
        %get3A_451 = arith.index_cast %add3A_450 : i32 to index
        %get3A_452 = arith.constant 0 : index
        %get3A_453 = tpu.vector_load %arg11[%get3A_451, %get3A_452] {strides = array<i32>} : memref<128x128xf32, #tpu.memory_space<vmem>>, vector<16xf32>,
        %get3A_454 = arith.index_cast %add3A_450 : i32 to index
        %get3A_455 = arith.constant 0 : index
        %get3A_456 = tpu.vector_load %arg13[%get3A_454, %get3A_455] {strides = array<i32>} : memref<128x128xf32, #tpu.memory_space<vmem>>, vector<16xf32>,
        %mul3A_457 = arith.mulf %get3A_453, %get3A_456 : vector<16xf32>
        %get3A_458 = arith.index_cast %add3A_450 : i32 to index
        %get3A_459 = arith.constant 16 : index
        %get3A_460 = tpu.vector_load %arg11[%get3A_458, %get3A_459] {strides = array<i32>} : memref<128x128xf32, #tpu.memory_space<vmem>>, vector<16xf32>,
        %get3A_461 = arith.index_cast %add3A_450 : i32 to index
        %get3A_462 = arith.constant 16 : index
        %get3A_463 = tpu.vector_load %arg13[%get3A_461, %get3A_462] {strides = array<i32>} : memref<128x128xf32, #tpu.memory_space<vmem>>, vector<16xf32>,
        %mul3A_464 = arith.mulf %get3A_460, %get3A_463 : vector<16xf32>
        %add3A_465 = arith.addf %mul3A_457, %mul3A_464 : vector<16xf32>
        %get3A_466 = arith.index_cast %add3A_450 : i32 to index
        %get3A_467 = arith.constant 32 : index
        %get3A_468 = tpu.vector_load %arg11[%get3A_466, %get3A_467] {strides = array<i32>} : memref<128x128xf32, #tpu.memory_space<vmem>>, vector<16xf32>,
        %get3A_469 = arith.index_cast %add3A_450 : i32 to index
        %get3A_470 = arith.constant 32 : index
        %get3A_471 = tpu.vector_load %arg13[%get3A_469, %get3A_470] {strides = array<i32>} : memref<128x128xf32, #tpu.memory_space<vmem>>, vector<16xf32>,
        %mul3A_472 = arith.mulf %get3A_468, %get3A_471 : vector<16xf32>
        %add3A_473 = arith.addf %add3A_465, %mul3A_472 : vector<16xf32>
        %get3A_474 = arith.index_cast %add3A_450 : i32 to index
        %get3A_475 = arith.constant 48 : index
        %get3A_476 = tpu.vector_load %arg11[%get3A_474, %get3A_475] {strides = array<i32>} : memref<128x128xf32, #tpu.memory_space<vmem>>, vector<16xf32>,
        %get3A_477 = arith.index_cast %add3A_450 : i32 to index
        %get3A_478 = arith.constant 48 : index
        %get3A_479 = tpu.vector_load %arg13[%get3A_477, %get3A_478] {strides = array<i32>} : memref<128x128xf32, #tpu.memory_space<vmem>>, vector<16xf32>,
        %mul3A_480 = arith.mulf %get3A_476, %get3A_479 : vector<16xf32>
        %add3A_481 = arith.addf %add3A_473, %mul3A_480 : vector<16xf32>
        %get3A_482 = arith.index_cast %add3A_450 : i32 to index
        %get3A_483 = arith.constant 64 : index
        %get3A_484 = tpu.vector_load %arg11[%get3A_482, %get3A_483] {strides = array<i32>} : memref<128x128xf32, #tpu.memory_space<vmem>>, vector<16xf32>,
        %get3A_485 = arith.index_cast %add3A_450 : i32 to index
        %get3A_486 = arith.constant 64 : index
        %get3A_487 = tpu.vector_load %arg13[%get3A_485, %get3A_486] {strides = array<i32>} : memref<128x128xf32, #tpu.memory_space<vmem>>, vector<16xf32>,
        %mul3A_488 = arith.mulf %get3A_484, %get3A_487 : vector<16xf32>
        %add3A_489 = arith.addf %add3A_481, %mul3A_488 : vector<16xf32>
        %get3A_490 = arith.index_cast %add3A_450 : i32 to index
        %get3A_491 = arith.constant 80 : index
        %get3A_492 = tpu.vector_load %arg11[%get3A_490, %get3A_491] {strides = array<i32>} : memref<128x128xf32, #tpu.memory_space<vmem>>, vector<16xf32>,
        %get3A_493 = arith.index_cast %add3A_450 : i32 to index
        %get3A_494 = arith.constant 80 : index
        %get3A_495 = tpu.vector_load %arg13[%get3A_493, %get3A_494] {strides = array<i32>} : memref<128x128xf32, #tpu.memory_space<vmem>>, vector<16xf32>,
        %mul3A_496 = arith.mulf %get3A_492, %get3A_495 : vector<16xf32>
        %add3A_497 = arith.addf %add3A_489, %mul3A_496 : vector<16xf32>
        %get3A_498 = arith.index_cast %add3A_450 : i32 to index
        %get3A_499 = arith.constant 96 : index
        %get3A_500 = tpu.vector_load %arg11[%get3A_498, %get3A_499] {strides = array<i32>} : memref<128x128xf32, #tpu.memory_space<vmem>>, vector<16xf32>,
        %get3A_501 = arith.index_cast %add3A_450 : i32 to index
        %get3A_502 = arith.constant 96 : index
        %get3A_503 = tpu.vector_load %arg13[%get3A_501, %get3A_502] {strides = array<i32>} : memref<128x128xf32, #tpu.memory_space<vmem>>, vector<16xf32>,
        %mul3A_504 = arith.mulf %get3A_500, %get3A_503 : vector<16xf32>
        %add3A_505 = arith.addf %add3A_497, %mul3A_504 : vector<16xf32>
        %get3A_506 = arith.index_cast %add3A_450 : i32 to index
        %get3A_507 = arith.constant 112 : index
        %get3A_508 = tpu.vector_load %arg11[%get3A_506, %get3A_507] {strides = array<i32>} : memref<128x128xf32, #tpu.memory_space<vmem>>, vector<16xf32>,
        %get3A_509 = arith.index_cast %add3A_450 : i32 to index
        %get3A_510 = arith.constant 112 : index
        %get3A_511 = tpu.vector_load %arg13[%get3A_509, %get3A_510] {strides = array<i32>} : memref<128x128xf32, #tpu.memory_space<vmem>>, vector<16xf32>,
        %mul3A_512 = arith.mulf %get3A_508, %get3A_511 : vector<16xf32>
        %add3A_513 = arith.addf %add3A_505, %mul3A_512 : vector<16xf32>
        %reduce_sum3A_514 = arith.constant true
        %reduce_sum3A_515 = vector.broadcast %reduce_sum3A_514 : i1 to vector<16xi1>
        %reduce_sum3A_516 = tpu.scan <sum>, %add3A_513 masked %reduce_sum3A_515 : vector<16xf32>, vector<16xi1> -> vector<16xf32>
        %reduce_sum3A_517 = vector.extract %reduce_sum3A_516[15] : f32 from vector<16xf32>
        %mul3A_518 = arith.constant 8 : i32
        %mul3A_519 = arith.muli %scan3A_363, %mul3A_518 : i32
        %add3A_520 = arith.constant 1 : i32
        %add3A_521 = arith.addi %mul3A_519, %add3A_520 : i32
        %eq3A_522 = vector.broadcast %add3A_521 : i32 to vector<16xi32>
        %eq3A_523 = arith.cmpi eq, %iota3A, %eq3A_522 : vector<16xi32>
        %broadcast_in_dim3A_524 = vector.broadcast %reduce_sum3A_517 : f32 to vector<16xf32>
        %select_n3A_525 = arith.select %eq3A_523, %broadcast_in_dim3A_524, %select_n3A : vector<16xi1>, vector<16xf32>
        %mul3A_526 = arith.constant 16 : i32
        %mul3A_527 = arith.muli %scan3A_338, %mul3A_526 : i32
        %mul3A_528 = arith.constant 8 : i32
        %mul3A_529 = arith.muli %scan3A_363, %mul3A_528 : i32
        %add3A_530 = arith.addi %mul3A_527, %mul3A_529 : i32
        %add3A_531 = arith.constant 2 : i32
        %add3A_532 = arith.addi %add3A_530, %add3A_531 : i32
        %get3A_533 = arith.index_cast %add3A_532 : i32 to index
        %get3A_534 = arith.constant 0 : index
        %get3A_535 = tpu.vector_load %arg11[%get3A_533, %get3A_534] {strides = array<i32>} : memref<128x128xf32, #tpu.memory_space<vmem>>, vector<16xf32>,
        %get3A_536 = arith.index_cast %add3A_532 : i32 to index
        %get3A_537 = arith.constant 0 : index
        %get3A_538 = tpu.vector_load %arg13[%get3A_536, %get3A_537] {strides = array<i32>} : memref<128x128xf32, #tpu.memory_space<vmem>>, vector<16xf32>,
        %mul3A_539 = arith.mulf %get3A_535, %get3A_538 : vector<16xf32>
        %get3A_540 = arith.index_cast %add3A_532 : i32 to index
        %get3A_541 = arith.constant 16 : index
        %get3A_542 = tpu.vector_load %arg11[%get3A_540, %get3A_541] {strides = array<i32>} : memref<128x128xf32, #tpu.memory_space<vmem>>, vector<16xf32>,
        %get3A_543 = arith.index_cast %add3A_532 : i32 to index
        %get3A_544 = arith.constant 16 : index
        %get3A_545 = tpu.vector_load %arg13[%get3A_543, %get3A_544] {strides = array<i32>} : memref<128x128xf32, #tpu.memory_space<vmem>>, vector<16xf32>,
        %mul3A_546 = arith.mulf %get3A_542, %get3A_545 : vector<16xf32>
        %add3A_547 = arith.addf %mul3A_539, %mul3A_546 : vector<16xf32>
        %get3A_548 = arith.index_cast %add3A_532 : i32 to index
        %get3A_549 = arith.constant 32 : index
        %get3A_550 = tpu.vector_load %arg11[%get3A_548, %get3A_549] {strides = array<i32>} : memref<128x128xf32, #tpu.memory_space<vmem>>, vector<16xf32>,
        %get3A_551 = arith.index_cast %add3A_532 : i32 to index
        %get3A_552 = arith.constant 32 : index
        %get3A_553 = tpu.vector_load %arg13[%get3A_551, %get3A_552] {strides = array<i32>} : memref<128x128xf32, #tpu.memory_space<vmem>>, vector<16xf32>,
        %mul3A_554 = arith.mulf %get3A_550, %get3A_553 : vector<16xf32>
        %add3A_555 = arith.addf %add3A_547, %mul3A_554 : vector<16xf32>
        %get3A_556 = arith.index_cast %add3A_532 : i32 to index
        %get3A_557 = arith.constant 48 : index
        %get3A_558 = tpu.vector_load %arg11[%get3A_556, %get3A_557] {strides = array<i32>} : memref<128x128xf32, #tpu.memory_space<vmem>>, vector<16xf32>,
        %get3A_559 = arith.index_cast %add3A_532 : i32 to index
        %get3A_560 = arith.constant 48 : index
        %get3A_561 = tpu.vector_load %arg13[%get3A_559, %get3A_560] {strides = array<i32>} : memref<128x128xf32, #tpu.memory_space<vmem>>, vector<16xf32>,
        %mul3A_562 = arith.mulf %get3A_558, %get3A_561 : vector<16xf32>
        %add3A_563 = arith.addf %add3A_555, %mul3A_562 : vector<16xf32>
        %get3A_564 = arith.index_cast %add3A_532 : i32 to index
        %get3A_565 = arith.constant 64 : index
        %get3A_566 = tpu.vector_load %arg11[%get3A_564, %get3A_565] {strides = array<i32>} : memref<128x128xf32, #tpu.memory_space<vmem>>, vector<16xf32>,
        %get3A_567 = arith.index_cast %add3A_532 : i32 to index
        %get3A_568 = arith.constant 64 : index
        %get3A_569 = tpu.vector_load %arg13[%get3A_567, %get3A_568] {strides = array<i32>} : memref<128x128xf32, #tpu.memory_space<vmem>>, vector<16xf32>,
        %mul3A_570 = arith.mulf %get3A_566, %get3A_569 : vector<16xf32>
        %add3A_571 = arith.addf %add3A_563, %mul3A_570 : vector<16xf32>
        %get3A_572 = arith.index_cast %add3A_532 : i32 to index
        %get3A_573 = arith.constant 80 : index
        %get3A_574 = tpu.vector_load %arg11[%get3A_572, %get3A_573] {strides = array<i32>} : memref<128x128xf32, #tpu.memory_space<vmem>>, vector<16xf32>,
        %get3A_575 = arith.index_cast %add3A_532 : i32 to index
        %get3A_576 = arith.constant 80 : index
        %get3A_577 = tpu.vector_load %arg13[%get3A_575, %get3A_576] {strides = array<i32>} : memref<128x128xf32, #tpu.memory_space<vmem>>, vector<16xf32>,
        %mul3A_578 = arith.mulf %get3A_574, %get3A_577 : vector<16xf32>
        %add3A_579 = arith.addf %add3A_571, %mul3A_578 : vector<16xf32>
        %get3A_580 = arith.index_cast %add3A_532 : i32 to index
        %get3A_581 = arith.constant 96 : index
        %get3A_582 = tpu.vector_load %arg11[%get3A_580, %get3A_581] {strides = array<i32>} : memref<128x128xf32, #tpu.memory_space<vmem>>, vector<16xf32>,
        %get3A_583 = arith.index_cast %add3A_532 : i32 to index
        %get3A_584 = arith.constant 96 : index
        %get3A_585 = tpu.vector_load %arg13[%get3A_583, %get3A_584] {strides = array<i32>} : memref<128x128xf32, #tpu.memory_space<vmem>>, vector<16xf32>,
        %mul3A_586 = arith.mulf %get3A_582, %get3A_585 : vector<16xf32>
        %add3A_587 = arith.addf %add3A_579, %mul3A_586 : vector<16xf32>
        %get3A_588 = arith.index_cast %add3A_532 : i32 to index
        %get3A_589 = arith.constant 112 : index
        %get3A_590 = tpu.vector_load %arg11[%get3A_588, %get3A_589] {strides = array<i32>} : memref<128x128xf32, #tpu.memory_space<vmem>>, vector<16xf32>,
        %get3A_591 = arith.index_cast %add3A_532 : i32 to index
        %get3A_592 = arith.constant 112 : index
        %get3A_593 = tpu.vector_load %arg13[%get3A_591, %get3A_592] {strides = array<i32>} : memref<128x128xf32, #tpu.memory_space<vmem>>, vector<16xf32>,
        %mul3A_594 = arith.mulf %get3A_590, %get3A_593 : vector<16xf32>
        %add3A_595 = arith.addf %add3A_587, %mul3A_594 : vector<16xf32>
        %reduce_sum3A_596 = arith.constant true
        %reduce_sum3A_597 = vector.broadcast %reduce_sum3A_596 : i1 to vector<16xi1>
        %reduce_sum3A_598 = tpu.scan <sum>, %add3A_595 masked %reduce_sum3A_597 : vector<16xf32>, vector<16xi1> -> vector<16xf32>
        %reduce_sum3A_599 = vector.extract %reduce_sum3A_598[15] : f32 from vector<16xf32>
        %mul3A_600 = arith.constant 8 : i32
        %mul3A_601 = arith.muli %scan3A_363, %mul3A_600 : i32
        %add3A_602 = arith.constant 2 : i32
        %add3A_603 = arith.addi %mul3A_601, %add3A_602 : i32
        %eq3A_604 = vector.broadcast %add3A_603 : i32 to vector<16xi32>
        %eq3A_605 = arith.cmpi eq, %iota3A, %eq3A_604 : vector<16xi32>
        %broadcast_in_dim3A_606 = vector.broadcast %reduce_sum3A_599 : f32 to vector<16xf32>
        %select_n3A_607 = arith.select %eq3A_605, %broadcast_in_dim3A_606, %select_n3A_525 : vector<16xi1>, vector<16xf32>
        %mul3A_608 = arith.constant 16 : i32
        %mul3A_609 = arith.muli %scan3A_338, %mul3A_608 : i32
        %mul3A_610 = arith.constant 8 : i32
        %mul3A_611 = arith.muli %scan3A_363, %mul3A_610 : i32
        %add3A_612 = arith.addi %mul3A_609, %mul3A_611 : i32
        %add3A_613 = arith.constant 3 : i32
        %add3A_614 = arith.addi %add3A_612, %add3A_613 : i32
        %get3A_615 = arith.index_cast %add3A_614 : i32 to index
        %get3A_616 = arith.constant 0 : index
        %get3A_617 = tpu.vector_load %arg11[%get3A_615, %get3A_616] {strides = array<i32>} : memref<128x128xf32, #tpu.memory_space<vmem>>, vector<16xf32>,
        %get3A_618 = arith.index_cast %add3A_614 : i32 to index
        %get3A_619 = arith.constant 0 : index
        %get3A_620 = tpu.vector_load %arg13[%get3A_618, %get3A_619] {strides = array<i32>} : memref<128x128xf32, #tpu.memory_space<vmem>>, vector<16xf32>,
        %mul3A_621 = arith.mulf %get3A_617, %get3A_620 : vector<16xf32>
        %get3A_622 = arith.index_cast %add3A_614 : i32 to index
        %get3A_623 = arith.constant 16 : index
        %get3A_624 = tpu.vector_load %arg11[%get3A_622, %get3A_623] {strides = array<i32>} : memref<128x128xf32, #tpu.memory_space<vmem>>, vector<16xf32>,
        %get3A_625 = arith.index_cast %add3A_614 : i32 to index
        %get3A_626 = arith.constant 16 : index
        %get3A_627 = tpu.vector_load %arg13[%get3A_625, %get3A_626] {strides = array<i32>} : memref<128x128xf32, #tpu.memory_space<vmem>>, vector<16xf32>,
        %mul3A_628 = arith.mulf %get3A_624, %get3A_627 : vector<16xf32>
        %add3A_629 = arith.addf %mul3A_621, %mul3A_628 : vector<16xf32>
        %get3A_630 = arith.index_cast %add3A_614 : i32 to index
        %get3A_631 = arith.constant 32 : index
        %get3A_632 = tpu.vector_load %arg11[%get3A_630, %get3A_631] {strides = array<i32>} : memref<128x128xf32, #tpu.memory_space<vmem>>, vector<16xf32>,
        %get3A_633 = arith.index_cast %add3A_614 : i32 to index
        %get3A_634 = arith.constant 32 : index
        %get3A_635 = tpu.vector_load %arg13[%get3A_633, %get3A_634] {strides = array<i32>} : memref<128x128xf32, #tpu.memory_space<vmem>>, vector<16xf32>,
        %mul3A_636 = arith.mulf %get3A_632, %get3A_635 : vector<16xf32>
        %add3A_637 = arith.addf %add3A_629, %mul3A_636 : vector<16xf32>
        %get3A_638 = arith.index_cast %add3A_614 : i32 to index
        %get3A_639 = arith.constant 48 : index
        %get3A_640 = tpu.vector_load %arg11[%get3A_638, %get3A_639] {strides = array<i32>} : memref<128x128xf32, #tpu.memory_space<vmem>>, vector<16xf32>,
        %get3A_641 = arith.index_cast %add3A_614 : i32 to index
        %get3A_642 = arith.constant 48 : index
        %get3A_643 = tpu.vector_load %arg13[%get3A_641, %get3A_642] {strides = array<i32>} : memref<128x128xf32, #tpu.memory_space<vmem>>, vector<16xf32>,
        %mul3A_644 = arith.mulf %get3A_640, %get3A_643 : vector<16xf32>
        %add3A_645 = arith.addf %add3A_637, %mul3A_644 : vector<16xf32>
        %get3A_646 = arith.index_cast %add3A_614 : i32 to index
        %get3A_647 = arith.constant 64 : index
        %get3A_648 = tpu.vector_load %arg11[%get3A_646, %get3A_647] {strides = array<i32>} : memref<128x128xf32, #tpu.memory_space<vmem>>, vector<16xf32>,
        %get3A_649 = arith.index_cast %add3A_614 : i32 to index
        %get3A_650 = arith.constant 64 : index
        %get3A_651 = tpu.vector_load %arg13[%get3A_649, %get3A_650] {strides = array<i32>} : memref<128x128xf32, #tpu.memory_space<vmem>>, vector<16xf32>,
        %mul3A_652 = arith.mulf %get3A_648, %get3A_651 : vector<16xf32>
        %add3A_653 = arith.addf %add3A_645, %mul3A_652 : vector<16xf32>
        %get3A_654 = arith.index_cast %add3A_614 : i32 to index
        %get3A_655 = arith.constant 80 : index
        %get3A_656 = tpu.vector_load %arg11[%get3A_654, %get3A_655] {strides = array<i32>} : memref<128x128xf32, #tpu.memory_space<vmem>>, vector<16xf32>,
        %get3A_657 = arith.index_cast %add3A_614 : i32 to index
        %get3A_658 = arith.constant 80 : index
        %get3A_659 = tpu.vector_load %arg13[%get3A_657, %get3A_658] {strides = array<i32>} : memref<128x128xf32, #tpu.memory_space<vmem>>, vector<16xf32>,
        %mul3A_660 = arith.mulf %get3A_656, %get3A_659 : vector<16xf32>
        %add3A_661 = arith.addf %add3A_653, %mul3A_660 : vector<16xf32>
        %get3A_662 = arith.index_cast %add3A_614 : i32 to index
        %get3A_663 = arith.constant 96 : index
        %get3A_664 = tpu.vector_load %arg11[%get3A_662, %get3A_663] {strides = array<i32>} : memref<128x128xf32, #tpu.memory_space<vmem>>, vector<16xf32>,
        %get3A_665 = arith.index_cast %add3A_614 : i32 to index
        %get3A_666 = arith.constant 96 : index
        %get3A_667 = tpu.vector_load %arg13[%get3A_665, %get3A_666] {strides = array<i32>} : memref<128x128xf32, #tpu.memory_space<vmem>>, vector<16xf32>,
        %mul3A_668 = arith.mulf %get3A_664, %get3A_667 : vector<16xf32>
        %add3A_669 = arith.addf %add3A_661, %mul3A_668 : vector<16xf32>
        %get3A_670 = arith.index_cast %add3A_614 : i32 to index
        %get3A_671 = arith.constant 112 : index
        %get3A_672 = tpu.vector_load %arg11[%get3A_670, %get3A_671] {strides = array<i32>} : memref<128x128xf32, #tpu.memory_space<vmem>>, vector<16xf32>,
        %get3A_673 = arith.index_cast %add3A_614 : i32 to index
        %get3A_674 = arith.constant 112 : index
        %get3A_675 = tpu.vector_load %arg13[%get3A_673, %get3A_674] {strides = array<i32>} : memref<128x128xf32, #tpu.memory_space<vmem>>, vector<16xf32>,
        %mul3A_676 = arith.mulf %get3A_672, %get3A_675 : vector<16xf32>
        %add3A_677 = arith.addf %add3A_669, %mul3A_676 : vector<16xf32>
        %reduce_sum3A_678 = arith.constant true
        %reduce_sum3A_679 = vector.broadcast %reduce_sum3A_678 : i1 to vector<16xi1>
        %reduce_sum3A_680 = tpu.scan <sum>, %add3A_677 masked %reduce_sum3A_679 : vector<16xf32>, vector<16xi1> -> vector<16xf32>
        %reduce_sum3A_681 = vector.extract %reduce_sum3A_680[15] : f32 from vector<16xf32>
        %mul3A_682 = arith.constant 8 : i32
        %mul3A_683 = arith.muli %scan3A_363, %mul3A_682 : i32
        %add3A_684 = arith.constant 3 : i32
        %add3A_685 = arith.addi %mul3A_683, %add3A_684 : i32
        %eq3A_686 = vector.broadcast %add3A_685 : i32 to vector<16xi32>
        %eq3A_687 = arith.cmpi eq, %iota3A, %eq3A_686 : vector<16xi32>
        %broadcast_in_dim3A_688 = vector.broadcast %reduce_sum3A_681 : f32 to vector<16xf32>
        %select_n3A_689 = arith.select %eq3A_687, %broadcast_in_dim3A_688, %select_n3A_607 : vector<16xi1>, vector<16xf32>
        %mul3A_690 = arith.constant 16 : i32
        %mul3A_691 = arith.muli %scan3A_338, %mul3A_690 : i32
        %mul3A_692 = arith.constant 8 : i32
        %mul3A_693 = arith.muli %scan3A_363, %mul3A_692 : i32
        %add3A_694 = arith.addi %mul3A_691, %mul3A_693 : i32
        %add3A_695 = arith.constant 4 : i32
        %add3A_696 = arith.addi %add3A_694, %add3A_695 : i32
        %get3A_697 = arith.index_cast %add3A_696 : i32 to index
        %get3A_698 = arith.constant 0 : index
        %get3A_699 = tpu.vector_load %arg11[%get3A_697, %get3A_698] {strides = array<i32>} : memref<128x128xf32, #tpu.memory_space<vmem>>, vector<16xf32>,
        %get3A_700 = arith.index_cast %add3A_696 : i32 to index
        %get3A_701 = arith.constant 0 : index
        %get3A_702 = tpu.vector_load %arg13[%get3A_700, %get3A_701] {strides = array<i32>} : memref<128x128xf32, #tpu.memory_space<vmem>>, vector<16xf32>,
        %mul3A_703 = arith.mulf %get3A_699, %get3A_702 : vector<16xf32>
        %get3A_704 = arith.index_cast %add3A_696 : i32 to index
        %get3A_705 = arith.constant 16 : index
        %get3A_706 = tpu.vector_load %arg11[%get3A_704, %get3A_705] {strides = array<i32>} : memref<128x128xf32, #tpu.memory_space<vmem>>, vector<16xf32>,
        %get3A_707 = arith.index_cast %add3A_696 : i32 to index
        %get3A_708 = arith.constant 16 : index
        %get3A_709 = tpu.vector_load %arg13[%get3A_707, %get3A_708] {strides = array<i32>} : memref<128x128xf32, #tpu.memory_space<vmem>>, vector<16xf32>,
        %mul3A_710 = arith.mulf %get3A_706, %get3A_709 : vector<16xf32>
        %add3A_711 = arith.addf %mul3A_703, %mul3A_710 : vector<16xf32>
        %get3A_712 = arith.index_cast %add3A_696 : i32 to index
        %get3A_713 = arith.constant 32 : index
        %get3A_714 = tpu.vector_load %arg11[%get3A_712, %get3A_713] {strides = array<i32>} : memref<128x128xf32, #tpu.memory_space<vmem>>, vector<16xf32>,
        %get3A_715 = arith.index_cast %add3A_696 : i32 to index
        %get3A_716 = arith.constant 32 : index
        %get3A_717 = tpu.vector_load %arg13[%get3A_715, %get3A_716] {strides = array<i32>} : memref<128x128xf32, #tpu.memory_space<vmem>>, vector<16xf32>,
        %mul3A_718 = arith.mulf %get3A_714, %get3A_717 : vector<16xf32>
        %add3A_719 = arith.addf %add3A_711, %mul3A_718 : vector<16xf32>
        %get3A_720 = arith.index_cast %add3A_696 : i32 to index
        %get3A_721 = arith.constant 48 : index
        %get3A_722 = tpu.vector_load %arg11[%get3A_720, %get3A_721] {strides = array<i32>} : memref<128x128xf32, #tpu.memory_space<vmem>>, vector<16xf32>,
        %get3A_723 = arith.index_cast %add3A_696 : i32 to index
        %get3A_724 = arith.constant 48 : index
        %get3A_725 = tpu.vector_load %arg13[%get3A_723, %get3A_724] {strides = array<i32>} : memref<128x128xf32, #tpu.memory_space<vmem>>, vector<16xf32>,
        %mul3A_726 = arith.mulf %get3A_722, %get3A_725 : vector<16xf32>
        %add3A_727 = arith.addf %add3A_719, %mul3A_726 : vector<16xf32>
        %get3A_728 = arith.index_cast %add3A_696 : i32 to index
        %get3A_729 = arith.constant 64 : index
        %get3A_730 = tpu.vector_load %arg11[%get3A_728, %get3A_729] {strides = array<i32>} : memref<128x128xf32, #tpu.memory_space<vmem>>, vector<16xf32>,
        %get3A_731 = arith.index_cast %add3A_696 : i32 to index
        %get3A_732 = arith.constant 64 : index
        %get3A_733 = tpu.vector_load %arg13[%get3A_731, %get3A_732] {strides = array<i32>} : memref<128x128xf32, #tpu.memory_space<vmem>>, vector<16xf32>,
        %mul3A_734 = arith.mulf %get3A_730, %get3A_733 : vector<16xf32>
        %add3A_735 = arith.addf %add3A_727, %mul3A_734 : vector<16xf32>
        %get3A_736 = arith.index_cast %add3A_696 : i32 to index
        %get3A_737 = arith.constant 80 : index
        %get3A_738 = tpu.vector_load %arg11[%get3A_736, %get3A_737] {strides = array<i32>} : memref<128x128xf32, #tpu.memory_space<vmem>>, vector<16xf32>,
        %get3A_739 = arith.index_cast %add3A_696 : i32 to index
        %get3A_740 = arith.constant 80 : index
        %get3A_741 = tpu.vector_load %arg13[%get3A_739, %get3A_740] {strides = array<i32>} : memref<128x128xf32, #tpu.memory_space<vmem>>, vector<16xf32>,
        %mul3A_742 = arith.mulf %get3A_738, %get3A_741 : vector<16xf32>
        %add3A_743 = arith.addf %add3A_735, %mul3A_742 : vector<16xf32>
        %get3A_744 = arith.index_cast %add3A_696 : i32 to index
        %get3A_745 = arith.constant 96 : index
        %get3A_746 = tpu.vector_load %arg11[%get3A_744, %get3A_745] {strides = array<i32>} : memref<128x128xf32, #tpu.memory_space<vmem>>, vector<16xf32>,
        %get3A_747 = arith.index_cast %add3A_696 : i32 to index
        %get3A_748 = arith.constant 96 : index
        %get3A_749 = tpu.vector_load %arg13[%get3A_747, %get3A_748] {strides = array<i32>} : memref<128x128xf32, #tpu.memory_space<vmem>>, vector<16xf32>,
        %mul3A_750 = arith.mulf %get3A_746, %get3A_749 : vector<16xf32>
        %add3A_751 = arith.addf %add3A_743, %mul3A_750 : vector<16xf32>
        %get3A_752 = arith.index_cast %add3A_696 : i32 to index
        %get3A_753 = arith.constant 112 : index
        %get3A_754 = tpu.vector_load %arg11[%get3A_752, %get3A_753] {strides = array<i32>} : memref<128x128xf32, #tpu.memory_space<vmem>>, vector<16xf32>,
        %get3A_755 = arith.index_cast %add3A_696 : i32 to index
        %get3A_756 = arith.constant 112 : index
        %get3A_757 = tpu.vector_load %arg13[%get3A_755, %get3A_756] {strides = array<i32>} : memref<128x128xf32, #tpu.memory_space<vmem>>, vector<16xf32>,
        %mul3A_758 = arith.mulf %get3A_754, %get3A_757 : vector<16xf32>
        %add3A_759 = arith.addf %add3A_751, %mul3A_758 : vector<16xf32>
        %reduce_sum3A_760 = arith.constant true
        %reduce_sum3A_761 = vector.broadcast %reduce_sum3A_760 : i1 to vector<16xi1>
        %reduce_sum3A_762 = tpu.scan <sum>, %add3A_759 masked %reduce_sum3A_761 : vector<16xf32>, vector<16xi1> -> vector<16xf32>
        %reduce_sum3A_763 = vector.extract %reduce_sum3A_762[15] : f32 from vector<16xf32>
        %mul3A_764 = arith.constant 8 : i32
        %mul3A_765 = arith.muli %scan3A_363, %mul3A_764 : i32
        %add3A_766 = arith.constant 4 : i32
        %add3A_767 = arith.addi %mul3A_765, %add3A_766 : i32
        %eq3A_768 = vector.broadcast %add3A_767 : i32 to vector<16xi32>
        %eq3A_769 = arith.cmpi eq, %iota3A, %eq3A_768 : vector<16xi32>
        %broadcast_in_dim3A_770 = vector.broadcast %reduce_sum3A_763 : f32 to vector<16xf32>
        %select_n3A_771 = arith.select %eq3A_769, %broadcast_in_dim3A_770, %select_n3A_689 : vector<16xi1>, vector<16xf32>
        %mul3A_772 = arith.constant 16 : i32
        %mul3A_773 = arith.muli %scan3A_338, %mul3A_772 : i32
        %mul3A_774 = arith.constant 8 : i32
        %mul3A_775 = arith.muli %scan3A_363, %mul3A_774 : i32
        %add3A_776 = arith.addi %mul3A_773, %mul3A_775 : i32
        %add3A_777 = arith.constant 5 : i32
        %add3A_778 = arith.addi %add3A_776, %add3A_777 : i32
        %get3A_779 = arith.index_cast %add3A_778 : i32 to index
        %get3A_780 = arith.constant 0 : index
        %get3A_781 = tpu.vector_load %arg11[%get3A_779, %get3A_780] {strides = array<i32>} : memref<128x128xf32, #tpu.memory_space<vmem>>, vector<16xf32>,
        %get3A_782 = arith.index_cast %add3A_778 : i32 to index
        %get3A_783 = arith.constant 0 : index
        %get3A_784 = tpu.vector_load %arg13[%get3A_782, %get3A_783] {strides = array<i32>} : memref<128x128xf32, #tpu.memory_space<vmem>>, vector<16xf32>,
        %mul3A_785 = arith.mulf %get3A_781, %get3A_784 : vector<16xf32>
        %get3A_786 = arith.index_cast %add3A_778 : i32 to index
        %get3A_787 = arith.constant 16 : index
        %get3A_788 = tpu.vector_load %arg11[%get3A_786, %get3A_787] {strides = array<i32>} : memref<128x128xf32, #tpu.memory_space<vmem>>, vector<16xf32>,
        %get3A_789 = arith.index_cast %add3A_778 : i32 to index
        %get3A_790 = arith.constant 16 : index
        %get3A_791 = tpu.vector_load %arg13[%get3A_789, %get3A_790] {strides = array<i32>} : memref<128x128xf32, #tpu.memory_space<vmem>>, vector<16xf32>,
        %mul3A_792 = arith.mulf %get3A_788, %get3A_791 : vector<16xf32>
        %add3A_793 = arith.addf %mul3A_785, %mul3A_792 : vector<16xf32>
        %get3A_794 = arith.index_cast %add3A_778 : i32 to index
        %get3A_795 = arith.constant 32 : index
        %get3A_796 = tpu.vector_load %arg11[%get3A_794, %get3A_795] {strides = array<i32>} : memref<128x128xf32, #tpu.memory_space<vmem>>, vector<16xf32>,
        %get3A_797 = arith.index_cast %add3A_778 : i32 to index
        %get3A_798 = arith.constant 32 : index
        %get3A_799 = tpu.vector_load %arg13[%get3A_797, %get3A_798] {strides = array<i32>} : memref<128x128xf32, #tpu.memory_space<vmem>>, vector<16xf32>,
        %mul3A_800 = arith.mulf %get3A_796, %get3A_799 : vector<16xf32>
        %add3A_801 = arith.addf %add3A_793, %mul3A_800 : vector<16xf32>
        %get3A_802 = arith.index_cast %add3A_778 : i32 to index
        %get3A_803 = arith.constant 48 : index
        %get3A_804 = tpu.vector_load %arg11[%get3A_802, %get3A_803] {strides = array<i32>} : memref<128x128xf32, #tpu.memory_space<vmem>>, vector<16xf32>,
        %get3A_805 = arith.index_cast %add3A_778 : i32 to index
        %get3A_806 = arith.constant 48 : index
        %get3A_807 = tpu.vector_load %arg13[%get3A_805, %get3A_806] {strides = array<i32>} : memref<128x128xf32, #tpu.memory_space<vmem>>, vector<16xf32>,
        %mul3A_808 = arith.mulf %get3A_804, %get3A_807 : vector<16xf32>
        %add3A_809 = arith.addf %add3A_801, %mul3A_808 : vector<16xf32>
        %get3A_810 = arith.index_cast %add3A_778 : i32 to index
        %get3A_811 = arith.constant 64 : index
        %get3A_812 = tpu.vector_load %arg11[%get3A_810, %get3A_811] {strides = array<i32>} : memref<128x128xf32, #tpu.memory_space<vmem>>, vector<16xf32>,
        %get3A_813 = arith.index_cast %add3A_778 : i32 to index
        %get3A_814 = arith.constant 64 : index
        %get3A_815 = tpu.vector_load %arg13[%get3A_813, %get3A_814] {strides = array<i32>} : memref<128x128xf32, #tpu.memory_space<vmem>>, vector<16xf32>,
        %mul3A_816 = arith.mulf %get3A_812, %get3A_815 : vector<16xf32>
        %add3A_817 = arith.addf %add3A_809, %mul3A_816 : vector<16xf32>
        %get3A_818 = arith.index_cast %add3A_778 : i32 to index
        %get3A_819 = arith.constant 80 : index
        %get3A_820 = tpu.vector_load %arg11[%get3A_818, %get3A_819] {strides = array<i32>} : memref<128x128xf32, #tpu.memory_space<vmem>>, vector<16xf32>,
        %get3A_821 = arith.index_cast %add3A_778 : i32 to index
        %get3A_822 = arith.constant 80 : index
        %get3A_823 = tpu.vector_load %arg13[%get3A_821, %get3A_822] {strides = array<i32>} : memref<128x128xf32, #tpu.memory_space<vmem>>, vector<16xf32>,
        %mul3A_824 = arith.mulf %get3A_820, %get3A_823 : vector<16xf32>
        %add3A_825 = arith.addf %add3A_817, %mul3A_824 : vector<16xf32>
        %get3A_826 = arith.index_cast %add3A_778 : i32 to index
        %get3A_827 = arith.constant 96 : index
        %get3A_828 = tpu.vector_load %arg11[%get3A_826, %get3A_827] {strides = array<i32>} : memref<128x128xf32, #tpu.memory_space<vmem>>, vector<16xf32>,
        %get3A_829 = arith.index_cast %add3A_778 : i32 to index
        %get3A_830 = arith.constant 96 : index
        %get3A_831 = tpu.vector_load %arg13[%get3A_829, %get3A_830] {strides = array<i32>} : memref<128x128xf32, #tpu.memory_space<vmem>>, vector<16xf32>,
        %mul3A_832 = arith.mulf %get3A_828, %get3A_831 : vector<16xf32>
        %add3A_833 = arith.addf %add3A_825, %mul3A_832 : vector<16xf32>
        %get3A_834 = arith.index_cast %add3A_778 : i32 to index
        %get3A_835 = arith.constant 112 : index
        %get3A_836 = tpu.vector_load %arg11[%get3A_834, %get3A_835] {strides = array<i32>} : memref<128x128xf32, #tpu.memory_space<vmem>>, vector<16xf32>,
        %get3A_837 = arith.index_cast %add3A_778 : i32 to index
        %get3A_838 = arith.constant 112 : index
        %get3A_839 = tpu.vector_load %arg13[%get3A_837, %get3A_838] {strides = array<i32>} : memref<128x128xf32, #tpu.memory_space<vmem>>, vector<16xf32>,
        %mul3A_840 = arith.mulf %get3A_836, %get3A_839 : vector<16xf32>
        %add3A_841 = arith.addf %add3A_833, %mul3A_840 : vector<16xf32>
        %reduce_sum3A_842 = arith.constant true
        %reduce_sum3A_843 = vector.broadcast %reduce_sum3A_842 : i1 to vector<16xi1>
        %reduce_sum3A_844 = tpu.scan <sum>, %add3A_841 masked %reduce_sum3A_843 : vector<16xf32>, vector<16xi1> -> vector<16xf32>
        %reduce_sum3A_845 = vector.extract %reduce_sum3A_844[15] : f32 from vector<16xf32>
        %mul3A_846 = arith.constant 8 : i32
        %mul3A_847 = arith.muli %scan3A_363, %mul3A_846 : i32
        %add3A_848 = arith.constant 5 : i32
        %add3A_849 = arith.addi %mul3A_847, %add3A_848 : i32
        %eq3A_850 = vector.broadcast %add3A_849 : i32 to vector<16xi32>
        %eq3A_851 = arith.cmpi eq, %iota3A, %eq3A_850 : vector<16xi32>
        %broadcast_in_dim3A_852 = vector.broadcast %reduce_sum3A_845 : f32 to vector<16xf32>
        %select_n3A_853 = arith.select %eq3A_851, %broadcast_in_dim3A_852, %select_n3A_771 : vector<16xi1>, vector<16xf32>
        %mul3A_854 = arith.constant 16 : i32
        %mul3A_855 = arith.muli %scan3A_338, %mul3A_854 : i32
        %mul3A_856 = arith.constant 8 : i32
        %mul3A_857 = arith.muli %scan3A_363, %mul3A_856 : i32
        %add3A_858 = arith.addi %mul3A_855, %mul3A_857 : i32
        %add3A_859 = arith.constant 6 : i32
        %add3A_860 = arith.addi %add3A_858, %add3A_859 : i32
        %get3A_861 = arith.index_cast %add3A_860 : i32 to index
        %get3A_862 = arith.constant 0 : index
        %get3A_863 = tpu.vector_load %arg11[%get3A_861, %get3A_862] {strides = array<i32>} : memref<128x128xf32, #tpu.memory_space<vmem>>, vector<16xf32>,
        %get3A_864 = arith.index_cast %add3A_860 : i32 to index
        %get3A_865 = arith.constant 0 : index
        %get3A_866 = tpu.vector_load %arg13[%get3A_864, %get3A_865] {strides = array<i32>} : memref<128x128xf32, #tpu.memory_space<vmem>>, vector<16xf32>,
        %mul3A_867 = arith.mulf %get3A_863, %get3A_866 : vector<16xf32>
        %get3A_868 = arith.index_cast %add3A_860 : i32 to index
        %get3A_869 = arith.constant 16 : index
        %get3A_870 = tpu.vector_load %arg11[%get3A_868, %get3A_869] {strides = array<i32>} : memref<128x128xf32, #tpu.memory_space<vmem>>, vector<16xf32>,
        %get3A_871 = arith.index_cast %add3A_860 : i32 to index
        %get3A_872 = arith.constant 16 : index
        %get3A_873 = tpu.vector_load %arg13[%get3A_871, %get3A_872] {strides = array<i32>} : memref<128x128xf32, #tpu.memory_space<vmem>>, vector<16xf32>,
        %mul3A_874 = arith.mulf %get3A_870, %get3A_873 : vector<16xf32>
        %add3A_875 = arith.addf %mul3A_867, %mul3A_874 : vector<16xf32>
        %get3A_876 = arith.index_cast %add3A_860 : i32 to index
        %get3A_877 = arith.constant 32 : index
        %get3A_878 = tpu.vector_load %arg11[%get3A_876, %get3A_877] {strides = array<i32>} : memref<128x128xf32, #tpu.memory_space<vmem>>, vector<16xf32>,
        %get3A_879 = arith.index_cast %add3A_860 : i32 to index
        %get3A_880 = arith.constant 32 : index
        %get3A_881 = tpu.vector_load %arg13[%get3A_879, %get3A_880] {strides = array<i32>} : memref<128x128xf32, #tpu.memory_space<vmem>>, vector<16xf32>,
        %mul3A_882 = arith.mulf %get3A_878, %get3A_881 : vector<16xf32>
        %add3A_883 = arith.addf %add3A_875, %mul3A_882 : vector<16xf32>
        %get3A_884 = arith.index_cast %add3A_860 : i32 to index
        %get3A_885 = arith.constant 48 : index
        %get3A_886 = tpu.vector_load %arg11[%get3A_884, %get3A_885] {strides = array<i32>} : memref<128x128xf32, #tpu.memory_space<vmem>>, vector<16xf32>,
        %get3A_887 = arith.index_cast %add3A_860 : i32 to index
        %get3A_888 = arith.constant 48 : index
        %get3A_889 = tpu.vector_load %arg13[%get3A_887, %get3A_888] {strides = array<i32>} : memref<128x128xf32, #tpu.memory_space<vmem>>, vector<16xf32>,
        %mul3A_890 = arith.mulf %get3A_886, %get3A_889 : vector<16xf32>
        %add3A_891 = arith.addf %add3A_883, %mul3A_890 : vector<16xf32>
        %get3A_892 = arith.index_cast %add3A_860 : i32 to index
        %get3A_893 = arith.constant 64 : index
        %get3A_894 = tpu.vector_load %arg11[%get3A_892, %get3A_893] {strides = array<i32>} : memref<128x128xf32, #tpu.memory_space<vmem>>, vector<16xf32>,
        %get3A_895 = arith.index_cast %add3A_860 : i32 to index
        %get3A_896 = arith.constant 64 : index
        %get3A_897 = tpu.vector_load %arg13[%get3A_895, %get3A_896] {strides = array<i32>} : memref<128x128xf32, #tpu.memory_space<vmem>>, vector<16xf32>,
        %mul3A_898 = arith.mulf %get3A_894, %get3A_897 : vector<16xf32>
        %add3A_899 = arith.addf %add3A_891, %mul3A_898 : vector<16xf32>
        %get3A_900 = arith.index_cast %add3A_860 : i32 to index
        %get3A_901 = arith.constant 80 : index
        %get3A_902 = tpu.vector_load %arg11[%get3A_900, %get3A_901] {strides = array<i32>} : memref<128x128xf32, #tpu.memory_space<vmem>>, vector<16xf32>,
        %get3A_903 = arith.index_cast %add3A_860 : i32 to index
        %get3A_904 = arith.constant 80 : index
        %get3A_905 = tpu.vector_load %arg13[%get3A_903, %get3A_904] {strides = array<i32>} : memref<128x128xf32, #tpu.memory_space<vmem>>, vector<16xf32>,
        %mul3A_906 = arith.mulf %get3A_902, %get3A_905 : vector<16xf32>
        %add3A_907 = arith.addf %add3A_899, %mul3A_906 : vector<16xf32>
        %get3A_908 = arith.index_cast %add3A_860 : i32 to index
        %get3A_909 = arith.constant 96 : index
        %get3A_910 = tpu.vector_load %arg11[%get3A_908, %get3A_909] {strides = array<i32>} : memref<128x128xf32, #tpu.memory_space<vmem>>, vector<16xf32>,
        %get3A_911 = arith.index_cast %add3A_860 : i32 to index
        %get3A_912 = arith.constant 96 : index
        %get3A_913 = tpu.vector_load %arg13[%get3A_911, %get3A_912] {strides = array<i32>} : memref<128x128xf32, #tpu.memory_space<vmem>>, vector<16xf32>,
        %mul3A_914 = arith.mulf %get3A_910, %get3A_913 : vector<16xf32>
        %add3A_915 = arith.addf %add3A_907, %mul3A_914 : vector<16xf32>
        %get3A_916 = arith.index_cast %add3A_860 : i32 to index
        %get3A_917 = arith.constant 112 : index
        %get3A_918 = tpu.vector_load %arg11[%get3A_916, %get3A_917] {strides = array<i32>} : memref<128x128xf32, #tpu.memory_space<vmem>>, vector<16xf32>,
        %get3A_919 = arith.index_cast %add3A_860 : i32 to index
        %get3A_920 = arith.constant 112 : index
        %get3A_921 = tpu.vector_load %arg13[%get3A_919, %get3A_920] {strides = array<i32>} : memref<128x128xf32, #tpu.memory_space<vmem>>, vector<16xf32>,
        %mul3A_922 = arith.mulf %get3A_918, %get3A_921 : vector<16xf32>
        %add3A_923 = arith.addf %add3A_915, %mul3A_922 : vector<16xf32>
        %reduce_sum3A_924 = arith.constant true
        %reduce_sum3A_925 = vector.broadcast %reduce_sum3A_924 : i1 to vector<16xi1>
        %reduce_sum3A_926 = tpu.scan <sum>, %add3A_923 masked %reduce_sum3A_925 : vector<16xf32>, vector<16xi1> -> vector<16xf32>
        %reduce_sum3A_927 = vector.extract %reduce_sum3A_926[15] : f32 from vector<16xf32>
        %mul3A_928 = arith.constant 8 : i32
        %mul3A_929 = arith.muli %scan3A_363, %mul3A_928 : i32
        %add3A_930 = arith.constant 6 : i32
        %add3A_931 = arith.addi %mul3A_929, %add3A_930 : i32
        %eq3A_932 = vector.broadcast %add3A_931 : i32 to vector<16xi32>
        %eq3A_933 = arith.cmpi eq, %iota3A, %eq3A_932 : vector<16xi32>
        %broadcast_in_dim3A_934 = vector.broadcast %reduce_sum3A_927 : f32 to vector<16xf32>
        %select_n3A_935 = arith.select %eq3A_933, %broadcast_in_dim3A_934, %select_n3A_853 : vector<16xi1>, vector<16xf32>
        %mul3A_936 = arith.constant 16 : i32
        %mul3A_937 = arith.muli %scan3A_338, %mul3A_936 : i32
        %mul3A_938 = arith.constant 8 : i32
        %mul3A_939 = arith.muli %scan3A_363, %mul3A_938 : i32
        %add3A_940 = arith.addi %mul3A_937, %mul3A_939 : i32
        %add3A_941 = arith.constant 7 : i32
        %add3A_942 = arith.addi %add3A_940, %add3A_941 : i32
        %get3A_943 = arith.index_cast %add3A_942 : i32 to index
        %get3A_944 = arith.constant 0 : index
        %get3A_945 = tpu.vector_load %arg11[%get3A_943, %get3A_944] {strides = array<i32>} : memref<128x128xf32, #tpu.memory_space<vmem>>, vector<16xf32>,
        %get3A_946 = arith.index_cast %add3A_942 : i32 to index
        %get3A_947 = arith.constant 0 : index
        %get3A_948 = tpu.vector_load %arg13[%get3A_946, %get3A_947] {strides = array<i32>} : memref<128x128xf32, #tpu.memory_space<vmem>>, vector<16xf32>,
        %mul3A_949 = arith.mulf %get3A_945, %get3A_948 : vector<16xf32>
        %get3A_950 = arith.index_cast %add3A_942 : i32 to index
        %get3A_951 = arith.constant 16 : index
        %get3A_952 = tpu.vector_load %arg11[%get3A_950, %get3A_951] {strides = array<i32>} : memref<128x128xf32, #tpu.memory_space<vmem>>, vector<16xf32>,
        %get3A_953 = arith.index_cast %add3A_942 : i32 to index
        %get3A_954 = arith.constant 16 : index
        %get3A_955 = tpu.vector_load %arg13[%get3A_953, %get3A_954] {strides = array<i32>} : memref<128x128xf32, #tpu.memory_space<vmem>>, vector<16xf32>,
        %mul3A_956 = arith.mulf %get3A_952, %get3A_955 : vector<16xf32>
        %add3A_957 = arith.addf %mul3A_949, %mul3A_956 : vector<16xf32>
        %get3A_958 = arith.index_cast %add3A_942 : i32 to index
        %get3A_959 = arith.constant 32 : index
        %get3A_960 = tpu.vector_load %arg11[%get3A_958, %get3A_959] {strides = array<i32>} : memref<128x128xf32, #tpu.memory_space<vmem>>, vector<16xf32>,
        %get3A_961 = arith.index_cast %add3A_942 : i32 to index
        %get3A_962 = arith.constant 32 : index
        %get3A_963 = tpu.vector_load %arg13[%get3A_961, %get3A_962] {strides = array<i32>} : memref<128x128xf32, #tpu.memory_space<vmem>>, vector<16xf32>,
        %mul3A_964 = arith.mulf %get3A_960, %get3A_963 : vector<16xf32>
        %add3A_965 = arith.addf %add3A_957, %mul3A_964 : vector<16xf32>
        %get3A_966 = arith.index_cast %add3A_942 : i32 to index
        %get3A_967 = arith.constant 48 : index
        %get3A_968 = tpu.vector_load %arg11[%get3A_966, %get3A_967] {strides = array<i32>} : memref<128x128xf32, #tpu.memory_space<vmem>>, vector<16xf32>,
        %get3A_969 = arith.index_cast %add3A_942 : i32 to index
        %get3A_970 = arith.constant 48 : index
        %get3A_971 = tpu.vector_load %arg13[%get3A_969, %get3A_970] {strides = array<i32>} : memref<128x128xf32, #tpu.memory_space<vmem>>, vector<16xf32>,
        %mul3A_972 = arith.mulf %get3A_968, %get3A_971 : vector<16xf32>
        %add3A_973 = arith.addf %add3A_965, %mul3A_972 : vector<16xf32>
        %get3A_974 = arith.index_cast %add3A_942 : i32 to index
        %get3A_975 = arith.constant 64 : index
        %get3A_976 = tpu.vector_load %arg11[%get3A_974, %get3A_975] {strides = array<i32>} : memref<128x128xf32, #tpu.memory_space<vmem>>, vector<16xf32>,
        %get3A_977 = arith.index_cast %add3A_942 : i32 to index
        %get3A_978 = arith.constant 64 : index
        %get3A_979 = tpu.vector_load %arg13[%get3A_977, %get3A_978] {strides = array<i32>} : memref<128x128xf32, #tpu.memory_space<vmem>>, vector<16xf32>,
        %mul3A_980 = arith.mulf %get3A_976, %get3A_979 : vector<16xf32>
        %add3A_981 = arith.addf %add3A_973, %mul3A_980 : vector<16xf32>
        %get3A_982 = arith.index_cast %add3A_942 : i32 to index
        %get3A_983 = arith.constant 80 : index
        %get3A_984 = tpu.vector_load %arg11[%get3A_982, %get3A_983] {strides = array<i32>} : memref<128x128xf32, #tpu.memory_space<vmem>>, vector<16xf32>,
        %get3A_985 = arith.index_cast %add3A_942 : i32 to index
        %get3A_986 = arith.constant 80 : index
        %get3A_987 = tpu.vector_load %arg13[%get3A_985, %get3A_986] {strides = array<i32>} : memref<128x128xf32, #tpu.memory_space<vmem>>, vector<16xf32>,
        %mul3A_988 = arith.mulf %get3A_984, %get3A_987 : vector<16xf32>
        %add3A_989 = arith.addf %add3A_981, %mul3A_988 : vector<16xf32>
        %get3A_990 = arith.index_cast %add3A_942 : i32 to index
        %get3A_991 = arith.constant 96 : index
        %get3A_992 = tpu.vector_load %arg11[%get3A_990, %get3A_991] {strides = array<i32>} : memref<128x128xf32, #tpu.memory_space<vmem>>, vector<16xf32>,
        %get3A_993 = arith.index_cast %add3A_942 : i32 to index
        %get3A_994 = arith.constant 96 : index
        %get3A_995 = tpu.vector_load %arg13[%get3A_993, %get3A_994] {strides = array<i32>} : memref<128x128xf32, #tpu.memory_space<vmem>>, vector<16xf32>,
        %mul3A_996 = arith.mulf %get3A_992, %get3A_995 : vector<16xf32>
        %add3A_997 = arith.addf %add3A_989, %mul3A_996 : vector<16xf32>
        %get3A_998 = arith.index_cast %add3A_942 : i32 to index
        %get3A_999 = arith.constant 112 : index
        %get3A_1000 = tpu.vector_load %arg11[%get3A_998, %get3A_999] {strides = array<i32>} : memref<128x128xf32, #tpu.memory_space<vmem>>, vector<16xf32>,
        %get3A_1001 = arith.index_cast %add3A_942 : i32 to index
        %get3A_1002 = arith.constant 112 : index
        %get3A_1003 = tpu.vector_load %arg13[%get3A_1001, %get3A_1002] {strides = array<i32>} : memref<128x128xf32, #tpu.memory_space<vmem>>, vector<16xf32>,
        %mul3A_1004 = arith.mulf %get3A_1000, %get3A_1003 : vector<16xf32>
        %add3A_1005 = arith.addf %add3A_997, %mul3A_1004 : vector<16xf32>
        %reduce_sum3A_1006 = arith.constant true
        %reduce_sum3A_1007 = vector.broadcast %reduce_sum3A_1006 : i1 to vector<16xi1>
        %reduce_sum3A_1008 = tpu.scan <sum>, %add3A_1005 masked %reduce_sum3A_1007 : vector<16xf32>, vector<16xi1> -> vector<16xf32>
        %reduce_sum3A_1009 = vector.extract %reduce_sum3A_1008[15] : f32 from vector<16xf32>
        %mul3A_1010 = arith.constant 8 : i32
        %mul3A_1011 = arith.muli %scan3A_363, %mul3A_1010 : i32
        %add3A_1012 = arith.constant 7 : i32
        %add3A_1013 = arith.addi %mul3A_1011, %add3A_1012 : i32
        %eq3A_1014 = vector.broadcast %add3A_1013 : i32 to vector<16xi32>
        %eq3A_1015 = arith.cmpi eq, %iota3A, %eq3A_1014 : vector<16xi32>
        %broadcast_in_dim3A_1016 = vector.broadcast %reduce_sum3A_1009 : f32 to vector<16xf32>
        %select_n3A_1017 = arith.select %eq3A_1015, %broadcast_in_dim3A_1016, %select_n3A_935 : vector<16xi1>, vector<16xf32>
        scf.yield %select_n3A_1017 : vector<16xf32>
      }
      %scan3A_345 = arith.constant 2 : i32
      %mul3A_346 = arith.constant 16 : i32
      %mul3A_347 = arith.muli %scan3A_338, %mul3A_346 : i32
      %add3A_348 = arith.constant 0 : i32
      %add3A_349 = arith.addi %add3A_348, %mul3A_347 : i32
      %get3A = arith.index_cast %add3A_349 : i32 to index
      %get3A_350 = tpu.vector_load %arg15[%get3A] {strides = array<i32>} : memref<512xf32, #tpu.memory_space<vmem>>, vector<16xf32>,
      %add3A_351 = arith.addf %scan3A_344, %get3A_350 : vector<16xf32>
      %get3A_352 = arith.index_cast %add3A_349 : i32 to index
      %get3A_353 = tpu.vector_load %arg16[%get3A_352] {strides = array<i32>} : memref<512xf32, #tpu.memory_space<vmem>>, vector<16xf32>,
      %add3A_354 = arith.addf %add3A_351, %get3A_353 : vector<16xf32>
      %neg3A = arith.constant 0.000000e+00 : f32
      %neg3A_355 = vector.broadcast %neg3A : f32 to vector<16xf32>
      %neg3A_356 = arith.subf %neg3A_355, %add3A_354 : vector<16xf32>
      %exp3A = math.exp %neg3A_356 : vector<16xf32>
      %add3A_357 = arith.constant 1.000000e+00 : f32
      %add3A_358 = vector.broadcast %add3A_357 : f32 to vector<16xf32>
      %add3A_359 = arith.addf %add3A_358, %exp3A : vector<16xf32>
      %div3A = arith.constant 5.000000e+00 : f32
      %div3A_360 = vector.broadcast %div3A : f32 to vector<16xf32>
      %div3A_361 = arith.divf %div3A_360, %add3A_359 : vector<16xf32>
      %swap3A = arith.index_cast %add3A_349 : i32 to index
      %swap3A_362 = tpu.vector_load %arg17[%swap3A] {strides = array<i32>} : memref<512xf32, #tpu.memory_space<vmem>>, vector<16xf32>,
      tpu.vector_store %arg17[%swap3A], %div3A_361 {strides = array<i32>} : memref<512xf32, #tpu.memory_space<vmem>>, vector<16xf32>,
    }
    %scan3A_127 = arith.constant 4 : i32
    %dma_wait3A_128 = arith.constant 0 : i32
    %dma_wait3A_129 = arith.constant 64 : i32
    %dma_wait3A_130 = arith.constant 0 : i32
    %dma_wait3A_131 = tpu.memref_slice %arg11[%dma_wait3A_129, %dma_wait3A_130] : memref<128x128xf32, #tpu.memory_space<vmem>> -> memref<64x128xf32, #tpu.memory_space<vmem>>
    %dma_wait3A_132 = arith.constant 64 : i32
    %dma_wait3A_133 = tpu.memref_slice %arg9[%dma_wait3A_132] : memref<512xi32, #tpu.memory_space<vmem>> -> memref<64xi32, #tpu.memory_space<vmem>>
    %dma_wait3A_134 = arith.constant 0 : i32
    %dma_wait3A_135 = arith.constant 0 : i32
    %dma_wait3A_136 = tpu.memref_slice %arg4[%dma_wait3A_134, %dma_wait3A_135] : memref<100000x128xf32, #tpu.memory_space<hbm>> -> memref<100000x128xf32, #tpu.memory_space<hbm>>
    %dma_wait3A_137 = tpu.memref_slice %arg18[%dma_wait3A_128] : memref<3x!tpu.dma_semaphore, #tpu.memory_space<semaphore_mem>> -> memref<1x!tpu.dma_semaphore, #tpu.memory_space<semaphore_mem>>
    %dma_wait3A_138 = tpu.memref_squeeze %dma_wait3A_137 : memref<1x!tpu.dma_semaphore, #tpu.memory_space<semaphore_mem>> -> memref<!tpu.dma_semaphore, #tpu.memory_space<semaphore_mem>>
    tpu.wait_indirect_dma semaphore(%dma_wait3A_138 : memref<!tpu.dma_semaphore, #tpu.memory_space<semaphore_mem>>) src(%dma_wait3A_136 : memref<100000x128xf32, #tpu.memory_space<hbm>>) dst(%dma_wait3A_131 : memref<64x128xf32, #tpu.memory_space<vmem>>)
    %dma_wait3A_139 = arith.constant 0 : i32
    %dma_wait3A_140 = arith.constant 64 : i32
    %dma_wait3A_141 = arith.constant 0 : i32
    %dma_wait3A_142 = tpu.memref_slice %arg13[%dma_wait3A_140, %dma_wait3A_141] : memref<128x128xf32, #tpu.memory_space<vmem>> -> memref<64x128xf32, #tpu.memory_space<vmem>>
    %dma_wait3A_143 = arith.constant 64 : i32
    %dma_wait3A_144 = tpu.memref_slice %arg10[%dma_wait3A_143] : memref<512xi32, #tpu.memory_space<vmem>> -> memref<64xi32, #tpu.memory_space<vmem>>
    %dma_wait3A_145 = arith.constant 0 : i32
    %dma_wait3A_146 = arith.constant 0 : i32
    %dma_wait3A_147 = tpu.memref_slice %arg5[%dma_wait3A_145, %dma_wait3A_146] : memref<100000x128xf32, #tpu.memory_space<hbm>> -> memref<100000x128xf32, #tpu.memory_space<hbm>>
    %dma_wait3A_148 = tpu.memref_slice %arg18[%dma_wait3A_139] : memref<3x!tpu.dma_semaphore, #tpu.memory_space<semaphore_mem>> -> memref<1x!tpu.dma_semaphore, #tpu.memory_space<semaphore_mem>>
    %dma_wait3A_149 = tpu.memref_squeeze %dma_wait3A_148 : memref<1x!tpu.dma_semaphore, #tpu.memory_space<semaphore_mem>> -> memref<!tpu.dma_semaphore, #tpu.memory_space<semaphore_mem>>
    tpu.wait_indirect_dma semaphore(%dma_wait3A_149 : memref<!tpu.dma_semaphore, #tpu.memory_space<semaphore_mem>>) src(%dma_wait3A_147 : memref<100000x128xf32, #tpu.memory_space<hbm>>) dst(%dma_wait3A_142 : memref<64x128xf32, #tpu.memory_space<vmem>>)
    %iota3A_150 = tpu.iota {dimensions = array<i32: 0>} : vector<16xi32>
    %scan3A_151 = arith.constant 0 : i32
    %scan3A_152 = arith.constant 4 : i32
    %scan3A_153 = arith.constant 4 : i32
    %scan3A_154 = arith.addi %scan3A_152, %scan3A_153 : i32
    %scan3A_155 = arith.constant 1 : i32
    scf.for %scan3A_338 = %scan3A_152 to %scan3A_154 step %scan3A_155  : i32 {
      %broadcast_in_dim3A = arith.constant 0.000000e+00 : f32
      %broadcast_in_dim3A_339 = vector.broadcast %broadcast_in_dim3A : f32 to vector<16xf32>
      %scan3A_340 = arith.constant 0 : i32
      %scan3A_341 = arith.constant 2 : i32
      %scan3A_342 = arith.addi %scan3A_340, %scan3A_341 : i32
      %scan3A_343 = arith.constant 1 : i32
      %scan3A_344 = scf.for %scan3A_363 = %scan3A_340 to %scan3A_342 step %scan3A_343 iter_args(%scan3A_364 = %broadcast_in_dim3A_339) -> (vector<16xf32>)  : i32 {
        %mul3A_365 = arith.constant 16 : i32
        %mul3A_366 = arith.muli %scan3A_338, %mul3A_365 : i32
        %mul3A_367 = arith.constant 8 : i32
        %mul3A_368 = arith.muli %scan3A_363, %mul3A_367 : i32
        %add3A_369 = arith.addi %mul3A_366, %mul3A_368 : i32
        %add3A_370 = arith.constant 0 : i32
        %add3A_371 = arith.addi %add3A_369, %add3A_370 : i32
        %get3A_372 = arith.index_cast %add3A_371 : i32 to index
        %get3A_373 = arith.constant 0 : index
        %get3A_374 = tpu.vector_load %arg11[%get3A_372, %get3A_373] {strides = array<i32>} : memref<128x128xf32, #tpu.memory_space<vmem>>, vector<16xf32>,
        %get3A_375 = arith.index_cast %add3A_371 : i32 to index
        %get3A_376 = arith.constant 0 : index
        %get3A_377 = tpu.vector_load %arg13[%get3A_375, %get3A_376] {strides = array<i32>} : memref<128x128xf32, #tpu.memory_space<vmem>>, vector<16xf32>,
        %mul3A_378 = arith.mulf %get3A_374, %get3A_377 : vector<16xf32>
        %get3A_379 = arith.index_cast %add3A_371 : i32 to index
        %get3A_380 = arith.constant 16 : index
        %get3A_381 = tpu.vector_load %arg11[%get3A_379, %get3A_380] {strides = array<i32>} : memref<128x128xf32, #tpu.memory_space<vmem>>, vector<16xf32>,
        %get3A_382 = arith.index_cast %add3A_371 : i32 to index
        %get3A_383 = arith.constant 16 : index
        %get3A_384 = tpu.vector_load %arg13[%get3A_382, %get3A_383] {strides = array<i32>} : memref<128x128xf32, #tpu.memory_space<vmem>>, vector<16xf32>,
        %mul3A_385 = arith.mulf %get3A_381, %get3A_384 : vector<16xf32>
        %add3A_386 = arith.addf %mul3A_378, %mul3A_385 : vector<16xf32>
        %get3A_387 = arith.index_cast %add3A_371 : i32 to index
        %get3A_388 = arith.constant 32 : index
        %get3A_389 = tpu.vector_load %arg11[%get3A_387, %get3A_388] {strides = array<i32>} : memref<128x128xf32, #tpu.memory_space<vmem>>, vector<16xf32>,
        %get3A_390 = arith.index_cast %add3A_371 : i32 to index
        %get3A_391 = arith.constant 32 : index
        %get3A_392 = tpu.vector_load %arg13[%get3A_390, %get3A_391] {strides = array<i32>} : memref<128x128xf32, #tpu.memory_space<vmem>>, vector<16xf32>,
        %mul3A_393 = arith.mulf %get3A_389, %get3A_392 : vector<16xf32>
        %add3A_394 = arith.addf %add3A_386, %mul3A_393 : vector<16xf32>
        %get3A_395 = arith.index_cast %add3A_371 : i32 to index
        %get3A_396 = arith.constant 48 : index
        %get3A_397 = tpu.vector_load %arg11[%get3A_395, %get3A_396] {strides = array<i32>} : memref<128x128xf32, #tpu.memory_space<vmem>>, vector<16xf32>,
        %get3A_398 = arith.index_cast %add3A_371 : i32 to index
        %get3A_399 = arith.constant 48 : index
        %get3A_400 = tpu.vector_load %arg13[%get3A_398, %get3A_399] {strides = array<i32>} : memref<128x128xf32, #tpu.memory_space<vmem>>, vector<16xf32>,
        %mul3A_401 = arith.mulf %get3A_397, %get3A_400 : vector<16xf32>
        %add3A_402 = arith.addf %add3A_394, %mul3A_401 : vector<16xf32>
        %get3A_403 = arith.index_cast %add3A_371 : i32 to index
        %get3A_404 = arith.constant 64 : index
        %get3A_405 = tpu.vector_load %arg11[%get3A_403, %get3A_404] {strides = array<i32>} : memref<128x128xf32, #tpu.memory_space<vmem>>, vector<16xf32>,
        %get3A_406 = arith.index_cast %add3A_371 : i32 to index
        %get3A_407 = arith.constant 64 : index
        %get3A_408 = tpu.vector_load %arg13[%get3A_406, %get3A_407] {strides = array<i32>} : memref<128x128xf32, #tpu.memory_space<vmem>>, vector<16xf32>,
        %mul3A_409 = arith.mulf %get3A_405, %get3A_408 : vector<16xf32>
        %add3A_410 = arith.addf %add3A_402, %mul3A_409 : vector<16xf32>
        %get3A_411 = arith.index_cast %add3A_371 : i32 to index
        %get3A_412 = arith.constant 80 : index
        %get3A_413 = tpu.vector_load %arg11[%get3A_411, %get3A_412] {strides = array<i32>} : memref<128x128xf32, #tpu.memory_space<vmem>>, vector<16xf32>,
        %get3A_414 = arith.index_cast %add3A_371 : i32 to index
        %get3A_415 = arith.constant 80 : index
        %get3A_416 = tpu.vector_load %arg13[%get3A_414, %get3A_415] {strides = array<i32>} : memref<128x128xf32, #tpu.memory_space<vmem>>, vector<16xf32>,
        %mul3A_417 = arith.mulf %get3A_413, %get3A_416 : vector<16xf32>
        %add3A_418 = arith.addf %add3A_410, %mul3A_417 : vector<16xf32>
        %get3A_419 = arith.index_cast %add3A_371 : i32 to index
        %get3A_420 = arith.constant 96 : index
        %get3A_421 = tpu.vector_load %arg11[%get3A_419, %get3A_420] {strides = array<i32>} : memref<128x128xf32, #tpu.memory_space<vmem>>, vector<16xf32>,
        %get3A_422 = arith.index_cast %add3A_371 : i32 to index
        %get3A_423 = arith.constant 96 : index
        %get3A_424 = tpu.vector_load %arg13[%get3A_422, %get3A_423] {strides = array<i32>} : memref<128x128xf32, #tpu.memory_space<vmem>>, vector<16xf32>,
        %mul3A_425 = arith.mulf %get3A_421, %get3A_424 : vector<16xf32>
        %add3A_426 = arith.addf %add3A_418, %mul3A_425 : vector<16xf32>
        %get3A_427 = arith.index_cast %add3A_371 : i32 to index
        %get3A_428 = arith.constant 112 : index
        %get3A_429 = tpu.vector_load %arg11[%get3A_427, %get3A_428] {strides = array<i32>} : memref<128x128xf32, #tpu.memory_space<vmem>>, vector<16xf32>,
        %get3A_430 = arith.index_cast %add3A_371 : i32 to index
        %get3A_431 = arith.constant 112 : index
        %get3A_432 = tpu.vector_load %arg13[%get3A_430, %get3A_431] {strides = array<i32>} : memref<128x128xf32, #tpu.memory_space<vmem>>, vector<16xf32>,
        %mul3A_433 = arith.mulf %get3A_429, %get3A_432 : vector<16xf32>
        %add3A_434 = arith.addf %add3A_426, %mul3A_433 : vector<16xf32>
        %reduce_sum3A = arith.constant true
        %reduce_sum3A_435 = vector.broadcast %reduce_sum3A : i1 to vector<16xi1>
        %reduce_sum3A_436 = tpu.scan <sum>, %add3A_434 masked %reduce_sum3A_435 : vector<16xf32>, vector<16xi1> -> vector<16xf32>
        %reduce_sum3A_437 = vector.extract %reduce_sum3A_436[15] : f32 from vector<16xf32>
        %mul3A_438 = arith.constant 8 : i32
        %mul3A_439 = arith.muli %scan3A_363, %mul3A_438 : i32
        %add3A_440 = arith.constant 0 : i32
        %add3A_441 = arith.addi %mul3A_439, %add3A_440 : i32
        %eq3A = vector.broadcast %add3A_441 : i32 to vector<16xi32>
        %eq3A_442 = arith.cmpi eq, %iota3A_150, %eq3A : vector<16xi32>
        %broadcast_in_dim3A_443 = vector.broadcast %reduce_sum3A_437 : f32 to vector<16xf32>
        %select_n3A = arith.select %eq3A_442, %broadcast_in_dim3A_443, %scan3A_364 : vector<16xi1>, vector<16xf32>
        %mul3A_444 = arith.constant 16 : i32
        %mul3A_445 = arith.muli %scan3A_338, %mul3A_444 : i32
        %mul3A_446 = arith.constant 8 : i32
        %mul3A_447 = arith.muli %scan3A_363, %mul3A_446 : i32
        %add3A_448 = arith.addi %mul3A_445, %mul3A_447 : i32
        %add3A_449 = arith.constant 1 : i32
        %add3A_450 = arith.addi %add3A_448, %add3A_449 : i32
        %get3A_451 = arith.index_cast %add3A_450 : i32 to index
        %get3A_452 = arith.constant 0 : index
        %get3A_453 = tpu.vector_load %arg11[%get3A_451, %get3A_452] {strides = array<i32>} : memref<128x128xf32, #tpu.memory_space<vmem>>, vector<16xf32>,
        %get3A_454 = arith.index_cast %add3A_450 : i32 to index
        %get3A_455 = arith.constant 0 : index
        %get3A_456 = tpu.vector_load %arg13[%get3A_454, %get3A_455] {strides = array<i32>} : memref<128x128xf32, #tpu.memory_space<vmem>>, vector<16xf32>,
        %mul3A_457 = arith.mulf %get3A_453, %get3A_456 : vector<16xf32>
        %get3A_458 = arith.index_cast %add3A_450 : i32 to index
        %get3A_459 = arith.constant 16 : index
        %get3A_460 = tpu.vector_load %arg11[%get3A_458, %get3A_459] {strides = array<i32>} : memref<128x128xf32, #tpu.memory_space<vmem>>, vector<16xf32>,
        %get3A_461 = arith.index_cast %add3A_450 : i32 to index
        %get3A_462 = arith.constant 16 : index
        %get3A_463 = tpu.vector_load %arg13[%get3A_461, %get3A_462] {strides = array<i32>} : memref<128x128xf32, #tpu.memory_space<vmem>>, vector<16xf32>,
        %mul3A_464 = arith.mulf %get3A_460, %get3A_463 : vector<16xf32>
        %add3A_465 = arith.addf %mul3A_457, %mul3A_464 : vector<16xf32>
        %get3A_466 = arith.index_cast %add3A_450 : i32 to index
        %get3A_467 = arith.constant 32 : index
        %get3A_468 = tpu.vector_load %arg11[%get3A_466, %get3A_467] {strides = array<i32>} : memref<128x128xf32, #tpu.memory_space<vmem>>, vector<16xf32>,
        %get3A_469 = arith.index_cast %add3A_450 : i32 to index
        %get3A_470 = arith.constant 32 : index
        %get3A_471 = tpu.vector_load %arg13[%get3A_469, %get3A_470] {strides = array<i32>} : memref<128x128xf32, #tpu.memory_space<vmem>>, vector<16xf32>,
        %mul3A_472 = arith.mulf %get3A_468, %get3A_471 : vector<16xf32>
        %add3A_473 = arith.addf %add3A_465, %mul3A_472 : vector<16xf32>
        %get3A_474 = arith.index_cast %add3A_450 : i32 to index
        %get3A_475 = arith.constant 48 : index
        %get3A_476 = tpu.vector_load %arg11[%get3A_474, %get3A_475] {strides = array<i32>} : memref<128x128xf32, #tpu.memory_space<vmem>>, vector<16xf32>,
        %get3A_477 = arith.index_cast %add3A_450 : i32 to index
        %get3A_478 = arith.constant 48 : index
        %get3A_479 = tpu.vector_load %arg13[%get3A_477, %get3A_478] {strides = array<i32>} : memref<128x128xf32, #tpu.memory_space<vmem>>, vector<16xf32>,
        %mul3A_480 = arith.mulf %get3A_476, %get3A_479 : vector<16xf32>
        %add3A_481 = arith.addf %add3A_473, %mul3A_480 : vector<16xf32>
        %get3A_482 = arith.index_cast %add3A_450 : i32 to index
        %get3A_483 = arith.constant 64 : index
        %get3A_484 = tpu.vector_load %arg11[%get3A_482, %get3A_483] {strides = array<i32>} : memref<128x128xf32, #tpu.memory_space<vmem>>, vector<16xf32>,
        %get3A_485 = arith.index_cast %add3A_450 : i32 to index
        %get3A_486 = arith.constant 64 : index
        %get3A_487 = tpu.vector_load %arg13[%get3A_485, %get3A_486] {strides = array<i32>} : memref<128x128xf32, #tpu.memory_space<vmem>>, vector<16xf32>,
        %mul3A_488 = arith.mulf %get3A_484, %get3A_487 : vector<16xf32>
        %add3A_489 = arith.addf %add3A_481, %mul3A_488 : vector<16xf32>
        %get3A_490 = arith.index_cast %add3A_450 : i32 to index
        %get3A_491 = arith.constant 80 : index
        %get3A_492 = tpu.vector_load %arg11[%get3A_490, %get3A_491] {strides = array<i32>} : memref<128x128xf32, #tpu.memory_space<vmem>>, vector<16xf32>,
        %get3A_493 = arith.index_cast %add3A_450 : i32 to index
        %get3A_494 = arith.constant 80 : index
        %get3A_495 = tpu.vector_load %arg13[%get3A_493, %get3A_494] {strides = array<i32>} : memref<128x128xf32, #tpu.memory_space<vmem>>, vector<16xf32>,
        %mul3A_496 = arith.mulf %get3A_492, %get3A_495 : vector<16xf32>
        %add3A_497 = arith.addf %add3A_489, %mul3A_496 : vector<16xf32>
        %get3A_498 = arith.index_cast %add3A_450 : i32 to index
        %get3A_499 = arith.constant 96 : index
        %get3A_500 = tpu.vector_load %arg11[%get3A_498, %get3A_499] {strides = array<i32>} : memref<128x128xf32, #tpu.memory_space<vmem>>, vector<16xf32>,
        %get3A_501 = arith.index_cast %add3A_450 : i32 to index
        %get3A_502 = arith.constant 96 : index
        %get3A_503 = tpu.vector_load %arg13[%get3A_501, %get3A_502] {strides = array<i32>} : memref<128x128xf32, #tpu.memory_space<vmem>>, vector<16xf32>,
        %mul3A_504 = arith.mulf %get3A_500, %get3A_503 : vector<16xf32>
        %add3A_505 = arith.addf %add3A_497, %mul3A_504 : vector<16xf32>
        %get3A_506 = arith.index_cast %add3A_450 : i32 to index
        %get3A_507 = arith.constant 112 : index
        %get3A_508 = tpu.vector_load %arg11[%get3A_506, %get3A_507] {strides = array<i32>} : memref<128x128xf32, #tpu.memory_space<vmem>>, vector<16xf32>,
        %get3A_509 = arith.index_cast %add3A_450 : i32 to index
        %get3A_510 = arith.constant 112 : index
        %get3A_511 = tpu.vector_load %arg13[%get3A_509, %get3A_510] {strides = array<i32>} : memref<128x128xf32, #tpu.memory_space<vmem>>, vector<16xf32>,
        %mul3A_512 = arith.mulf %get3A_508, %get3A_511 : vector<16xf32>
        %add3A_513 = arith.addf %add3A_505, %mul3A_512 : vector<16xf32>
        %reduce_sum3A_514 = arith.constant true
        %reduce_sum3A_515 = vector.broadcast %reduce_sum3A_514 : i1 to vector<16xi1>
        %reduce_sum3A_516 = tpu.scan <sum>, %add3A_513 masked %reduce_sum3A_515 : vector<16xf32>, vector<16xi1> -> vector<16xf32>
        %reduce_sum3A_517 = vector.extract %reduce_sum3A_516[15] : f32 from vector<16xf32>
        %mul3A_518 = arith.constant 8 : i32
        %mul3A_519 = arith.muli %scan3A_363, %mul3A_518 : i32
        %add3A_520 = arith.constant 1 : i32
        %add3A_521 = arith.addi %mul3A_519, %add3A_520 : i32
        %eq3A_522 = vector.broadcast %add3A_521 : i32 to vector<16xi32>
        %eq3A_523 = arith.cmpi eq, %iota3A_150, %eq3A_522 : vector<16xi32>
        %broadcast_in_dim3A_524 = vector.broadcast %reduce_sum3A_517 : f32 to vector<16xf32>
        %select_n3A_525 = arith.select %eq3A_523, %broadcast_in_dim3A_524, %select_n3A : vector<16xi1>, vector<16xf32>
        %mul3A_526 = arith.constant 16 : i32
        %mul3A_527 = arith.muli %scan3A_338, %mul3A_526 : i32
        %mul3A_528 = arith.constant 8 : i32
        %mul3A_529 = arith.muli %scan3A_363, %mul3A_528 : i32
        %add3A_530 = arith.addi %mul3A_527, %mul3A_529 : i32
        %add3A_531 = arith.constant 2 : i32
        %add3A_532 = arith.addi %add3A_530, %add3A_531 : i32
        %get3A_533 = arith.index_cast %add3A_532 : i32 to index
        %get3A_534 = arith.constant 0 : index
        %get3A_535 = tpu.vector_load %arg11[%get3A_533, %get3A_534] {strides = array<i32>} : memref<128x128xf32, #tpu.memory_space<vmem>>, vector<16xf32>,
        %get3A_536 = arith.index_cast %add3A_532 : i32 to index
        %get3A_537 = arith.constant 0 : index
        %get3A_538 = tpu.vector_load %arg13[%get3A_536, %get3A_537] {strides = array<i32>} : memref<128x128xf32, #tpu.memory_space<vmem>>, vector<16xf32>,
        %mul3A_539 = arith.mulf %get3A_535, %get3A_538 : vector<16xf32>
        %get3A_540 = arith.index_cast %add3A_532 : i32 to index
        %get3A_541 = arith.constant 16 : index
        %get3A_542 = tpu.vector_load %arg11[%get3A_540, %get3A_541] {strides = array<i32>} : memref<128x128xf32, #tpu.memory_space<vmem>>, vector<16xf32>,
        %get3A_543 = arith.index_cast %add3A_532 : i32 to index
        %get3A_544 = arith.constant 16 : index
        %get3A_545 = tpu.vector_load %arg13[%get3A_543, %get3A_544] {strides = array<i32>} : memref<128x128xf32, #tpu.memory_space<vmem>>, vector<16xf32>,
        %mul3A_546 = arith.mulf %get3A_542, %get3A_545 : vector<16xf32>
        %add3A_547 = arith.addf %mul3A_539, %mul3A_546 : vector<16xf32>
        %get3A_548 = arith.index_cast %add3A_532 : i32 to index
        %get3A_549 = arith.constant 32 : index
        %get3A_550 = tpu.vector_load %arg11[%get3A_548, %get3A_549] {strides = array<i32>} : memref<128x128xf32, #tpu.memory_space<vmem>>, vector<16xf32>,
        %get3A_551 = arith.index_cast %add3A_532 : i32 to index
        %get3A_552 = arith.constant 32 : index
        %get3A_553 = tpu.vector_load %arg13[%get3A_551, %get3A_552] {strides = array<i32>} : memref<128x128xf32, #tpu.memory_space<vmem>>, vector<16xf32>,
        %mul3A_554 = arith.mulf %get3A_550, %get3A_553 : vector<16xf32>
        %add3A_555 = arith.addf %add3A_547, %mul3A_554 : vector<16xf32>
        %get3A_556 = arith.index_cast %add3A_532 : i32 to index
        %get3A_557 = arith.constant 48 : index
        %get3A_558 = tpu.vector_load %arg11[%get3A_556, %get3A_557] {strides = array<i32>} : memref<128x128xf32, #tpu.memory_space<vmem>>, vector<16xf32>,
        %get3A_559 = arith.index_cast %add3A_532 : i32 to index
        %get3A_560 = arith.constant 48 : index
        %get3A_561 = tpu.vector_load %arg13[%get3A_559, %get3A_560] {strides = array<i32>} : memref<128x128xf32, #tpu.memory_space<vmem>>, vector<16xf32>,
        %mul3A_562 = arith.mulf %get3A_558, %get3A_561 : vector<16xf32>
        %add3A_563 = arith.addf %add3A_555, %mul3A_562 : vector<16xf32>
        %get3A_564 = arith.index_cast %add3A_532 : i32 to index
        %get3A_565 = arith.constant 64 : index
        %get3A_566 = tpu.vector_load %arg11[%get3A_564, %get3A_565] {strides = array<i32>} : memref<128x128xf32, #tpu.memory_space<vmem>>, vector<16xf32>,
        %get3A_567 = arith.index_cast %add3A_532 : i32 to index
        %get3A_568 = arith.constant 64 : index
        %get3A_569 = tpu.vector_load %arg13[%get3A_567, %get3A_568] {strides = array<i32>} : memref<128x128xf32, #tpu.memory_space<vmem>>, vector<16xf32>,
        %mul3A_570 = arith.mulf %get3A_566, %get3A_569 : vector<16xf32>
        %add3A_571 = arith.addf %add3A_563, %mul3A_570 : vector<16xf32>
        %get3A_572 = arith.index_cast %add3A_532 : i32 to index
        %get3A_573 = arith.constant 80 : index
        %get3A_574 = tpu.vector_load %arg11[%get3A_572, %get3A_573] {strides = array<i32>} : memref<128x128xf32, #tpu.memory_space<vmem>>, vector<16xf32>,
        %get3A_575 = arith.index_cast %add3A_532 : i32 to index
        %get3A_576 = arith.constant 80 : index
        %get3A_577 = tpu.vector_load %arg13[%get3A_575, %get3A_576] {strides = array<i32>} : memref<128x128xf32, #tpu.memory_space<vmem>>, vector<16xf32>,
        %mul3A_578 = arith.mulf %get3A_574, %get3A_577 : vector<16xf32>
        %add3A_579 = arith.addf %add3A_571, %mul3A_578 : vector<16xf32>
        %get3A_580 = arith.index_cast %add3A_532 : i32 to index
        %get3A_581 = arith.constant 96 : index
        %get3A_582 = tpu.vector_load %arg11[%get3A_580, %get3A_581] {strides = array<i32>} : memref<128x128xf32, #tpu.memory_space<vmem>>, vector<16xf32>,
        %get3A_583 = arith.index_cast %add3A_532 : i32 to index
        %get3A_584 = arith.constant 96 : index
        %get3A_585 = tpu.vector_load %arg13[%get3A_583, %get3A_584] {strides = array<i32>} : memref<128x128xf32, #tpu.memory_space<vmem>>, vector<16xf32>,
        %mul3A_586 = arith.mulf %get3A_582, %get3A_585 : vector<16xf32>
        %add3A_587 = arith.addf %add3A_579, %mul3A_586 : vector<16xf32>
        %get3A_588 = arith.index_cast %add3A_532 : i32 to index
        %get3A_589 = arith.constant 112 : index
        %get3A_590 = tpu.vector_load %arg11[%get3A_588, %get3A_589] {strides = array<i32>} : memref<128x128xf32, #tpu.memory_space<vmem>>, vector<16xf32>,
        %get3A_591 = arith.index_cast %add3A_532 : i32 to index
        %get3A_592 = arith.constant 112 : index
        %get3A_593 = tpu.vector_load %arg13[%get3A_591, %get3A_592] {strides = array<i32>} : memref<128x128xf32, #tpu.memory_space<vmem>>, vector<16xf32>,
        %mul3A_594 = arith.mulf %get3A_590, %get3A_593 : vector<16xf32>
        %add3A_595 = arith.addf %add3A_587, %mul3A_594 : vector<16xf32>
        %reduce_sum3A_596 = arith.constant true
        %reduce_sum3A_597 = vector.broadcast %reduce_sum3A_596 : i1 to vector<16xi1>
        %reduce_sum3A_598 = tpu.scan <sum>, %add3A_595 masked %reduce_sum3A_597 : vector<16xf32>, vector<16xi1> -> vector<16xf32>
        %reduce_sum3A_599 = vector.extract %reduce_sum3A_598[15] : f32 from vector<16xf32>
        %mul3A_600 = arith.constant 8 : i32
        %mul3A_601 = arith.muli %scan3A_363, %mul3A_600 : i32
        %add3A_602 = arith.constant 2 : i32
        %add3A_603 = arith.addi %mul3A_601, %add3A_602 : i32
        %eq3A_604 = vector.broadcast %add3A_603 : i32 to vector<16xi32>
        %eq3A_605 = arith.cmpi eq, %iota3A_150, %eq3A_604 : vector<16xi32>
        %broadcast_in_dim3A_606 = vector.broadcast %reduce_sum3A_599 : f32 to vector<16xf32>
        %select_n3A_607 = arith.select %eq3A_605, %broadcast_in_dim3A_606, %select_n3A_525 : vector<16xi1>, vector<16xf32>
        %mul3A_608 = arith.constant 16 : i32
        %mul3A_609 = arith.muli %scan3A_338, %mul3A_608 : i32
        %mul3A_610 = arith.constant 8 : i32
        %mul3A_611 = arith.muli %scan3A_363, %mul3A_610 : i32
        %add3A_612 = arith.addi %mul3A_609, %mul3A_611 : i32
        %add3A_613 = arith.constant 3 : i32
        %add3A_614 = arith.addi %add3A_612, %add3A_613 : i32
        %get3A_615 = arith.index_cast %add3A_614 : i32 to index
        %get3A_616 = arith.constant 0 : index
        %get3A_617 = tpu.vector_load %arg11[%get3A_615, %get3A_616] {strides = array<i32>} : memref<128x128xf32, #tpu.memory_space<vmem>>, vector<16xf32>,
        %get3A_618 = arith.index_cast %add3A_614 : i32 to index
        %get3A_619 = arith.constant 0 : index
        %get3A_620 = tpu.vector_load %arg13[%get3A_618, %get3A_619] {strides = array<i32>} : memref<128x128xf32, #tpu.memory_space<vmem>>, vector<16xf32>,
        %mul3A_621 = arith.mulf %get3A_617, %get3A_620 : vector<16xf32>
        %get3A_622 = arith.index_cast %add3A_614 : i32 to index
        %get3A_623 = arith.constant 16 : index
        %get3A_624 = tpu.vector_load %arg11[%get3A_622, %get3A_623] {strides = array<i32>} : memref<128x128xf32, #tpu.memory_space<vmem>>, vector<16xf32>,
        %get3A_625 = arith.index_cast %add3A_614 : i32 to index
        %get3A_626 = arith.constant 16 : index
        %get3A_627 = tpu.vector_load %arg13[%get3A_625, %get3A_626] {strides = array<i32>} : memref<128x128xf32, #tpu.memory_space<vmem>>, vector<16xf32>,
        %mul3A_628 = arith.mulf %get3A_624, %get3A_627 : vector<16xf32>
        %add3A_629 = arith.addf %mul3A_621, %mul3A_628 : vector<16xf32>
        %get3A_630 = arith.index_cast %add3A_614 : i32 to index
        %get3A_631 = arith.constant 32 : index
        %get3A_632 = tpu.vector_load %arg11[%get3A_630, %get3A_631] {strides = array<i32>} : memref<128x128xf32, #tpu.memory_space<vmem>>, vector<16xf32>,
        %get3A_633 = arith.index_cast %add3A_614 : i32 to index
        %get3A_634 = arith.constant 32 : index
        %get3A_635 = tpu.vector_load %arg13[%get3A_633, %get3A_634] {strides = array<i32>} : memref<128x128xf32, #tpu.memory_space<vmem>>, vector<16xf32>,
        %mul3A_636 = arith.mulf %get3A_632, %get3A_635 : vector<16xf32>
        %add3A_637 = arith.addf %add3A_629, %mul3A_636 : vector<16xf32>
        %get3A_638 = arith.index_cast %add3A_614 : i32 to index
        %get3A_639 = arith.constant 48 : index
        %get3A_640 = tpu.vector_load %arg11[%get3A_638, %get3A_639] {strides = array<i32>} : memref<128x128xf32, #tpu.memory_space<vmem>>, vector<16xf32>,
        %get3A_641 = arith.index_cast %add3A_614 : i32 to index
        %get3A_642 = arith.constant 48 : index
        %get3A_643 = tpu.vector_load %arg13[%get3A_641, %get3A_642] {strides = array<i32>} : memref<128x128xf32, #tpu.memory_space<vmem>>, vector<16xf32>,
        %mul3A_644 = arith.mulf %get3A_640, %get3A_643 : vector<16xf32>
        %add3A_645 = arith.addf %add3A_637, %mul3A_644 : vector<16xf32>
        %get3A_646 = arith.index_cast %add3A_614 : i32 to index
        %get3A_647 = arith.constant 64 : index
        %get3A_648 = tpu.vector_load %arg11[%get3A_646, %get3A_647] {strides = array<i32>} : memref<128x128xf32, #tpu.memory_space<vmem>>, vector<16xf32>,
        %get3A_649 = arith.index_cast %add3A_614 : i32 to index
        %get3A_650 = arith.constant 64 : index
        %get3A_651 = tpu.vector_load %arg13[%get3A_649, %get3A_650] {strides = array<i32>} : memref<128x128xf32, #tpu.memory_space<vmem>>, vector<16xf32>,
        %mul3A_652 = arith.mulf %get3A_648, %get3A_651 : vector<16xf32>
        %add3A_653 = arith.addf %add3A_645, %mul3A_652 : vector<16xf32>
        %get3A_654 = arith.index_cast %add3A_614 : i32 to index
        %get3A_655 = arith.constant 80 : index
        %get3A_656 = tpu.vector_load %arg11[%get3A_654, %get3A_655] {strides = array<i32>} : memref<128x128xf32, #tpu.memory_space<vmem>>, vector<16xf32>,
        %get3A_657 = arith.index_cast %add3A_614 : i32 to index
        %get3A_658 = arith.constant 80 : index
        %get3A_659 = tpu.vector_load %arg13[%get3A_657, %get3A_658] {strides = array<i32>} : memref<128x128xf32, #tpu.memory_space<vmem>>, vector<16xf32>,
        %mul3A_660 = arith.mulf %get3A_656, %get3A_659 : vector<16xf32>
        %add3A_661 = arith.addf %add3A_653, %mul3A_660 : vector<16xf32>
        %get3A_662 = arith.index_cast %add3A_614 : i32 to index
        %get3A_663 = arith.constant 96 : index
        %get3A_664 = tpu.vector_load %arg11[%get3A_662, %get3A_663] {strides = array<i32>} : memref<128x128xf32, #tpu.memory_space<vmem>>, vector<16xf32>,
        %get3A_665 = arith.index_cast %add3A_614 : i32 to index
        %get3A_666 = arith.constant 96 : index
        %get3A_667 = tpu.vector_load %arg13[%get3A_665, %get3A_666] {strides = array<i32>} : memref<128x128xf32, #tpu.memory_space<vmem>>, vector<16xf32>,
        %mul3A_668 = arith.mulf %get3A_664, %get3A_667 : vector<16xf32>
        %add3A_669 = arith.addf %add3A_661, %mul3A_668 : vector<16xf32>
        %get3A_670 = arith.index_cast %add3A_614 : i32 to index
        %get3A_671 = arith.constant 112 : index
        %get3A_672 = tpu.vector_load %arg11[%get3A_670, %get3A_671] {strides = array<i32>} : memref<128x128xf32, #tpu.memory_space<vmem>>, vector<16xf32>,
        %get3A_673 = arith.index_cast %add3A_614 : i32 to index
        %get3A_674 = arith.constant 112 : index
        %get3A_675 = tpu.vector_load %arg13[%get3A_673, %get3A_674] {strides = array<i32>} : memref<128x128xf32, #tpu.memory_space<vmem>>, vector<16xf32>,
        %mul3A_676 = arith.mulf %get3A_672, %get3A_675 : vector<16xf32>
        %add3A_677 = arith.addf %add3A_669, %mul3A_676 : vector<16xf32>
        %reduce_sum3A_678 = arith.constant true
        %reduce_sum3A_679 = vector.broadcast %reduce_sum3A_678 : i1 to vector<16xi1>
        %reduce_sum3A_680 = tpu.scan <sum>, %add3A_677 masked %reduce_sum3A_679 : vector<16xf32>, vector<16xi1> -> vector<16xf32>
        %reduce_sum3A_681 = vector.extract %reduce_sum3A_680[15] : f32 from vector<16xf32>
        %mul3A_682 = arith.constant 8 : i32
        %mul3A_683 = arith.muli %scan3A_363, %mul3A_682 : i32
        %add3A_684 = arith.constant 3 : i32
        %add3A_685 = arith.addi %mul3A_683, %add3A_684 : i32
        %eq3A_686 = vector.broadcast %add3A_685 : i32 to vector<16xi32>
        %eq3A_687 = arith.cmpi eq, %iota3A_150, %eq3A_686 : vector<16xi32>
        %broadcast_in_dim3A_688 = vector.broadcast %reduce_sum3A_681 : f32 to vector<16xf32>
        %select_n3A_689 = arith.select %eq3A_687, %broadcast_in_dim3A_688, %select_n3A_607 : vector<16xi1>, vector<16xf32>
        %mul3A_690 = arith.constant 16 : i32
        %mul3A_691 = arith.muli %scan3A_338, %mul3A_690 : i32
        %mul3A_692 = arith.constant 8 : i32
        %mul3A_693 = arith.muli %scan3A_363, %mul3A_692 : i32
        %add3A_694 = arith.addi %mul3A_691, %mul3A_693 : i32
        %add3A_695 = arith.constant 4 : i32
        %add3A_696 = arith.addi %add3A_694, %add3A_695 : i32
        %get3A_697 = arith.index_cast %add3A_696 : i32 to index
        %get3A_698 = arith.constant 0 : index
        %get3A_699 = tpu.vector_load %arg11[%get3A_697, %get3A_698] {strides = array<i32>} : memref<128x128xf32, #tpu.memory_space<vmem>>, vector<16xf32>,
        %get3A_700 = arith.index_cast %add3A_696 : i32 to index
        %get3A_701 = arith.constant 0 : index
        %get3A_702 = tpu.vector_load %arg13[%get3A_700, %get3A_701] {strides = array<i32>} : memref<128x128xf32, #tpu.memory_space<vmem>>, vector<16xf32>,
        %mul3A_703 = arith.mulf %get3A_699, %get3A_702 : vector<16xf32>
        %get3A_704 = arith.index_cast %add3A_696 : i32 to index
        %get3A_705 = arith.constant 16 : index
        %get3A_706 = tpu.vector_load %arg11[%get3A_704, %get3A_705] {strides = array<i32>} : memref<128x128xf32, #tpu.memory_space<vmem>>, vector<16xf32>,
        %get3A_707 = arith.index_cast %add3A_696 : i32 to index
        %get3A_708 = arith.constant 16 : index
        %get3A_709 = tpu.vector_load %arg13[%get3A_707, %get3A_708] {strides = array<i32>} : memref<128x128xf32, #tpu.memory_space<vmem>>, vector<16xf32>,
        %mul3A_710 = arith.mulf %get3A_706, %get3A_709 : vector<16xf32>
        %add3A_711 = arith.addf %mul3A_703, %mul3A_710 : vector<16xf32>
        %get3A_712 = arith.index_cast %add3A_696 : i32 to index
        %get3A_713 = arith.constant 32 : index
        %get3A_714 = tpu.vector_load %arg11[%get3A_712, %get3A_713] {strides = array<i32>} : memref<128x128xf32, #tpu.memory_space<vmem>>, vector<16xf32>,
        %get3A_715 = arith.index_cast %add3A_696 : i32 to index
        %get3A_716 = arith.constant 32 : index
        %get3A_717 = tpu.vector_load %arg13[%get3A_715, %get3A_716] {strides = array<i32>} : memref<128x128xf32, #tpu.memory_space<vmem>>, vector<16xf32>,
        %mul3A_718 = arith.mulf %get3A_714, %get3A_717 : vector<16xf32>
        %add3A_719 = arith.addf %add3A_711, %mul3A_718 : vector<16xf32>
        %get3A_720 = arith.index_cast %add3A_696 : i32 to index
        %get3A_721 = arith.constant 48 : index
        %get3A_722 = tpu.vector_load %arg11[%get3A_720, %get3A_721] {strides = array<i32>} : memref<128x128xf32, #tpu.memory_space<vmem>>, vector<16xf32>,
        %get3A_723 = arith.index_cast %add3A_696 : i32 to index
        %get3A_724 = arith.constant 48 : index
        %get3A_725 = tpu.vector_load %arg13[%get3A_723, %get3A_724] {strides = array<i32>} : memref<128x128xf32, #tpu.memory_space<vmem>>, vector<16xf32>,
        %mul3A_726 = arith.mulf %get3A_722, %get3A_725 : vector<16xf32>
        %add3A_727 = arith.addf %add3A_719, %mul3A_726 : vector<16xf32>
        %get3A_728 = arith.index_cast %add3A_696 : i32 to index
        %get3A_729 = arith.constant 64 : index
        %get3A_730 = tpu.vector_load %arg11[%get3A_728, %get3A_729] {strides = array<i32>} : memref<128x128xf32, #tpu.memory_space<vmem>>, vector<16xf32>,
        %get3A_731 = arith.index_cast %add3A_696 : i32 to index
        %get3A_732 = arith.constant 64 : index
        %get3A_733 = tpu.vector_load %arg13[%get3A_731, %get3A_732] {strides = array<i32>} : memref<128x128xf32, #tpu.memory_space<vmem>>, vector<16xf32>,
        %mul3A_734 = arith.mulf %get3A_730, %get3A_733 : vector<16xf32>
        %add3A_735 = arith.addf %add3A_727, %mul3A_734 : vector<16xf32>
        %get3A_736 = arith.index_cast %add3A_696 : i32 to index
        %get3A_737 = arith.constant 80 : index
        %get3A_738 = tpu.vector_load %arg11[%get3A_736, %get3A_737] {strides = array<i32>} : memref<128x128xf32, #tpu.memory_space<vmem>>, vector<16xf32>,
        %get3A_739 = arith.index_cast %add3A_696 : i32 to index
        %get3A_740 = arith.constant 80 : index
        %get3A_741 = tpu.vector_load %arg13[%get3A_739, %get3A_740] {strides = array<i32>} : memref<128x128xf32, #tpu.memory_space<vmem>>, vector<16xf32>,
        %mul3A_742 = arith.mulf %get3A_738, %get3A_741 : vector<16xf32>
        %add3A_743 = arith.addf %add3A_735, %mul3A_742 : vector<16xf32>
        %get3A_744 = arith.index_cast %add3A_696 : i32 to index
        %get3A_745 = arith.constant 96 : index
        %get3A_746 = tpu.vector_load %arg11[%get3A_744, %get3A_745] {strides = array<i32>} : memref<128x128xf32, #tpu.memory_space<vmem>>, vector<16xf32>,
        %get3A_747 = arith.index_cast %add3A_696 : i32 to index
        %get3A_748 = arith.constant 96 : index
        %get3A_749 = tpu.vector_load %arg13[%get3A_747, %get3A_748] {strides = array<i32>} : memref<128x128xf32, #tpu.memory_space<vmem>>, vector<16xf32>,
        %mul3A_750 = arith.mulf %get3A_746, %get3A_749 : vector<16xf32>
        %add3A_751 = arith.addf %add3A_743, %mul3A_750 : vector<16xf32>
        %get3A_752 = arith.index_cast %add3A_696 : i32 to index
        %get3A_753 = arith.constant 112 : index
        %get3A_754 = tpu.vector_load %arg11[%get3A_752, %get3A_753] {strides = array<i32>} : memref<128x128xf32, #tpu.memory_space<vmem>>, vector<16xf32>,
        %get3A_755 = arith.index_cast %add3A_696 : i32 to index
        %get3A_756 = arith.constant 112 : index
        %get3A_757 = tpu.vector_load %arg13[%get3A_755, %get3A_756] {strides = array<i32>} : memref<128x128xf32, #tpu.memory_space<vmem>>, vector<16xf32>,
        %mul3A_758 = arith.mulf %get3A_754, %get3A_757 : vector<16xf32>
        %add3A_759 = arith.addf %add3A_751, %mul3A_758 : vector<16xf32>
        %reduce_sum3A_760 = arith.constant true
        %reduce_sum3A_761 = vector.broadcast %reduce_sum3A_760 : i1 to vector<16xi1>
        %reduce_sum3A_762 = tpu.scan <sum>, %add3A_759 masked %reduce_sum3A_761 : vector<16xf32>, vector<16xi1> -> vector<16xf32>
        %reduce_sum3A_763 = vector.extract %reduce_sum3A_762[15] : f32 from vector<16xf32>
        %mul3A_764 = arith.constant 8 : i32
        %mul3A_765 = arith.muli %scan3A_363, %mul3A_764 : i32
        %add3A_766 = arith.constant 4 : i32
        %add3A_767 = arith.addi %mul3A_765, %add3A_766 : i32
        %eq3A_768 = vector.broadcast %add3A_767 : i32 to vector<16xi32>
        %eq3A_769 = arith.cmpi eq, %iota3A_150, %eq3A_768 : vector<16xi32>
        %broadcast_in_dim3A_770 = vector.broadcast %reduce_sum3A_763 : f32 to vector<16xf32>
        %select_n3A_771 = arith.select %eq3A_769, %broadcast_in_dim3A_770, %select_n3A_689 : vector<16xi1>, vector<16xf32>
        %mul3A_772 = arith.constant 16 : i32
        %mul3A_773 = arith.muli %scan3A_338, %mul3A_772 : i32
        %mul3A_774 = arith.constant 8 : i32
        %mul3A_775 = arith.muli %scan3A_363, %mul3A_774 : i32
        %add3A_776 = arith.addi %mul3A_773, %mul3A_775 : i32
        %add3A_777 = arith.constant 5 : i32
        %add3A_778 = arith.addi %add3A_776, %add3A_777 : i32
        %get3A_779 = arith.index_cast %add3A_778 : i32 to index
        %get3A_780 = arith.constant 0 : index
        %get3A_781 = tpu.vector_load %arg11[%get3A_779, %get3A_780] {strides = array<i32>} : memref<128x128xf32, #tpu.memory_space<vmem>>, vector<16xf32>,
        %get3A_782 = arith.index_cast %add3A_778 : i32 to index
        %get3A_783 = arith.constant 0 : index
        %get3A_784 = tpu.vector_load %arg13[%get3A_782, %get3A_783] {strides = array<i32>} : memref<128x128xf32, #tpu.memory_space<vmem>>, vector<16xf32>,
        %mul3A_785 = arith.mulf %get3A_781, %get3A_784 : vector<16xf32>
        %get3A_786 = arith.index_cast %add3A_778 : i32 to index
        %get3A_787 = arith.constant 16 : index
        %get3A_788 = tpu.vector_load %arg11[%get3A_786, %get3A_787] {strides = array<i32>} : memref<128x128xf32, #tpu.memory_space<vmem>>, vector<16xf32>,
        %get3A_789 = arith.index_cast %add3A_778 : i32 to index
        %get3A_790 = arith.constant 16 : index
        %get3A_791 = tpu.vector_load %arg13[%get3A_789, %get3A_790] {strides = array<i32>} : memref<128x128xf32, #tpu.memory_space<vmem>>, vector<16xf32>,
        %mul3A_792 = arith.mulf %get3A_788, %get3A_791 : vector<16xf32>
        %add3A_793 = arith.addf %mul3A_785, %mul3A_792 : vector<16xf32>
        %get3A_794 = arith.index_cast %add3A_778 : i32 to index
        %get3A_795 = arith.constant 32 : index
        %get3A_796 = tpu.vector_load %arg11[%get3A_794, %get3A_795] {strides = array<i32>} : memref<128x128xf32, #tpu.memory_space<vmem>>, vector<16xf32>,
        %get3A_797 = arith.index_cast %add3A_778 : i32 to index
        %get3A_798 = arith.constant 32 : index
        %get3A_799 = tpu.vector_load %arg13[%get3A_797, %get3A_798] {strides = array<i32>} : memref<128x128xf32, #tpu.memory_space<vmem>>, vector<16xf32>,
        %mul3A_800 = arith.mulf %get3A_796, %get3A_799 : vector<16xf32>
        %add3A_801 = arith.addf %add3A_793, %mul3A_800 : vector<16xf32>
        %get3A_802 = arith.index_cast %add3A_778 : i32 to index
        %get3A_803 = arith.constant 48 : index
        %get3A_804 = tpu.vector_load %arg11[%get3A_802, %get3A_803] {strides = array<i32>} : memref<128x128xf32, #tpu.memory_space<vmem>>, vector<16xf32>,
        %get3A_805 = arith.index_cast %add3A_778 : i32 to index
        %get3A_806 = arith.constant 48 : index
        %get3A_807 = tpu.vector_load %arg13[%get3A_805, %get3A_806] {strides = array<i32>} : memref<128x128xf32, #tpu.memory_space<vmem>>, vector<16xf32>,
        %mul3A_808 = arith.mulf %get3A_804, %get3A_807 : vector<16xf32>
        %add3A_809 = arith.addf %add3A_801, %mul3A_808 : vector<16xf32>
        %get3A_810 = arith.index_cast %add3A_778 : i32 to index
        %get3A_811 = arith.constant 64 : index
        %get3A_812 = tpu.vector_load %arg11[%get3A_810, %get3A_811] {strides = array<i32>} : memref<128x128xf32, #tpu.memory_space<vmem>>, vector<16xf32>,
        %get3A_813 = arith.index_cast %add3A_778 : i32 to index
        %get3A_814 = arith.constant 64 : index
        %get3A_815 = tpu.vector_load %arg13[%get3A_813, %get3A_814] {strides = array<i32>} : memref<128x128xf32, #tpu.memory_space<vmem>>, vector<16xf32>,
        %mul3A_816 = arith.mulf %get3A_812, %get3A_815 : vector<16xf32>
        %add3A_817 = arith.addf %add3A_809, %mul3A_816 : vector<16xf32>
        %get3A_818 = arith.index_cast %add3A_778 : i32 to index
        %get3A_819 = arith.constant 80 : index
        %get3A_820 = tpu.vector_load %arg11[%get3A_818, %get3A_819] {strides = array<i32>} : memref<128x128xf32, #tpu.memory_space<vmem>>, vector<16xf32>,
        %get3A_821 = arith.index_cast %add3A_778 : i32 to index
        %get3A_822 = arith.constant 80 : index
        %get3A_823 = tpu.vector_load %arg13[%get3A_821, %get3A_822] {strides = array<i32>} : memref<128x128xf32, #tpu.memory_space<vmem>>, vector<16xf32>,
        %mul3A_824 = arith.mulf %get3A_820, %get3A_823 : vector<16xf32>
        %add3A_825 = arith.addf %add3A_817, %mul3A_824 : vector<16xf32>
        %get3A_826 = arith.index_cast %add3A_778 : i32 to index
        %get3A_827 = arith.constant 96 : index
        %get3A_828 = tpu.vector_load %arg11[%get3A_826, %get3A_827] {strides = array<i32>} : memref<128x128xf32, #tpu.memory_space<vmem>>, vector<16xf32>,
        %get3A_829 = arith.index_cast %add3A_778 : i32 to index
        %get3A_830 = arith.constant 96 : index
        %get3A_831 = tpu.vector_load %arg13[%get3A_829, %get3A_830] {strides = array<i32>} : memref<128x128xf32, #tpu.memory_space<vmem>>, vector<16xf32>,
        %mul3A_832 = arith.mulf %get3A_828, %get3A_831 : vector<16xf32>
        %add3A_833 = arith.addf %add3A_825, %mul3A_832 : vector<16xf32>
        %get3A_834 = arith.index_cast %add3A_778 : i32 to index
        %get3A_835 = arith.constant 112 : index
        %get3A_836 = tpu.vector_load %arg11[%get3A_834, %get3A_835] {strides = array<i32>} : memref<128x128xf32, #tpu.memory_space<vmem>>, vector<16xf32>,
        %get3A_837 = arith.index_cast %add3A_778 : i32 to index
        %get3A_838 = arith.constant 112 : index
        %get3A_839 = tpu.vector_load %arg13[%get3A_837, %get3A_838] {strides = array<i32>} : memref<128x128xf32, #tpu.memory_space<vmem>>, vector<16xf32>,
        %mul3A_840 = arith.mulf %get3A_836, %get3A_839 : vector<16xf32>
        %add3A_841 = arith.addf %add3A_833, %mul3A_840 : vector<16xf32>
        %reduce_sum3A_842 = arith.constant true
        %reduce_sum3A_843 = vector.broadcast %reduce_sum3A_842 : i1 to vector<16xi1>
        %reduce_sum3A_844 = tpu.scan <sum>, %add3A_841 masked %reduce_sum3A_843 : vector<16xf32>, vector<16xi1> -> vector<16xf32>
        %reduce_sum3A_845 = vector.extract %reduce_sum3A_844[15] : f32 from vector<16xf32>
        %mul3A_846 = arith.constant 8 : i32
        %mul3A_847 = arith.muli %scan3A_363, %mul3A_846 : i32
        %add3A_848 = arith.constant 5 : i32
        %add3A_849 = arith.addi %mul3A_847, %add3A_848 : i32
        %eq3A_850 = vector.broadcast %add3A_849 : i32 to vector<16xi32>
        %eq3A_851 = arith.cmpi eq, %iota3A_150, %eq3A_850 : vector<16xi32>
        %broadcast_in_dim3A_852 = vector.broadcast %reduce_sum3A_845 : f32 to vector<16xf32>
        %select_n3A_853 = arith.select %eq3A_851, %broadcast_in_dim3A_852, %select_n3A_771 : vector<16xi1>, vector<16xf32>
        %mul3A_854 = arith.constant 16 : i32
        %mul3A_855 = arith.muli %scan3A_338, %mul3A_854 : i32
        %mul3A_856 = arith.constant 8 : i32
        %mul3A_857 = arith.muli %scan3A_363, %mul3A_856 : i32
        %add3A_858 = arith.addi %mul3A_855, %mul3A_857 : i32
        %add3A_859 = arith.constant 6 : i32
        %add3A_860 = arith.addi %add3A_858, %add3A_859 : i32
        %get3A_861 = arith.index_cast %add3A_860 : i32 to index
        %get3A_862 = arith.constant 0 : index
        %get3A_863 = tpu.vector_load %arg11[%get3A_861, %get3A_862] {strides = array<i32>} : memref<128x128xf32, #tpu.memory_space<vmem>>, vector<16xf32>,
        %get3A_864 = arith.index_cast %add3A_860 : i32 to index
        %get3A_865 = arith.constant 0 : index
        %get3A_866 = tpu.vector_load %arg13[%get3A_864, %get3A_865] {strides = array<i32>} : memref<128x128xf32, #tpu.memory_space<vmem>>, vector<16xf32>,
        %mul3A_867 = arith.mulf %get3A_863, %get3A_866 : vector<16xf32>
        %get3A_868 = arith.index_cast %add3A_860 : i32 to index
        %get3A_869 = arith.constant 16 : index
        %get3A_870 = tpu.vector_load %arg11[%get3A_868, %get3A_869] {strides = array<i32>} : memref<128x128xf32, #tpu.memory_space<vmem>>, vector<16xf32>,
        %get3A_871 = arith.index_cast %add3A_860 : i32 to index
        %get3A_872 = arith.constant 16 : index
        %get3A_873 = tpu.vector_load %arg13[%get3A_871, %get3A_872] {strides = array<i32>} : memref<128x128xf32, #tpu.memory_space<vmem>>, vector<16xf32>,
        %mul3A_874 = arith.mulf %get3A_870, %get3A_873 : vector<16xf32>
        %add3A_875 = arith.addf %mul3A_867, %mul3A_874 : vector<16xf32>
        %get3A_876 = arith.index_cast %add3A_860 : i32 to index
        %get3A_877 = arith.constant 32 : index
        %get3A_878 = tpu.vector_load %arg11[%get3A_876, %get3A_877] {strides = array<i32>} : memref<128x128xf32, #tpu.memory_space<vmem>>, vector<16xf32>,
        %get3A_879 = arith.index_cast %add3A_860 : i32 to index
        %get3A_880 = arith.constant 32 : index
        %get3A_881 = tpu.vector_load %arg13[%get3A_879, %get3A_880] {strides = array<i32>} : memref<128x128xf32, #tpu.memory_space<vmem>>, vector<16xf32>,
        %mul3A_882 = arith.mulf %get3A_878, %get3A_881 : vector<16xf32>
        %add3A_883 = arith.addf %add3A_875, %mul3A_882 : vector<16xf32>
        %get3A_884 = arith.index_cast %add3A_860 : i32 to index
        %get3A_885 = arith.constant 48 : index
        %get3A_886 = tpu.vector_load %arg11[%get3A_884, %get3A_885] {strides = array<i32>} : memref<128x128xf32, #tpu.memory_space<vmem>>, vector<16xf32>,
        %get3A_887 = arith.index_cast %add3A_860 : i32 to index
        %get3A_888 = arith.constant 48 : index
        %get3A_889 = tpu.vector_load %arg13[%get3A_887, %get3A_888] {strides = array<i32>} : memref<128x128xf32, #tpu.memory_space<vmem>>, vector<16xf32>,
        %mul3A_890 = arith.mulf %get3A_886, %get3A_889 : vector<16xf32>
        %add3A_891 = arith.addf %add3A_883, %mul3A_890 : vector<16xf32>
        %get3A_892 = arith.index_cast %add3A_860 : i32 to index
        %get3A_893 = arith.constant 64 : index
        %get3A_894 = tpu.vector_load %arg11[%get3A_892, %get3A_893] {strides = array<i32>} : memref<128x128xf32, #tpu.memory_space<vmem>>, vector<16xf32>,
        %get3A_895 = arith.index_cast %add3A_860 : i32 to index
        %get3A_896 = arith.constant 64 : index
        %get3A_897 = tpu.vector_load %arg13[%get3A_895, %get3A_896] {strides = array<i32>} : memref<128x128xf32, #tpu.memory_space<vmem>>, vector<16xf32>,
        %mul3A_898 = arith.mulf %get3A_894, %get3A_897 : vector<16xf32>
        %add3A_899 = arith.addf %add3A_891, %mul3A_898 : vector<16xf32>
        %get3A_900 = arith.index_cast %add3A_860 : i32 to index
        %get3A_901 = arith.constant 80 : index
        %get3A_902 = tpu.vector_load %arg11[%get3A_900, %get3A_901] {strides = array<i32>} : memref<128x128xf32, #tpu.memory_space<vmem>>, vector<16xf32>,
        %get3A_903 = arith.index_cast %add3A_860 : i32 to index
        %get3A_904 = arith.constant 80 : index
        %get3A_905 = tpu.vector_load %arg13[%get3A_903, %get3A_904] {strides = array<i32>} : memref<128x128xf32, #tpu.memory_space<vmem>>, vector<16xf32>,
        %mul3A_906 = arith.mulf %get3A_902, %get3A_905 : vector<16xf32>
        %add3A_907 = arith.addf %add3A_899, %mul3A_906 : vector<16xf32>
        %get3A_908 = arith.index_cast %add3A_860 : i32 to index
        %get3A_909 = arith.constant 96 : index
        %get3A_910 = tpu.vector_load %arg11[%get3A_908, %get3A_909] {strides = array<i32>} : memref<128x128xf32, #tpu.memory_space<vmem>>, vector<16xf32>,
        %get3A_911 = arith.index_cast %add3A_860 : i32 to index
        %get3A_912 = arith.constant 96 : index
        %get3A_913 = tpu.vector_load %arg13[%get3A_911, %get3A_912] {strides = array<i32>} : memref<128x128xf32, #tpu.memory_space<vmem>>, vector<16xf32>,
        %mul3A_914 = arith.mulf %get3A_910, %get3A_913 : vector<16xf32>
        %add3A_915 = arith.addf %add3A_907, %mul3A_914 : vector<16xf32>
        %get3A_916 = arith.index_cast %add3A_860 : i32 to index
        %get3A_917 = arith.constant 112 : index
        %get3A_918 = tpu.vector_load %arg11[%get3A_916, %get3A_917] {strides = array<i32>} : memref<128x128xf32, #tpu.memory_space<vmem>>, vector<16xf32>,
        %get3A_919 = arith.index_cast %add3A_860 : i32 to index
        %get3A_920 = arith.constant 112 : index
        %get3A_921 = tpu.vector_load %arg13[%get3A_919, %get3A_920] {strides = array<i32>} : memref<128x128xf32, #tpu.memory_space<vmem>>, vector<16xf32>,
        %mul3A_922 = arith.mulf %get3A_918, %get3A_921 : vector<16xf32>
        %add3A_923 = arith.addf %add3A_915, %mul3A_922 : vector<16xf32>
        %reduce_sum3A_924 = arith.constant true
        %reduce_sum3A_925 = vector.broadcast %reduce_sum3A_924 : i1 to vector<16xi1>
        %reduce_sum3A_926 = tpu.scan <sum>, %add3A_923 masked %reduce_sum3A_925 : vector<16xf32>, vector<16xi1> -> vector<16xf32>
        %reduce_sum3A_927 = vector.extract %reduce_sum3A_926[15] : f32 from vector<16xf32>
        %mul3A_928 = arith.constant 8 : i32
        %mul3A_929 = arith.muli %scan3A_363, %mul3A_928 : i32
        %add3A_930 = arith.constant 6 : i32
        %add3A_931 = arith.addi %mul3A_929, %add3A_930 : i32
        %eq3A_932 = vector.broadcast %add3A_931 : i32 to vector<16xi32>
        %eq3A_933 = arith.cmpi eq, %iota3A_150, %eq3A_932 : vector<16xi32>
        %broadcast_in_dim3A_934 = vector.broadcast %reduce_sum3A_927 : f32 to vector<16xf32>
        %select_n3A_935 = arith.select %eq3A_933, %broadcast_in_dim3A_934, %select_n3A_853 : vector<16xi1>, vector<16xf32>
        %mul3A_936 = arith.constant 16 : i32
        %mul3A_937 = arith.muli %scan3A_338, %mul3A_936 : i32
        %mul3A_938 = arith.constant 8 : i32
        %mul3A_939 = arith.muli %scan3A_363, %mul3A_938 : i32
        %add3A_940 = arith.addi %mul3A_937, %mul3A_939 : i32
        %add3A_941 = arith.constant 7 : i32
        %add3A_942 = arith.addi %add3A_940, %add3A_941 : i32
        %get3A_943 = arith.index_cast %add3A_942 : i32 to index
        %get3A_944 = arith.constant 0 : index
        %get3A_945 = tpu.vector_load %arg11[%get3A_943, %get3A_944] {strides = array<i32>} : memref<128x128xf32, #tpu.memory_space<vmem>>, vector<16xf32>,
        %get3A_946 = arith.index_cast %add3A_942 : i32 to index
        %get3A_947 = arith.constant 0 : index
        %get3A_948 = tpu.vector_load %arg13[%get3A_946, %get3A_947] {strides = array<i32>} : memref<128x128xf32, #tpu.memory_space<vmem>>, vector<16xf32>,
        %mul3A_949 = arith.mulf %get3A_945, %get3A_948 : vector<16xf32>
        %get3A_950 = arith.index_cast %add3A_942 : i32 to index
        %get3A_951 = arith.constant 16 : index
        %get3A_952 = tpu.vector_load %arg11[%get3A_950, %get3A_951] {strides = array<i32>} : memref<128x128xf32, #tpu.memory_space<vmem>>, vector<16xf32>,
        %get3A_953 = arith.index_cast %add3A_942 : i32 to index
        %get3A_954 = arith.constant 16 : index
        %get3A_955 = tpu.vector_load %arg13[%get3A_953, %get3A_954] {strides = array<i32>} : memref<128x128xf32, #tpu.memory_space<vmem>>, vector<16xf32>,
        %mul3A_956 = arith.mulf %get3A_952, %get3A_955 : vector<16xf32>
        %add3A_957 = arith.addf %mul3A_949, %mul3A_956 : vector<16xf32>
        %get3A_958 = arith.index_cast %add3A_942 : i32 to index
        %get3A_959 = arith.constant 32 : index
        %get3A_960 = tpu.vector_load %arg11[%get3A_958, %get3A_959] {strides = array<i32>} : memref<128x128xf32, #tpu.memory_space<vmem>>, vector<16xf32>,
        %get3A_961 = arith.index_cast %add3A_942 : i32 to index
        %get3A_962 = arith.constant 32 : index
        %get3A_963 = tpu.vector_load %arg13[%get3A_961, %get3A_962] {strides = array<i32>} : memref<128x128xf32, #tpu.memory_space<vmem>>, vector<16xf32>,
        %mul3A_964 = arith.mulf %get3A_960, %get3A_963 : vector<16xf32>
        %add3A_965 = arith.addf %add3A_957, %mul3A_964 : vector<16xf32>
        %get3A_966 = arith.index_cast %add3A_942 : i32 to index
        %get3A_967 = arith.constant 48 : index
        %get3A_968 = tpu.vector_load %arg11[%get3A_966, %get3A_967] {strides = array<i32>} : memref<128x128xf32, #tpu.memory_space<vmem>>, vector<16xf32>,
        %get3A_969 = arith.index_cast %add3A_942 : i32 to index
        %get3A_970 = arith.constant 48 : index
        %get3A_971 = tpu.vector_load %arg13[%get3A_969, %get3A_970] {strides = array<i32>} : memref<128x128xf32, #tpu.memory_space<vmem>>, vector<16xf32>,
        %mul3A_972 = arith.mulf %get3A_968, %get3A_971 : vector<16xf32>
        %add3A_973 = arith.addf %add3A_965, %mul3A_972 : vector<16xf32>
        %get3A_974 = arith.index_cast %add3A_942 : i32 to index
        %get3A_975 = arith.constant 64 : index
        %get3A_976 = tpu.vector_load %arg11[%get3A_974, %get3A_975] {strides = array<i32>} : memref<128x128xf32, #tpu.memory_space<vmem>>, vector<16xf32>,
        %get3A_977 = arith.index_cast %add3A_942 : i32 to index
        %get3A_978 = arith.constant 64 : index
        %get3A_979 = tpu.vector_load %arg13[%get3A_977, %get3A_978] {strides = array<i32>} : memref<128x128xf32, #tpu.memory_space<vmem>>, vector<16xf32>,
        %mul3A_980 = arith.mulf %get3A_976, %get3A_979 : vector<16xf32>
        %add3A_981 = arith.addf %add3A_973, %mul3A_980 : vector<16xf32>
        %get3A_982 = arith.index_cast %add3A_942 : i32 to index
        %get3A_983 = arith.constant 80 : index
        %get3A_984 = tpu.vector_load %arg11[%get3A_982, %get3A_983] {strides = array<i32>} : memref<128x128xf32, #tpu.memory_space<vmem>>, vector<16xf32>,
        %get3A_985 = arith.index_cast %add3A_942 : i32 to index
        %get3A_986 = arith.constant 80 : index
        %get3A_987 = tpu.vector_load %arg13[%get3A_985, %get3A_986] {strides = array<i32>} : memref<128x128xf32, #tpu.memory_space<vmem>>, vector<16xf32>,
        %mul3A_988 = arith.mulf %get3A_984, %get3A_987 : vector<16xf32>
        %add3A_989 = arith.addf %add3A_981, %mul3A_988 : vector<16xf32>
        %get3A_990 = arith.index_cast %add3A_942 : i32 to index
        %get3A_991 = arith.constant 96 : index
        %get3A_992 = tpu.vector_load %arg11[%get3A_990, %get3A_991] {strides = array<i32>} : memref<128x128xf32, #tpu.memory_space<vmem>>, vector<16xf32>,
        %get3A_993 = arith.index_cast %add3A_942 : i32 to index
        %get3A_994 = arith.constant 96 : index
        %get3A_995 = tpu.vector_load %arg13[%get3A_993, %get3A_994] {strides = array<i32>} : memref<128x128xf32, #tpu.memory_space<vmem>>, vector<16xf32>,
        %mul3A_996 = arith.mulf %get3A_992, %get3A_995 : vector<16xf32>
        %add3A_997 = arith.addf %add3A_989, %mul3A_996 : vector<16xf32>
        %get3A_998 = arith.index_cast %add3A_942 : i32 to index
        %get3A_999 = arith.constant 112 : index
        %get3A_1000 = tpu.vector_load %arg11[%get3A_998, %get3A_999] {strides = array<i32>} : memref<128x128xf32, #tpu.memory_space<vmem>>, vector<16xf32>,
        %get3A_1001 = arith.index_cast %add3A_942 : i32 to index
        %get3A_1002 = arith.constant 112 : index
        %get3A_1003 = tpu.vector_load %arg13[%get3A_1001, %get3A_1002] {strides = array<i32>} : memref<128x128xf32, #tpu.memory_space<vmem>>, vector<16xf32>,
        %mul3A_1004 = arith.mulf %get3A_1000, %get3A_1003 : vector<16xf32>
        %add3A_1005 = arith.addf %add3A_997, %mul3A_1004 : vector<16xf32>
        %reduce_sum3A_1006 = arith.constant true
        %reduce_sum3A_1007 = vector.broadcast %reduce_sum3A_1006 : i1 to vector<16xi1>
        %reduce_sum3A_1008 = tpu.scan <sum>, %add3A_1005 masked %reduce_sum3A_1007 : vector<16xf32>, vector<16xi1> -> vector<16xf32>
        %reduce_sum3A_1009 = vector.extract %reduce_sum3A_1008[15] : f32 from vector<16xf32>
        %mul3A_1010 = arith.constant 8 : i32
        %mul3A_1011 = arith.muli %scan3A_363, %mul3A_1010 : i32
        %add3A_1012 = arith.constant 7 : i32
        %add3A_1013 = arith.addi %mul3A_1011, %add3A_1012 : i32
        %eq3A_1014 = vector.broadcast %add3A_1013 : i32 to vector<16xi32>
        %eq3A_1015 = arith.cmpi eq, %iota3A_150, %eq3A_1014 : vector<16xi32>
        %broadcast_in_dim3A_1016 = vector.broadcast %reduce_sum3A_1009 : f32 to vector<16xf32>
        %select_n3A_1017 = arith.select %eq3A_1015, %broadcast_in_dim3A_1016, %select_n3A_935 : vector<16xi1>, vector<16xf32>
        scf.yield %select_n3A_1017 : vector<16xf32>
      }
      %scan3A_345 = arith.constant 2 : i32
      %mul3A_346 = arith.constant 16 : i32
      %mul3A_347 = arith.muli %scan3A_338, %mul3A_346 : i32
      %add3A_348 = arith.constant 0 : i32
      %add3A_349 = arith.addi %add3A_348, %mul3A_347 : i32
      %get3A = arith.index_cast %add3A_349 : i32 to index
      %get3A_350 = tpu.vector_load %arg15[%get3A] {strides = array<i32>} : memref<512xf32, #tpu.memory_space<vmem>>, vector<16xf32>,
      %add3A_351 = arith.addf %scan3A_344, %get3A_350 : vector<16xf32>
      %get3A_352 = arith.index_cast %add3A_349 : i32 to index
      %get3A_353 = tpu.vector_load %arg16[%get3A_352] {strides = array<i32>} : memref<512xf32, #tpu.memory_space<vmem>>, vector<16xf32>,
      %add3A_354 = arith.addf %add3A_351, %get3A_353 : vector<16xf32>
      %neg3A = arith.constant 0.000000e+00 : f32
      %neg3A_355 = vector.broadcast %neg3A : f32 to vector<16xf32>
      %neg3A_356 = arith.subf %neg3A_355, %add3A_354 : vector<16xf32>
      %exp3A = math.exp %neg3A_356 : vector<16xf32>
      %add3A_357 = arith.constant 1.000000e+00 : f32
      %add3A_358 = vector.broadcast %add3A_357 : f32 to vector<16xf32>
      %add3A_359 = arith.addf %add3A_358, %exp3A : vector<16xf32>
      %div3A = arith.constant 5.000000e+00 : f32
      %div3A_360 = vector.broadcast %div3A : f32 to vector<16xf32>
      %div3A_361 = arith.divf %div3A_360, %add3A_359 : vector<16xf32>
      %swap3A = arith.index_cast %add3A_349 : i32 to index
      %swap3A_362 = tpu.vector_load %arg17[%swap3A] {strides = array<i32>} : memref<512xf32, #tpu.memory_space<vmem>>, vector<16xf32>,
      tpu.vector_store %arg17[%swap3A], %div3A_361 {strides = array<i32>} : memref<512xf32, #tpu.memory_space<vmem>>, vector<16xf32>,
    }
    %scan3A_156 = arith.constant 4 : i32
    %add3A_157 = arith.constant 0 : i32
    %add3A_158 = arith.addi %mul3A_2, %add3A_157 : i32
    %dma_start3A_159 = arith.constant 2 : i32
    %dma_start3A_160 = arith.constant 0 : i32
    %dma_start3A_161 = tpu.memref_slice %arg17[%dma_start3A_160] : memref<512xf32, #tpu.memory_space<vmem>> -> memref<128xf32, #tpu.memory_space<vmem>>
    %dma_start3A_162 = tpu.memref_slice %arg8[%add3A_158] : memref<16384xf32, #tpu.memory_space<hbm>> -> memref<128xf32, #tpu.memory_space<hbm>>
    %dma_start3A_163 = tpu.memref_slice %arg18[%dma_start3A_159] : memref<3x!tpu.dma_semaphore, #tpu.memory_space<semaphore_mem>> -> memref<1x!tpu.dma_semaphore, #tpu.memory_space<semaphore_mem>>
    %dma_start3A_164 = tpu.memref_squeeze %dma_start3A_163 : memref<1x!tpu.dma_semaphore, #tpu.memory_space<semaphore_mem>> -> memref<!tpu.dma_semaphore, #tpu.memory_space<semaphore_mem>>
    %dma_start3A_165 = tpu.memref_slice %arg8[%add3A_158] : memref<16384xf32, #tpu.memory_space<hbm>> -> memref<128xf32, #tpu.memory_space<hbm>>
    %dma_start3A_166 = arith.constant 0 : i32
    %dma_start3A_167 = tpu.memref_slice %arg17[%dma_start3A_166] : memref<512xf32, #tpu.memory_space<vmem>> -> memref<128xf32, #tpu.memory_space<vmem>>
    tpu.enqueue_dma source(%dma_start3A_167 : memref<128xf32, #tpu.memory_space<vmem>>) target(%dma_start3A_165 : memref<128xf32, #tpu.memory_space<hbm>>) target_semaphore(%dma_start3A_164 : memref<!tpu.dma_semaphore, #tpu.memory_space<semaphore_mem>>)
    %dma_wait3A_168 = arith.constant 1 : i32
    %dma_wait3A_169 = arith.constant 128 : i32
    %dma_wait3A_170 = tpu.memref_slice %arg9[%dma_wait3A_169] : memref<512xi32, #tpu.memory_space<vmem>> -> memref<128xi32, #tpu.memory_space<vmem>>
    %dma_wait3A_171 = arith.constant 0 : i32
    %dma_wait3A_172 = arith.constant 0 : i32
    %dma_wait3A_173 = tpu.memref_slice %arg4[%dma_wait3A_171, %dma_wait3A_172] : memref<100000x128xf32, #tpu.memory_space<hbm>> -> memref<100000x128xf32, #tpu.memory_space<hbm>>
    %dma_wait3A_174 = tpu.memref_slice %arg18[%dma_wait3A_168] : memref<3x!tpu.dma_semaphore, #tpu.memory_space<semaphore_mem>> -> memref<1x!tpu.dma_semaphore, #tpu.memory_space<semaphore_mem>>
    %dma_wait3A_175 = tpu.memref_squeeze %dma_wait3A_174 : memref<1x!tpu.dma_semaphore, #tpu.memory_space<semaphore_mem>> -> memref<!tpu.dma_semaphore, #tpu.memory_space<semaphore_mem>>
    tpu.wait_indirect_dma semaphore(%dma_wait3A_175 : memref<!tpu.dma_semaphore, #tpu.memory_space<semaphore_mem>>) src(%dma_wait3A_173 : memref<100000x128xf32, #tpu.memory_space<hbm>>) dst(%arg12 : memref<128x128xf32, #tpu.memory_space<vmem>>)
    %dma_wait3A_176 = arith.constant 1 : i32
    %dma_wait3A_177 = arith.constant 128 : i32
    %dma_wait3A_178 = tpu.memref_slice %arg10[%dma_wait3A_177] : memref<512xi32, #tpu.memory_space<vmem>> -> memref<128xi32, #tpu.memory_space<vmem>>
    %dma_wait3A_179 = arith.constant 0 : i32
    %dma_wait3A_180 = arith.constant 0 : i32
    %dma_wait3A_181 = tpu.memref_slice %arg5[%dma_wait3A_179, %dma_wait3A_180] : memref<100000x128xf32, #tpu.memory_space<hbm>> -> memref<100000x128xf32, #tpu.memory_space<hbm>>
    %dma_wait3A_182 = tpu.memref_slice %arg18[%dma_wait3A_176] : memref<3x!tpu.dma_semaphore, #tpu.memory_space<semaphore_mem>> -> memref<1x!tpu.dma_semaphore, #tpu.memory_space<semaphore_mem>>
    %dma_wait3A_183 = tpu.memref_squeeze %dma_wait3A_182 : memref<1x!tpu.dma_semaphore, #tpu.memory_space<semaphore_mem>> -> memref<!tpu.dma_semaphore, #tpu.memory_space<semaphore_mem>>
    tpu.wait_indirect_dma semaphore(%dma_wait3A_183 : memref<!tpu.dma_semaphore, #tpu.memory_space<semaphore_mem>>) src(%dma_wait3A_181 : memref<100000x128xf32, #tpu.memory_space<hbm>>) dst(%arg14 : memref<128x128xf32, #tpu.memory_space<vmem>>)
    %dma_start3A_184 = arith.constant 0 : i32
    %dma_start3A_185 = arith.constant 256 : i32
    %dma_start3A_186 = tpu.memref_slice %arg9[%dma_start3A_185] : memref<512xi32, #tpu.memory_space<vmem>> -> memref<128xi32, #tpu.memory_space<vmem>>
    %dma_start3A_187 = arith.constant 0 : i32
    %dma_start3A_188 = arith.constant 0 : i32
    %dma_start3A_189 = tpu.memref_slice %arg4[%dma_start3A_187, %dma_start3A_188] : memref<100000x128xf32, #tpu.memory_space<hbm>> -> memref<100000x128xf32, #tpu.memory_space<hbm>>
    %dma_start3A_190 = tpu.memref_slice %arg18[%dma_start3A_184] : memref<3x!tpu.dma_semaphore, #tpu.memory_space<semaphore_mem>> -> memref<1x!tpu.dma_semaphore, #tpu.memory_space<semaphore_mem>>
    %dma_start3A_191 = tpu.memref_squeeze %dma_start3A_190 : memref<1x!tpu.dma_semaphore, #tpu.memory_space<semaphore_mem>> -> memref<!tpu.dma_semaphore, #tpu.memory_space<semaphore_mem>>
    tpu.enqueue_indirect_dma source(%dma_start3A_189 : memref<100000x128xf32, #tpu.memory_space<hbm>>) target(%arg11 : memref<128x128xf32, #tpu.memory_space<vmem>>) offsets(%dma_start3A_186 : memref<128xi32, #tpu.memory_space<vmem>>) semaphore(%dma_start3A_191 : memref<!tpu.dma_semaphore, #tpu.memory_space<semaphore_mem>>)
    %dma_start3A_192 = arith.constant 0 : i32
    %dma_start3A_193 = arith.constant 256 : i32
    %dma_start3A_194 = tpu.memref_slice %arg10[%dma_start3A_193] : memref<512xi32, #tpu.memory_space<vmem>> -> memref<128xi32, #tpu.memory_space<vmem>>
    %dma_start3A_195 = arith.constant 0 : i32
    %dma_start3A_196 = arith.constant 0 : i32
    %dma_start3A_197 = tpu.memref_slice %arg5[%dma_start3A_195, %dma_start3A_196] : memref<100000x128xf32, #tpu.memory_space<hbm>> -> memref<100000x128xf32, #tpu.memory_space<hbm>>
    %dma_start3A_198 = tpu.memref_slice %arg18[%dma_start3A_192] : memref<3x!tpu.dma_semaphore, #tpu.memory_space<semaphore_mem>> -> memref<1x!tpu.dma_semaphore, #tpu.memory_space<semaphore_mem>>
    %dma_start3A_199 = tpu.memref_squeeze %dma_start3A_198 : memref<1x!tpu.dma_semaphore, #tpu.memory_space<semaphore_mem>> -> memref<!tpu.dma_semaphore, #tpu.memory_space<semaphore_mem>>
    tpu.enqueue_indirect_dma source(%dma_start3A_197 : memref<100000x128xf32, #tpu.memory_space<hbm>>) target(%arg13 : memref<128x128xf32, #tpu.memory_space<vmem>>) offsets(%dma_start3A_194 : memref<128xi32, #tpu.memory_space<vmem>>) semaphore(%dma_start3A_199 : memref<!tpu.dma_semaphore, #tpu.memory_space<semaphore_mem>>)
    %iota3A_200 = tpu.iota {dimensions = array<i32: 0>} : vector<16xi32>
    %scan3A_201 = arith.constant 0 : i32
    %scan3A_202 = arith.constant 0 : i32
    %scan3A_203 = arith.constant 8 : i32
    %scan3A_204 = arith.addi %scan3A_202, %scan3A_203 : i32
    %scan3A_205 = arith.constant 1 : i32
    scf.for %scan3A_338 = %scan3A_202 to %scan3A_204 step %scan3A_205  : i32 {
      %broadcast_in_dim3A = arith.constant 0.000000e+00 : f32
      %broadcast_in_dim3A_339 = vector.broadcast %broadcast_in_dim3A : f32 to vector<16xf32>
      %scan3A_340 = arith.constant 0 : i32
      %scan3A_341 = arith.constant 2 : i32
      %scan3A_342 = arith.addi %scan3A_340, %scan3A_341 : i32
      %scan3A_343 = arith.constant 1 : i32
      %scan3A_344 = scf.for %scan3A_363 = %scan3A_340 to %scan3A_342 step %scan3A_343 iter_args(%scan3A_364 = %broadcast_in_dim3A_339) -> (vector<16xf32>)  : i32 {
        %mul3A_365 = arith.constant 16 : i32
        %mul3A_366 = arith.muli %scan3A_338, %mul3A_365 : i32
        %mul3A_367 = arith.constant 8 : i32
        %mul3A_368 = arith.muli %scan3A_363, %mul3A_367 : i32
        %add3A_369 = arith.addi %mul3A_366, %mul3A_368 : i32
        %add3A_370 = arith.constant 0 : i32
        %add3A_371 = arith.addi %add3A_369, %add3A_370 : i32
        %get3A_372 = arith.index_cast %add3A_371 : i32 to index
        %get3A_373 = arith.constant 0 : index
        %get3A_374 = tpu.vector_load %arg12[%get3A_372, %get3A_373] {strides = array<i32>} : memref<128x128xf32, #tpu.memory_space<vmem>>, vector<16xf32>,
        %get3A_375 = arith.index_cast %add3A_371 : i32 to index
        %get3A_376 = arith.constant 0 : index
        %get3A_377 = tpu.vector_load %arg14[%get3A_375, %get3A_376] {strides = array<i32>} : memref<128x128xf32, #tpu.memory_space<vmem>>, vector<16xf32>,
        %mul3A_378 = arith.mulf %get3A_374, %get3A_377 : vector<16xf32>
        %get3A_379 = arith.index_cast %add3A_371 : i32 to index
        %get3A_380 = arith.constant 16 : index
        %get3A_381 = tpu.vector_load %arg12[%get3A_379, %get3A_380] {strides = array<i32>} : memref<128x128xf32, #tpu.memory_space<vmem>>, vector<16xf32>,
        %get3A_382 = arith.index_cast %add3A_371 : i32 to index
        %get3A_383 = arith.constant 16 : index
        %get3A_384 = tpu.vector_load %arg14[%get3A_382, %get3A_383] {strides = array<i32>} : memref<128x128xf32, #tpu.memory_space<vmem>>, vector<16xf32>,
        %mul3A_385 = arith.mulf %get3A_381, %get3A_384 : vector<16xf32>
        %add3A_386 = arith.addf %mul3A_378, %mul3A_385 : vector<16xf32>
        %get3A_387 = arith.index_cast %add3A_371 : i32 to index
        %get3A_388 = arith.constant 32 : index
        %get3A_389 = tpu.vector_load %arg12[%get3A_387, %get3A_388] {strides = array<i32>} : memref<128x128xf32, #tpu.memory_space<vmem>>, vector<16xf32>,
        %get3A_390 = arith.index_cast %add3A_371 : i32 to index
        %get3A_391 = arith.constant 32 : index
        %get3A_392 = tpu.vector_load %arg14[%get3A_390, %get3A_391] {strides = array<i32>} : memref<128x128xf32, #tpu.memory_space<vmem>>, vector<16xf32>,
        %mul3A_393 = arith.mulf %get3A_389, %get3A_392 : vector<16xf32>
        %add3A_394 = arith.addf %add3A_386, %mul3A_393 : vector<16xf32>
        %get3A_395 = arith.index_cast %add3A_371 : i32 to index
        %get3A_396 = arith.constant 48 : index
        %get3A_397 = tpu.vector_load %arg12[%get3A_395, %get3A_396] {strides = array<i32>} : memref<128x128xf32, #tpu.memory_space<vmem>>, vector<16xf32>,
        %get3A_398 = arith.index_cast %add3A_371 : i32 to index
        %get3A_399 = arith.constant 48 : index
        %get3A_400 = tpu.vector_load %arg14[%get3A_398, %get3A_399] {strides = array<i32>} : memref<128x128xf32, #tpu.memory_space<vmem>>, vector<16xf32>,
        %mul3A_401 = arith.mulf %get3A_397, %get3A_400 : vector<16xf32>
        %add3A_402 = arith.addf %add3A_394, %mul3A_401 : vector<16xf32>
        %get3A_403 = arith.index_cast %add3A_371 : i32 to index
        %get3A_404 = arith.constant 64 : index
        %get3A_405 = tpu.vector_load %arg12[%get3A_403, %get3A_404] {strides = array<i32>} : memref<128x128xf32, #tpu.memory_space<vmem>>, vector<16xf32>,
        %get3A_406 = arith.index_cast %add3A_371 : i32 to index
        %get3A_407 = arith.constant 64 : index
        %get3A_408 = tpu.vector_load %arg14[%get3A_406, %get3A_407] {strides = array<i32>} : memref<128x128xf32, #tpu.memory_space<vmem>>, vector<16xf32>,
        %mul3A_409 = arith.mulf %get3A_405, %get3A_408 : vector<16xf32>
        %add3A_410 = arith.addf %add3A_402, %mul3A_409 : vector<16xf32>
        %get3A_411 = arith.index_cast %add3A_371 : i32 to index
        %get3A_412 = arith.constant 80 : index
        %get3A_413 = tpu.vector_load %arg12[%get3A_411, %get3A_412] {strides = array<i32>} : memref<128x128xf32, #tpu.memory_space<vmem>>, vector<16xf32>,
        %get3A_414 = arith.index_cast %add3A_371 : i32 to index
        %get3A_415 = arith.constant 80 : index
        %get3A_416 = tpu.vector_load %arg14[%get3A_414, %get3A_415] {strides = array<i32>} : memref<128x128xf32, #tpu.memory_space<vmem>>, vector<16xf32>,
        %mul3A_417 = arith.mulf %get3A_413, %get3A_416 : vector<16xf32>
        %add3A_418 = arith.addf %add3A_410, %mul3A_417 : vector<16xf32>
        %get3A_419 = arith.index_cast %add3A_371 : i32 to index
        %get3A_420 = arith.constant 96 : index
        %get3A_421 = tpu.vector_load %arg12[%get3A_419, %get3A_420] {strides = array<i32>} : memref<128x128xf32, #tpu.memory_space<vmem>>, vector<16xf32>,
        %get3A_422 = arith.index_cast %add3A_371 : i32 to index
        %get3A_423 = arith.constant 96 : index
        %get3A_424 = tpu.vector_load %arg14[%get3A_422, %get3A_423] {strides = array<i32>} : memref<128x128xf32, #tpu.memory_space<vmem>>, vector<16xf32>,
        %mul3A_425 = arith.mulf %get3A_421, %get3A_424 : vector<16xf32>
        %add3A_426 = arith.addf %add3A_418, %mul3A_425 : vector<16xf32>
        %get3A_427 = arith.index_cast %add3A_371 : i32 to index
        %get3A_428 = arith.constant 112 : index
        %get3A_429 = tpu.vector_load %arg12[%get3A_427, %get3A_428] {strides = array<i32>} : memref<128x128xf32, #tpu.memory_space<vmem>>, vector<16xf32>,
        %get3A_430 = arith.index_cast %add3A_371 : i32 to index
        %get3A_431 = arith.constant 112 : index
        %get3A_432 = tpu.vector_load %arg14[%get3A_430, %get3A_431] {strides = array<i32>} : memref<128x128xf32, #tpu.memory_space<vmem>>, vector<16xf32>,
        %mul3A_433 = arith.mulf %get3A_429, %get3A_432 : vector<16xf32>
        %add3A_434 = arith.addf %add3A_426, %mul3A_433 : vector<16xf32>
        %reduce_sum3A = arith.constant true
        %reduce_sum3A_435 = vector.broadcast %reduce_sum3A : i1 to vector<16xi1>
        %reduce_sum3A_436 = tpu.scan <sum>, %add3A_434 masked %reduce_sum3A_435 : vector<16xf32>, vector<16xi1> -> vector<16xf32>
        %reduce_sum3A_437 = vector.extract %reduce_sum3A_436[15] : f32 from vector<16xf32>
        %mul3A_438 = arith.constant 8 : i32
        %mul3A_439 = arith.muli %scan3A_363, %mul3A_438 : i32
        %add3A_440 = arith.constant 0 : i32
        %add3A_441 = arith.addi %mul3A_439, %add3A_440 : i32
        %eq3A = vector.broadcast %add3A_441 : i32 to vector<16xi32>
        %eq3A_442 = arith.cmpi eq, %iota3A_200, %eq3A : vector<16xi32>
        %broadcast_in_dim3A_443 = vector.broadcast %reduce_sum3A_437 : f32 to vector<16xf32>
        %select_n3A = arith.select %eq3A_442, %broadcast_in_dim3A_443, %scan3A_364 : vector<16xi1>, vector<16xf32>
        %mul3A_444 = arith.constant 16 : i32
        %mul3A_445 = arith.muli %scan3A_338, %mul3A_444 : i32
        %mul3A_446 = arith.constant 8 : i32
        %mul3A_447 = arith.muli %scan3A_363, %mul3A_446 : i32
        %add3A_448 = arith.addi %mul3A_445, %mul3A_447 : i32
        %add3A_449 = arith.constant 1 : i32
        %add3A_450 = arith.addi %add3A_448, %add3A_449 : i32
        %get3A_451 = arith.index_cast %add3A_450 : i32 to index
        %get3A_452 = arith.constant 0 : index
        %get3A_453 = tpu.vector_load %arg12[%get3A_451, %get3A_452] {strides = array<i32>} : memref<128x128xf32, #tpu.memory_space<vmem>>, vector<16xf32>,
        %get3A_454 = arith.index_cast %add3A_450 : i32 to index
        %get3A_455 = arith.constant 0 : index
        %get3A_456 = tpu.vector_load %arg14[%get3A_454, %get3A_455] {strides = array<i32>} : memref<128x128xf32, #tpu.memory_space<vmem>>, vector<16xf32>,
        %mul3A_457 = arith.mulf %get3A_453, %get3A_456 : vector<16xf32>
        %get3A_458 = arith.index_cast %add3A_450 : i32 to index
        %get3A_459 = arith.constant 16 : index
        %get3A_460 = tpu.vector_load %arg12[%get3A_458, %get3A_459] {strides = array<i32>} : memref<128x128xf32, #tpu.memory_space<vmem>>, vector<16xf32>,
        %get3A_461 = arith.index_cast %add3A_450 : i32 to index
        %get3A_462 = arith.constant 16 : index
        %get3A_463 = tpu.vector_load %arg14[%get3A_461, %get3A_462] {strides = array<i32>} : memref<128x128xf32, #tpu.memory_space<vmem>>, vector<16xf32>,
        %mul3A_464 = arith.mulf %get3A_460, %get3A_463 : vector<16xf32>
        %add3A_465 = arith.addf %mul3A_457, %mul3A_464 : vector<16xf32>
        %get3A_466 = arith.index_cast %add3A_450 : i32 to index
        %get3A_467 = arith.constant 32 : index
        %get3A_468 = tpu.vector_load %arg12[%get3A_466, %get3A_467] {strides = array<i32>} : memref<128x128xf32, #tpu.memory_space<vmem>>, vector<16xf32>,
        %get3A_469 = arith.index_cast %add3A_450 : i32 to index
        %get3A_470 = arith.constant 32 : index
        %get3A_471 = tpu.vector_load %arg14[%get3A_469, %get3A_470] {strides = array<i32>} : memref<128x128xf32, #tpu.memory_space<vmem>>, vector<16xf32>,
        %mul3A_472 = arith.mulf %get3A_468, %get3A_471 : vector<16xf32>
        %add3A_473 = arith.addf %add3A_465, %mul3A_472 : vector<16xf32>
        %get3A_474 = arith.index_cast %add3A_450 : i32 to index
        %get3A_475 = arith.constant 48 : index
        %get3A_476 = tpu.vector_load %arg12[%get3A_474, %get3A_475] {strides = array<i32>} : memref<128x128xf32, #tpu.memory_space<vmem>>, vector<16xf32>,
        %get3A_477 = arith.index_cast %add3A_450 : i32 to index
        %get3A_478 = arith.constant 48 : index
        %get3A_479 = tpu.vector_load %arg14[%get3A_477, %get3A_478] {strides = array<i32>} : memref<128x128xf32, #tpu.memory_space<vmem>>, vector<16xf32>,
        %mul3A_480 = arith.mulf %get3A_476, %get3A_479 : vector<16xf32>
        %add3A_481 = arith.addf %add3A_473, %mul3A_480 : vector<16xf32>
        %get3A_482 = arith.index_cast %add3A_450 : i32 to index
        %get3A_483 = arith.constant 64 : index
        %get3A_484 = tpu.vector_load %arg12[%get3A_482, %get3A_483] {strides = array<i32>} : memref<128x128xf32, #tpu.memory_space<vmem>>, vector<16xf32>,
        %get3A_485 = arith.index_cast %add3A_450 : i32 to index
        %get3A_486 = arith.constant 64 : index
        %get3A_487 = tpu.vector_load %arg14[%get3A_485, %get3A_486] {strides = array<i32>} : memref<128x128xf32, #tpu.memory_space<vmem>>, vector<16xf32>,
        %mul3A_488 = arith.mulf %get3A_484, %get3A_487 : vector<16xf32>
        %add3A_489 = arith.addf %add3A_481, %mul3A_488 : vector<16xf32>
        %get3A_490 = arith.index_cast %add3A_450 : i32 to index
        %get3A_491 = arith.constant 80 : index
        %get3A_492 = tpu.vector_load %arg12[%get3A_490, %get3A_491] {strides = array<i32>} : memref<128x128xf32, #tpu.memory_space<vmem>>, vector<16xf32>,
        %get3A_493 = arith.index_cast %add3A_450 : i32 to index
        %get3A_494 = arith.constant 80 : index
        %get3A_495 = tpu.vector_load %arg14[%get3A_493, %get3A_494] {strides = array<i32>} : memref<128x128xf32, #tpu.memory_space<vmem>>, vector<16xf32>,
        %mul3A_496 = arith.mulf %get3A_492, %get3A_495 : vector<16xf32>
        %add3A_497 = arith.addf %add3A_489, %mul3A_496 : vector<16xf32>
        %get3A_498 = arith.index_cast %add3A_450 : i32 to index
        %get3A_499 = arith.constant 96 : index
        %get3A_500 = tpu.vector_load %arg12[%get3A_498, %get3A_499] {strides = array<i32>} : memref<128x128xf32, #tpu.memory_space<vmem>>, vector<16xf32>,
        %get3A_501 = arith.index_cast %add3A_450 : i32 to index
        %get3A_502 = arith.constant 96 : index
        %get3A_503 = tpu.vector_load %arg14[%get3A_501, %get3A_502] {strides = array<i32>} : memref<128x128xf32, #tpu.memory_space<vmem>>, vector<16xf32>,
        %mul3A_504 = arith.mulf %get3A_500, %get3A_503 : vector<16xf32>
        %add3A_505 = arith.addf %add3A_497, %mul3A_504 : vector<16xf32>
        %get3A_506 = arith.index_cast %add3A_450 : i32 to index
        %get3A_507 = arith.constant 112 : index
        %get3A_508 = tpu.vector_load %arg12[%get3A_506, %get3A_507] {strides = array<i32>} : memref<128x128xf32, #tpu.memory_space<vmem>>, vector<16xf32>,
        %get3A_509 = arith.index_cast %add3A_450 : i32 to index
        %get3A_510 = arith.constant 112 : index
        %get3A_511 = tpu.vector_load %arg14[%get3A_509, %get3A_510] {strides = array<i32>} : memref<128x128xf32, #tpu.memory_space<vmem>>, vector<16xf32>,
        %mul3A_512 = arith.mulf %get3A_508, %get3A_511 : vector<16xf32>
        %add3A_513 = arith.addf %add3A_505, %mul3A_512 : vector<16xf32>
        %reduce_sum3A_514 = arith.constant true
        %reduce_sum3A_515 = vector.broadcast %reduce_sum3A_514 : i1 to vector<16xi1>
        %reduce_sum3A_516 = tpu.scan <sum>, %add3A_513 masked %reduce_sum3A_515 : vector<16xf32>, vector<16xi1> -> vector<16xf32>
        %reduce_sum3A_517 = vector.extract %reduce_sum3A_516[15] : f32 from vector<16xf32>
        %mul3A_518 = arith.constant 8 : i32
        %mul3A_519 = arith.muli %scan3A_363, %mul3A_518 : i32
        %add3A_520 = arith.constant 1 : i32
        %add3A_521 = arith.addi %mul3A_519, %add3A_520 : i32
        %eq3A_522 = vector.broadcast %add3A_521 : i32 to vector<16xi32>
        %eq3A_523 = arith.cmpi eq, %iota3A_200, %eq3A_522 : vector<16xi32>
        %broadcast_in_dim3A_524 = vector.broadcast %reduce_sum3A_517 : f32 to vector<16xf32>
        %select_n3A_525 = arith.select %eq3A_523, %broadcast_in_dim3A_524, %select_n3A : vector<16xi1>, vector<16xf32>
        %mul3A_526 = arith.constant 16 : i32
        %mul3A_527 = arith.muli %scan3A_338, %mul3A_526 : i32
        %mul3A_528 = arith.constant 8 : i32
        %mul3A_529 = arith.muli %scan3A_363, %mul3A_528 : i32
        %add3A_530 = arith.addi %mul3A_527, %mul3A_529 : i32
        %add3A_531 = arith.constant 2 : i32
        %add3A_532 = arith.addi %add3A_530, %add3A_531 : i32
        %get3A_533 = arith.index_cast %add3A_532 : i32 to index
        %get3A_534 = arith.constant 0 : index
        %get3A_535 = tpu.vector_load %arg12[%get3A_533, %get3A_534] {strides = array<i32>} : memref<128x128xf32, #tpu.memory_space<vmem>>, vector<16xf32>,
        %get3A_536 = arith.index_cast %add3A_532 : i32 to index
        %get3A_537 = arith.constant 0 : index
        %get3A_538 = tpu.vector_load %arg14[%get3A_536, %get3A_537] {strides = array<i32>} : memref<128x128xf32, #tpu.memory_space<vmem>>, vector<16xf32>,
        %mul3A_539 = arith.mulf %get3A_535, %get3A_538 : vector<16xf32>
        %get3A_540 = arith.index_cast %add3A_532 : i32 to index
        %get3A_541 = arith.constant 16 : index
        %get3A_542 = tpu.vector_load %arg12[%get3A_540, %get3A_541] {strides = array<i32>} : memref<128x128xf32, #tpu.memory_space<vmem>>, vector<16xf32>,
        %get3A_543 = arith.index_cast %add3A_532 : i32 to index
        %get3A_544 = arith.constant 16 : index
        %get3A_545 = tpu.vector_load %arg14[%get3A_543, %get3A_544] {strides = array<i32>} : memref<128x128xf32, #tpu.memory_space<vmem>>, vector<16xf32>,
        %mul3A_546 = arith.mulf %get3A_542, %get3A_545 : vector<16xf32>
        %add3A_547 = arith.addf %mul3A_539, %mul3A_546 : vector<16xf32>
        %get3A_548 = arith.index_cast %add3A_532 : i32 to index
        %get3A_549 = arith.constant 32 : index
        %get3A_550 = tpu.vector_load %arg12[%get3A_548, %get3A_549] {strides = array<i32>} : memref<128x128xf32, #tpu.memory_space<vmem>>, vector<16xf32>,
        %get3A_551 = arith.index_cast %add3A_532 : i32 to index
        %get3A_552 = arith.constant 32 : index
        %get3A_553 = tpu.vector_load %arg14[%get3A_551, %get3A_552] {strides = array<i32>} : memref<128x128xf32, #tpu.memory_space<vmem>>, vector<16xf32>,
        %mul3A_554 = arith.mulf %get3A_550, %get3A_553 : vector<16xf32>
        %add3A_555 = arith.addf %add3A_547, %mul3A_554 : vector<16xf32>
        %get3A_556 = arith.index_cast %add3A_532 : i32 to index
        %get3A_557 = arith.constant 48 : index
        %get3A_558 = tpu.vector_load %arg12[%get3A_556, %get3A_557] {strides = array<i32>} : memref<128x128xf32, #tpu.memory_space<vmem>>, vector<16xf32>,
        %get3A_559 = arith.index_cast %add3A_532 : i32 to index
        %get3A_560 = arith.constant 48 : index
        %get3A_561 = tpu.vector_load %arg14[%get3A_559, %get3A_560] {strides = array<i32>} : memref<128x128xf32, #tpu.memory_space<vmem>>, vector<16xf32>,
        %mul3A_562 = arith.mulf %get3A_558, %get3A_561 : vector<16xf32>
        %add3A_563 = arith.addf %add3A_555, %mul3A_562 : vector<16xf32>
        %get3A_564 = arith.index_cast %add3A_532 : i32 to index
        %get3A_565 = arith.constant 64 : index
        %get3A_566 = tpu.vector_load %arg12[%get3A_564, %get3A_565] {strides = array<i32>} : memref<128x128xf32, #tpu.memory_space<vmem>>, vector<16xf32>,
        %get3A_567 = arith.index_cast %add3A_532 : i32 to index
        %get3A_568 = arith.constant 64 : index
        %get3A_569 = tpu.vector_load %arg14[%get3A_567, %get3A_568] {strides = array<i32>} : memref<128x128xf32, #tpu.memory_space<vmem>>, vector<16xf32>,
        %mul3A_570 = arith.mulf %get3A_566, %get3A_569 : vector<16xf32>
        %add3A_571 = arith.addf %add3A_563, %mul3A_570 : vector<16xf32>
        %get3A_572 = arith.index_cast %add3A_532 : i32 to index
        %get3A_573 = arith.constant 80 : index
        %get3A_574 = tpu.vector_load %arg12[%get3A_572, %get3A_573] {strides = array<i32>} : memref<128x128xf32, #tpu.memory_space<vmem>>, vector<16xf32>,
        %get3A_575 = arith.index_cast %add3A_532 : i32 to index
        %get3A_576 = arith.constant 80 : index
        %get3A_577 = tpu.vector_load %arg14[%get3A_575, %get3A_576] {strides = array<i32>} : memref<128x128xf32, #tpu.memory_space<vmem>>, vector<16xf32>,
        %mul3A_578 = arith.mulf %get3A_574, %get3A_577 : vector<16xf32>
        %add3A_579 = arith.addf %add3A_571, %mul3A_578 : vector<16xf32>
        %get3A_580 = arith.index_cast %add3A_532 : i32 to index
        %get3A_581 = arith.constant 96 : index
        %get3A_582 = tpu.vector_load %arg12[%get3A_580, %get3A_581] {strides = array<i32>} : memref<128x128xf32, #tpu.memory_space<vmem>>, vector<16xf32>,
        %get3A_583 = arith.index_cast %add3A_532 : i32 to index
        %get3A_584 = arith.constant 96 : index
        %get3A_585 = tpu.vector_load %arg14[%get3A_583, %get3A_584] {strides = array<i32>} : memref<128x128xf32, #tpu.memory_space<vmem>>, vector<16xf32>,
        %mul3A_586 = arith.mulf %get3A_582, %get3A_585 : vector<16xf32>
        %add3A_587 = arith.addf %add3A_579, %mul3A_586 : vector<16xf32>
        %get3A_588 = arith.index_cast %add3A_532 : i32 to index
        %get3A_589 = arith.constant 112 : index
        %get3A_590 = tpu.vector_load %arg12[%get3A_588, %get3A_589] {strides = array<i32>} : memref<128x128xf32, #tpu.memory_space<vmem>>, vector<16xf32>,
        %get3A_591 = arith.index_cast %add3A_532 : i32 to index
        %get3A_592 = arith.constant 112 : index
        %get3A_593 = tpu.vector_load %arg14[%get3A_591, %get3A_592] {strides = array<i32>} : memref<128x128xf32, #tpu.memory_space<vmem>>, vector<16xf32>,
        %mul3A_594 = arith.mulf %get3A_590, %get3A_593 : vector<16xf32>
        %add3A_595 = arith.addf %add3A_587, %mul3A_594 : vector<16xf32>
        %reduce_sum3A_596 = arith.constant true
        %reduce_sum3A_597 = vector.broadcast %reduce_sum3A_596 : i1 to vector<16xi1>
        %reduce_sum3A_598 = tpu.scan <sum>, %add3A_595 masked %reduce_sum3A_597 : vector<16xf32>, vector<16xi1> -> vector<16xf32>
        %reduce_sum3A_599 = vector.extract %reduce_sum3A_598[15] : f32 from vector<16xf32>
        %mul3A_600 = arith.constant 8 : i32
        %mul3A_601 = arith.muli %scan3A_363, %mul3A_600 : i32
        %add3A_602 = arith.constant 2 : i32
        %add3A_603 = arith.addi %mul3A_601, %add3A_602 : i32
        %eq3A_604 = vector.broadcast %add3A_603 : i32 to vector<16xi32>
        %eq3A_605 = arith.cmpi eq, %iota3A_200, %eq3A_604 : vector<16xi32>
        %broadcast_in_dim3A_606 = vector.broadcast %reduce_sum3A_599 : f32 to vector<16xf32>
        %select_n3A_607 = arith.select %eq3A_605, %broadcast_in_dim3A_606, %select_n3A_525 : vector<16xi1>, vector<16xf32>
        %mul3A_608 = arith.constant 16 : i32
        %mul3A_609 = arith.muli %scan3A_338, %mul3A_608 : i32
        %mul3A_610 = arith.constant 8 : i32
        %mul3A_611 = arith.muli %scan3A_363, %mul3A_610 : i32
        %add3A_612 = arith.addi %mul3A_609, %mul3A_611 : i32
        %add3A_613 = arith.constant 3 : i32
        %add3A_614 = arith.addi %add3A_612, %add3A_613 : i32
        %get3A_615 = arith.index_cast %add3A_614 : i32 to index
        %get3A_616 = arith.constant 0 : index
        %get3A_617 = tpu.vector_load %arg12[%get3A_615, %get3A_616] {strides = array<i32>} : memref<128x128xf32, #tpu.memory_space<vmem>>, vector<16xf32>,
        %get3A_618 = arith.index_cast %add3A_614 : i32 to index
        %get3A_619 = arith.constant 0 : index
        %get3A_620 = tpu.vector_load %arg14[%get3A_618, %get3A_619] {strides = array<i32>} : memref<128x128xf32, #tpu.memory_space<vmem>>, vector<16xf32>,
        %mul3A_621 = arith.mulf %get3A_617, %get3A_620 : vector<16xf32>
        %get3A_622 = arith.index_cast %add3A_614 : i32 to index
        %get3A_623 = arith.constant 16 : index
        %get3A_624 = tpu.vector_load %arg12[%get3A_622, %get3A_623] {strides = array<i32>} : memref<128x128xf32, #tpu.memory_space<vmem>>, vector<16xf32>,
        %get3A_625 = arith.index_cast %add3A_614 : i32 to index
        %get3A_626 = arith.constant 16 : index
        %get3A_627 = tpu.vector_load %arg14[%get3A_625, %get3A_626] {strides = array<i32>} : memref<128x128xf32, #tpu.memory_space<vmem>>, vector<16xf32>,
        %mul3A_628 = arith.mulf %get3A_624, %get3A_627 : vector<16xf32>
        %add3A_629 = arith.addf %mul3A_621, %mul3A_628 : vector<16xf32>
        %get3A_630 = arith.index_cast %add3A_614 : i32 to index
        %get3A_631 = arith.constant 32 : index
        %get3A_632 = tpu.vector_load %arg12[%get3A_630, %get3A_631] {strides = array<i32>} : memref<128x128xf32, #tpu.memory_space<vmem>>, vector<16xf32>,
        %get3A_633 = arith.index_cast %add3A_614 : i32 to index
        %get3A_634 = arith.constant 32 : index
        %get3A_635 = tpu.vector_load %arg14[%get3A_633, %get3A_634] {strides = array<i32>} : memref<128x128xf32, #tpu.memory_space<vmem>>, vector<16xf32>,
        %mul3A_636 = arith.mulf %get3A_632, %get3A_635 : vector<16xf32>
        %add3A_637 = arith.addf %add3A_629, %mul3A_636 : vector<16xf32>
        %get3A_638 = arith.index_cast %add3A_614 : i32 to index
        %get3A_639 = arith.constant 48 : index
        %get3A_640 = tpu.vector_load %arg12[%get3A_638, %get3A_639] {strides = array<i32>} : memref<128x128xf32, #tpu.memory_space<vmem>>, vector<16xf32>,
        %get3A_641 = arith.index_cast %add3A_614 : i32 to index
        %get3A_642 = arith.constant 48 : index
        %get3A_643 = tpu.vector_load %arg14[%get3A_641, %get3A_642] {strides = array<i32>} : memref<128x128xf32, #tpu.memory_space<vmem>>, vector<16xf32>,
        %mul3A_644 = arith.mulf %get3A_640, %get3A_643 : vector<16xf32>
        %add3A_645 = arith.addf %add3A_637, %mul3A_644 : vector<16xf32>
        %get3A_646 = arith.index_cast %add3A_614 : i32 to index
        %get3A_647 = arith.constant 64 : index
        %get3A_648 = tpu.vector_load %arg12[%get3A_646, %get3A_647] {strides = array<i32>} : memref<128x128xf32, #tpu.memory_space<vmem>>, vector<16xf32>,
        %get3A_649 = arith.index_cast %add3A_614 : i32 to index
        %get3A_650 = arith.constant 64 : index
        %get3A_651 = tpu.vector_load %arg14[%get3A_649, %get3A_650] {strides = array<i32>} : memref<128x128xf32, #tpu.memory_space<vmem>>, vector<16xf32>,
        %mul3A_652 = arith.mulf %get3A_648, %get3A_651 : vector<16xf32>
        %add3A_653 = arith.addf %add3A_645, %mul3A_652 : vector<16xf32>
        %get3A_654 = arith.index_cast %add3A_614 : i32 to index
        %get3A_655 = arith.constant 80 : index
        %get3A_656 = tpu.vector_load %arg12[%get3A_654, %get3A_655] {strides = array<i32>} : memref<128x128xf32, #tpu.memory_space<vmem>>, vector<16xf32>,
        %get3A_657 = arith.index_cast %add3A_614 : i32 to index
        %get3A_658 = arith.constant 80 : index
        %get3A_659 = tpu.vector_load %arg14[%get3A_657, %get3A_658] {strides = array<i32>} : memref<128x128xf32, #tpu.memory_space<vmem>>, vector<16xf32>,
        %mul3A_660 = arith.mulf %get3A_656, %get3A_659 : vector<16xf32>
        %add3A_661 = arith.addf %add3A_653, %mul3A_660 : vector<16xf32>
        %get3A_662 = arith.index_cast %add3A_614 : i32 to index
        %get3A_663 = arith.constant 96 : index
        %get3A_664 = tpu.vector_load %arg12[%get3A_662, %get3A_663] {strides = array<i32>} : memref<128x128xf32, #tpu.memory_space<vmem>>, vector<16xf32>,
        %get3A_665 = arith.index_cast %add3A_614 : i32 to index
        %get3A_666 = arith.constant 96 : index
        %get3A_667 = tpu.vector_load %arg14[%get3A_665, %get3A_666] {strides = array<i32>} : memref<128x128xf32, #tpu.memory_space<vmem>>, vector<16xf32>,
        %mul3A_668 = arith.mulf %get3A_664, %get3A_667 : vector<16xf32>
        %add3A_669 = arith.addf %add3A_661, %mul3A_668 : vector<16xf32>
        %get3A_670 = arith.index_cast %add3A_614 : i32 to index
        %get3A_671 = arith.constant 112 : index
        %get3A_672 = tpu.vector_load %arg12[%get3A_670, %get3A_671] {strides = array<i32>} : memref<128x128xf32, #tpu.memory_space<vmem>>, vector<16xf32>,
        %get3A_673 = arith.index_cast %add3A_614 : i32 to index
        %get3A_674 = arith.constant 112 : index
        %get3A_675 = tpu.vector_load %arg14[%get3A_673, %get3A_674] {strides = array<i32>} : memref<128x128xf32, #tpu.memory_space<vmem>>, vector<16xf32>,
        %mul3A_676 = arith.mulf %get3A_672, %get3A_675 : vector<16xf32>
        %add3A_677 = arith.addf %add3A_669, %mul3A_676 : vector<16xf32>
        %reduce_sum3A_678 = arith.constant true
        %reduce_sum3A_679 = vector.broadcast %reduce_sum3A_678 : i1 to vector<16xi1>
        %reduce_sum3A_680 = tpu.scan <sum>, %add3A_677 masked %reduce_sum3A_679 : vector<16xf32>, vector<16xi1> -> vector<16xf32>
        %reduce_sum3A_681 = vector.extract %reduce_sum3A_680[15] : f32 from vector<16xf32>
        %mul3A_682 = arith.constant 8 : i32
        %mul3A_683 = arith.muli %scan3A_363, %mul3A_682 : i32
        %add3A_684 = arith.constant 3 : i32
        %add3A_685 = arith.addi %mul3A_683, %add3A_684 : i32
        %eq3A_686 = vector.broadcast %add3A_685 : i32 to vector<16xi32>
        %eq3A_687 = arith.cmpi eq, %iota3A_200, %eq3A_686 : vector<16xi32>
        %broadcast_in_dim3A_688 = vector.broadcast %reduce_sum3A_681 : f32 to vector<16xf32>
        %select_n3A_689 = arith.select %eq3A_687, %broadcast_in_dim3A_688, %select_n3A_607 : vector<16xi1>, vector<16xf32>
        %mul3A_690 = arith.constant 16 : i32
        %mul3A_691 = arith.muli %scan3A_338, %mul3A_690 : i32
        %mul3A_692 = arith.constant 8 : i32
        %mul3A_693 = arith.muli %scan3A_363, %mul3A_692 : i32
        %add3A_694 = arith.addi %mul3A_691, %mul3A_693 : i32
        %add3A_695 = arith.constant 4 : i32
        %add3A_696 = arith.addi %add3A_694, %add3A_695 : i32
        %get3A_697 = arith.index_cast %add3A_696 : i32 to index
        %get3A_698 = arith.constant 0 : index
        %get3A_699 = tpu.vector_load %arg12[%get3A_697, %get3A_698] {strides = array<i32>} : memref<128x128xf32, #tpu.memory_space<vmem>>, vector<16xf32>,
        %get3A_700 = arith.index_cast %add3A_696 : i32 to index
        %get3A_701 = arith.constant 0 : index
        %get3A_702 = tpu.vector_load %arg14[%get3A_700, %get3A_701] {strides = array<i32>} : memref<128x128xf32, #tpu.memory_space<vmem>>, vector<16xf32>,
        %mul3A_703 = arith.mulf %get3A_699, %get3A_702 : vector<16xf32>
        %get3A_704 = arith.index_cast %add3A_696 : i32 to index
        %get3A_705 = arith.constant 16 : index
        %get3A_706 = tpu.vector_load %arg12[%get3A_704, %get3A_705] {strides = array<i32>} : memref<128x128xf32, #tpu.memory_space<vmem>>, vector<16xf32>,
        %get3A_707 = arith.index_cast %add3A_696 : i32 to index
        %get3A_708 = arith.constant 16 : index
        %get3A_709 = tpu.vector_load %arg14[%get3A_707, %get3A_708] {strides = array<i32>} : memref<128x128xf32, #tpu.memory_space<vmem>>, vector<16xf32>,
        %mul3A_710 = arith.mulf %get3A_706, %get3A_709 : vector<16xf32>
        %add3A_711 = arith.addf %mul3A_703, %mul3A_710 : vector<16xf32>
        %get3A_712 = arith.index_cast %add3A_696 : i32 to index
        %get3A_713 = arith.constant 32 : index
        %get3A_714 = tpu.vector_load %arg12[%get3A_712, %get3A_713] {strides = array<i32>} : memref<128x128xf32, #tpu.memory_space<vmem>>, vector<16xf32>,
        %get3A_715 = arith.index_cast %add3A_696 : i32 to index
        %get3A_716 = arith.constant 32 : index
        %get3A_717 = tpu.vector_load %arg14[%get3A_715, %get3A_716] {strides = array<i32>} : memref<128x128xf32, #tpu.memory_space<vmem>>, vector<16xf32>,
        %mul3A_718 = arith.mulf %get3A_714, %get3A_717 : vector<16xf32>
        %add3A_719 = arith.addf %add3A_711, %mul3A_718 : vector<16xf32>
        %get3A_720 = arith.index_cast %add3A_696 : i32 to index
        %get3A_721 = arith.constant 48 : index
        %get3A_722 = tpu.vector_load %arg12[%get3A_720, %get3A_721] {strides = array<i32>} : memref<128x128xf32, #tpu.memory_space<vmem>>, vector<16xf32>,
        %get3A_723 = arith.index_cast %add3A_696 : i32 to index
        %get3A_724 = arith.constant 48 : index
        %get3A_725 = tpu.vector_load %arg14[%get3A_723, %get3A_724] {strides = array<i32>} : memref<128x128xf32, #tpu.memory_space<vmem>>, vector<16xf32>,
        %mul3A_726 = arith.mulf %get3A_722, %get3A_725 : vector<16xf32>
        %add3A_727 = arith.addf %add3A_719, %mul3A_726 : vector<16xf32>
        %get3A_728 = arith.index_cast %add3A_696 : i32 to index
        %get3A_729 = arith.constant 64 : index
        %get3A_730 = tpu.vector_load %arg12[%get3A_728, %get3A_729] {strides = array<i32>} : memref<128x128xf32, #tpu.memory_space<vmem>>, vector<16xf32>,
        %get3A_731 = arith.index_cast %add3A_696 : i32 to index
        %get3A_732 = arith.constant 64 : index
        %get3A_733 = tpu.vector_load %arg14[%get3A_731, %get3A_732] {strides = array<i32>} : memref<128x128xf32, #tpu.memory_space<vmem>>, vector<16xf32>,
        %mul3A_734 = arith.mulf %get3A_730, %get3A_733 : vector<16xf32>
        %add3A_735 = arith.addf %add3A_727, %mul3A_734 : vector<16xf32>
        %get3A_736 = arith.index_cast %add3A_696 : i32 to index
        %get3A_737 = arith.constant 80 : index
        %get3A_738 = tpu.vector_load %arg12[%get3A_736, %get3A_737] {strides = array<i32>} : memref<128x128xf32, #tpu.memory_space<vmem>>, vector<16xf32>,
        %get3A_739 = arith.index_cast %add3A_696 : i32 to index
        %get3A_740 = arith.constant 80 : index
        %get3A_741 = tpu.vector_load %arg14[%get3A_739, %get3A_740] {strides = array<i32>} : memref<128x128xf32, #tpu.memory_space<vmem>>, vector<16xf32>,
        %mul3A_742 = arith.mulf %get3A_738, %get3A_741 : vector<16xf32>
        %add3A_743 = arith.addf %add3A_735, %mul3A_742 : vector<16xf32>
        %get3A_744 = arith.index_cast %add3A_696 : i32 to index
        %get3A_745 = arith.constant 96 : index
        %get3A_746 = tpu.vector_load %arg12[%get3A_744, %get3A_745] {strides = array<i32>} : memref<128x128xf32, #tpu.memory_space<vmem>>, vector<16xf32>,
        %get3A_747 = arith.index_cast %add3A_696 : i32 to index
        %get3A_748 = arith.constant 96 : index
        %get3A_749 = tpu.vector_load %arg14[%get3A_747, %get3A_748] {strides = array<i32>} : memref<128x128xf32, #tpu.memory_space<vmem>>, vector<16xf32>,
        %mul3A_750 = arith.mulf %get3A_746, %get3A_749 : vector<16xf32>
        %add3A_751 = arith.addf %add3A_743, %mul3A_750 : vector<16xf32>
        %get3A_752 = arith.index_cast %add3A_696 : i32 to index
        %get3A_753 = arith.constant 112 : index
        %get3A_754 = tpu.vector_load %arg12[%get3A_752, %get3A_753] {strides = array<i32>} : memref<128x128xf32, #tpu.memory_space<vmem>>, vector<16xf32>,
        %get3A_755 = arith.index_cast %add3A_696 : i32 to index
        %get3A_756 = arith.constant 112 : index
        %get3A_757 = tpu.vector_load %arg14[%get3A_755, %get3A_756] {strides = array<i32>} : memref<128x128xf32, #tpu.memory_space<vmem>>, vector<16xf32>,
        %mul3A_758 = arith.mulf %get3A_754, %get3A_757 : vector<16xf32>
        %add3A_759 = arith.addf %add3A_751, %mul3A_758 : vector<16xf32>
        %reduce_sum3A_760 = arith.constant true
        %reduce_sum3A_761 = vector.broadcast %reduce_sum3A_760 : i1 to vector<16xi1>
        %reduce_sum3A_762 = tpu.scan <sum>, %add3A_759 masked %reduce_sum3A_761 : vector<16xf32>, vector<16xi1> -> vector<16xf32>
        %reduce_sum3A_763 = vector.extract %reduce_sum3A_762[15] : f32 from vector<16xf32>
        %mul3A_764 = arith.constant 8 : i32
        %mul3A_765 = arith.muli %scan3A_363, %mul3A_764 : i32
        %add3A_766 = arith.constant 4 : i32
        %add3A_767 = arith.addi %mul3A_765, %add3A_766 : i32
        %eq3A_768 = vector.broadcast %add3A_767 : i32 to vector<16xi32>
        %eq3A_769 = arith.cmpi eq, %iota3A_200, %eq3A_768 : vector<16xi32>
        %broadcast_in_dim3A_770 = vector.broadcast %reduce_sum3A_763 : f32 to vector<16xf32>
        %select_n3A_771 = arith.select %eq3A_769, %broadcast_in_dim3A_770, %select_n3A_689 : vector<16xi1>, vector<16xf32>
        %mul3A_772 = arith.constant 16 : i32
        %mul3A_773 = arith.muli %scan3A_338, %mul3A_772 : i32
        %mul3A_774 = arith.constant 8 : i32
        %mul3A_775 = arith.muli %scan3A_363, %mul3A_774 : i32
        %add3A_776 = arith.addi %mul3A_773, %mul3A_775 : i32
        %add3A_777 = arith.constant 5 : i32
        %add3A_778 = arith.addi %add3A_776, %add3A_777 : i32
        %get3A_779 = arith.index_cast %add3A_778 : i32 to index
        %get3A_780 = arith.constant 0 : index
        %get3A_781 = tpu.vector_load %arg12[%get3A_779, %get3A_780] {strides = array<i32>} : memref<128x128xf32, #tpu.memory_space<vmem>>, vector<16xf32>,
        %get3A_782 = arith.index_cast %add3A_778 : i32 to index
        %get3A_783 = arith.constant 0 : index
        %get3A_784 = tpu.vector_load %arg14[%get3A_782, %get3A_783] {strides = array<i32>} : memref<128x128xf32, #tpu.memory_space<vmem>>, vector<16xf32>,
        %mul3A_785 = arith.mulf %get3A_781, %get3A_784 : vector<16xf32>
        %get3A_786 = arith.index_cast %add3A_778 : i32 to index
        %get3A_787 = arith.constant 16 : index
        %get3A_788 = tpu.vector_load %arg12[%get3A_786, %get3A_787] {strides = array<i32>} : memref<128x128xf32, #tpu.memory_space<vmem>>, vector<16xf32>,
        %get3A_789 = arith.index_cast %add3A_778 : i32 to index
        %get3A_790 = arith.constant 16 : index
        %get3A_791 = tpu.vector_load %arg14[%get3A_789, %get3A_790] {strides = array<i32>} : memref<128x128xf32, #tpu.memory_space<vmem>>, vector<16xf32>,
        %mul3A_792 = arith.mulf %get3A_788, %get3A_791 : vector<16xf32>
        %add3A_793 = arith.addf %mul3A_785, %mul3A_792 : vector<16xf32>
        %get3A_794 = arith.index_cast %add3A_778 : i32 to index
        %get3A_795 = arith.constant 32 : index
        %get3A_796 = tpu.vector_load %arg12[%get3A_794, %get3A_795] {strides = array<i32>} : memref<128x128xf32, #tpu.memory_space<vmem>>, vector<16xf32>,
        %get3A_797 = arith.index_cast %add3A_778 : i32 to index
        %get3A_798 = arith.constant 32 : index
        %get3A_799 = tpu.vector_load %arg14[%get3A_797, %get3A_798] {strides = array<i32>} : memref<128x128xf32, #tpu.memory_space<vmem>>, vector<16xf32>,
        %mul3A_800 = arith.mulf %get3A_796, %get3A_799 : vector<16xf32>
        %add3A_801 = arith.addf %add3A_793, %mul3A_800 : vector<16xf32>
        %get3A_802 = arith.index_cast %add3A_778 : i32 to index
        %get3A_803 = arith.constant 48 : index
        %get3A_804 = tpu.vector_load %arg12[%get3A_802, %get3A_803] {strides = array<i32>} : memref<128x128xf32, #tpu.memory_space<vmem>>, vector<16xf32>,
        %get3A_805 = arith.index_cast %add3A_778 : i32 to index
        %get3A_806 = arith.constant 48 : index
        %get3A_807 = tpu.vector_load %arg14[%get3A_805, %get3A_806] {strides = array<i32>} : memref<128x128xf32, #tpu.memory_space<vmem>>, vector<16xf32>,
        %mul3A_808 = arith.mulf %get3A_804, %get3A_807 : vector<16xf32>
        %add3A_809 = arith.addf %add3A_801, %mul3A_808 : vector<16xf32>
        %get3A_810 = arith.index_cast %add3A_778 : i32 to index
        %get3A_811 = arith.constant 64 : index
        %get3A_812 = tpu.vector_load %arg12[%get3A_810, %get3A_811] {strides = array<i32>} : memref<128x128xf32, #tpu.memory_space<vmem>>, vector<16xf32>,
        %get3A_813 = arith.index_cast %add3A_778 : i32 to index
        %get3A_814 = arith.constant 64 : index
        %get3A_815 = tpu.vector_load %arg14[%get3A_813, %get3A_814] {strides = array<i32>} : memref<128x128xf32, #tpu.memory_space<vmem>>, vector<16xf32>,
        %mul3A_816 = arith.mulf %get3A_812, %get3A_815 : vector<16xf32>
        %add3A_817 = arith.addf %add3A_809, %mul3A_816 : vector<16xf32>
        %get3A_818 = arith.index_cast %add3A_778 : i32 to index
        %get3A_819 = arith.constant 80 : index
        %get3A_820 = tpu.vector_load %arg12[%get3A_818, %get3A_819] {strides = array<i32>} : memref<128x128xf32, #tpu.memory_space<vmem>>, vector<16xf32>,
        %get3A_821 = arith.index_cast %add3A_778 : i32 to index
        %get3A_822 = arith.constant 80 : index
        %get3A_823 = tpu.vector_load %arg14[%get3A_821, %get3A_822] {strides = array<i32>} : memref<128x128xf32, #tpu.memory_space<vmem>>, vector<16xf32>,
        %mul3A_824 = arith.mulf %get3A_820, %get3A_823 : vector<16xf32>
        %add3A_825 = arith.addf %add3A_817, %mul3A_824 : vector<16xf32>
        %get3A_826 = arith.index_cast %add3A_778 : i32 to index
        %get3A_827 = arith.constant 96 : index
        %get3A_828 = tpu.vector_load %arg12[%get3A_826, %get3A_827] {strides = array<i32>} : memref<128x128xf32, #tpu.memory_space<vmem>>, vector<16xf32>,
        %get3A_829 = arith.index_cast %add3A_778 : i32 to index
        %get3A_830 = arith.constant 96 : index
        %get3A_831 = tpu.vector_load %arg14[%get3A_829, %get3A_830] {strides = array<i32>} : memref<128x128xf32, #tpu.memory_space<vmem>>, vector<16xf32>,
        %mul3A_832 = arith.mulf %get3A_828, %get3A_831 : vector<16xf32>
        %add3A_833 = arith.addf %add3A_825, %mul3A_832 : vector<16xf32>
        %get3A_834 = arith.index_cast %add3A_778 : i32 to index
        %get3A_835 = arith.constant 112 : index
        %get3A_836 = tpu.vector_load %arg12[%get3A_834, %get3A_835] {strides = array<i32>} : memref<128x128xf32, #tpu.memory_space<vmem>>, vector<16xf32>,
        %get3A_837 = arith.index_cast %add3A_778 : i32 to index
        %get3A_838 = arith.constant 112 : index
        %get3A_839 = tpu.vector_load %arg14[%get3A_837, %get3A_838] {strides = array<i32>} : memref<128x128xf32, #tpu.memory_space<vmem>>, vector<16xf32>,
        %mul3A_840 = arith.mulf %get3A_836, %get3A_839 : vector<16xf32>
        %add3A_841 = arith.addf %add3A_833, %mul3A_840 : vector<16xf32>
        %reduce_sum3A_842 = arith.constant true
        %reduce_sum3A_843 = vector.broadcast %reduce_sum3A_842 : i1 to vector<16xi1>
        %reduce_sum3A_844 = tpu.scan <sum>, %add3A_841 masked %reduce_sum3A_843 : vector<16xf32>, vector<16xi1> -> vector<16xf32>
        %reduce_sum3A_845 = vector.extract %reduce_sum3A_844[15] : f32 from vector<16xf32>
        %mul3A_846 = arith.constant 8 : i32
        %mul3A_847 = arith.muli %scan3A_363, %mul3A_846 : i32
        %add3A_848 = arith.constant 5 : i32
        %add3A_849 = arith.addi %mul3A_847, %add3A_848 : i32
        %eq3A_850 = vector.broadcast %add3A_849 : i32 to vector<16xi32>
        %eq3A_851 = arith.cmpi eq, %iota3A_200, %eq3A_850 : vector<16xi32>
        %broadcast_in_dim3A_852 = vector.broadcast %reduce_sum3A_845 : f32 to vector<16xf32>
        %select_n3A_853 = arith.select %eq3A_851, %broadcast_in_dim3A_852, %select_n3A_771 : vector<16xi1>, vector<16xf32>
        %mul3A_854 = arith.constant 16 : i32
        %mul3A_855 = arith.muli %scan3A_338, %mul3A_854 : i32
        %mul3A_856 = arith.constant 8 : i32
        %mul3A_857 = arith.muli %scan3A_363, %mul3A_856 : i32
        %add3A_858 = arith.addi %mul3A_855, %mul3A_857 : i32
        %add3A_859 = arith.constant 6 : i32
        %add3A_860 = arith.addi %add3A_858, %add3A_859 : i32
        %get3A_861 = arith.index_cast %add3A_860 : i32 to index
        %get3A_862 = arith.constant 0 : index
        %get3A_863 = tpu.vector_load %arg12[%get3A_861, %get3A_862] {strides = array<i32>} : memref<128x128xf32, #tpu.memory_space<vmem>>, vector<16xf32>,
        %get3A_864 = arith.index_cast %add3A_860 : i32 to index
        %get3A_865 = arith.constant 0 : index
        %get3A_866 = tpu.vector_load %arg14[%get3A_864, %get3A_865] {strides = array<i32>} : memref<128x128xf32, #tpu.memory_space<vmem>>, vector<16xf32>,
        %mul3A_867 = arith.mulf %get3A_863, %get3A_866 : vector<16xf32>
        %get3A_868 = arith.index_cast %add3A_860 : i32 to index
        %get3A_869 = arith.constant 16 : index
        %get3A_870 = tpu.vector_load %arg12[%get3A_868, %get3A_869] {strides = array<i32>} : memref<128x128xf32, #tpu.memory_space<vmem>>, vector<16xf32>,
        %get3A_871 = arith.index_cast %add3A_860 : i32 to index
        %get3A_872 = arith.constant 16 : index
        %get3A_873 = tpu.vector_load %arg14[%get3A_871, %get3A_872] {strides = array<i32>} : memref<128x128xf32, #tpu.memory_space<vmem>>, vector<16xf32>,
        %mul3A_874 = arith.mulf %get3A_870, %get3A_873 : vector<16xf32>
        %add3A_875 = arith.addf %mul3A_867, %mul3A_874 : vector<16xf32>
        %get3A_876 = arith.index_cast %add3A_860 : i32 to index
        %get3A_877 = arith.constant 32 : index
        %get3A_878 = tpu.vector_load %arg12[%get3A_876, %get3A_877] {strides = array<i32>} : memref<128x128xf32, #tpu.memory_space<vmem>>, vector<16xf32>,
        %get3A_879 = arith.index_cast %add3A_860 : i32 to index
        %get3A_880 = arith.constant 32 : index
        %get3A_881 = tpu.vector_load %arg14[%get3A_879, %get3A_880] {strides = array<i32>} : memref<128x128xf32, #tpu.memory_space<vmem>>, vector<16xf32>,
        %mul3A_882 = arith.mulf %get3A_878, %get3A_881 : vector<16xf32>
        %add3A_883 = arith.addf %add3A_875, %mul3A_882 : vector<16xf32>
        %get3A_884 = arith.index_cast %add3A_860 : i32 to index
        %get3A_885 = arith.constant 48 : index
        %get3A_886 = tpu.vector_load %arg12[%get3A_884, %get3A_885] {strides = array<i32>} : memref<128x128xf32, #tpu.memory_space<vmem>>, vector<16xf32>,
        %get3A_887 = arith.index_cast %add3A_860 : i32 to index
        %get3A_888 = arith.constant 48 : index
        %get3A_889 = tpu.vector_load %arg14[%get3A_887, %get3A_888] {strides = array<i32>} : memref<128x128xf32, #tpu.memory_space<vmem>>, vector<16xf32>,
        %mul3A_890 = arith.mulf %get3A_886, %get3A_889 : vector<16xf32>
        %add3A_891 = arith.addf %add3A_883, %mul3A_890 : vector<16xf32>
        %get3A_892 = arith.index_cast %add3A_860 : i32 to index
        %get3A_893 = arith.constant 64 : index
        %get3A_894 = tpu.vector_load %arg12[%get3A_892, %get3A_893] {strides = array<i32>} : memref<128x128xf32, #tpu.memory_space<vmem>>, vector<16xf32>,
        %get3A_895 = arith.index_cast %add3A_860 : i32 to index
        %get3A_896 = arith.constant 64 : index
        %get3A_897 = tpu.vector_load %arg14[%get3A_895, %get3A_896] {strides = array<i32>} : memref<128x128xf32, #tpu.memory_space<vmem>>, vector<16xf32>,
        %mul3A_898 = arith.mulf %get3A_894, %get3A_897 : vector<16xf32>
        %add3A_899 = arith.addf %add3A_891, %mul3A_898 : vector<16xf32>
        %get3A_900 = arith.index_cast %add3A_860 : i32 to index
        %get3A_901 = arith.constant 80 : index
        %get3A_902 = tpu.vector_load %arg12[%get3A_900, %get3A_901] {strides = array<i32>} : memref<128x128xf32, #tpu.memory_space<vmem>>, vector<16xf32>,
        %get3A_903 = arith.index_cast %add3A_860 : i32 to index
        %get3A_904 = arith.constant 80 : index
        %get3A_905 = tpu.vector_load %arg14[%get3A_903, %get3A_904] {strides = array<i32>} : memref<128x128xf32, #tpu.memory_space<vmem>>, vector<16xf32>,
        %mul3A_906 = arith.mulf %get3A_902, %get3A_905 : vector<16xf32>
        %add3A_907 = arith.addf %add3A_899, %mul3A_906 : vector<16xf32>
        %get3A_908 = arith.index_cast %add3A_860 : i32 to index
        %get3A_909 = arith.constant 96 : index
        %get3A_910 = tpu.vector_load %arg12[%get3A_908, %get3A_909] {strides = array<i32>} : memref<128x128xf32, #tpu.memory_space<vmem>>, vector<16xf32>,
        %get3A_911 = arith.index_cast %add3A_860 : i32 to index
        %get3A_912 = arith.constant 96 : index
        %get3A_913 = tpu.vector_load %arg14[%get3A_911, %get3A_912] {strides = array<i32>} : memref<128x128xf32, #tpu.memory_space<vmem>>, vector<16xf32>,
        %mul3A_914 = arith.mulf %get3A_910, %get3A_913 : vector<16xf32>
        %add3A_915 = arith.addf %add3A_907, %mul3A_914 : vector<16xf32>
        %get3A_916 = arith.index_cast %add3A_860 : i32 to index
        %get3A_917 = arith.constant 112 : index
        %get3A_918 = tpu.vector_load %arg12[%get3A_916, %get3A_917] {strides = array<i32>} : memref<128x128xf32, #tpu.memory_space<vmem>>, vector<16xf32>,
        %get3A_919 = arith.index_cast %add3A_860 : i32 to index
        %get3A_920 = arith.constant 112 : index
        %get3A_921 = tpu.vector_load %arg14[%get3A_919, %get3A_920] {strides = array<i32>} : memref<128x128xf32, #tpu.memory_space<vmem>>, vector<16xf32>,
        %mul3A_922 = arith.mulf %get3A_918, %get3A_921 : vector<16xf32>
        %add3A_923 = arith.addf %add3A_915, %mul3A_922 : vector<16xf32>
        %reduce_sum3A_924 = arith.constant true
        %reduce_sum3A_925 = vector.broadcast %reduce_sum3A_924 : i1 to vector<16xi1>
        %reduce_sum3A_926 = tpu.scan <sum>, %add3A_923 masked %reduce_sum3A_925 : vector<16xf32>, vector<16xi1> -> vector<16xf32>
        %reduce_sum3A_927 = vector.extract %reduce_sum3A_926[15] : f32 from vector<16xf32>
        %mul3A_928 = arith.constant 8 : i32
        %mul3A_929 = arith.muli %scan3A_363, %mul3A_928 : i32
        %add3A_930 = arith.constant 6 : i32
        %add3A_931 = arith.addi %mul3A_929, %add3A_930 : i32
        %eq3A_932 = vector.broadcast %add3A_931 : i32 to vector<16xi32>
        %eq3A_933 = arith.cmpi eq, %iota3A_200, %eq3A_932 : vector<16xi32>
        %broadcast_in_dim3A_934 = vector.broadcast %reduce_sum3A_927 : f32 to vector<16xf32>
        %select_n3A_935 = arith.select %eq3A_933, %broadcast_in_dim3A_934, %select_n3A_853 : vector<16xi1>, vector<16xf32>
        %mul3A_936 = arith.constant 16 : i32
        %mul3A_937 = arith.muli %scan3A_338, %mul3A_936 : i32
        %mul3A_938 = arith.constant 8 : i32
        %mul3A_939 = arith.muli %scan3A_363, %mul3A_938 : i32
        %add3A_940 = arith.addi %mul3A_937, %mul3A_939 : i32
        %add3A_941 = arith.constant 7 : i32
        %add3A_942 = arith.addi %add3A_940, %add3A_941 : i32
        %get3A_943 = arith.index_cast %add3A_942 : i32 to index
        %get3A_944 = arith.constant 0 : index
        %get3A_945 = tpu.vector_load %arg12[%get3A_943, %get3A_944] {strides = array<i32>} : memref<128x128xf32, #tpu.memory_space<vmem>>, vector<16xf32>,
        %get3A_946 = arith.index_cast %add3A_942 : i32 to index
        %get3A_947 = arith.constant 0 : index
        %get3A_948 = tpu.vector_load %arg14[%get3A_946, %get3A_947] {strides = array<i32>} : memref<128x128xf32, #tpu.memory_space<vmem>>, vector<16xf32>,
        %mul3A_949 = arith.mulf %get3A_945, %get3A_948 : vector<16xf32>
        %get3A_950 = arith.index_cast %add3A_942 : i32 to index
        %get3A_951 = arith.constant 16 : index
        %get3A_952 = tpu.vector_load %arg12[%get3A_950, %get3A_951] {strides = array<i32>} : memref<128x128xf32, #tpu.memory_space<vmem>>, vector<16xf32>,
        %get3A_953 = arith.index_cast %add3A_942 : i32 to index
        %get3A_954 = arith.constant 16 : index
        %get3A_955 = tpu.vector_load %arg14[%get3A_953, %get3A_954] {strides = array<i32>} : memref<128x128xf32, #tpu.memory_space<vmem>>, vector<16xf32>,
        %mul3A_956 = arith.mulf %get3A_952, %get3A_955 : vector<16xf32>
        %add3A_957 = arith.addf %mul3A_949, %mul3A_956 : vector<16xf32>
        %get3A_958 = arith.index_cast %add3A_942 : i32 to index
        %get3A_959 = arith.constant 32 : index
        %get3A_960 = tpu.vector_load %arg12[%get3A_958, %get3A_959] {strides = array<i32>} : memref<128x128xf32, #tpu.memory_space<vmem>>, vector<16xf32>,
        %get3A_961 = arith.index_cast %add3A_942 : i32 to index
        %get3A_962 = arith.constant 32 : index
        %get3A_963 = tpu.vector_load %arg14[%get3A_961, %get3A_962] {strides = array<i32>} : memref<128x128xf32, #tpu.memory_space<vmem>>, vector<16xf32>,
        %mul3A_964 = arith.mulf %get3A_960, %get3A_963 : vector<16xf32>
        %add3A_965 = arith.addf %add3A_957, %mul3A_964 : vector<16xf32>
        %get3A_966 = arith.index_cast %add3A_942 : i32 to index
        %get3A_967 = arith.constant 48 : index
        %get3A_968 = tpu.vector_load %arg12[%get3A_966, %get3A_967] {strides = array<i32>} : memref<128x128xf32, #tpu.memory_space<vmem>>, vector<16xf32>,
        %get3A_969 = arith.index_cast %add3A_942 : i32 to index
        %get3A_970 = arith.constant 48 : index
        %get3A_971 = tpu.vector_load %arg14[%get3A_969, %get3A_970] {strides = array<i32>} : memref<128x128xf32, #tpu.memory_space<vmem>>, vector<16xf32>,
        %mul3A_972 = arith.mulf %get3A_968, %get3A_971 : vector<16xf32>
        %add3A_973 = arith.addf %add3A_965, %mul3A_972 : vector<16xf32>
        %get3A_974 = arith.index_cast %add3A_942 : i32 to index
        %get3A_975 = arith.constant 64 : index
        %get3A_976 = tpu.vector_load %arg12[%get3A_974, %get3A_975] {strides = array<i32>} : memref<128x128xf32, #tpu.memory_space<vmem>>, vector<16xf32>,
        %get3A_977 = arith.index_cast %add3A_942 : i32 to index
        %get3A_978 = arith.constant 64 : index
        %get3A_979 = tpu.vector_load %arg14[%get3A_977, %get3A_978] {strides = array<i32>} : memref<128x128xf32, #tpu.memory_space<vmem>>, vector<16xf32>,
        %mul3A_980 = arith.mulf %get3A_976, %get3A_979 : vector<16xf32>
        %add3A_981 = arith.addf %add3A_973, %mul3A_980 : vector<16xf32>
        %get3A_982 = arith.index_cast %add3A_942 : i32 to index
        %get3A_983 = arith.constant 80 : index
        %get3A_984 = tpu.vector_load %arg12[%get3A_982, %get3A_983] {strides = array<i32>} : memref<128x128xf32, #tpu.memory_space<vmem>>, vector<16xf32>,
        %get3A_985 = arith.index_cast %add3A_942 : i32 to index
        %get3A_986 = arith.constant 80 : index
        %get3A_987 = tpu.vector_load %arg14[%get3A_985, %get3A_986] {strides = array<i32>} : memref<128x128xf32, #tpu.memory_space<vmem>>, vector<16xf32>,
        %mul3A_988 = arith.mulf %get3A_984, %get3A_987 : vector<16xf32>
        %add3A_989 = arith.addf %add3A_981, %mul3A_988 : vector<16xf32>
        %get3A_990 = arith.index_cast %add3A_942 : i32 to index
        %get3A_991 = arith.constant 96 : index
        %get3A_992 = tpu.vector_load %arg12[%get3A_990, %get3A_991] {strides = array<i32>} : memref<128x128xf32, #tpu.memory_space<vmem>>, vector<16xf32>,
        %get3A_993 = arith.index_cast %add3A_942 : i32 to index
        %get3A_994 = arith.constant 96 : index
        %get3A_995 = tpu.vector_load %arg14[%get3A_993, %get3A_994] {strides = array<i32>} : memref<128x128xf32, #tpu.memory_space<vmem>>, vector<16xf32>,
        %mul3A_996 = arith.mulf %get3A_992, %get3A_995 : vector<16xf32>
        %add3A_997 = arith.addf %add3A_989, %mul3A_996 : vector<16xf32>
        %get3A_998 = arith.index_cast %add3A_942 : i32 to index
        %get3A_999 = arith.constant 112 : index
        %get3A_1000 = tpu.vector_load %arg12[%get3A_998, %get3A_999] {strides = array<i32>} : memref<128x128xf32, #tpu.memory_space<vmem>>, vector<16xf32>,
        %get3A_1001 = arith.index_cast %add3A_942 : i32 to index
        %get3A_1002 = arith.constant 112 : index
        %get3A_1003 = tpu.vector_load %arg14[%get3A_1001, %get3A_1002] {strides = array<i32>} : memref<128x128xf32, #tpu.memory_space<vmem>>, vector<16xf32>,
        %mul3A_1004 = arith.mulf %get3A_1000, %get3A_1003 : vector<16xf32>
        %add3A_1005 = arith.addf %add3A_997, %mul3A_1004 : vector<16xf32>
        %reduce_sum3A_1006 = arith.constant true
        %reduce_sum3A_1007 = vector.broadcast %reduce_sum3A_1006 : i1 to vector<16xi1>
        %reduce_sum3A_1008 = tpu.scan <sum>, %add3A_1005 masked %reduce_sum3A_1007 : vector<16xf32>, vector<16xi1> -> vector<16xf32>
        %reduce_sum3A_1009 = vector.extract %reduce_sum3A_1008[15] : f32 from vector<16xf32>
        %mul3A_1010 = arith.constant 8 : i32
        %mul3A_1011 = arith.muli %scan3A_363, %mul3A_1010 : i32
        %add3A_1012 = arith.constant 7 : i32
        %add3A_1013 = arith.addi %mul3A_1011, %add3A_1012 : i32
        %eq3A_1014 = vector.broadcast %add3A_1013 : i32 to vector<16xi32>
        %eq3A_1015 = arith.cmpi eq, %iota3A_200, %eq3A_1014 : vector<16xi32>
        %broadcast_in_dim3A_1016 = vector.broadcast %reduce_sum3A_1009 : f32 to vector<16xf32>
        %select_n3A_1017 = arith.select %eq3A_1015, %broadcast_in_dim3A_1016, %select_n3A_935 : vector<16xi1>, vector<16xf32>
        scf.yield %select_n3A_1017 : vector<16xf32>
      }
      %scan3A_345 = arith.constant 2 : i32
      %mul3A_346 = arith.constant 16 : i32
      %mul3A_347 = arith.muli %scan3A_338, %mul3A_346 : i32
      %add3A_348 = arith.constant 128 : i32
      %add3A_349 = arith.addi %add3A_348, %mul3A_347 : i32
      %get3A = arith.index_cast %add3A_349 : i32 to index
      %get3A_350 = tpu.vector_load %arg15[%get3A] {strides = array<i32>} : memref<512xf32, #tpu.memory_space<vmem>>, vector<16xf32>,
      %add3A_351 = arith.addf %scan3A_344, %get3A_350 : vector<16xf32>
      %get3A_352 = arith.index_cast %add3A_349 : i32 to index
      %get3A_353 = tpu.vector_load %arg16[%get3A_352] {strides = array<i32>} : memref<512xf32, #tpu.memory_space<vmem>>, vector<16xf32>,
      %add3A_354 = arith.addf %add3A_351, %get3A_353 : vector<16xf32>
      %neg3A = arith.constant 0.000000e+00 : f32
      %neg3A_355 = vector.broadcast %neg3A : f32 to vector<16xf32>
      %neg3A_356 = arith.subf %neg3A_355, %add3A_354 : vector<16xf32>
      %exp3A = math.exp %neg3A_356 : vector<16xf32>
      %add3A_357 = arith.constant 1.000000e+00 : f32
      %add3A_358 = vector.broadcast %add3A_357 : f32 to vector<16xf32>
      %add3A_359 = arith.addf %add3A_358, %exp3A : vector<16xf32>
      %div3A = arith.constant 5.000000e+00 : f32
      %div3A_360 = vector.broadcast %div3A : f32 to vector<16xf32>
      %div3A_361 = arith.divf %div3A_360, %add3A_359 : vector<16xf32>
      %swap3A = arith.index_cast %add3A_349 : i32 to index
      %swap3A_362 = tpu.vector_load %arg17[%swap3A] {strides = array<i32>} : memref<512xf32, #tpu.memory_space<vmem>>, vector<16xf32>,
      tpu.vector_store %arg17[%swap3A], %div3A_361 {strides = array<i32>} : memref<512xf32, #tpu.memory_space<vmem>>, vector<16xf32>,
    }
    %scan3A_206 = arith.constant 8 : i32
    %add3A_207 = arith.constant 128 : i32
    %add3A_208 = arith.addi %mul3A_2, %add3A_207 : i32
    %dma_start3A_209 = arith.constant 2 : i32
    %dma_start3A_210 = arith.constant 128 : i32
    %dma_start3A_211 = tpu.memref_slice %arg17[%dma_start3A_210] : memref<512xf32, #tpu.memory_space<vmem>> -> memref<128xf32, #tpu.memory_space<vmem>>
    %dma_start3A_212 = tpu.memref_slice %arg8[%add3A_208] : memref<16384xf32, #tpu.memory_space<hbm>> -> memref<128xf32, #tpu.memory_space<hbm>>
    %dma_start3A_213 = tpu.memref_slice %arg18[%dma_start3A_209] : memref<3x!tpu.dma_semaphore, #tpu.memory_space<semaphore_mem>> -> memref<1x!tpu.dma_semaphore, #tpu.memory_space<semaphore_mem>>
    %dma_start3A_214 = tpu.memref_squeeze %dma_start3A_213 : memref<1x!tpu.dma_semaphore, #tpu.memory_space<semaphore_mem>> -> memref<!tpu.dma_semaphore, #tpu.memory_space<semaphore_mem>>
    %dma_start3A_215 = tpu.memref_slice %arg8[%add3A_208] : memref<16384xf32, #tpu.memory_space<hbm>> -> memref<128xf32, #tpu.memory_space<hbm>>
    %dma_start3A_216 = arith.constant 128 : i32
    %dma_start3A_217 = tpu.memref_slice %arg17[%dma_start3A_216] : memref<512xf32, #tpu.memory_space<vmem>> -> memref<128xf32, #tpu.memory_space<vmem>>
    tpu.enqueue_dma source(%dma_start3A_217 : memref<128xf32, #tpu.memory_space<vmem>>) target(%dma_start3A_215 : memref<128xf32, #tpu.memory_space<hbm>>) target_semaphore(%dma_start3A_214 : memref<!tpu.dma_semaphore, #tpu.memory_space<semaphore_mem>>)
    %dma_wait3A_218 = arith.constant 0 : i32
    %dma_wait3A_219 = arith.constant 256 : i32
    %dma_wait3A_220 = tpu.memref_slice %arg9[%dma_wait3A_219] : memref<512xi32, #tpu.memory_space<vmem>> -> memref<128xi32, #tpu.memory_space<vmem>>
    %dma_wait3A_221 = arith.constant 0 : i32
    %dma_wait3A_222 = arith.constant 0 : i32
    %dma_wait3A_223 = tpu.memref_slice %arg4[%dma_wait3A_221, %dma_wait3A_222] : memref<100000x128xf32, #tpu.memory_space<hbm>> -> memref<100000x128xf32, #tpu.memory_space<hbm>>
    %dma_wait3A_224 = tpu.memref_slice %arg18[%dma_wait3A_218] : memref<3x!tpu.dma_semaphore, #tpu.memory_space<semaphore_mem>> -> memref<1x!tpu.dma_semaphore, #tpu.memory_space<semaphore_mem>>
    %dma_wait3A_225 = tpu.memref_squeeze %dma_wait3A_224 : memref<1x!tpu.dma_semaphore, #tpu.memory_space<semaphore_mem>> -> memref<!tpu.dma_semaphore, #tpu.memory_space<semaphore_mem>>
    tpu.wait_indirect_dma semaphore(%dma_wait3A_225 : memref<!tpu.dma_semaphore, #tpu.memory_space<semaphore_mem>>) src(%dma_wait3A_223 : memref<100000x128xf32, #tpu.memory_space<hbm>>) dst(%arg11 : memref<128x128xf32, #tpu.memory_space<vmem>>)
    %dma_wait3A_226 = arith.constant 0 : i32
    %dma_wait3A_227 = arith.constant 256 : i32
    %dma_wait3A_228 = tpu.memref_slice %arg10[%dma_wait3A_227] : memref<512xi32, #tpu.memory_space<vmem>> -> memref<128xi32, #tpu.memory_space<vmem>>
    %dma_wait3A_229 = arith.constant 0 : i32
    %dma_wait3A_230 = arith.constant 0 : i32
    %dma_wait3A_231 = tpu.memref_slice %arg5[%dma_wait3A_229, %dma_wait3A_230] : memref<100000x128xf32, #tpu.memory_space<hbm>> -> memref<100000x128xf32, #tpu.memory_space<hbm>>
    %dma_wait3A_232 = tpu.memref_slice %arg18[%dma_wait3A_226] : memref<3x!tpu.dma_semaphore, #tpu.memory_space<semaphore_mem>> -> memref<1x!tpu.dma_semaphore, #tpu.memory_space<semaphore_mem>>
    %dma_wait3A_233 = tpu.memref_squeeze %dma_wait3A_232 : memref<1x!tpu.dma_semaphore, #tpu.memory_space<semaphore_mem>> -> memref<!tpu.dma_semaphore, #tpu.memory_space<semaphore_mem>>
    tpu.wait_indirect_dma semaphore(%dma_wait3A_233 : memref<!tpu.dma_semaphore, #tpu.memory_space<semaphore_mem>>) src(%dma_wait3A_231 : memref<100000x128xf32, #tpu.memory_space<hbm>>) dst(%arg13 : memref<128x128xf32, #tpu.memory_space<vmem>>)
    %dma_start3A_234 = arith.constant 1 : i32
    %dma_start3A_235 = arith.constant 384 : i32
    %dma_start3A_236 = tpu.memref_slice %arg9[%dma_start3A_235] : memref<512xi32, #tpu.memory_space<vmem>> -> memref<128xi32, #tpu.memory_space<vmem>>
    %dma_start3A_237 = arith.constant 0 : i32
    %dma_start3A_238 = arith.constant 0 : i32
    %dma_start3A_239 = tpu.memref_slice %arg4[%dma_start3A_237, %dma_start3A_238] : memref<100000x128xf32, #tpu.memory_space<hbm>> -> memref<100000x128xf32, #tpu.memory_space<hbm>>
    %dma_start3A_240 = tpu.memref_slice %arg18[%dma_start3A_234] : memref<3x!tpu.dma_semaphore, #tpu.memory_space<semaphore_mem>> -> memref<1x!tpu.dma_semaphore, #tpu.memory_space<semaphore_mem>>
    %dma_start3A_241 = tpu.memref_squeeze %dma_start3A_240 : memref<1x!tpu.dma_semaphore, #tpu.memory_space<semaphore_mem>> -> memref<!tpu.dma_semaphore, #tpu.memory_space<semaphore_mem>>
    tpu.enqueue_indirect_dma source(%dma_start3A_239 : memref<100000x128xf32, #tpu.memory_space<hbm>>) target(%arg12 : memref<128x128xf32, #tpu.memory_space<vmem>>) offsets(%dma_start3A_236 : memref<128xi32, #tpu.memory_space<vmem>>) semaphore(%dma_start3A_241 : memref<!tpu.dma_semaphore, #tpu.memory_space<semaphore_mem>>)
    %dma_start3A_242 = arith.constant 1 : i32
    %dma_start3A_243 = arith.constant 384 : i32
    %dma_start3A_244 = tpu.memref_slice %arg10[%dma_start3A_243] : memref<512xi32, #tpu.memory_space<vmem>> -> memref<128xi32, #tpu.memory_space<vmem>>
    %dma_start3A_245 = arith.constant 0 : i32
    %dma_start3A_246 = arith.constant 0 : i32
    %dma_start3A_247 = tpu.memref_slice %arg5[%dma_start3A_245, %dma_start3A_246] : memref<100000x128xf32, #tpu.memory_space<hbm>> -> memref<100000x128xf32, #tpu.memory_space<hbm>>
    %dma_start3A_248 = tpu.memref_slice %arg18[%dma_start3A_242] : memref<3x!tpu.dma_semaphore, #tpu.memory_space<semaphore_mem>> -> memref<1x!tpu.dma_semaphore, #tpu.memory_space<semaphore_mem>>
    %dma_start3A_249 = tpu.memref_squeeze %dma_start3A_248 : memref<1x!tpu.dma_semaphore, #tpu.memory_space<semaphore_mem>> -> memref<!tpu.dma_semaphore, #tpu.memory_space<semaphore_mem>>
    tpu.enqueue_indirect_dma source(%dma_start3A_247 : memref<100000x128xf32, #tpu.memory_space<hbm>>) target(%arg14 : memref<128x128xf32, #tpu.memory_space<vmem>>) offsets(%dma_start3A_244 : memref<128xi32, #tpu.memory_space<vmem>>) semaphore(%dma_start3A_249 : memref<!tpu.dma_semaphore, #tpu.memory_space<semaphore_mem>>)
    %iota3A_250 = tpu.iota {dimensions = array<i32: 0>} : vector<16xi32>
    %scan3A_251 = arith.constant 0 : i32
    %scan3A_252 = arith.constant 0 : i32
    %scan3A_253 = arith.constant 8 : i32
    %scan3A_254 = arith.addi %scan3A_252, %scan3A_253 : i32
    %scan3A_255 = arith.constant 1 : i32
    scf.for %scan3A_338 = %scan3A_252 to %scan3A_254 step %scan3A_255  : i32 {
      %broadcast_in_dim3A = arith.constant 0.000000e+00 : f32
      %broadcast_in_dim3A_339 = vector.broadcast %broadcast_in_dim3A : f32 to vector<16xf32>
      %scan3A_340 = arith.constant 0 : i32
      %scan3A_341 = arith.constant 2 : i32
      %scan3A_342 = arith.addi %scan3A_340, %scan3A_341 : i32
      %scan3A_343 = arith.constant 1 : i32
      %scan3A_344 = scf.for %scan3A_363 = %scan3A_340 to %scan3A_342 step %scan3A_343 iter_args(%scan3A_364 = %broadcast_in_dim3A_339) -> (vector<16xf32>)  : i32 {
        %mul3A_365 = arith.constant 16 : i32
        %mul3A_366 = arith.muli %scan3A_338, %mul3A_365 : i32
        %mul3A_367 = arith.constant 8 : i32
        %mul3A_368 = arith.muli %scan3A_363, %mul3A_367 : i32
        %add3A_369 = arith.addi %mul3A_366, %mul3A_368 : i32
        %add3A_370 = arith.constant 0 : i32
        %add3A_371 = arith.addi %add3A_369, %add3A_370 : i32
        %get3A_372 = arith.index_cast %add3A_371 : i32 to index
        %get3A_373 = arith.constant 0 : index
        %get3A_374 = tpu.vector_load %arg11[%get3A_372, %get3A_373] {strides = array<i32>} : memref<128x128xf32, #tpu.memory_space<vmem>>, vector<16xf32>,
        %get3A_375 = arith.index_cast %add3A_371 : i32 to index
        %get3A_376 = arith.constant 0 : index
        %get3A_377 = tpu.vector_load %arg13[%get3A_375, %get3A_376] {strides = array<i32>} : memref<128x128xf32, #tpu.memory_space<vmem>>, vector<16xf32>,
        %mul3A_378 = arith.mulf %get3A_374, %get3A_377 : vector<16xf32>
        %get3A_379 = arith.index_cast %add3A_371 : i32 to index
        %get3A_380 = arith.constant 16 : index
        %get3A_381 = tpu.vector_load %arg11[%get3A_379, %get3A_380] {strides = array<i32>} : memref<128x128xf32, #tpu.memory_space<vmem>>, vector<16xf32>,
        %get3A_382 = arith.index_cast %add3A_371 : i32 to index
        %get3A_383 = arith.constant 16 : index
        %get3A_384 = tpu.vector_load %arg13[%get3A_382, %get3A_383] {strides = array<i32>} : memref<128x128xf32, #tpu.memory_space<vmem>>, vector<16xf32>,
        %mul3A_385 = arith.mulf %get3A_381, %get3A_384 : vector<16xf32>
        %add3A_386 = arith.addf %mul3A_378, %mul3A_385 : vector<16xf32>
        %get3A_387 = arith.index_cast %add3A_371 : i32 to index
        %get3A_388 = arith.constant 32 : index
        %get3A_389 = tpu.vector_load %arg11[%get3A_387, %get3A_388] {strides = array<i32>} : memref<128x128xf32, #tpu.memory_space<vmem>>, vector<16xf32>,
        %get3A_390 = arith.index_cast %add3A_371 : i32 to index
        %get3A_391 = arith.constant 32 : index
        %get3A_392 = tpu.vector_load %arg13[%get3A_390, %get3A_391] {strides = array<i32>} : memref<128x128xf32, #tpu.memory_space<vmem>>, vector<16xf32>,
        %mul3A_393 = arith.mulf %get3A_389, %get3A_392 : vector<16xf32>
        %add3A_394 = arith.addf %add3A_386, %mul3A_393 : vector<16xf32>
        %get3A_395 = arith.index_cast %add3A_371 : i32 to index
        %get3A_396 = arith.constant 48 : index
        %get3A_397 = tpu.vector_load %arg11[%get3A_395, %get3A_396] {strides = array<i32>} : memref<128x128xf32, #tpu.memory_space<vmem>>, vector<16xf32>,
        %get3A_398 = arith.index_cast %add3A_371 : i32 to index
        %get3A_399 = arith.constant 48 : index
        %get3A_400 = tpu.vector_load %arg13[%get3A_398, %get3A_399] {strides = array<i32>} : memref<128x128xf32, #tpu.memory_space<vmem>>, vector<16xf32>,
        %mul3A_401 = arith.mulf %get3A_397, %get3A_400 : vector<16xf32>
        %add3A_402 = arith.addf %add3A_394, %mul3A_401 : vector<16xf32>
        %get3A_403 = arith.index_cast %add3A_371 : i32 to index
        %get3A_404 = arith.constant 64 : index
        %get3A_405 = tpu.vector_load %arg11[%get3A_403, %get3A_404] {strides = array<i32>} : memref<128x128xf32, #tpu.memory_space<vmem>>, vector<16xf32>,
        %get3A_406 = arith.index_cast %add3A_371 : i32 to index
        %get3A_407 = arith.constant 64 : index
        %get3A_408 = tpu.vector_load %arg13[%get3A_406, %get3A_407] {strides = array<i32>} : memref<128x128xf32, #tpu.memory_space<vmem>>, vector<16xf32>,
        %mul3A_409 = arith.mulf %get3A_405, %get3A_408 : vector<16xf32>
        %add3A_410 = arith.addf %add3A_402, %mul3A_409 : vector<16xf32>
        %get3A_411 = arith.index_cast %add3A_371 : i32 to index
        %get3A_412 = arith.constant 80 : index
        %get3A_413 = tpu.vector_load %arg11[%get3A_411, %get3A_412] {strides = array<i32>} : memref<128x128xf32, #tpu.memory_space<vmem>>, vector<16xf32>,
        %get3A_414 = arith.index_cast %add3A_371 : i32 to index
        %get3A_415 = arith.constant 80 : index
        %get3A_416 = tpu.vector_load %arg13[%get3A_414, %get3A_415] {strides = array<i32>} : memref<128x128xf32, #tpu.memory_space<vmem>>, vector<16xf32>,
        %mul3A_417 = arith.mulf %get3A_413, %get3A_416 : vector<16xf32>
        %add3A_418 = arith.addf %add3A_410, %mul3A_417 : vector<16xf32>
        %get3A_419 = arith.index_cast %add3A_371 : i32 to index
        %get3A_420 = arith.constant 96 : index
        %get3A_421 = tpu.vector_load %arg11[%get3A_419, %get3A_420] {strides = array<i32>} : memref<128x128xf32, #tpu.memory_space<vmem>>, vector<16xf32>,
        %get3A_422 = arith.index_cast %add3A_371 : i32 to index
        %get3A_423 = arith.constant 96 : index
        %get3A_424 = tpu.vector_load %arg13[%get3A_422, %get3A_423] {strides = array<i32>} : memref<128x128xf32, #tpu.memory_space<vmem>>, vector<16xf32>,
        %mul3A_425 = arith.mulf %get3A_421, %get3A_424 : vector<16xf32>
        %add3A_426 = arith.addf %add3A_418, %mul3A_425 : vector<16xf32>
        %get3A_427 = arith.index_cast %add3A_371 : i32 to index
        %get3A_428 = arith.constant 112 : index
        %get3A_429 = tpu.vector_load %arg11[%get3A_427, %get3A_428] {strides = array<i32>} : memref<128x128xf32, #tpu.memory_space<vmem>>, vector<16xf32>,
        %get3A_430 = arith.index_cast %add3A_371 : i32 to index
        %get3A_431 = arith.constant 112 : index
        %get3A_432 = tpu.vector_load %arg13[%get3A_430, %get3A_431] {strides = array<i32>} : memref<128x128xf32, #tpu.memory_space<vmem>>, vector<16xf32>,
        %mul3A_433 = arith.mulf %get3A_429, %get3A_432 : vector<16xf32>
        %add3A_434 = arith.addf %add3A_426, %mul3A_433 : vector<16xf32>
        %reduce_sum3A = arith.constant true
        %reduce_sum3A_435 = vector.broadcast %reduce_sum3A : i1 to vector<16xi1>
        %reduce_sum3A_436 = tpu.scan <sum>, %add3A_434 masked %reduce_sum3A_435 : vector<16xf32>, vector<16xi1> -> vector<16xf32>
        %reduce_sum3A_437 = vector.extract %reduce_sum3A_436[15] : f32 from vector<16xf32>
        %mul3A_438 = arith.constant 8 : i32
        %mul3A_439 = arith.muli %scan3A_363, %mul3A_438 : i32
        %add3A_440 = arith.constant 0 : i32
        %add3A_441 = arith.addi %mul3A_439, %add3A_440 : i32
        %eq3A = vector.broadcast %add3A_441 : i32 to vector<16xi32>
        %eq3A_442 = arith.cmpi eq, %iota3A_250, %eq3A : vector<16xi32>
        %broadcast_in_dim3A_443 = vector.broadcast %reduce_sum3A_437 : f32 to vector<16xf32>
        %select_n3A = arith.select %eq3A_442, %broadcast_in_dim3A_443, %scan3A_364 : vector<16xi1>, vector<16xf32>
        %mul3A_444 = arith.constant 16 : i32
        %mul3A_445 = arith.muli %scan3A_338, %mul3A_444 : i32
        %mul3A_446 = arith.constant 8 : i32
        %mul3A_447 = arith.muli %scan3A_363, %mul3A_446 : i32
        %add3A_448 = arith.addi %mul3A_445, %mul3A_447 : i32
        %add3A_449 = arith.constant 1 : i32
        %add3A_450 = arith.addi %add3A_448, %add3A_449 : i32
        %get3A_451 = arith.index_cast %add3A_450 : i32 to index
        %get3A_452 = arith.constant 0 : index
        %get3A_453 = tpu.vector_load %arg11[%get3A_451, %get3A_452] {strides = array<i32>} : memref<128x128xf32, #tpu.memory_space<vmem>>, vector<16xf32>,
        %get3A_454 = arith.index_cast %add3A_450 : i32 to index
        %get3A_455 = arith.constant 0 : index
        %get3A_456 = tpu.vector_load %arg13[%get3A_454, %get3A_455] {strides = array<i32>} : memref<128x128xf32, #tpu.memory_space<vmem>>, vector<16xf32>,
        %mul3A_457 = arith.mulf %get3A_453, %get3A_456 : vector<16xf32>
        %get3A_458 = arith.index_cast %add3A_450 : i32 to index
        %get3A_459 = arith.constant 16 : index
        %get3A_460 = tpu.vector_load %arg11[%get3A_458, %get3A_459] {strides = array<i32>} : memref<128x128xf32, #tpu.memory_space<vmem>>, vector<16xf32>,
        %get3A_461 = arith.index_cast %add3A_450 : i32 to index
        %get3A_462 = arith.constant 16 : index
        %get3A_463 = tpu.vector_load %arg13[%get3A_461, %get3A_462] {strides = array<i32>} : memref<128x128xf32, #tpu.memory_space<vmem>>, vector<16xf32>,
        %mul3A_464 = arith.mulf %get3A_460, %get3A_463 : vector<16xf32>
        %add3A_465 = arith.addf %mul3A_457, %mul3A_464 : vector<16xf32>
        %get3A_466 = arith.index_cast %add3A_450 : i32 to index
        %get3A_467 = arith.constant 32 : index
        %get3A_468 = tpu.vector_load %arg11[%get3A_466, %get3A_467] {strides = array<i32>} : memref<128x128xf32, #tpu.memory_space<vmem>>, vector<16xf32>,
        %get3A_469 = arith.index_cast %add3A_450 : i32 to index
        %get3A_470 = arith.constant 32 : index
        %get3A_471 = tpu.vector_load %arg13[%get3A_469, %get3A_470] {strides = array<i32>} : memref<128x128xf32, #tpu.memory_space<vmem>>, vector<16xf32>,
        %mul3A_472 = arith.mulf %get3A_468, %get3A_471 : vector<16xf32>
        %add3A_473 = arith.addf %add3A_465, %mul3A_472 : vector<16xf32>
        %get3A_474 = arith.index_cast %add3A_450 : i32 to index
        %get3A_475 = arith.constant 48 : index
        %get3A_476 = tpu.vector_load %arg11[%get3A_474, %get3A_475] {strides = array<i32>} : memref<128x128xf32, #tpu.memory_space<vmem>>, vector<16xf32>,
        %get3A_477 = arith.index_cast %add3A_450 : i32 to index
        %get3A_478 = arith.constant 48 : index
        %get3A_479 = tpu.vector_load %arg13[%get3A_477, %get3A_478] {strides = array<i32>} : memref<128x128xf32, #tpu.memory_space<vmem>>, vector<16xf32>,
        %mul3A_480 = arith.mulf %get3A_476, %get3A_479 : vector<16xf32>
        %add3A_481 = arith.addf %add3A_473, %mul3A_480 : vector<16xf32>
        %get3A_482 = arith.index_cast %add3A_450 : i32 to index
        %get3A_483 = arith.constant 64 : index
        %get3A_484 = tpu.vector_load %arg11[%get3A_482, %get3A_483] {strides = array<i32>} : memref<128x128xf32, #tpu.memory_space<vmem>>, vector<16xf32>,
        %get3A_485 = arith.index_cast %add3A_450 : i32 to index
        %get3A_486 = arith.constant 64 : index
        %get3A_487 = tpu.vector_load %arg13[%get3A_485, %get3A_486] {strides = array<i32>} : memref<128x128xf32, #tpu.memory_space<vmem>>, vector<16xf32>,
        %mul3A_488 = arith.mulf %get3A_484, %get3A_487 : vector<16xf32>
        %add3A_489 = arith.addf %add3A_481, %mul3A_488 : vector<16xf32>
        %get3A_490 = arith.index_cast %add3A_450 : i32 to index
        %get3A_491 = arith.constant 80 : index
        %get3A_492 = tpu.vector_load %arg11[%get3A_490, %get3A_491] {strides = array<i32>} : memref<128x128xf32, #tpu.memory_space<vmem>>, vector<16xf32>,
        %get3A_493 = arith.index_cast %add3A_450 : i32 to index
        %get3A_494 = arith.constant 80 : index
        %get3A_495 = tpu.vector_load %arg13[%get3A_493, %get3A_494] {strides = array<i32>} : memref<128x128xf32, #tpu.memory_space<vmem>>, vector<16xf32>,
        %mul3A_496 = arith.mulf %get3A_492, %get3A_495 : vector<16xf32>
        %add3A_497 = arith.addf %add3A_489, %mul3A_496 : vector<16xf32>
        %get3A_498 = arith.index_cast %add3A_450 : i32 to index
        %get3A_499 = arith.constant 96 : index
        %get3A_500 = tpu.vector_load %arg11[%get3A_498, %get3A_499] {strides = array<i32>} : memref<128x128xf32, #tpu.memory_space<vmem>>, vector<16xf32>,
        %get3A_501 = arith.index_cast %add3A_450 : i32 to index
        %get3A_502 = arith.constant 96 : index
        %get3A_503 = tpu.vector_load %arg13[%get3A_501, %get3A_502] {strides = array<i32>} : memref<128x128xf32, #tpu.memory_space<vmem>>, vector<16xf32>,
        %mul3A_504 = arith.mulf %get3A_500, %get3A_503 : vector<16xf32>
        %add3A_505 = arith.addf %add3A_497, %mul3A_504 : vector<16xf32>
        %get3A_506 = arith.index_cast %add3A_450 : i32 to index
        %get3A_507 = arith.constant 112 : index
        %get3A_508 = tpu.vector_load %arg11[%get3A_506, %get3A_507] {strides = array<i32>} : memref<128x128xf32, #tpu.memory_space<vmem>>, vector<16xf32>,
        %get3A_509 = arith.index_cast %add3A_450 : i32 to index
        %get3A_510 = arith.constant 112 : index
        %get3A_511 = tpu.vector_load %arg13[%get3A_509, %get3A_510] {strides = array<i32>} : memref<128x128xf32, #tpu.memory_space<vmem>>, vector<16xf32>,
        %mul3A_512 = arith.mulf %get3A_508, %get3A_511 : vector<16xf32>
        %add3A_513 = arith.addf %add3A_505, %mul3A_512 : vector<16xf32>
        %reduce_sum3A_514 = arith.constant true
        %reduce_sum3A_515 = vector.broadcast %reduce_sum3A_514 : i1 to vector<16xi1>
        %reduce_sum3A_516 = tpu.scan <sum>, %add3A_513 masked %reduce_sum3A_515 : vector<16xf32>, vector<16xi1> -> vector<16xf32>
        %reduce_sum3A_517 = vector.extract %reduce_sum3A_516[15] : f32 from vector<16xf32>
        %mul3A_518 = arith.constant 8 : i32
        %mul3A_519 = arith.muli %scan3A_363, %mul3A_518 : i32
        %add3A_520 = arith.constant 1 : i32
        %add3A_521 = arith.addi %mul3A_519, %add3A_520 : i32
        %eq3A_522 = vector.broadcast %add3A_521 : i32 to vector<16xi32>
        %eq3A_523 = arith.cmpi eq, %iota3A_250, %eq3A_522 : vector<16xi32>
        %broadcast_in_dim3A_524 = vector.broadcast %reduce_sum3A_517 : f32 to vector<16xf32>
        %select_n3A_525 = arith.select %eq3A_523, %broadcast_in_dim3A_524, %select_n3A : vector<16xi1>, vector<16xf32>
        %mul3A_526 = arith.constant 16 : i32
        %mul3A_527 = arith.muli %scan3A_338, %mul3A_526 : i32
        %mul3A_528 = arith.constant 8 : i32
        %mul3A_529 = arith.muli %scan3A_363, %mul3A_528 : i32
        %add3A_530 = arith.addi %mul3A_527, %mul3A_529 : i32
        %add3A_531 = arith.constant 2 : i32
        %add3A_532 = arith.addi %add3A_530, %add3A_531 : i32
        %get3A_533 = arith.index_cast %add3A_532 : i32 to index
        %get3A_534 = arith.constant 0 : index
        %get3A_535 = tpu.vector_load %arg11[%get3A_533, %get3A_534] {strides = array<i32>} : memref<128x128xf32, #tpu.memory_space<vmem>>, vector<16xf32>,
        %get3A_536 = arith.index_cast %add3A_532 : i32 to index
        %get3A_537 = arith.constant 0 : index
        %get3A_538 = tpu.vector_load %arg13[%get3A_536, %get3A_537] {strides = array<i32>} : memref<128x128xf32, #tpu.memory_space<vmem>>, vector<16xf32>,
        %mul3A_539 = arith.mulf %get3A_535, %get3A_538 : vector<16xf32>
        %get3A_540 = arith.index_cast %add3A_532 : i32 to index
        %get3A_541 = arith.constant 16 : index
        %get3A_542 = tpu.vector_load %arg11[%get3A_540, %get3A_541] {strides = array<i32>} : memref<128x128xf32, #tpu.memory_space<vmem>>, vector<16xf32>,
        %get3A_543 = arith.index_cast %add3A_532 : i32 to index
        %get3A_544 = arith.constant 16 : index
        %get3A_545 = tpu.vector_load %arg13[%get3A_543, %get3A_544] {strides = array<i32>} : memref<128x128xf32, #tpu.memory_space<vmem>>, vector<16xf32>,
        %mul3A_546 = arith.mulf %get3A_542, %get3A_545 : vector<16xf32>
        %add3A_547 = arith.addf %mul3A_539, %mul3A_546 : vector<16xf32>
        %get3A_548 = arith.index_cast %add3A_532 : i32 to index
        %get3A_549 = arith.constant 32 : index
        %get3A_550 = tpu.vector_load %arg11[%get3A_548, %get3A_549] {strides = array<i32>} : memref<128x128xf32, #tpu.memory_space<vmem>>, vector<16xf32>,
        %get3A_551 = arith.index_cast %add3A_532 : i32 to index
        %get3A_552 = arith.constant 32 : index
        %get3A_553 = tpu.vector_load %arg13[%get3A_551, %get3A_552] {strides = array<i32>} : memref<128x128xf32, #tpu.memory_space<vmem>>, vector<16xf32>,
        %mul3A_554 = arith.mulf %get3A_550, %get3A_553 : vector<16xf32>
        %add3A_555 = arith.addf %add3A_547, %mul3A_554 : vector<16xf32>
        %get3A_556 = arith.index_cast %add3A_532 : i32 to index
        %get3A_557 = arith.constant 48 : index
        %get3A_558 = tpu.vector_load %arg11[%get3A_556, %get3A_557] {strides = array<i32>} : memref<128x128xf32, #tpu.memory_space<vmem>>, vector<16xf32>,
        %get3A_559 = arith.index_cast %add3A_532 : i32 to index
        %get3A_560 = arith.constant 48 : index
        %get3A_561 = tpu.vector_load %arg13[%get3A_559, %get3A_560] {strides = array<i32>} : memref<128x128xf32, #tpu.memory_space<vmem>>, vector<16xf32>,
        %mul3A_562 = arith.mulf %get3A_558, %get3A_561 : vector<16xf32>
        %add3A_563 = arith.addf %add3A_555, %mul3A_562 : vector<16xf32>
        %get3A_564 = arith.index_cast %add3A_532 : i32 to index
        %get3A_565 = arith.constant 64 : index
        %get3A_566 = tpu.vector_load %arg11[%get3A_564, %get3A_565] {strides = array<i32>} : memref<128x128xf32, #tpu.memory_space<vmem>>, vector<16xf32>,
        %get3A_567 = arith.index_cast %add3A_532 : i32 to index
        %get3A_568 = arith.constant 64 : index
        %get3A_569 = tpu.vector_load %arg13[%get3A_567, %get3A_568] {strides = array<i32>} : memref<128x128xf32, #tpu.memory_space<vmem>>, vector<16xf32>,
        %mul3A_570 = arith.mulf %get3A_566, %get3A_569 : vector<16xf32>
        %add3A_571 = arith.addf %add3A_563, %mul3A_570 : vector<16xf32>
        %get3A_572 = arith.index_cast %add3A_532 : i32 to index
        %get3A_573 = arith.constant 80 : index
        %get3A_574 = tpu.vector_load %arg11[%get3A_572, %get3A_573] {strides = array<i32>} : memref<128x128xf32, #tpu.memory_space<vmem>>, vector<16xf32>,
        %get3A_575 = arith.index_cast %add3A_532 : i32 to index
        %get3A_576 = arith.constant 80 : index
        %get3A_577 = tpu.vector_load %arg13[%get3A_575, %get3A_576] {strides = array<i32>} : memref<128x128xf32, #tpu.memory_space<vmem>>, vector<16xf32>,
        %mul3A_578 = arith.mulf %get3A_574, %get3A_577 : vector<16xf32>
        %add3A_579 = arith.addf %add3A_571, %mul3A_578 : vector<16xf32>
        %get3A_580 = arith.index_cast %add3A_532 : i32 to index
        %get3A_581 = arith.constant 96 : index
        %get3A_582 = tpu.vector_load %arg11[%get3A_580, %get3A_581] {strides = array<i32>} : memref<128x128xf32, #tpu.memory_space<vmem>>, vector<16xf32>,
        %get3A_583 = arith.index_cast %add3A_532 : i32 to index
        %get3A_584 = arith.constant 96 : index
        %get3A_585 = tpu.vector_load %arg13[%get3A_583, %get3A_584] {strides = array<i32>} : memref<128x128xf32, #tpu.memory_space<vmem>>, vector<16xf32>,
        %mul3A_586 = arith.mulf %get3A_582, %get3A_585 : vector<16xf32>
        %add3A_587 = arith.addf %add3A_579, %mul3A_586 : vector<16xf32>
        %get3A_588 = arith.index_cast %add3A_532 : i32 to index
        %get3A_589 = arith.constant 112 : index
        %get3A_590 = tpu.vector_load %arg11[%get3A_588, %get3A_589] {strides = array<i32>} : memref<128x128xf32, #tpu.memory_space<vmem>>, vector<16xf32>,
        %get3A_591 = arith.index_cast %add3A_532 : i32 to index
        %get3A_592 = arith.constant 112 : index
        %get3A_593 = tpu.vector_load %arg13[%get3A_591, %get3A_592] {strides = array<i32>} : memref<128x128xf32, #tpu.memory_space<vmem>>, vector<16xf32>,
        %mul3A_594 = arith.mulf %get3A_590, %get3A_593 : vector<16xf32>
        %add3A_595 = arith.addf %add3A_587, %mul3A_594 : vector<16xf32>
        %reduce_sum3A_596 = arith.constant true
        %reduce_sum3A_597 = vector.broadcast %reduce_sum3A_596 : i1 to vector<16xi1>
        %reduce_sum3A_598 = tpu.scan <sum>, %add3A_595 masked %reduce_sum3A_597 : vector<16xf32>, vector<16xi1> -> vector<16xf32>
        %reduce_sum3A_599 = vector.extract %reduce_sum3A_598[15] : f32 from vector<16xf32>
        %mul3A_600 = arith.constant 8 : i32
        %mul3A_601 = arith.muli %scan3A_363, %mul3A_600 : i32
        %add3A_602 = arith.constant 2 : i32
        %add3A_603 = arith.addi %mul3A_601, %add3A_602 : i32
        %eq3A_604 = vector.broadcast %add3A_603 : i32 to vector<16xi32>
        %eq3A_605 = arith.cmpi eq, %iota3A_250, %eq3A_604 : vector<16xi32>
        %broadcast_in_dim3A_606 = vector.broadcast %reduce_sum3A_599 : f32 to vector<16xf32>
        %select_n3A_607 = arith.select %eq3A_605, %broadcast_in_dim3A_606, %select_n3A_525 : vector<16xi1>, vector<16xf32>
        %mul3A_608 = arith.constant 16 : i32
        %mul3A_609 = arith.muli %scan3A_338, %mul3A_608 : i32
        %mul3A_610 = arith.constant 8 : i32
        %mul3A_611 = arith.muli %scan3A_363, %mul3A_610 : i32
        %add3A_612 = arith.addi %mul3A_609, %mul3A_611 : i32
        %add3A_613 = arith.constant 3 : i32
        %add3A_614 = arith.addi %add3A_612, %add3A_613 : i32
        %get3A_615 = arith.index_cast %add3A_614 : i32 to index
        %get3A_616 = arith.constant 0 : index
        %get3A_617 = tpu.vector_load %arg11[%get3A_615, %get3A_616] {strides = array<i32>} : memref<128x128xf32, #tpu.memory_space<vmem>>, vector<16xf32>,
        %get3A_618 = arith.index_cast %add3A_614 : i32 to index
        %get3A_619 = arith.constant 0 : index
        %get3A_620 = tpu.vector_load %arg13[%get3A_618, %get3A_619] {strides = array<i32>} : memref<128x128xf32, #tpu.memory_space<vmem>>, vector<16xf32>,
        %mul3A_621 = arith.mulf %get3A_617, %get3A_620 : vector<16xf32>
        %get3A_622 = arith.index_cast %add3A_614 : i32 to index
        %get3A_623 = arith.constant 16 : index
        %get3A_624 = tpu.vector_load %arg11[%get3A_622, %get3A_623] {strides = array<i32>} : memref<128x128xf32, #tpu.memory_space<vmem>>, vector<16xf32>,
        %get3A_625 = arith.index_cast %add3A_614 : i32 to index
        %get3A_626 = arith.constant 16 : index
        %get3A_627 = tpu.vector_load %arg13[%get3A_625, %get3A_626] {strides = array<i32>} : memref<128x128xf32, #tpu.memory_space<vmem>>, vector<16xf32>,
        %mul3A_628 = arith.mulf %get3A_624, %get3A_627 : vector<16xf32>
        %add3A_629 = arith.addf %mul3A_621, %mul3A_628 : vector<16xf32>
        %get3A_630 = arith.index_cast %add3A_614 : i32 to index
        %get3A_631 = arith.constant 32 : index
        %get3A_632 = tpu.vector_load %arg11[%get3A_630, %get3A_631] {strides = array<i32>} : memref<128x128xf32, #tpu.memory_space<vmem>>, vector<16xf32>,
        %get3A_633 = arith.index_cast %add3A_614 : i32 to index
        %get3A_634 = arith.constant 32 : index
        %get3A_635 = tpu.vector_load %arg13[%get3A_633, %get3A_634] {strides = array<i32>} : memref<128x128xf32, #tpu.memory_space<vmem>>, vector<16xf32>,
        %mul3A_636 = arith.mulf %get3A_632, %get3A_635 : vector<16xf32>
        %add3A_637 = arith.addf %add3A_629, %mul3A_636 : vector<16xf32>
        %get3A_638 = arith.index_cast %add3A_614 : i32 to index
        %get3A_639 = arith.constant 48 : index
        %get3A_640 = tpu.vector_load %arg11[%get3A_638, %get3A_639] {strides = array<i32>} : memref<128x128xf32, #tpu.memory_space<vmem>>, vector<16xf32>,
        %get3A_641 = arith.index_cast %add3A_614 : i32 to index
        %get3A_642 = arith.constant 48 : index
        %get3A_643 = tpu.vector_load %arg13[%get3A_641, %get3A_642] {strides = array<i32>} : memref<128x128xf32, #tpu.memory_space<vmem>>, vector<16xf32>,
        %mul3A_644 = arith.mulf %get3A_640, %get3A_643 : vector<16xf32>
        %add3A_645 = arith.addf %add3A_637, %mul3A_644 : vector<16xf32>
        %get3A_646 = arith.index_cast %add3A_614 : i32 to index
        %get3A_647 = arith.constant 64 : index
        %get3A_648 = tpu.vector_load %arg11[%get3A_646, %get3A_647] {strides = array<i32>} : memref<128x128xf32, #tpu.memory_space<vmem>>, vector<16xf32>,
        %get3A_649 = arith.index_cast %add3A_614 : i32 to index
        %get3A_650 = arith.constant 64 : index
        %get3A_651 = tpu.vector_load %arg13[%get3A_649, %get3A_650] {strides = array<i32>} : memref<128x128xf32, #tpu.memory_space<vmem>>, vector<16xf32>,
        %mul3A_652 = arith.mulf %get3A_648, %get3A_651 : vector<16xf32>
        %add3A_653 = arith.addf %add3A_645, %mul3A_652 : vector<16xf32>
        %get3A_654 = arith.index_cast %add3A_614 : i32 to index
        %get3A_655 = arith.constant 80 : index
        %get3A_656 = tpu.vector_load %arg11[%get3A_654, %get3A_655] {strides = array<i32>} : memref<128x128xf32, #tpu.memory_space<vmem>>, vector<16xf32>,
        %get3A_657 = arith.index_cast %add3A_614 : i32 to index
        %get3A_658 = arith.constant 80 : index
        %get3A_659 = tpu.vector_load %arg13[%get3A_657, %get3A_658] {strides = array<i32>} : memref<128x128xf32, #tpu.memory_space<vmem>>, vector<16xf32>,
        %mul3A_660 = arith.mulf %get3A_656, %get3A_659 : vector<16xf32>
        %add3A_661 = arith.addf %add3A_653, %mul3A_660 : vector<16xf32>
        %get3A_662 = arith.index_cast %add3A_614 : i32 to index
        %get3A_663 = arith.constant 96 : index
        %get3A_664 = tpu.vector_load %arg11[%get3A_662, %get3A_663] {strides = array<i32>} : memref<128x128xf32, #tpu.memory_space<vmem>>, vector<16xf32>,
        %get3A_665 = arith.index_cast %add3A_614 : i32 to index
        %get3A_666 = arith.constant 96 : index
        %get3A_667 = tpu.vector_load %arg13[%get3A_665, %get3A_666] {strides = array<i32>} : memref<128x128xf32, #tpu.memory_space<vmem>>, vector<16xf32>,
        %mul3A_668 = arith.mulf %get3A_664, %get3A_667 : vector<16xf32>
        %add3A_669 = arith.addf %add3A_661, %mul3A_668 : vector<16xf32>
        %get3A_670 = arith.index_cast %add3A_614 : i32 to index
        %get3A_671 = arith.constant 112 : index
        %get3A_672 = tpu.vector_load %arg11[%get3A_670, %get3A_671] {strides = array<i32>} : memref<128x128xf32, #tpu.memory_space<vmem>>, vector<16xf32>,
        %get3A_673 = arith.index_cast %add3A_614 : i32 to index
        %get3A_674 = arith.constant 112 : index
        %get3A_675 = tpu.vector_load %arg13[%get3A_673, %get3A_674] {strides = array<i32>} : memref<128x128xf32, #tpu.memory_space<vmem>>, vector<16xf32>,
        %mul3A_676 = arith.mulf %get3A_672, %get3A_675 : vector<16xf32>
        %add3A_677 = arith.addf %add3A_669, %mul3A_676 : vector<16xf32>
        %reduce_sum3A_678 = arith.constant true
        %reduce_sum3A_679 = vector.broadcast %reduce_sum3A_678 : i1 to vector<16xi1>
        %reduce_sum3A_680 = tpu.scan <sum>, %add3A_677 masked %reduce_sum3A_679 : vector<16xf32>, vector<16xi1> -> vector<16xf32>
        %reduce_sum3A_681 = vector.extract %reduce_sum3A_680[15] : f32 from vector<16xf32>
        %mul3A_682 = arith.constant 8 : i32
        %mul3A_683 = arith.muli %scan3A_363, %mul3A_682 : i32
        %add3A_684 = arith.constant 3 : i32
        %add3A_685 = arith.addi %mul3A_683, %add3A_684 : i32
        %eq3A_686 = vector.broadcast %add3A_685 : i32 to vector<16xi32>
        %eq3A_687 = arith.cmpi eq, %iota3A_250, %eq3A_686 : vector<16xi32>
        %broadcast_in_dim3A_688 = vector.broadcast %reduce_sum3A_681 : f32 to vector<16xf32>
        %select_n3A_689 = arith.select %eq3A_687, %broadcast_in_dim3A_688, %select_n3A_607 : vector<16xi1>, vector<16xf32>
        %mul3A_690 = arith.constant 16 : i32
        %mul3A_691 = arith.muli %scan3A_338, %mul3A_690 : i32
        %mul3A_692 = arith.constant 8 : i32
        %mul3A_693 = arith.muli %scan3A_363, %mul3A_692 : i32
        %add3A_694 = arith.addi %mul3A_691, %mul3A_693 : i32
        %add3A_695 = arith.constant 4 : i32
        %add3A_696 = arith.addi %add3A_694, %add3A_695 : i32
        %get3A_697 = arith.index_cast %add3A_696 : i32 to index
        %get3A_698 = arith.constant 0 : index
        %get3A_699 = tpu.vector_load %arg11[%get3A_697, %get3A_698] {strides = array<i32>} : memref<128x128xf32, #tpu.memory_space<vmem>>, vector<16xf32>,
        %get3A_700 = arith.index_cast %add3A_696 : i32 to index
        %get3A_701 = arith.constant 0 : index
        %get3A_702 = tpu.vector_load %arg13[%get3A_700, %get3A_701] {strides = array<i32>} : memref<128x128xf32, #tpu.memory_space<vmem>>, vector<16xf32>,
        %mul3A_703 = arith.mulf %get3A_699, %get3A_702 : vector<16xf32>
        %get3A_704 = arith.index_cast %add3A_696 : i32 to index
        %get3A_705 = arith.constant 16 : index
        %get3A_706 = tpu.vector_load %arg11[%get3A_704, %get3A_705] {strides = array<i32>} : memref<128x128xf32, #tpu.memory_space<vmem>>, vector<16xf32>,
        %get3A_707 = arith.index_cast %add3A_696 : i32 to index
        %get3A_708 = arith.constant 16 : index
        %get3A_709 = tpu.vector_load %arg13[%get3A_707, %get3A_708] {strides = array<i32>} : memref<128x128xf32, #tpu.memory_space<vmem>>, vector<16xf32>,
        %mul3A_710 = arith.mulf %get3A_706, %get3A_709 : vector<16xf32>
        %add3A_711 = arith.addf %mul3A_703, %mul3A_710 : vector<16xf32>
        %get3A_712 = arith.index_cast %add3A_696 : i32 to index
        %get3A_713 = arith.constant 32 : index
        %get3A_714 = tpu.vector_load %arg11[%get3A_712, %get3A_713] {strides = array<i32>} : memref<128x128xf32, #tpu.memory_space<vmem>>, vector<16xf32>,
        %get3A_715 = arith.index_cast %add3A_696 : i32 to index
        %get3A_716 = arith.constant 32 : index
        %get3A_717 = tpu.vector_load %arg13[%get3A_715, %get3A_716] {strides = array<i32>} : memref<128x128xf32, #tpu.memory_space<vmem>>, vector<16xf32>,
        %mul3A_718 = arith.mulf %get3A_714, %get3A_717 : vector<16xf32>
        %add3A_719 = arith.addf %add3A_711, %mul3A_718 : vector<16xf32>
        %get3A_720 = arith.index_cast %add3A_696 : i32 to index
        %get3A_721 = arith.constant 48 : index
        %get3A_722 = tpu.vector_load %arg11[%get3A_720, %get3A_721] {strides = array<i32>} : memref<128x128xf32, #tpu.memory_space<vmem>>, vector<16xf32>,
        %get3A_723 = arith.index_cast %add3A_696 : i32 to index
        %get3A_724 = arith.constant 48 : index
        %get3A_725 = tpu.vector_load %arg13[%get3A_723, %get3A_724] {strides = array<i32>} : memref<128x128xf32, #tpu.memory_space<vmem>>, vector<16xf32>,
        %mul3A_726 = arith.mulf %get3A_722, %get3A_725 : vector<16xf32>
        %add3A_727 = arith.addf %add3A_719, %mul3A_726 : vector<16xf32>
        %get3A_728 = arith.index_cast %add3A_696 : i32 to index
        %get3A_729 = arith.constant 64 : index
        %get3A_730 = tpu.vector_load %arg11[%get3A_728, %get3A_729] {strides = array<i32>} : memref<128x128xf32, #tpu.memory_space<vmem>>, vector<16xf32>,
        %get3A_731 = arith.index_cast %add3A_696 : i32 to index
        %get3A_732 = arith.constant 64 : index
        %get3A_733 = tpu.vector_load %arg13[%get3A_731, %get3A_732] {strides = array<i32>} : memref<128x128xf32, #tpu.memory_space<vmem>>, vector<16xf32>,
        %mul3A_734 = arith.mulf %get3A_730, %get3A_733 : vector<16xf32>
        %add3A_735 = arith.addf %add3A_727, %mul3A_734 : vector<16xf32>
        %get3A_736 = arith.index_cast %add3A_696 : i32 to index
        %get3A_737 = arith.constant 80 : index
        %get3A_738 = tpu.vector_load %arg11[%get3A_736, %get3A_737] {strides = array<i32>} : memref<128x128xf32, #tpu.memory_space<vmem>>, vector<16xf32>,
        %get3A_739 = arith.index_cast %add3A_696 : i32 to index
        %get3A_740 = arith.constant 80 : index
        %get3A_741 = tpu.vector_load %arg13[%get3A_739, %get3A_740] {strides = array<i32>} : memref<128x128xf32, #tpu.memory_space<vmem>>, vector<16xf32>,
        %mul3A_742 = arith.mulf %get3A_738, %get3A_741 : vector<16xf32>
        %add3A_743 = arith.addf %add3A_735, %mul3A_742 : vector<16xf32>
        %get3A_744 = arith.index_cast %add3A_696 : i32 to index
        %get3A_745 = arith.constant 96 : index
        %get3A_746 = tpu.vector_load %arg11[%get3A_744, %get3A_745] {strides = array<i32>} : memref<128x128xf32, #tpu.memory_space<vmem>>, vector<16xf32>,
        %get3A_747 = arith.index_cast %add3A_696 : i32 to index
        %get3A_748 = arith.constant 96 : index
        %get3A_749 = tpu.vector_load %arg13[%get3A_747, %get3A_748] {strides = array<i32>} : memref<128x128xf32, #tpu.memory_space<vmem>>, vector<16xf32>,
        %mul3A_750 = arith.mulf %get3A_746, %get3A_749 : vector<16xf32>
        %add3A_751 = arith.addf %add3A_743, %mul3A_750 : vector<16xf32>
        %get3A_752 = arith.index_cast %add3A_696 : i32 to index
        %get3A_753 = arith.constant 112 : index
        %get3A_754 = tpu.vector_load %arg11[%get3A_752, %get3A_753] {strides = array<i32>} : memref<128x128xf32, #tpu.memory_space<vmem>>, vector<16xf32>,
        %get3A_755 = arith.index_cast %add3A_696 : i32 to index
        %get3A_756 = arith.constant 112 : index
        %get3A_757 = tpu.vector_load %arg13[%get3A_755, %get3A_756] {strides = array<i32>} : memref<128x128xf32, #tpu.memory_space<vmem>>, vector<16xf32>,
        %mul3A_758 = arith.mulf %get3A_754, %get3A_757 : vector<16xf32>
        %add3A_759 = arith.addf %add3A_751, %mul3A_758 : vector<16xf32>
        %reduce_sum3A_760 = arith.constant true
        %reduce_sum3A_761 = vector.broadcast %reduce_sum3A_760 : i1 to vector<16xi1>
        %reduce_sum3A_762 = tpu.scan <sum>, %add3A_759 masked %reduce_sum3A_761 : vector<16xf32>, vector<16xi1> -> vector<16xf32>
        %reduce_sum3A_763 = vector.extract %reduce_sum3A_762[15] : f32 from vector<16xf32>
        %mul3A_764 = arith.constant 8 : i32
        %mul3A_765 = arith.muli %scan3A_363, %mul3A_764 : i32
        %add3A_766 = arith.constant 4 : i32
        %add3A_767 = arith.addi %mul3A_765, %add3A_766 : i32
        %eq3A_768 = vector.broadcast %add3A_767 : i32 to vector<16xi32>
        %eq3A_769 = arith.cmpi eq, %iota3A_250, %eq3A_768 : vector<16xi32>
        %broadcast_in_dim3A_770 = vector.broadcast %reduce_sum3A_763 : f32 to vector<16xf32>
        %select_n3A_771 = arith.select %eq3A_769, %broadcast_in_dim3A_770, %select_n3A_689 : vector<16xi1>, vector<16xf32>
        %mul3A_772 = arith.constant 16 : i32
        %mul3A_773 = arith.muli %scan3A_338, %mul3A_772 : i32
        %mul3A_774 = arith.constant 8 : i32
        %mul3A_775 = arith.muli %scan3A_363, %mul3A_774 : i32
        %add3A_776 = arith.addi %mul3A_773, %mul3A_775 : i32
        %add3A_777 = arith.constant 5 : i32
        %add3A_778 = arith.addi %add3A_776, %add3A_777 : i32
        %get3A_779 = arith.index_cast %add3A_778 : i32 to index
        %get3A_780 = arith.constant 0 : index
        %get3A_781 = tpu.vector_load %arg11[%get3A_779, %get3A_780] {strides = array<i32>} : memref<128x128xf32, #tpu.memory_space<vmem>>, vector<16xf32>,
        %get3A_782 = arith.index_cast %add3A_778 : i32 to index
        %get3A_783 = arith.constant 0 : index
        %get3A_784 = tpu.vector_load %arg13[%get3A_782, %get3A_783] {strides = array<i32>} : memref<128x128xf32, #tpu.memory_space<vmem>>, vector<16xf32>,
        %mul3A_785 = arith.mulf %get3A_781, %get3A_784 : vector<16xf32>
        %get3A_786 = arith.index_cast %add3A_778 : i32 to index
        %get3A_787 = arith.constant 16 : index
        %get3A_788 = tpu.vector_load %arg11[%get3A_786, %get3A_787] {strides = array<i32>} : memref<128x128xf32, #tpu.memory_space<vmem>>, vector<16xf32>,
        %get3A_789 = arith.index_cast %add3A_778 : i32 to index
        %get3A_790 = arith.constant 16 : index
        %get3A_791 = tpu.vector_load %arg13[%get3A_789, %get3A_790] {strides = array<i32>} : memref<128x128xf32, #tpu.memory_space<vmem>>, vector<16xf32>,
        %mul3A_792 = arith.mulf %get3A_788, %get3A_791 : vector<16xf32>
        %add3A_793 = arith.addf %mul3A_785, %mul3A_792 : vector<16xf32>
        %get3A_794 = arith.index_cast %add3A_778 : i32 to index
        %get3A_795 = arith.constant 32 : index
        %get3A_796 = tpu.vector_load %arg11[%get3A_794, %get3A_795] {strides = array<i32>} : memref<128x128xf32, #tpu.memory_space<vmem>>, vector<16xf32>,
        %get3A_797 = arith.index_cast %add3A_778 : i32 to index
        %get3A_798 = arith.constant 32 : index
        %get3A_799 = tpu.vector_load %arg13[%get3A_797, %get3A_798] {strides = array<i32>} : memref<128x128xf32, #tpu.memory_space<vmem>>, vector<16xf32>,
        %mul3A_800 = arith.mulf %get3A_796, %get3A_799 : vector<16xf32>
        %add3A_801 = arith.addf %add3A_793, %mul3A_800 : vector<16xf32>
        %get3A_802 = arith.index_cast %add3A_778 : i32 to index
        %get3A_803 = arith.constant 48 : index
        %get3A_804 = tpu.vector_load %arg11[%get3A_802, %get3A_803] {strides = array<i32>} : memref<128x128xf32, #tpu.memory_space<vmem>>, vector<16xf32>,
        %get3A_805 = arith.index_cast %add3A_778 : i32 to index
        %get3A_806 = arith.constant 48 : index
        %get3A_807 = tpu.vector_load %arg13[%get3A_805, %get3A_806] {strides = array<i32>} : memref<128x128xf32, #tpu.memory_space<vmem>>, vector<16xf32>,
        %mul3A_808 = arith.mulf %get3A_804, %get3A_807 : vector<16xf32>
        %add3A_809 = arith.addf %add3A_801, %mul3A_808 : vector<16xf32>
        %get3A_810 = arith.index_cast %add3A_778 : i32 to index
        %get3A_811 = arith.constant 64 : index
        %get3A_812 = tpu.vector_load %arg11[%get3A_810, %get3A_811] {strides = array<i32>} : memref<128x128xf32, #tpu.memory_space<vmem>>, vector<16xf32>,
        %get3A_813 = arith.index_cast %add3A_778 : i32 to index
        %get3A_814 = arith.constant 64 : index
        %get3A_815 = tpu.vector_load %arg13[%get3A_813, %get3A_814] {strides = array<i32>} : memref<128x128xf32, #tpu.memory_space<vmem>>, vector<16xf32>,
        %mul3A_816 = arith.mulf %get3A_812, %get3A_815 : vector<16xf32>
        %add3A_817 = arith.addf %add3A_809, %mul3A_816 : vector<16xf32>
        %get3A_818 = arith.index_cast %add3A_778 : i32 to index
        %get3A_819 = arith.constant 80 : index
        %get3A_820 = tpu.vector_load %arg11[%get3A_818, %get3A_819] {strides = array<i32>} : memref<128x128xf32, #tpu.memory_space<vmem>>, vector<16xf32>,
        %get3A_821 = arith.index_cast %add3A_778 : i32 to index
        %get3A_822 = arith.constant 80 : index
        %get3A_823 = tpu.vector_load %arg13[%get3A_821, %get3A_822] {strides = array<i32>} : memref<128x128xf32, #tpu.memory_space<vmem>>, vector<16xf32>,
        %mul3A_824 = arith.mulf %get3A_820, %get3A_823 : vector<16xf32>
        %add3A_825 = arith.addf %add3A_817, %mul3A_824 : vector<16xf32>
        %get3A_826 = arith.index_cast %add3A_778 : i32 to index
        %get3A_827 = arith.constant 96 : index
        %get3A_828 = tpu.vector_load %arg11[%get3A_826, %get3A_827] {strides = array<i32>} : memref<128x128xf32, #tpu.memory_space<vmem>>, vector<16xf32>,
        %get3A_829 = arith.index_cast %add3A_778 : i32 to index
        %get3A_830 = arith.constant 96 : index
        %get3A_831 = tpu.vector_load %arg13[%get3A_829, %get3A_830] {strides = array<i32>} : memref<128x128xf32, #tpu.memory_space<vmem>>, vector<16xf32>,
        %mul3A_832 = arith.mulf %get3A_828, %get3A_831 : vector<16xf32>
        %add3A_833 = arith.addf %add3A_825, %mul3A_832 : vector<16xf32>
        %get3A_834 = arith.index_cast %add3A_778 : i32 to index
        %get3A_835 = arith.constant 112 : index
        %get3A_836 = tpu.vector_load %arg11[%get3A_834, %get3A_835] {strides = array<i32>} : memref<128x128xf32, #tpu.memory_space<vmem>>, vector<16xf32>,
        %get3A_837 = arith.index_cast %add3A_778 : i32 to index
        %get3A_838 = arith.constant 112 : index
        %get3A_839 = tpu.vector_load %arg13[%get3A_837, %get3A_838] {strides = array<i32>} : memref<128x128xf32, #tpu.memory_space<vmem>>, vector<16xf32>,
        %mul3A_840 = arith.mulf %get3A_836, %get3A_839 : vector<16xf32>
        %add3A_841 = arith.addf %add3A_833, %mul3A_840 : vector<16xf32>
        %reduce_sum3A_842 = arith.constant true
        %reduce_sum3A_843 = vector.broadcast %reduce_sum3A_842 : i1 to vector<16xi1>
        %reduce_sum3A_844 = tpu.scan <sum>, %add3A_841 masked %reduce_sum3A_843 : vector<16xf32>, vector<16xi1> -> vector<16xf32>
        %reduce_sum3A_845 = vector.extract %reduce_sum3A_844[15] : f32 from vector<16xf32>
        %mul3A_846 = arith.constant 8 : i32
        %mul3A_847 = arith.muli %scan3A_363, %mul3A_846 : i32
        %add3A_848 = arith.constant 5 : i32
        %add3A_849 = arith.addi %mul3A_847, %add3A_848 : i32
        %eq3A_850 = vector.broadcast %add3A_849 : i32 to vector<16xi32>
        %eq3A_851 = arith.cmpi eq, %iota3A_250, %eq3A_850 : vector<16xi32>
        %broadcast_in_dim3A_852 = vector.broadcast %reduce_sum3A_845 : f32 to vector<16xf32>
        %select_n3A_853 = arith.select %eq3A_851, %broadcast_in_dim3A_852, %select_n3A_771 : vector<16xi1>, vector<16xf32>
        %mul3A_854 = arith.constant 16 : i32
        %mul3A_855 = arith.muli %scan3A_338, %mul3A_854 : i32
        %mul3A_856 = arith.constant 8 : i32
        %mul3A_857 = arith.muli %scan3A_363, %mul3A_856 : i32
        %add3A_858 = arith.addi %mul3A_855, %mul3A_857 : i32
        %add3A_859 = arith.constant 6 : i32
        %add3A_860 = arith.addi %add3A_858, %add3A_859 : i32
        %get3A_861 = arith.index_cast %add3A_860 : i32 to index
        %get3A_862 = arith.constant 0 : index
        %get3A_863 = tpu.vector_load %arg11[%get3A_861, %get3A_862] {strides = array<i32>} : memref<128x128xf32, #tpu.memory_space<vmem>>, vector<16xf32>,
        %get3A_864 = arith.index_cast %add3A_860 : i32 to index
        %get3A_865 = arith.constant 0 : index
        %get3A_866 = tpu.vector_load %arg13[%get3A_864, %get3A_865] {strides = array<i32>} : memref<128x128xf32, #tpu.memory_space<vmem>>, vector<16xf32>,
        %mul3A_867 = arith.mulf %get3A_863, %get3A_866 : vector<16xf32>
        %get3A_868 = arith.index_cast %add3A_860 : i32 to index
        %get3A_869 = arith.constant 16 : index
        %get3A_870 = tpu.vector_load %arg11[%get3A_868, %get3A_869] {strides = array<i32>} : memref<128x128xf32, #tpu.memory_space<vmem>>, vector<16xf32>,
        %get3A_871 = arith.index_cast %add3A_860 : i32 to index
        %get3A_872 = arith.constant 16 : index
        %get3A_873 = tpu.vector_load %arg13[%get3A_871, %get3A_872] {strides = array<i32>} : memref<128x128xf32, #tpu.memory_space<vmem>>, vector<16xf32>,
        %mul3A_874 = arith.mulf %get3A_870, %get3A_873 : vector<16xf32>
        %add3A_875 = arith.addf %mul3A_867, %mul3A_874 : vector<16xf32>
        %get3A_876 = arith.index_cast %add3A_860 : i32 to index
        %get3A_877 = arith.constant 32 : index
        %get3A_878 = tpu.vector_load %arg11[%get3A_876, %get3A_877] {strides = array<i32>} : memref<128x128xf32, #tpu.memory_space<vmem>>, vector<16xf32>,
        %get3A_879 = arith.index_cast %add3A_860 : i32 to index
        %get3A_880 = arith.constant 32 : index
        %get3A_881 = tpu.vector_load %arg13[%get3A_879, %get3A_880] {strides = array<i32>} : memref<128x128xf32, #tpu.memory_space<vmem>>, vector<16xf32>,
        %mul3A_882 = arith.mulf %get3A_878, %get3A_881 : vector<16xf32>
        %add3A_883 = arith.addf %add3A_875, %mul3A_882 : vector<16xf32>
        %get3A_884 = arith.index_cast %add3A_860 : i32 to index
        %get3A_885 = arith.constant 48 : index
        %get3A_886 = tpu.vector_load %arg11[%get3A_884, %get3A_885] {strides = array<i32>} : memref<128x128xf32, #tpu.memory_space<vmem>>, vector<16xf32>,
        %get3A_887 = arith.index_cast %add3A_860 : i32 to index
        %get3A_888 = arith.constant 48 : index
        %get3A_889 = tpu.vector_load %arg13[%get3A_887, %get3A_888] {strides = array<i32>} : memref<128x128xf32, #tpu.memory_space<vmem>>, vector<16xf32>,
        %mul3A_890 = arith.mulf %get3A_886, %get3A_889 : vector<16xf32>
        %add3A_891 = arith.addf %add3A_883, %mul3A_890 : vector<16xf32>
        %get3A_892 = arith.index_cast %add3A_860 : i32 to index
        %get3A_893 = arith.constant 64 : index
        %get3A_894 = tpu.vector_load %arg11[%get3A_892, %get3A_893] {strides = array<i32>} : memref<128x128xf32, #tpu.memory_space<vmem>>, vector<16xf32>,
        %get3A_895 = arith.index_cast %add3A_860 : i32 to index
        %get3A_896 = arith.constant 64 : index
        %get3A_897 = tpu.vector_load %arg13[%get3A_895, %get3A_896] {strides = array<i32>} : memref<128x128xf32, #tpu.memory_space<vmem>>, vector<16xf32>,
        %mul3A_898 = arith.mulf %get3A_894, %get3A_897 : vector<16xf32>
        %add3A_899 = arith.addf %add3A_891, %mul3A_898 : vector<16xf32>
        %get3A_900 = arith.index_cast %add3A_860 : i32 to index
        %get3A_901 = arith.constant 80 : index
        %get3A_902 = tpu.vector_load %arg11[%get3A_900, %get3A_901] {strides = array<i32>} : memref<128x128xf32, #tpu.memory_space<vmem>>, vector<16xf32>,
        %get3A_903 = arith.index_cast %add3A_860 : i32 to index
        %get3A_904 = arith.constant 80 : index
        %get3A_905 = tpu.vector_load %arg13[%get3A_903, %get3A_904] {strides = array<i32>} : memref<128x128xf32, #tpu.memory_space<vmem>>, vector<16xf32>,
        %mul3A_906 = arith.mulf %get3A_902, %get3A_905 : vector<16xf32>
        %add3A_907 = arith.addf %add3A_899, %mul3A_906 : vector<16xf32>
        %get3A_908 = arith.index_cast %add3A_860 : i32 to index
        %get3A_909 = arith.constant 96 : index
        %get3A_910 = tpu.vector_load %arg11[%get3A_908, %get3A_909] {strides = array<i32>} : memref<128x128xf32, #tpu.memory_space<vmem>>, vector<16xf32>,
        %get3A_911 = arith.index_cast %add3A_860 : i32 to index
        %get3A_912 = arith.constant 96 : index
        %get3A_913 = tpu.vector_load %arg13[%get3A_911, %get3A_912] {strides = array<i32>} : memref<128x128xf32, #tpu.memory_space<vmem>>, vector<16xf32>,
        %mul3A_914 = arith.mulf %get3A_910, %get3A_913 : vector<16xf32>
        %add3A_915 = arith.addf %add3A_907, %mul3A_914 : vector<16xf32>
        %get3A_916 = arith.index_cast %add3A_860 : i32 to index
        %get3A_917 = arith.constant 112 : index
        %get3A_918 = tpu.vector_load %arg11[%get3A_916, %get3A_917] {strides = array<i32>} : memref<128x128xf32, #tpu.memory_space<vmem>>, vector<16xf32>,
        %get3A_919 = arith.index_cast %add3A_860 : i32 to index
        %get3A_920 = arith.constant 112 : index
        %get3A_921 = tpu.vector_load %arg13[%get3A_919, %get3A_920] {strides = array<i32>} : memref<128x128xf32, #tpu.memory_space<vmem>>, vector<16xf32>,
        %mul3A_922 = arith.mulf %get3A_918, %get3A_921 : vector<16xf32>
        %add3A_923 = arith.addf %add3A_915, %mul3A_922 : vector<16xf32>
        %reduce_sum3A_924 = arith.constant true
        %reduce_sum3A_925 = vector.broadcast %reduce_sum3A_924 : i1 to vector<16xi1>
        %reduce_sum3A_926 = tpu.scan <sum>, %add3A_923 masked %reduce_sum3A_925 : vector<16xf32>, vector<16xi1> -> vector<16xf32>
        %reduce_sum3A_927 = vector.extract %reduce_sum3A_926[15] : f32 from vector<16xf32>
        %mul3A_928 = arith.constant 8 : i32
        %mul3A_929 = arith.muli %scan3A_363, %mul3A_928 : i32
        %add3A_930 = arith.constant 6 : i32
        %add3A_931 = arith.addi %mul3A_929, %add3A_930 : i32
        %eq3A_932 = vector.broadcast %add3A_931 : i32 to vector<16xi32>
        %eq3A_933 = arith.cmpi eq, %iota3A_250, %eq3A_932 : vector<16xi32>
        %broadcast_in_dim3A_934 = vector.broadcast %reduce_sum3A_927 : f32 to vector<16xf32>
        %select_n3A_935 = arith.select %eq3A_933, %broadcast_in_dim3A_934, %select_n3A_853 : vector<16xi1>, vector<16xf32>
        %mul3A_936 = arith.constant 16 : i32
        %mul3A_937 = arith.muli %scan3A_338, %mul3A_936 : i32
        %mul3A_938 = arith.constant 8 : i32
        %mul3A_939 = arith.muli %scan3A_363, %mul3A_938 : i32
        %add3A_940 = arith.addi %mul3A_937, %mul3A_939 : i32
        %add3A_941 = arith.constant 7 : i32
        %add3A_942 = arith.addi %add3A_940, %add3A_941 : i32
        %get3A_943 = arith.index_cast %add3A_942 : i32 to index
        %get3A_944 = arith.constant 0 : index
        %get3A_945 = tpu.vector_load %arg11[%get3A_943, %get3A_944] {strides = array<i32>} : memref<128x128xf32, #tpu.memory_space<vmem>>, vector<16xf32>,
        %get3A_946 = arith.index_cast %add3A_942 : i32 to index
        %get3A_947 = arith.constant 0 : index
        %get3A_948 = tpu.vector_load %arg13[%get3A_946, %get3A_947] {strides = array<i32>} : memref<128x128xf32, #tpu.memory_space<vmem>>, vector<16xf32>,
        %mul3A_949 = arith.mulf %get3A_945, %get3A_948 : vector<16xf32>
        %get3A_950 = arith.index_cast %add3A_942 : i32 to index
        %get3A_951 = arith.constant 16 : index
        %get3A_952 = tpu.vector_load %arg11[%get3A_950, %get3A_951] {strides = array<i32>} : memref<128x128xf32, #tpu.memory_space<vmem>>, vector<16xf32>,
        %get3A_953 = arith.index_cast %add3A_942 : i32 to index
        %get3A_954 = arith.constant 16 : index
        %get3A_955 = tpu.vector_load %arg13[%get3A_953, %get3A_954] {strides = array<i32>} : memref<128x128xf32, #tpu.memory_space<vmem>>, vector<16xf32>,
        %mul3A_956 = arith.mulf %get3A_952, %get3A_955 : vector<16xf32>
        %add3A_957 = arith.addf %mul3A_949, %mul3A_956 : vector<16xf32>
        %get3A_958 = arith.index_cast %add3A_942 : i32 to index
        %get3A_959 = arith.constant 32 : index
        %get3A_960 = tpu.vector_load %arg11[%get3A_958, %get3A_959] {strides = array<i32>} : memref<128x128xf32, #tpu.memory_space<vmem>>, vector<16xf32>,
        %get3A_961 = arith.index_cast %add3A_942 : i32 to index
        %get3A_962 = arith.constant 32 : index
        %get3A_963 = tpu.vector_load %arg13[%get3A_961, %get3A_962] {strides = array<i32>} : memref<128x128xf32, #tpu.memory_space<vmem>>, vector<16xf32>,
        %mul3A_964 = arith.mulf %get3A_960, %get3A_963 : vector<16xf32>
        %add3A_965 = arith.addf %add3A_957, %mul3A_964 : vector<16xf32>
        %get3A_966 = arith.index_cast %add3A_942 : i32 to index
        %get3A_967 = arith.constant 48 : index
        %get3A_968 = tpu.vector_load %arg11[%get3A_966, %get3A_967] {strides = array<i32>} : memref<128x128xf32, #tpu.memory_space<vmem>>, vector<16xf32>,
        %get3A_969 = arith.index_cast %add3A_942 : i32 to index
        %get3A_970 = arith.constant 48 : index
        %get3A_971 = tpu.vector_load %arg13[%get3A_969, %get3A_970] {strides = array<i32>} : memref<128x128xf32, #tpu.memory_space<vmem>>, vector<16xf32>,
        %mul3A_972 = arith.mulf %get3A_968, %get3A_971 : vector<16xf32>
        %add3A_973 = arith.addf %add3A_965, %mul3A_972 : vector<16xf32>
        %get3A_974 = arith.index_cast %add3A_942 : i32 to index
        %get3A_975 = arith.constant 64 : index
        %get3A_976 = tpu.vector_load %arg11[%get3A_974, %get3A_975] {strides = array<i32>} : memref<128x128xf32, #tpu.memory_space<vmem>>, vector<16xf32>,
        %get3A_977 = arith.index_cast %add3A_942 : i32 to index
        %get3A_978 = arith.constant 64 : index
        %get3A_979 = tpu.vector_load %arg13[%get3A_977, %get3A_978] {strides = array<i32>} : memref<128x128xf32, #tpu.memory_space<vmem>>, vector<16xf32>,
        %mul3A_980 = arith.mulf %get3A_976, %get3A_979 : vector<16xf32>
        %add3A_981 = arith.addf %add3A_973, %mul3A_980 : vector<16xf32>
        %get3A_982 = arith.index_cast %add3A_942 : i32 to index
        %get3A_983 = arith.constant 80 : index
        %get3A_984 = tpu.vector_load %arg11[%get3A_982, %get3A_983] {strides = array<i32>} : memref<128x128xf32, #tpu.memory_space<vmem>>, vector<16xf32>,
        %get3A_985 = arith.index_cast %add3A_942 : i32 to index
        %get3A_986 = arith.constant 80 : index
        %get3A_987 = tpu.vector_load %arg13[%get3A_985, %get3A_986] {strides = array<i32>} : memref<128x128xf32, #tpu.memory_space<vmem>>, vector<16xf32>,
        %mul3A_988 = arith.mulf %get3A_984, %get3A_987 : vector<16xf32>
        %add3A_989 = arith.addf %add3A_981, %mul3A_988 : vector<16xf32>
        %get3A_990 = arith.index_cast %add3A_942 : i32 to index
        %get3A_991 = arith.constant 96 : index
        %get3A_992 = tpu.vector_load %arg11[%get3A_990, %get3A_991] {strides = array<i32>} : memref<128x128xf32, #tpu.memory_space<vmem>>, vector<16xf32>,
        %get3A_993 = arith.index_cast %add3A_942 : i32 to index
        %get3A_994 = arith.constant 96 : index
        %get3A_995 = tpu.vector_load %arg13[%get3A_993, %get3A_994] {strides = array<i32>} : memref<128x128xf32, #tpu.memory_space<vmem>>, vector<16xf32>,
        %mul3A_996 = arith.mulf %get3A_992, %get3A_995 : vector<16xf32>
        %add3A_997 = arith.addf %add3A_989, %mul3A_996 : vector<16xf32>
        %get3A_998 = arith.index_cast %add3A_942 : i32 to index
        %get3A_999 = arith.constant 112 : index
        %get3A_1000 = tpu.vector_load %arg11[%get3A_998, %get3A_999] {strides = array<i32>} : memref<128x128xf32, #tpu.memory_space<vmem>>, vector<16xf32>,
        %get3A_1001 = arith.index_cast %add3A_942 : i32 to index
        %get3A_1002 = arith.constant 112 : index
        %get3A_1003 = tpu.vector_load %arg13[%get3A_1001, %get3A_1002] {strides = array<i32>} : memref<128x128xf32, #tpu.memory_space<vmem>>, vector<16xf32>,
        %mul3A_1004 = arith.mulf %get3A_1000, %get3A_1003 : vector<16xf32>
        %add3A_1005 = arith.addf %add3A_997, %mul3A_1004 : vector<16xf32>
        %reduce_sum3A_1006 = arith.constant true
        %reduce_sum3A_1007 = vector.broadcast %reduce_sum3A_1006 : i1 to vector<16xi1>
        %reduce_sum3A_1008 = tpu.scan <sum>, %add3A_1005 masked %reduce_sum3A_1007 : vector<16xf32>, vector<16xi1> -> vector<16xf32>
        %reduce_sum3A_1009 = vector.extract %reduce_sum3A_1008[15] : f32 from vector<16xf32>
        %mul3A_1010 = arith.constant 8 : i32
        %mul3A_1011 = arith.muli %scan3A_363, %mul3A_1010 : i32
        %add3A_1012 = arith.constant 7 : i32
        %add3A_1013 = arith.addi %mul3A_1011, %add3A_1012 : i32
        %eq3A_1014 = vector.broadcast %add3A_1013 : i32 to vector<16xi32>
        %eq3A_1015 = arith.cmpi eq, %iota3A_250, %eq3A_1014 : vector<16xi32>
        %broadcast_in_dim3A_1016 = vector.broadcast %reduce_sum3A_1009 : f32 to vector<16xf32>
        %select_n3A_1017 = arith.select %eq3A_1015, %broadcast_in_dim3A_1016, %select_n3A_935 : vector<16xi1>, vector<16xf32>
        scf.yield %select_n3A_1017 : vector<16xf32>
      }
      %scan3A_345 = arith.constant 2 : i32
      %mul3A_346 = arith.constant 16 : i32
      %mul3A_347 = arith.muli %scan3A_338, %mul3A_346 : i32
      %add3A_348 = arith.constant 256 : i32
      %add3A_349 = arith.addi %add3A_348, %mul3A_347 : i32
      %get3A = arith.index_cast %add3A_349 : i32 to index
      %get3A_350 = tpu.vector_load %arg15[%get3A] {strides = array<i32>} : memref<512xf32, #tpu.memory_space<vmem>>, vector<16xf32>,
      %add3A_351 = arith.addf %scan3A_344, %get3A_350 : vector<16xf32>
      %get3A_352 = arith.index_cast %add3A_349 : i32 to index
      %get3A_353 = tpu.vector_load %arg16[%get3A_352] {strides = array<i32>} : memref<512xf32, #tpu.memory_space<vmem>>, vector<16xf32>,
      %add3A_354 = arith.addf %add3A_351, %get3A_353 : vector<16xf32>
      %neg3A = arith.constant 0.000000e+00 : f32
      %neg3A_355 = vector.broadcast %neg3A : f32 to vector<16xf32>
      %neg3A_356 = arith.subf %neg3A_355, %add3A_354 : vector<16xf32>
      %exp3A = math.exp %neg3A_356 : vector<16xf32>
      %add3A_357 = arith.constant 1.000000e+00 : f32
      %add3A_358 = vector.broadcast %add3A_357 : f32 to vector<16xf32>
      %add3A_359 = arith.addf %add3A_358, %exp3A : vector<16xf32>
      %div3A = arith.constant 5.000000e+00 : f32
      %div3A_360 = vector.broadcast %div3A : f32 to vector<16xf32>
      %div3A_361 = arith.divf %div3A_360, %add3A_359 : vector<16xf32>
      %swap3A = arith.index_cast %add3A_349 : i32 to index
      %swap3A_362 = tpu.vector_load %arg17[%swap3A] {strides = array<i32>} : memref<512xf32, #tpu.memory_space<vmem>>, vector<16xf32>,
      tpu.vector_store %arg17[%swap3A], %div3A_361 {strides = array<i32>} : memref<512xf32, #tpu.memory_space<vmem>>, vector<16xf32>,
    }
    %scan3A_256 = arith.constant 8 : i32
    %add3A_257 = arith.constant 256 : i32
    %add3A_258 = arith.addi %mul3A_2, %add3A_257 : i32
    %dma_start3A_259 = arith.constant 2 : i32
    %dma_start3A_260 = arith.constant 256 : i32
    %dma_start3A_261 = tpu.memref_slice %arg17[%dma_start3A_260] : memref<512xf32, #tpu.memory_space<vmem>> -> memref<128xf32, #tpu.memory_space<vmem>>
    %dma_start3A_262 = tpu.memref_slice %arg8[%add3A_258] : memref<16384xf32, #tpu.memory_space<hbm>> -> memref<128xf32, #tpu.memory_space<hbm>>
    %dma_start3A_263 = tpu.memref_slice %arg18[%dma_start3A_259] : memref<3x!tpu.dma_semaphore, #tpu.memory_space<semaphore_mem>> -> memref<1x!tpu.dma_semaphore, #tpu.memory_space<semaphore_mem>>
    %dma_start3A_264 = tpu.memref_squeeze %dma_start3A_263 : memref<1x!tpu.dma_semaphore, #tpu.memory_space<semaphore_mem>> -> memref<!tpu.dma_semaphore, #tpu.memory_space<semaphore_mem>>
    %dma_start3A_265 = tpu.memref_slice %arg8[%add3A_258] : memref<16384xf32, #tpu.memory_space<hbm>> -> memref<128xf32, #tpu.memory_space<hbm>>
    %dma_start3A_266 = arith.constant 256 : i32
    %dma_start3A_267 = tpu.memref_slice %arg17[%dma_start3A_266] : memref<512xf32, #tpu.memory_space<vmem>> -> memref<128xf32, #tpu.memory_space<vmem>>
    tpu.enqueue_dma source(%dma_start3A_267 : memref<128xf32, #tpu.memory_space<vmem>>) target(%dma_start3A_265 : memref<128xf32, #tpu.memory_space<hbm>>) target_semaphore(%dma_start3A_264 : memref<!tpu.dma_semaphore, #tpu.memory_space<semaphore_mem>>)
    %dma_wait3A_268 = arith.constant 1 : i32
    %dma_wait3A_269 = arith.constant 384 : i32
    %dma_wait3A_270 = tpu.memref_slice %arg9[%dma_wait3A_269] : memref<512xi32, #tpu.memory_space<vmem>> -> memref<128xi32, #tpu.memory_space<vmem>>
    %dma_wait3A_271 = arith.constant 0 : i32
    %dma_wait3A_272 = arith.constant 0 : i32
    %dma_wait3A_273 = tpu.memref_slice %arg4[%dma_wait3A_271, %dma_wait3A_272] : memref<100000x128xf32, #tpu.memory_space<hbm>> -> memref<100000x128xf32, #tpu.memory_space<hbm>>
    %dma_wait3A_274 = tpu.memref_slice %arg18[%dma_wait3A_268] : memref<3x!tpu.dma_semaphore, #tpu.memory_space<semaphore_mem>> -> memref<1x!tpu.dma_semaphore, #tpu.memory_space<semaphore_mem>>
    %dma_wait3A_275 = tpu.memref_squeeze %dma_wait3A_274 : memref<1x!tpu.dma_semaphore, #tpu.memory_space<semaphore_mem>> -> memref<!tpu.dma_semaphore, #tpu.memory_space<semaphore_mem>>
    tpu.wait_indirect_dma semaphore(%dma_wait3A_275 : memref<!tpu.dma_semaphore, #tpu.memory_space<semaphore_mem>>) src(%dma_wait3A_273 : memref<100000x128xf32, #tpu.memory_space<hbm>>) dst(%arg12 : memref<128x128xf32, #tpu.memory_space<vmem>>)
    %dma_wait3A_276 = arith.constant 1 : i32
    %dma_wait3A_277 = arith.constant 384 : i32
    %dma_wait3A_278 = tpu.memref_slice %arg10[%dma_wait3A_277] : memref<512xi32, #tpu.memory_space<vmem>> -> memref<128xi32, #tpu.memory_space<vmem>>
    %dma_wait3A_279 = arith.constant 0 : i32
    %dma_wait3A_280 = arith.constant 0 : i32
    %dma_wait3A_281 = tpu.memref_slice %arg5[%dma_wait3A_279, %dma_wait3A_280] : memref<100000x128xf32, #tpu.memory_space<hbm>> -> memref<100000x128xf32, #tpu.memory_space<hbm>>
    %dma_wait3A_282 = tpu.memref_slice %arg18[%dma_wait3A_276] : memref<3x!tpu.dma_semaphore, #tpu.memory_space<semaphore_mem>> -> memref<1x!tpu.dma_semaphore, #tpu.memory_space<semaphore_mem>>
    %dma_wait3A_283 = tpu.memref_squeeze %dma_wait3A_282 : memref<1x!tpu.dma_semaphore, #tpu.memory_space<semaphore_mem>> -> memref<!tpu.dma_semaphore, #tpu.memory_space<semaphore_mem>>
    tpu.wait_indirect_dma semaphore(%dma_wait3A_283 : memref<!tpu.dma_semaphore, #tpu.memory_space<semaphore_mem>>) src(%dma_wait3A_281 : memref<100000x128xf32, #tpu.memory_space<hbm>>) dst(%arg14 : memref<128x128xf32, #tpu.memory_space<vmem>>)
    %iota3A_284 = tpu.iota {dimensions = array<i32: 0>} : vector<16xi32>
    %scan3A_285 = arith.constant 0 : i32
    %scan3A_286 = arith.constant 0 : i32
    %scan3A_287 = arith.constant 8 : i32
    %scan3A_288 = arith.addi %scan3A_286, %scan3A_287 : i32
    %scan3A_289 = arith.constant 1 : i32
    scf.for %scan3A_338 = %scan3A_286 to %scan3A_288 step %scan3A_289  : i32 {
      %broadcast_in_dim3A = arith.constant 0.000000e+00 : f32
      %broadcast_in_dim3A_339 = vector.broadcast %broadcast_in_dim3A : f32 to vector<16xf32>
      %scan3A_340 = arith.constant 0 : i32
      %scan3A_341 = arith.constant 2 : i32
      %scan3A_342 = arith.addi %scan3A_340, %scan3A_341 : i32
      %scan3A_343 = arith.constant 1 : i32
      %scan3A_344 = scf.for %scan3A_363 = %scan3A_340 to %scan3A_342 step %scan3A_343 iter_args(%scan3A_364 = %broadcast_in_dim3A_339) -> (vector<16xf32>)  : i32 {
        %mul3A_365 = arith.constant 16 : i32
        %mul3A_366 = arith.muli %scan3A_338, %mul3A_365 : i32
        %mul3A_367 = arith.constant 8 : i32
        %mul3A_368 = arith.muli %scan3A_363, %mul3A_367 : i32
        %add3A_369 = arith.addi %mul3A_366, %mul3A_368 : i32
        %add3A_370 = arith.constant 0 : i32
        %add3A_371 = arith.addi %add3A_369, %add3A_370 : i32
        %get3A_372 = arith.index_cast %add3A_371 : i32 to index
        %get3A_373 = arith.constant 0 : index
        %get3A_374 = tpu.vector_load %arg12[%get3A_372, %get3A_373] {strides = array<i32>} : memref<128x128xf32, #tpu.memory_space<vmem>>, vector<16xf32>,
        %get3A_375 = arith.index_cast %add3A_371 : i32 to index
        %get3A_376 = arith.constant 0 : index
        %get3A_377 = tpu.vector_load %arg14[%get3A_375, %get3A_376] {strides = array<i32>} : memref<128x128xf32, #tpu.memory_space<vmem>>, vector<16xf32>,
        %mul3A_378 = arith.mulf %get3A_374, %get3A_377 : vector<16xf32>
        %get3A_379 = arith.index_cast %add3A_371 : i32 to index
        %get3A_380 = arith.constant 16 : index
        %get3A_381 = tpu.vector_load %arg12[%get3A_379, %get3A_380] {strides = array<i32>} : memref<128x128xf32, #tpu.memory_space<vmem>>, vector<16xf32>,
        %get3A_382 = arith.index_cast %add3A_371 : i32 to index
        %get3A_383 = arith.constant 16 : index
        %get3A_384 = tpu.vector_load %arg14[%get3A_382, %get3A_383] {strides = array<i32>} : memref<128x128xf32, #tpu.memory_space<vmem>>, vector<16xf32>,
        %mul3A_385 = arith.mulf %get3A_381, %get3A_384 : vector<16xf32>
        %add3A_386 = arith.addf %mul3A_378, %mul3A_385 : vector<16xf32>
        %get3A_387 = arith.index_cast %add3A_371 : i32 to index
        %get3A_388 = arith.constant 32 : index
        %get3A_389 = tpu.vector_load %arg12[%get3A_387, %get3A_388] {strides = array<i32>} : memref<128x128xf32, #tpu.memory_space<vmem>>, vector<16xf32>,
        %get3A_390 = arith.index_cast %add3A_371 : i32 to index
        %get3A_391 = arith.constant 32 : index
        %get3A_392 = tpu.vector_load %arg14[%get3A_390, %get3A_391] {strides = array<i32>} : memref<128x128xf32, #tpu.memory_space<vmem>>, vector<16xf32>,
        %mul3A_393 = arith.mulf %get3A_389, %get3A_392 : vector<16xf32>
        %add3A_394 = arith.addf %add3A_386, %mul3A_393 : vector<16xf32>
        %get3A_395 = arith.index_cast %add3A_371 : i32 to index
        %get3A_396 = arith.constant 48 : index
        %get3A_397 = tpu.vector_load %arg12[%get3A_395, %get3A_396] {strides = array<i32>} : memref<128x128xf32, #tpu.memory_space<vmem>>, vector<16xf32>,
        %get3A_398 = arith.index_cast %add3A_371 : i32 to index
        %get3A_399 = arith.constant 48 : index
        %get3A_400 = tpu.vector_load %arg14[%get3A_398, %get3A_399] {strides = array<i32>} : memref<128x128xf32, #tpu.memory_space<vmem>>, vector<16xf32>,
        %mul3A_401 = arith.mulf %get3A_397, %get3A_400 : vector<16xf32>
        %add3A_402 = arith.addf %add3A_394, %mul3A_401 : vector<16xf32>
        %get3A_403 = arith.index_cast %add3A_371 : i32 to index
        %get3A_404 = arith.constant 64 : index
        %get3A_405 = tpu.vector_load %arg12[%get3A_403, %get3A_404] {strides = array<i32>} : memref<128x128xf32, #tpu.memory_space<vmem>>, vector<16xf32>,
        %get3A_406 = arith.index_cast %add3A_371 : i32 to index
        %get3A_407 = arith.constant 64 : index
        %get3A_408 = tpu.vector_load %arg14[%get3A_406, %get3A_407] {strides = array<i32>} : memref<128x128xf32, #tpu.memory_space<vmem>>, vector<16xf32>,
        %mul3A_409 = arith.mulf %get3A_405, %get3A_408 : vector<16xf32>
        %add3A_410 = arith.addf %add3A_402, %mul3A_409 : vector<16xf32>
        %get3A_411 = arith.index_cast %add3A_371 : i32 to index
        %get3A_412 = arith.constant 80 : index
        %get3A_413 = tpu.vector_load %arg12[%get3A_411, %get3A_412] {strides = array<i32>} : memref<128x128xf32, #tpu.memory_space<vmem>>, vector<16xf32>,
        %get3A_414 = arith.index_cast %add3A_371 : i32 to index
        %get3A_415 = arith.constant 80 : index
        %get3A_416 = tpu.vector_load %arg14[%get3A_414, %get3A_415] {strides = array<i32>} : memref<128x128xf32, #tpu.memory_space<vmem>>, vector<16xf32>,
        %mul3A_417 = arith.mulf %get3A_413, %get3A_416 : vector<16xf32>
        %add3A_418 = arith.addf %add3A_410, %mul3A_417 : vector<16xf32>
        %get3A_419 = arith.index_cast %add3A_371 : i32 to index
        %get3A_420 = arith.constant 96 : index
        %get3A_421 = tpu.vector_load %arg12[%get3A_419, %get3A_420] {strides = array<i32>} : memref<128x128xf32, #tpu.memory_space<vmem>>, vector<16xf32>,
        %get3A_422 = arith.index_cast %add3A_371 : i32 to index
        %get3A_423 = arith.constant 96 : index
        %get3A_424 = tpu.vector_load %arg14[%get3A_422, %get3A_423] {strides = array<i32>} : memref<128x128xf32, #tpu.memory_space<vmem>>, vector<16xf32>,
        %mul3A_425 = arith.mulf %get3A_421, %get3A_424 : vector<16xf32>
        %add3A_426 = arith.addf %add3A_418, %mul3A_425 : vector<16xf32>
        %get3A_427 = arith.index_cast %add3A_371 : i32 to index
        %get3A_428 = arith.constant 112 : index
        %get3A_429 = tpu.vector_load %arg12[%get3A_427, %get3A_428] {strides = array<i32>} : memref<128x128xf32, #tpu.memory_space<vmem>>, vector<16xf32>,
        %get3A_430 = arith.index_cast %add3A_371 : i32 to index
        %get3A_431 = arith.constant 112 : index
        %get3A_432 = tpu.vector_load %arg14[%get3A_430, %get3A_431] {strides = array<i32>} : memref<128x128xf32, #tpu.memory_space<vmem>>, vector<16xf32>,
        %mul3A_433 = arith.mulf %get3A_429, %get3A_432 : vector<16xf32>
        %add3A_434 = arith.addf %add3A_426, %mul3A_433 : vector<16xf32>
        %reduce_sum3A = arith.constant true
        %reduce_sum3A_435 = vector.broadcast %reduce_sum3A : i1 to vector<16xi1>
        %reduce_sum3A_436 = tpu.scan <sum>, %add3A_434 masked %reduce_sum3A_435 : vector<16xf32>, vector<16xi1> -> vector<16xf32>
        %reduce_sum3A_437 = vector.extract %reduce_sum3A_436[15] : f32 from vector<16xf32>
        %mul3A_438 = arith.constant 8 : i32
        %mul3A_439 = arith.muli %scan3A_363, %mul3A_438 : i32
        %add3A_440 = arith.constant 0 : i32
        %add3A_441 = arith.addi %mul3A_439, %add3A_440 : i32
        %eq3A = vector.broadcast %add3A_441 : i32 to vector<16xi32>
        %eq3A_442 = arith.cmpi eq, %iota3A_284, %eq3A : vector<16xi32>
        %broadcast_in_dim3A_443 = vector.broadcast %reduce_sum3A_437 : f32 to vector<16xf32>
        %select_n3A = arith.select %eq3A_442, %broadcast_in_dim3A_443, %scan3A_364 : vector<16xi1>, vector<16xf32>
        %mul3A_444 = arith.constant 16 : i32
        %mul3A_445 = arith.muli %scan3A_338, %mul3A_444 : i32
        %mul3A_446 = arith.constant 8 : i32
        %mul3A_447 = arith.muli %scan3A_363, %mul3A_446 : i32
        %add3A_448 = arith.addi %mul3A_445, %mul3A_447 : i32
        %add3A_449 = arith.constant 1 : i32
        %add3A_450 = arith.addi %add3A_448, %add3A_449 : i32
        %get3A_451 = arith.index_cast %add3A_450 : i32 to index
        %get3A_452 = arith.constant 0 : index
        %get3A_453 = tpu.vector_load %arg12[%get3A_451, %get3A_452] {strides = array<i32>} : memref<128x128xf32, #tpu.memory_space<vmem>>, vector<16xf32>,
        %get3A_454 = arith.index_cast %add3A_450 : i32 to index
        %get3A_455 = arith.constant 0 : index
        %get3A_456 = tpu.vector_load %arg14[%get3A_454, %get3A_455] {strides = array<i32>} : memref<128x128xf32, #tpu.memory_space<vmem>>, vector<16xf32>,
        %mul3A_457 = arith.mulf %get3A_453, %get3A_456 : vector<16xf32>
        %get3A_458 = arith.index_cast %add3A_450 : i32 to index
        %get3A_459 = arith.constant 16 : index
        %get3A_460 = tpu.vector_load %arg12[%get3A_458, %get3A_459] {strides = array<i32>} : memref<128x128xf32, #tpu.memory_space<vmem>>, vector<16xf32>,
        %get3A_461 = arith.index_cast %add3A_450 : i32 to index
        %get3A_462 = arith.constant 16 : index
        %get3A_463 = tpu.vector_load %arg14[%get3A_461, %get3A_462] {strides = array<i32>} : memref<128x128xf32, #tpu.memory_space<vmem>>, vector<16xf32>,
        %mul3A_464 = arith.mulf %get3A_460, %get3A_463 : vector<16xf32>
        %add3A_465 = arith.addf %mul3A_457, %mul3A_464 : vector<16xf32>
        %get3A_466 = arith.index_cast %add3A_450 : i32 to index
        %get3A_467 = arith.constant 32 : index
        %get3A_468 = tpu.vector_load %arg12[%get3A_466, %get3A_467] {strides = array<i32>} : memref<128x128xf32, #tpu.memory_space<vmem>>, vector<16xf32>,
        %get3A_469 = arith.index_cast %add3A_450 : i32 to index
        %get3A_470 = arith.constant 32 : index
        %get3A_471 = tpu.vector_load %arg14[%get3A_469, %get3A_470] {strides = array<i32>} : memref<128x128xf32, #tpu.memory_space<vmem>>, vector<16xf32>,
        %mul3A_472 = arith.mulf %get3A_468, %get3A_471 : vector<16xf32>
        %add3A_473 = arith.addf %add3A_465, %mul3A_472 : vector<16xf32>
        %get3A_474 = arith.index_cast %add3A_450 : i32 to index
        %get3A_475 = arith.constant 48 : index
        %get3A_476 = tpu.vector_load %arg12[%get3A_474, %get3A_475] {strides = array<i32>} : memref<128x128xf32, #tpu.memory_space<vmem>>, vector<16xf32>,
        %get3A_477 = arith.index_cast %add3A_450 : i32 to index
        %get3A_478 = arith.constant 48 : index
        %get3A_479 = tpu.vector_load %arg14[%get3A_477, %get3A_478] {strides = array<i32>} : memref<128x128xf32, #tpu.memory_space<vmem>>, vector<16xf32>,
        %mul3A_480 = arith.mulf %get3A_476, %get3A_479 : vector<16xf32>
        %add3A_481 = arith.addf %add3A_473, %mul3A_480 : vector<16xf32>
        %get3A_482 = arith.index_cast %add3A_450 : i32 to index
        %get3A_483 = arith.constant 64 : index
        %get3A_484 = tpu.vector_load %arg12[%get3A_482, %get3A_483] {strides = array<i32>} : memref<128x128xf32, #tpu.memory_space<vmem>>, vector<16xf32>,
        %get3A_485 = arith.index_cast %add3A_450 : i32 to index
        %get3A_486 = arith.constant 64 : index
        %get3A_487 = tpu.vector_load %arg14[%get3A_485, %get3A_486] {strides = array<i32>} : memref<128x128xf32, #tpu.memory_space<vmem>>, vector<16xf32>,
        %mul3A_488 = arith.mulf %get3A_484, %get3A_487 : vector<16xf32>
        %add3A_489 = arith.addf %add3A_481, %mul3A_488 : vector<16xf32>
        %get3A_490 = arith.index_cast %add3A_450 : i32 to index
        %get3A_491 = arith.constant 80 : index
        %get3A_492 = tpu.vector_load %arg12[%get3A_490, %get3A_491] {strides = array<i32>} : memref<128x128xf32, #tpu.memory_space<vmem>>, vector<16xf32>,
        %get3A_493 = arith.index_cast %add3A_450 : i32 to index
        %get3A_494 = arith.constant 80 : index
        %get3A_495 = tpu.vector_load %arg14[%get3A_493, %get3A_494] {strides = array<i32>} : memref<128x128xf32, #tpu.memory_space<vmem>>, vector<16xf32>,
        %mul3A_496 = arith.mulf %get3A_492, %get3A_495 : vector<16xf32>
        %add3A_497 = arith.addf %add3A_489, %mul3A_496 : vector<16xf32>
        %get3A_498 = arith.index_cast %add3A_450 : i32 to index
        %get3A_499 = arith.constant 96 : index
        %get3A_500 = tpu.vector_load %arg12[%get3A_498, %get3A_499] {strides = array<i32>} : memref<128x128xf32, #tpu.memory_space<vmem>>, vector<16xf32>,
        %get3A_501 = arith.index_cast %add3A_450 : i32 to index
        %get3A_502 = arith.constant 96 : index
        %get3A_503 = tpu.vector_load %arg14[%get3A_501, %get3A_502] {strides = array<i32>} : memref<128x128xf32, #tpu.memory_space<vmem>>, vector<16xf32>,
        %mul3A_504 = arith.mulf %get3A_500, %get3A_503 : vector<16xf32>
        %add3A_505 = arith.addf %add3A_497, %mul3A_504 : vector<16xf32>
        %get3A_506 = arith.index_cast %add3A_450 : i32 to index
        %get3A_507 = arith.constant 112 : index
        %get3A_508 = tpu.vector_load %arg12[%get3A_506, %get3A_507] {strides = array<i32>} : memref<128x128xf32, #tpu.memory_space<vmem>>, vector<16xf32>,
        %get3A_509 = arith.index_cast %add3A_450 : i32 to index
        %get3A_510 = arith.constant 112 : index
        %get3A_511 = tpu.vector_load %arg14[%get3A_509, %get3A_510] {strides = array<i32>} : memref<128x128xf32, #tpu.memory_space<vmem>>, vector<16xf32>,
        %mul3A_512 = arith.mulf %get3A_508, %get3A_511 : vector<16xf32>
        %add3A_513 = arith.addf %add3A_505, %mul3A_512 : vector<16xf32>
        %reduce_sum3A_514 = arith.constant true
        %reduce_sum3A_515 = vector.broadcast %reduce_sum3A_514 : i1 to vector<16xi1>
        %reduce_sum3A_516 = tpu.scan <sum>, %add3A_513 masked %reduce_sum3A_515 : vector<16xf32>, vector<16xi1> -> vector<16xf32>
        %reduce_sum3A_517 = vector.extract %reduce_sum3A_516[15] : f32 from vector<16xf32>
        %mul3A_518 = arith.constant 8 : i32
        %mul3A_519 = arith.muli %scan3A_363, %mul3A_518 : i32
        %add3A_520 = arith.constant 1 : i32
        %add3A_521 = arith.addi %mul3A_519, %add3A_520 : i32
        %eq3A_522 = vector.broadcast %add3A_521 : i32 to vector<16xi32>
        %eq3A_523 = arith.cmpi eq, %iota3A_284, %eq3A_522 : vector<16xi32>
        %broadcast_in_dim3A_524 = vector.broadcast %reduce_sum3A_517 : f32 to vector<16xf32>
        %select_n3A_525 = arith.select %eq3A_523, %broadcast_in_dim3A_524, %select_n3A : vector<16xi1>, vector<16xf32>
        %mul3A_526 = arith.constant 16 : i32
        %mul3A_527 = arith.muli %scan3A_338, %mul3A_526 : i32
        %mul3A_528 = arith.constant 8 : i32
        %mul3A_529 = arith.muli %scan3A_363, %mul3A_528 : i32
        %add3A_530 = arith.addi %mul3A_527, %mul3A_529 : i32
        %add3A_531 = arith.constant 2 : i32
        %add3A_532 = arith.addi %add3A_530, %add3A_531 : i32
        %get3A_533 = arith.index_cast %add3A_532 : i32 to index
        %get3A_534 = arith.constant 0 : index
        %get3A_535 = tpu.vector_load %arg12[%get3A_533, %get3A_534] {strides = array<i32>} : memref<128x128xf32, #tpu.memory_space<vmem>>, vector<16xf32>,
        %get3A_536 = arith.index_cast %add3A_532 : i32 to index
        %get3A_537 = arith.constant 0 : index
        %get3A_538 = tpu.vector_load %arg14[%get3A_536, %get3A_537] {strides = array<i32>} : memref<128x128xf32, #tpu.memory_space<vmem>>, vector<16xf32>,
        %mul3A_539 = arith.mulf %get3A_535, %get3A_538 : vector<16xf32>
        %get3A_540 = arith.index_cast %add3A_532 : i32 to index
        %get3A_541 = arith.constant 16 : index
        %get3A_542 = tpu.vector_load %arg12[%get3A_540, %get3A_541] {strides = array<i32>} : memref<128x128xf32, #tpu.memory_space<vmem>>, vector<16xf32>,
        %get3A_543 = arith.index_cast %add3A_532 : i32 to index
        %get3A_544 = arith.constant 16 : index
        %get3A_545 = tpu.vector_load %arg14[%get3A_543, %get3A_544] {strides = array<i32>} : memref<128x128xf32, #tpu.memory_space<vmem>>, vector<16xf32>,
        %mul3A_546 = arith.mulf %get3A_542, %get3A_545 : vector<16xf32>
        %add3A_547 = arith.addf %mul3A_539, %mul3A_546 : vector<16xf32>
        %get3A_548 = arith.index_cast %add3A_532 : i32 to index
        %get3A_549 = arith.constant 32 : index
        %get3A_550 = tpu.vector_load %arg12[%get3A_548, %get3A_549] {strides = array<i32>} : memref<128x128xf32, #tpu.memory_space<vmem>>, vector<16xf32>,
        %get3A_551 = arith.index_cast %add3A_532 : i32 to index
        %get3A_552 = arith.constant 32 : index
        %get3A_553 = tpu.vector_load %arg14[%get3A_551, %get3A_552] {strides = array<i32>} : memref<128x128xf32, #tpu.memory_space<vmem>>, vector<16xf32>,
        %mul3A_554 = arith.mulf %get3A_550, %get3A_553 : vector<16xf32>
        %add3A_555 = arith.addf %add3A_547, %mul3A_554 : vector<16xf32>
        %get3A_556 = arith.index_cast %add3A_532 : i32 to index
        %get3A_557 = arith.constant 48 : index
        %get3A_558 = tpu.vector_load %arg12[%get3A_556, %get3A_557] {strides = array<i32>} : memref<128x128xf32, #tpu.memory_space<vmem>>, vector<16xf32>,
        %get3A_559 = arith.index_cast %add3A_532 : i32 to index
        %get3A_560 = arith.constant 48 : index
        %get3A_561 = tpu.vector_load %arg14[%get3A_559, %get3A_560] {strides = array<i32>} : memref<128x128xf32, #tpu.memory_space<vmem>>, vector<16xf32>,
        %mul3A_562 = arith.mulf %get3A_558, %get3A_561 : vector<16xf32>
        %add3A_563 = arith.addf %add3A_555, %mul3A_562 : vector<16xf32>
        %get3A_564 = arith.index_cast %add3A_532 : i32 to index
        %get3A_565 = arith.constant 64 : index
        %get3A_566 = tpu.vector_load %arg12[%get3A_564, %get3A_565] {strides = array<i32>} : memref<128x128xf32, #tpu.memory_space<vmem>>, vector<16xf32>,
        %get3A_567 = arith.index_cast %add3A_532 : i32 to index
        %get3A_568 = arith.constant 64 : index
        %get3A_569 = tpu.vector_load %arg14[%get3A_567, %get3A_568] {strides = array<i32>} : memref<128x128xf32, #tpu.memory_space<vmem>>, vector<16xf32>,
        %mul3A_570 = arith.mulf %get3A_566, %get3A_569 : vector<16xf32>
        %add3A_571 = arith.addf %add3A_563, %mul3A_570 : vector<16xf32>
        %get3A_572 = arith.index_cast %add3A_532 : i32 to index
        %get3A_573 = arith.constant 80 : index
        %get3A_574 = tpu.vector_load %arg12[%get3A_572, %get3A_573] {strides = array<i32>} : memref<128x128xf32, #tpu.memory_space<vmem>>, vector<16xf32>,
        %get3A_575 = arith.index_cast %add3A_532 : i32 to index
        %get3A_576 = arith.constant 80 : index
        %get3A_577 = tpu.vector_load %arg14[%get3A_575, %get3A_576] {strides = array<i32>} : memref<128x128xf32, #tpu.memory_space<vmem>>, vector<16xf32>,
        %mul3A_578 = arith.mulf %get3A_574, %get3A_577 : vector<16xf32>
        %add3A_579 = arith.addf %add3A_571, %mul3A_578 : vector<16xf32>
        %get3A_580 = arith.index_cast %add3A_532 : i32 to index
        %get3A_581 = arith.constant 96 : index
        %get3A_582 = tpu.vector_load %arg12[%get3A_580, %get3A_581] {strides = array<i32>} : memref<128x128xf32, #tpu.memory_space<vmem>>, vector<16xf32>,
        %get3A_583 = arith.index_cast %add3A_532 : i32 to index
        %get3A_584 = arith.constant 96 : index
        %get3A_585 = tpu.vector_load %arg14[%get3A_583, %get3A_584] {strides = array<i32>} : memref<128x128xf32, #tpu.memory_space<vmem>>, vector<16xf32>,
        %mul3A_586 = arith.mulf %get3A_582, %get3A_585 : vector<16xf32>
        %add3A_587 = arith.addf %add3A_579, %mul3A_586 : vector<16xf32>
        %get3A_588 = arith.index_cast %add3A_532 : i32 to index
        %get3A_589 = arith.constant 112 : index
        %get3A_590 = tpu.vector_load %arg12[%get3A_588, %get3A_589] {strides = array<i32>} : memref<128x128xf32, #tpu.memory_space<vmem>>, vector<16xf32>,
        %get3A_591 = arith.index_cast %add3A_532 : i32 to index
        %get3A_592 = arith.constant 112 : index
        %get3A_593 = tpu.vector_load %arg14[%get3A_591, %get3A_592] {strides = array<i32>} : memref<128x128xf32, #tpu.memory_space<vmem>>, vector<16xf32>,
        %mul3A_594 = arith.mulf %get3A_590, %get3A_593 : vector<16xf32>
        %add3A_595 = arith.addf %add3A_587, %mul3A_594 : vector<16xf32>
        %reduce_sum3A_596 = arith.constant true
        %reduce_sum3A_597 = vector.broadcast %reduce_sum3A_596 : i1 to vector<16xi1>
        %reduce_sum3A_598 = tpu.scan <sum>, %add3A_595 masked %reduce_sum3A_597 : vector<16xf32>, vector<16xi1> -> vector<16xf32>
        %reduce_sum3A_599 = vector.extract %reduce_sum3A_598[15] : f32 from vector<16xf32>
        %mul3A_600 = arith.constant 8 : i32
        %mul3A_601 = arith.muli %scan3A_363, %mul3A_600 : i32
        %add3A_602 = arith.constant 2 : i32
        %add3A_603 = arith.addi %mul3A_601, %add3A_602 : i32
        %eq3A_604 = vector.broadcast %add3A_603 : i32 to vector<16xi32>
        %eq3A_605 = arith.cmpi eq, %iota3A_284, %eq3A_604 : vector<16xi32>
        %broadcast_in_dim3A_606 = vector.broadcast %reduce_sum3A_599 : f32 to vector<16xf32>
        %select_n3A_607 = arith.select %eq3A_605, %broadcast_in_dim3A_606, %select_n3A_525 : vector<16xi1>, vector<16xf32>
        %mul3A_608 = arith.constant 16 : i32
        %mul3A_609 = arith.muli %scan3A_338, %mul3A_608 : i32
        %mul3A_610 = arith.constant 8 : i32
        %mul3A_611 = arith.muli %scan3A_363, %mul3A_610 : i32
        %add3A_612 = arith.addi %mul3A_609, %mul3A_611 : i32
        %add3A_613 = arith.constant 3 : i32
        %add3A_614 = arith.addi %add3A_612, %add3A_613 : i32
        %get3A_615 = arith.index_cast %add3A_614 : i32 to index
        %get3A_616 = arith.constant 0 : index
        %get3A_617 = tpu.vector_load %arg12[%get3A_615, %get3A_616] {strides = array<i32>} : memref<128x128xf32, #tpu.memory_space<vmem>>, vector<16xf32>,
        %get3A_618 = arith.index_cast %add3A_614 : i32 to index
        %get3A_619 = arith.constant 0 : index
        %get3A_620 = tpu.vector_load %arg14[%get3A_618, %get3A_619] {strides = array<i32>} : memref<128x128xf32, #tpu.memory_space<vmem>>, vector<16xf32>,
        %mul3A_621 = arith.mulf %get3A_617, %get3A_620 : vector<16xf32>
        %get3A_622 = arith.index_cast %add3A_614 : i32 to index
        %get3A_623 = arith.constant 16 : index
        %get3A_624 = tpu.vector_load %arg12[%get3A_622, %get3A_623] {strides = array<i32>} : memref<128x128xf32, #tpu.memory_space<vmem>>, vector<16xf32>,
        %get3A_625 = arith.index_cast %add3A_614 : i32 to index
        %get3A_626 = arith.constant 16 : index
        %get3A_627 = tpu.vector_load %arg14[%get3A_625, %get3A_626] {strides = array<i32>} : memref<128x128xf32, #tpu.memory_space<vmem>>, vector<16xf32>,
        %mul3A_628 = arith.mulf %get3A_624, %get3A_627 : vector<16xf32>
        %add3A_629 = arith.addf %mul3A_621, %mul3A_628 : vector<16xf32>
        %get3A_630 = arith.index_cast %add3A_614 : i32 to index
        %get3A_631 = arith.constant 32 : index
        %get3A_632 = tpu.vector_load %arg12[%get3A_630, %get3A_631] {strides = array<i32>} : memref<128x128xf32, #tpu.memory_space<vmem>>, vector<16xf32>,
        %get3A_633 = arith.index_cast %add3A_614 : i32 to index
        %get3A_634 = arith.constant 32 : index
        %get3A_635 = tpu.vector_load %arg14[%get3A_633, %get3A_634] {strides = array<i32>} : memref<128x128xf32, #tpu.memory_space<vmem>>, vector<16xf32>,
        %mul3A_636 = arith.mulf %get3A_632, %get3A_635 : vector<16xf32>
        %add3A_637 = arith.addf %add3A_629, %mul3A_636 : vector<16xf32>
        %get3A_638 = arith.index_cast %add3A_614 : i32 to index
        %get3A_639 = arith.constant 48 : index
        %get3A_640 = tpu.vector_load %arg12[%get3A_638, %get3A_639] {strides = array<i32>} : memref<128x128xf32, #tpu.memory_space<vmem>>, vector<16xf32>,
        %get3A_641 = arith.index_cast %add3A_614 : i32 to index
        %get3A_642 = arith.constant 48 : index
        %get3A_643 = tpu.vector_load %arg14[%get3A_641, %get3A_642] {strides = array<i32>} : memref<128x128xf32, #tpu.memory_space<vmem>>, vector<16xf32>,
        %mul3A_644 = arith.mulf %get3A_640, %get3A_643 : vector<16xf32>
        %add3A_645 = arith.addf %add3A_637, %mul3A_644 : vector<16xf32>
        %get3A_646 = arith.index_cast %add3A_614 : i32 to index
        %get3A_647 = arith.constant 64 : index
        %get3A_648 = tpu.vector_load %arg12[%get3A_646, %get3A_647] {strides = array<i32>} : memref<128x128xf32, #tpu.memory_space<vmem>>, vector<16xf32>,
        %get3A_649 = arith.index_cast %add3A_614 : i32 to index
        %get3A_650 = arith.constant 64 : index
        %get3A_651 = tpu.vector_load %arg14[%get3A_649, %get3A_650] {strides = array<i32>} : memref<128x128xf32, #tpu.memory_space<vmem>>, vector<16xf32>,
        %mul3A_652 = arith.mulf %get3A_648, %get3A_651 : vector<16xf32>
        %add3A_653 = arith.addf %add3A_645, %mul3A_652 : vector<16xf32>
        %get3A_654 = arith.index_cast %add3A_614 : i32 to index
        %get3A_655 = arith.constant 80 : index
        %get3A_656 = tpu.vector_load %arg12[%get3A_654, %get3A_655] {strides = array<i32>} : memref<128x128xf32, #tpu.memory_space<vmem>>, vector<16xf32>,
        %get3A_657 = arith.index_cast %add3A_614 : i32 to index
        %get3A_658 = arith.constant 80 : index
        %get3A_659 = tpu.vector_load %arg14[%get3A_657, %get3A_658] {strides = array<i32>} : memref<128x128xf32, #tpu.memory_space<vmem>>, vector<16xf32>,
        %mul3A_660 = arith.mulf %get3A_656, %get3A_659 : vector<16xf32>
        %add3A_661 = arith.addf %add3A_653, %mul3A_660 : vector<16xf32>
        %get3A_662 = arith.index_cast %add3A_614 : i32 to index
        %get3A_663 = arith.constant 96 : index
        %get3A_664 = tpu.vector_load %arg12[%get3A_662, %get3A_663] {strides = array<i32>} : memref<128x128xf32, #tpu.memory_space<vmem>>, vector<16xf32>,
        %get3A_665 = arith.index_cast %add3A_614 : i32 to index
        %get3A_666 = arith.constant 96 : index
        %get3A_667 = tpu.vector_load %arg14[%get3A_665, %get3A_666] {strides = array<i32>} : memref<128x128xf32, #tpu.memory_space<vmem>>, vector<16xf32>,
        %mul3A_668 = arith.mulf %get3A_664, %get3A_667 : vector<16xf32>
        %add3A_669 = arith.addf %add3A_661, %mul3A_668 : vector<16xf32>
        %get3A_670 = arith.index_cast %add3A_614 : i32 to index
        %get3A_671 = arith.constant 112 : index
        %get3A_672 = tpu.vector_load %arg12[%get3A_670, %get3A_671] {strides = array<i32>} : memref<128x128xf32, #tpu.memory_space<vmem>>, vector<16xf32>,
        %get3A_673 = arith.index_cast %add3A_614 : i32 to index
        %get3A_674 = arith.constant 112 : index
        %get3A_675 = tpu.vector_load %arg14[%get3A_673, %get3A_674] {strides = array<i32>} : memref<128x128xf32, #tpu.memory_space<vmem>>, vector<16xf32>,
        %mul3A_676 = arith.mulf %get3A_672, %get3A_675 : vector<16xf32>
        %add3A_677 = arith.addf %add3A_669, %mul3A_676 : vector<16xf32>
        %reduce_sum3A_678 = arith.constant true
        %reduce_sum3A_679 = vector.broadcast %reduce_sum3A_678 : i1 to vector<16xi1>
        %reduce_sum3A_680 = tpu.scan <sum>, %add3A_677 masked %reduce_sum3A_679 : vector<16xf32>, vector<16xi1> -> vector<16xf32>
        %reduce_sum3A_681 = vector.extract %reduce_sum3A_680[15] : f32 from vector<16xf32>
        %mul3A_682 = arith.constant 8 : i32
        %mul3A_683 = arith.muli %scan3A_363, %mul3A_682 : i32
        %add3A_684 = arith.constant 3 : i32
        %add3A_685 = arith.addi %mul3A_683, %add3A_684 : i32
        %eq3A_686 = vector.broadcast %add3A_685 : i32 to vector<16xi32>
        %eq3A_687 = arith.cmpi eq, %iota3A_284, %eq3A_686 : vector<16xi32>
        %broadcast_in_dim3A_688 = vector.broadcast %reduce_sum3A_681 : f32 to vector<16xf32>
        %select_n3A_689 = arith.select %eq3A_687, %broadcast_in_dim3A_688, %select_n3A_607 : vector<16xi1>, vector<16xf32>
        %mul3A_690 = arith.constant 16 : i32
        %mul3A_691 = arith.muli %scan3A_338, %mul3A_690 : i32
        %mul3A_692 = arith.constant 8 : i32
        %mul3A_693 = arith.muli %scan3A_363, %mul3A_692 : i32
        %add3A_694 = arith.addi %mul3A_691, %mul3A_693 : i32
        %add3A_695 = arith.constant 4 : i32
        %add3A_696 = arith.addi %add3A_694, %add3A_695 : i32
        %get3A_697 = arith.index_cast %add3A_696 : i32 to index
        %get3A_698 = arith.constant 0 : index
        %get3A_699 = tpu.vector_load %arg12[%get3A_697, %get3A_698] {strides = array<i32>} : memref<128x128xf32, #tpu.memory_space<vmem>>, vector<16xf32>,
        %get3A_700 = arith.index_cast %add3A_696 : i32 to index
        %get3A_701 = arith.constant 0 : index
        %get3A_702 = tpu.vector_load %arg14[%get3A_700, %get3A_701] {strides = array<i32>} : memref<128x128xf32, #tpu.memory_space<vmem>>, vector<16xf32>,
        %mul3A_703 = arith.mulf %get3A_699, %get3A_702 : vector<16xf32>
        %get3A_704 = arith.index_cast %add3A_696 : i32 to index
        %get3A_705 = arith.constant 16 : index
        %get3A_706 = tpu.vector_load %arg12[%get3A_704, %get3A_705] {strides = array<i32>} : memref<128x128xf32, #tpu.memory_space<vmem>>, vector<16xf32>,
        %get3A_707 = arith.index_cast %add3A_696 : i32 to index
        %get3A_708 = arith.constant 16 : index
        %get3A_709 = tpu.vector_load %arg14[%get3A_707, %get3A_708] {strides = array<i32>} : memref<128x128xf32, #tpu.memory_space<vmem>>, vector<16xf32>,
        %mul3A_710 = arith.mulf %get3A_706, %get3A_709 : vector<16xf32>
        %add3A_711 = arith.addf %mul3A_703, %mul3A_710 : vector<16xf32>
        %get3A_712 = arith.index_cast %add3A_696 : i32 to index
        %get3A_713 = arith.constant 32 : index
        %get3A_714 = tpu.vector_load %arg12[%get3A_712, %get3A_713] {strides = array<i32>} : memref<128x128xf32, #tpu.memory_space<vmem>>, vector<16xf32>,
        %get3A_715 = arith.index_cast %add3A_696 : i32 to index
        %get3A_716 = arith.constant 32 : index
        %get3A_717 = tpu.vector_load %arg14[%get3A_715, %get3A_716] {strides = array<i32>} : memref<128x128xf32, #tpu.memory_space<vmem>>, vector<16xf32>,
        %mul3A_718 = arith.mulf %get3A_714, %get3A_717 : vector<16xf32>
        %add3A_719 = arith.addf %add3A_711, %mul3A_718 : vector<16xf32>
        %get3A_720 = arith.index_cast %add3A_696 : i32 to index
        %get3A_721 = arith.constant 48 : index
        %get3A_722 = tpu.vector_load %arg12[%get3A_720, %get3A_721] {strides = array<i32>} : memref<128x128xf32, #tpu.memory_space<vmem>>, vector<16xf32>,
        %get3A_723 = arith.index_cast %add3A_696 : i32 to index
        %get3A_724 = arith.constant 48 : index
        %get3A_725 = tpu.vector_load %arg14[%get3A_723, %get3A_724] {strides = array<i32>} : memref<128x128xf32, #tpu.memory_space<vmem>>, vector<16xf32>,
        %mul3A_726 = arith.mulf %get3A_722, %get3A_725 : vector<16xf32>
        %add3A_727 = arith.addf %add3A_719, %mul3A_726 : vector<16xf32>
        %get3A_728 = arith.index_cast %add3A_696 : i32 to index
        %get3A_729 = arith.constant 64 : index
        %get3A_730 = tpu.vector_load %arg12[%get3A_728, %get3A_729] {strides = array<i32>} : memref<128x128xf32, #tpu.memory_space<vmem>>, vector<16xf32>,
        %get3A_731 = arith.index_cast %add3A_696 : i32 to index
        %get3A_732 = arith.constant 64 : index
        %get3A_733 = tpu.vector_load %arg14[%get3A_731, %get3A_732] {strides = array<i32>} : memref<128x128xf32, #tpu.memory_space<vmem>>, vector<16xf32>,
        %mul3A_734 = arith.mulf %get3A_730, %get3A_733 : vector<16xf32>
        %add3A_735 = arith.addf %add3A_727, %mul3A_734 : vector<16xf32>
        %get3A_736 = arith.index_cast %add3A_696 : i32 to index
        %get3A_737 = arith.constant 80 : index
        %get3A_738 = tpu.vector_load %arg12[%get3A_736, %get3A_737] {strides = array<i32>} : memref<128x128xf32, #tpu.memory_space<vmem>>, vector<16xf32>,
        %get3A_739 = arith.index_cast %add3A_696 : i32 to index
        %get3A_740 = arith.constant 80 : index
        %get3A_741 = tpu.vector_load %arg14[%get3A_739, %get3A_740] {strides = array<i32>} : memref<128x128xf32, #tpu.memory_space<vmem>>, vector<16xf32>,
        %mul3A_742 = arith.mulf %get3A_738, %get3A_741 : vector<16xf32>
        %add3A_743 = arith.addf %add3A_735, %mul3A_742 : vector<16xf32>
        %get3A_744 = arith.index_cast %add3A_696 : i32 to index
        %get3A_745 = arith.constant 96 : index
        %get3A_746 = tpu.vector_load %arg12[%get3A_744, %get3A_745] {strides = array<i32>} : memref<128x128xf32, #tpu.memory_space<vmem>>, vector<16xf32>,
        %get3A_747 = arith.index_cast %add3A_696 : i32 to index
        %get3A_748 = arith.constant 96 : index
        %get3A_749 = tpu.vector_load %arg14[%get3A_747, %get3A_748] {strides = array<i32>} : memref<128x128xf32, #tpu.memory_space<vmem>>, vector<16xf32>,
        %mul3A_750 = arith.mulf %get3A_746, %get3A_749 : vector<16xf32>
        %add3A_751 = arith.addf %add3A_743, %mul3A_750 : vector<16xf32>
        %get3A_752 = arith.index_cast %add3A_696 : i32 to index
        %get3A_753 = arith.constant 112 : index
        %get3A_754 = tpu.vector_load %arg12[%get3A_752, %get3A_753] {strides = array<i32>} : memref<128x128xf32, #tpu.memory_space<vmem>>, vector<16xf32>,
        %get3A_755 = arith.index_cast %add3A_696 : i32 to index
        %get3A_756 = arith.constant 112 : index
        %get3A_757 = tpu.vector_load %arg14[%get3A_755, %get3A_756] {strides = array<i32>} : memref<128x128xf32, #tpu.memory_space<vmem>>, vector<16xf32>,
        %mul3A_758 = arith.mulf %get3A_754, %get3A_757 : vector<16xf32>
        %add3A_759 = arith.addf %add3A_751, %mul3A_758 : vector<16xf32>
        %reduce_sum3A_760 = arith.constant true
        %reduce_sum3A_761 = vector.broadcast %reduce_sum3A_760 : i1 to vector<16xi1>
        %reduce_sum3A_762 = tpu.scan <sum>, %add3A_759 masked %reduce_sum3A_761 : vector<16xf32>, vector<16xi1> -> vector<16xf32>
        %reduce_sum3A_763 = vector.extract %reduce_sum3A_762[15] : f32 from vector<16xf32>
        %mul3A_764 = arith.constant 8 : i32
        %mul3A_765 = arith.muli %scan3A_363, %mul3A_764 : i32
        %add3A_766 = arith.constant 4 : i32
        %add3A_767 = arith.addi %mul3A_765, %add3A_766 : i32
        %eq3A_768 = vector.broadcast %add3A_767 : i32 to vector<16xi32>
        %eq3A_769 = arith.cmpi eq, %iota3A_284, %eq3A_768 : vector<16xi32>
        %broadcast_in_dim3A_770 = vector.broadcast %reduce_sum3A_763 : f32 to vector<16xf32>
        %select_n3A_771 = arith.select %eq3A_769, %broadcast_in_dim3A_770, %select_n3A_689 : vector<16xi1>, vector<16xf32>
        %mul3A_772 = arith.constant 16 : i32
        %mul3A_773 = arith.muli %scan3A_338, %mul3A_772 : i32
        %mul3A_774 = arith.constant 8 : i32
        %mul3A_775 = arith.muli %scan3A_363, %mul3A_774 : i32
        %add3A_776 = arith.addi %mul3A_773, %mul3A_775 : i32
        %add3A_777 = arith.constant 5 : i32
        %add3A_778 = arith.addi %add3A_776, %add3A_777 : i32
        %get3A_779 = arith.index_cast %add3A_778 : i32 to index
        %get3A_780 = arith.constant 0 : index
        %get3A_781 = tpu.vector_load %arg12[%get3A_779, %get3A_780] {strides = array<i32>} : memref<128x128xf32, #tpu.memory_space<vmem>>, vector<16xf32>,
        %get3A_782 = arith.index_cast %add3A_778 : i32 to index
        %get3A_783 = arith.constant 0 : index
        %get3A_784 = tpu.vector_load %arg14[%get3A_782, %get3A_783] {strides = array<i32>} : memref<128x128xf32, #tpu.memory_space<vmem>>, vector<16xf32>,
        %mul3A_785 = arith.mulf %get3A_781, %get3A_784 : vector<16xf32>
        %get3A_786 = arith.index_cast %add3A_778 : i32 to index
        %get3A_787 = arith.constant 16 : index
        %get3A_788 = tpu.vector_load %arg12[%get3A_786, %get3A_787] {strides = array<i32>} : memref<128x128xf32, #tpu.memory_space<vmem>>, vector<16xf32>,
        %get3A_789 = arith.index_cast %add3A_778 : i32 to index
        %get3A_790 = arith.constant 16 : index
        %get3A_791 = tpu.vector_load %arg14[%get3A_789, %get3A_790] {strides = array<i32>} : memref<128x128xf32, #tpu.memory_space<vmem>>, vector<16xf32>,
        %mul3A_792 = arith.mulf %get3A_788, %get3A_791 : vector<16xf32>
        %add3A_793 = arith.addf %mul3A_785, %mul3A_792 : vector<16xf32>
        %get3A_794 = arith.index_cast %add3A_778 : i32 to index
        %get3A_795 = arith.constant 32 : index
        %get3A_796 = tpu.vector_load %arg12[%get3A_794, %get3A_795] {strides = array<i32>} : memref<128x128xf32, #tpu.memory_space<vmem>>, vector<16xf32>,
        %get3A_797 = arith.index_cast %add3A_778 : i32 to index
        %get3A_798 = arith.constant 32 : index
        %get3A_799 = tpu.vector_load %arg14[%get3A_797, %get3A_798] {strides = array<i32>} : memref<128x128xf32, #tpu.memory_space<vmem>>, vector<16xf32>,
        %mul3A_800 = arith.mulf %get3A_796, %get3A_799 : vector<16xf32>
        %add3A_801 = arith.addf %add3A_793, %mul3A_800 : vector<16xf32>
        %get3A_802 = arith.index_cast %add3A_778 : i32 to index
        %get3A_803 = arith.constant 48 : index
        %get3A_804 = tpu.vector_load %arg12[%get3A_802, %get3A_803] {strides = array<i32>} : memref<128x128xf32, #tpu.memory_space<vmem>>, vector<16xf32>,
        %get3A_805 = arith.index_cast %add3A_778 : i32 to index
        %get3A_806 = arith.constant 48 : index
        %get3A_807 = tpu.vector_load %arg14[%get3A_805, %get3A_806] {strides = array<i32>} : memref<128x128xf32, #tpu.memory_space<vmem>>, vector<16xf32>,
        %mul3A_808 = arith.mulf %get3A_804, %get3A_807 : vector<16xf32>
        %add3A_809 = arith.addf %add3A_801, %mul3A_808 : vector<16xf32>
        %get3A_810 = arith.index_cast %add3A_778 : i32 to index
        %get3A_811 = arith.constant 64 : index
        %get3A_812 = tpu.vector_load %arg12[%get3A_810, %get3A_811] {strides = array<i32>} : memref<128x128xf32, #tpu.memory_space<vmem>>, vector<16xf32>,
        %get3A_813 = arith.index_cast %add3A_778 : i32 to index
        %get3A_814 = arith.constant 64 : index
        %get3A_815 = tpu.vector_load %arg14[%get3A_813, %get3A_814] {strides = array<i32>} : memref<128x128xf32, #tpu.memory_space<vmem>>, vector<16xf32>,
        %mul3A_816 = arith.mulf %get3A_812, %get3A_815 : vector<16xf32>
        %add3A_817 = arith.addf %add3A_809, %mul3A_816 : vector<16xf32>
        %get3A_818 = arith.index_cast %add3A_778 : i32 to index
        %get3A_819 = arith.constant 80 : index
        %get3A_820 = tpu.vector_load %arg12[%get3A_818, %get3A_819] {strides = array<i32>} : memref<128x128xf32, #tpu.memory_space<vmem>>, vector<16xf32>,
        %get3A_821 = arith.index_cast %add3A_778 : i32 to index
        %get3A_822 = arith.constant 80 : index
        %get3A_823 = tpu.vector_load %arg14[%get3A_821, %get3A_822] {strides = array<i32>} : memref<128x128xf32, #tpu.memory_space<vmem>>, vector<16xf32>,
        %mul3A_824 = arith.mulf %get3A_820, %get3A_823 : vector<16xf32>
        %add3A_825 = arith.addf %add3A_817, %mul3A_824 : vector<16xf32>
        %get3A_826 = arith.index_cast %add3A_778 : i32 to index
        %get3A_827 = arith.constant 96 : index
        %get3A_828 = tpu.vector_load %arg12[%get3A_826, %get3A_827] {strides = array<i32>} : memref<128x128xf32, #tpu.memory_space<vmem>>, vector<16xf32>,
        %get3A_829 = arith.index_cast %add3A_778 : i32 to index
        %get3A_830 = arith.constant 96 : index
        %get3A_831 = tpu.vector_load %arg14[%get3A_829, %get3A_830] {strides = array<i32>} : memref<128x128xf32, #tpu.memory_space<vmem>>, vector<16xf32>,
        %mul3A_832 = arith.mulf %get3A_828, %get3A_831 : vector<16xf32>
        %add3A_833 = arith.addf %add3A_825, %mul3A_832 : vector<16xf32>
        %get3A_834 = arith.index_cast %add3A_778 : i32 to index
        %get3A_835 = arith.constant 112 : index
        %get3A_836 = tpu.vector_load %arg12[%get3A_834, %get3A_835] {strides = array<i32>} : memref<128x128xf32, #tpu.memory_space<vmem>>, vector<16xf32>,
        %get3A_837 = arith.index_cast %add3A_778 : i32 to index
        %get3A_838 = arith.constant 112 : index
        %get3A_839 = tpu.vector_load %arg14[%get3A_837, %get3A_838] {strides = array<i32>} : memref<128x128xf32, #tpu.memory_space<vmem>>, vector<16xf32>,
        %mul3A_840 = arith.mulf %get3A_836, %get3A_839 : vector<16xf32>
        %add3A_841 = arith.addf %add3A_833, %mul3A_840 : vector<16xf32>
        %reduce_sum3A_842 = arith.constant true
        %reduce_sum3A_843 = vector.broadcast %reduce_sum3A_842 : i1 to vector<16xi1>
        %reduce_sum3A_844 = tpu.scan <sum>, %add3A_841 masked %reduce_sum3A_843 : vector<16xf32>, vector<16xi1> -> vector<16xf32>
        %reduce_sum3A_845 = vector.extract %reduce_sum3A_844[15] : f32 from vector<16xf32>
        %mul3A_846 = arith.constant 8 : i32
        %mul3A_847 = arith.muli %scan3A_363, %mul3A_846 : i32
        %add3A_848 = arith.constant 5 : i32
        %add3A_849 = arith.addi %mul3A_847, %add3A_848 : i32
        %eq3A_850 = vector.broadcast %add3A_849 : i32 to vector<16xi32>
        %eq3A_851 = arith.cmpi eq, %iota3A_284, %eq3A_850 : vector<16xi32>
        %broadcast_in_dim3A_852 = vector.broadcast %reduce_sum3A_845 : f32 to vector<16xf32>
        %select_n3A_853 = arith.select %eq3A_851, %broadcast_in_dim3A_852, %select_n3A_771 : vector<16xi1>, vector<16xf32>
        %mul3A_854 = arith.constant 16 : i32
        %mul3A_855 = arith.muli %scan3A_338, %mul3A_854 : i32
        %mul3A_856 = arith.constant 8 : i32
        %mul3A_857 = arith.muli %scan3A_363, %mul3A_856 : i32
        %add3A_858 = arith.addi %mul3A_855, %mul3A_857 : i32
        %add3A_859 = arith.constant 6 : i32
        %add3A_860 = arith.addi %add3A_858, %add3A_859 : i32
        %get3A_861 = arith.index_cast %add3A_860 : i32 to index
        %get3A_862 = arith.constant 0 : index
        %get3A_863 = tpu.vector_load %arg12[%get3A_861, %get3A_862] {strides = array<i32>} : memref<128x128xf32, #tpu.memory_space<vmem>>, vector<16xf32>,
        %get3A_864 = arith.index_cast %add3A_860 : i32 to index
        %get3A_865 = arith.constant 0 : index
        %get3A_866 = tpu.vector_load %arg14[%get3A_864, %get3A_865] {strides = array<i32>} : memref<128x128xf32, #tpu.memory_space<vmem>>, vector<16xf32>,
        %mul3A_867 = arith.mulf %get3A_863, %get3A_866 : vector<16xf32>
        %get3A_868 = arith.index_cast %add3A_860 : i32 to index
        %get3A_869 = arith.constant 16 : index
        %get3A_870 = tpu.vector_load %arg12[%get3A_868, %get3A_869] {strides = array<i32>} : memref<128x128xf32, #tpu.memory_space<vmem>>, vector<16xf32>,
        %get3A_871 = arith.index_cast %add3A_860 : i32 to index
        %get3A_872 = arith.constant 16 : index
        %get3A_873 = tpu.vector_load %arg14[%get3A_871, %get3A_872] {strides = array<i32>} : memref<128x128xf32, #tpu.memory_space<vmem>>, vector<16xf32>,
        %mul3A_874 = arith.mulf %get3A_870, %get3A_873 : vector<16xf32>
        %add3A_875 = arith.addf %mul3A_867, %mul3A_874 : vector<16xf32>
        %get3A_876 = arith.index_cast %add3A_860 : i32 to index
        %get3A_877 = arith.constant 32 : index
        %get3A_878 = tpu.vector_load %arg12[%get3A_876, %get3A_877] {strides = array<i32>} : memref<128x128xf32, #tpu.memory_space<vmem>>, vector<16xf32>,
        %get3A_879 = arith.index_cast %add3A_860 : i32 to index
        %get3A_880 = arith.constant 32 : index
        %get3A_881 = tpu.vector_load %arg14[%get3A_879, %get3A_880] {strides = array<i32>} : memref<128x128xf32, #tpu.memory_space<vmem>>, vector<16xf32>,
        %mul3A_882 = arith.mulf %get3A_878, %get3A_881 : vector<16xf32>
        %add3A_883 = arith.addf %add3A_875, %mul3A_882 : vector<16xf32>
        %get3A_884 = arith.index_cast %add3A_860 : i32 to index
        %get3A_885 = arith.constant 48 : index
        %get3A_886 = tpu.vector_load %arg12[%get3A_884, %get3A_885] {strides = array<i32>} : memref<128x128xf32, #tpu.memory_space<vmem>>, vector<16xf32>,
        %get3A_887 = arith.index_cast %add3A_860 : i32 to index
        %get3A_888 = arith.constant 48 : index
        %get3A_889 = tpu.vector_load %arg14[%get3A_887, %get3A_888] {strides = array<i32>} : memref<128x128xf32, #tpu.memory_space<vmem>>, vector<16xf32>,
        %mul3A_890 = arith.mulf %get3A_886, %get3A_889 : vector<16xf32>
        %add3A_891 = arith.addf %add3A_883, %mul3A_890 : vector<16xf32>
        %get3A_892 = arith.index_cast %add3A_860 : i32 to index
        %get3A_893 = arith.constant 64 : index
        %get3A_894 = tpu.vector_load %arg12[%get3A_892, %get3A_893] {strides = array<i32>} : memref<128x128xf32, #tpu.memory_space<vmem>>, vector<16xf32>,
        %get3A_895 = arith.index_cast %add3A_860 : i32 to index
        %get3A_896 = arith.constant 64 : index
        %get3A_897 = tpu.vector_load %arg14[%get3A_895, %get3A_896] {strides = array<i32>} : memref<128x128xf32, #tpu.memory_space<vmem>>, vector<16xf32>,
        %mul3A_898 = arith.mulf %get3A_894, %get3A_897 : vector<16xf32>
        %add3A_899 = arith.addf %add3A_891, %mul3A_898 : vector<16xf32>
        %get3A_900 = arith.index_cast %add3A_860 : i32 to index
        %get3A_901 = arith.constant 80 : index
        %get3A_902 = tpu.vector_load %arg12[%get3A_900, %get3A_901] {strides = array<i32>} : memref<128x128xf32, #tpu.memory_space<vmem>>, vector<16xf32>,
        %get3A_903 = arith.index_cast %add3A_860 : i32 to index
        %get3A_904 = arith.constant 80 : index
        %get3A_905 = tpu.vector_load %arg14[%get3A_903, %get3A_904] {strides = array<i32>} : memref<128x128xf32, #tpu.memory_space<vmem>>, vector<16xf32>,
        %mul3A_906 = arith.mulf %get3A_902, %get3A_905 : vector<16xf32>
        %add3A_907 = arith.addf %add3A_899, %mul3A_906 : vector<16xf32>
        %get3A_908 = arith.index_cast %add3A_860 : i32 to index
        %get3A_909 = arith.constant 96 : index
        %get3A_910 = tpu.vector_load %arg12[%get3A_908, %get3A_909] {strides = array<i32>} : memref<128x128xf32, #tpu.memory_space<vmem>>, vector<16xf32>,
        %get3A_911 = arith.index_cast %add3A_860 : i32 to index
        %get3A_912 = arith.constant 96 : index
        %get3A_913 = tpu.vector_load %arg14[%get3A_911, %get3A_912] {strides = array<i32>} : memref<128x128xf32, #tpu.memory_space<vmem>>, vector<16xf32>,
        %mul3A_914 = arith.mulf %get3A_910, %get3A_913 : vector<16xf32>
        %add3A_915 = arith.addf %add3A_907, %mul3A_914 : vector<16xf32>
        %get3A_916 = arith.index_cast %add3A_860 : i32 to index
        %get3A_917 = arith.constant 112 : index
        %get3A_918 = tpu.vector_load %arg12[%get3A_916, %get3A_917] {strides = array<i32>} : memref<128x128xf32, #tpu.memory_space<vmem>>, vector<16xf32>,
        %get3A_919 = arith.index_cast %add3A_860 : i32 to index
        %get3A_920 = arith.constant 112 : index
        %get3A_921 = tpu.vector_load %arg14[%get3A_919, %get3A_920] {strides = array<i32>} : memref<128x128xf32, #tpu.memory_space<vmem>>, vector<16xf32>,
        %mul3A_922 = arith.mulf %get3A_918, %get3A_921 : vector<16xf32>
        %add3A_923 = arith.addf %add3A_915, %mul3A_922 : vector<16xf32>
        %reduce_sum3A_924 = arith.constant true
        %reduce_sum3A_925 = vector.broadcast %reduce_sum3A_924 : i1 to vector<16xi1>
        %reduce_sum3A_926 = tpu.scan <sum>, %add3A_923 masked %reduce_sum3A_925 : vector<16xf32>, vector<16xi1> -> vector<16xf32>
        %reduce_sum3A_927 = vector.extract %reduce_sum3A_926[15] : f32 from vector<16xf32>
        %mul3A_928 = arith.constant 8 : i32
        %mul3A_929 = arith.muli %scan3A_363, %mul3A_928 : i32
        %add3A_930 = arith.constant 6 : i32
        %add3A_931 = arith.addi %mul3A_929, %add3A_930 : i32
        %eq3A_932 = vector.broadcast %add3A_931 : i32 to vector<16xi32>
        %eq3A_933 = arith.cmpi eq, %iota3A_284, %eq3A_932 : vector<16xi32>
        %broadcast_in_dim3A_934 = vector.broadcast %reduce_sum3A_927 : f32 to vector<16xf32>
        %select_n3A_935 = arith.select %eq3A_933, %broadcast_in_dim3A_934, %select_n3A_853 : vector<16xi1>, vector<16xf32>
        %mul3A_936 = arith.constant 16 : i32
        %mul3A_937 = arith.muli %scan3A_338, %mul3A_936 : i32
        %mul3A_938 = arith.constant 8 : i32
        %mul3A_939 = arith.muli %scan3A_363, %mul3A_938 : i32
        %add3A_940 = arith.addi %mul3A_937, %mul3A_939 : i32
        %add3A_941 = arith.constant 7 : i32
        %add3A_942 = arith.addi %add3A_940, %add3A_941 : i32
        %get3A_943 = arith.index_cast %add3A_942 : i32 to index
        %get3A_944 = arith.constant 0 : index
        %get3A_945 = tpu.vector_load %arg12[%get3A_943, %get3A_944] {strides = array<i32>} : memref<128x128xf32, #tpu.memory_space<vmem>>, vector<16xf32>,
        %get3A_946 = arith.index_cast %add3A_942 : i32 to index
        %get3A_947 = arith.constant 0 : index
        %get3A_948 = tpu.vector_load %arg14[%get3A_946, %get3A_947] {strides = array<i32>} : memref<128x128xf32, #tpu.memory_space<vmem>>, vector<16xf32>,
        %mul3A_949 = arith.mulf %get3A_945, %get3A_948 : vector<16xf32>
        %get3A_950 = arith.index_cast %add3A_942 : i32 to index
        %get3A_951 = arith.constant 16 : index
        %get3A_952 = tpu.vector_load %arg12[%get3A_950, %get3A_951] {strides = array<i32>} : memref<128x128xf32, #tpu.memory_space<vmem>>, vector<16xf32>,
        %get3A_953 = arith.index_cast %add3A_942 : i32 to index
        %get3A_954 = arith.constant 16 : index
        %get3A_955 = tpu.vector_load %arg14[%get3A_953, %get3A_954] {strides = array<i32>} : memref<128x128xf32, #tpu.memory_space<vmem>>, vector<16xf32>,
        %mul3A_956 = arith.mulf %get3A_952, %get3A_955 : vector<16xf32>
        %add3A_957 = arith.addf %mul3A_949, %mul3A_956 : vector<16xf32>
        %get3A_958 = arith.index_cast %add3A_942 : i32 to index
        %get3A_959 = arith.constant 32 : index
        %get3A_960 = tpu.vector_load %arg12[%get3A_958, %get3A_959] {strides = array<i32>} : memref<128x128xf32, #tpu.memory_space<vmem>>, vector<16xf32>,
        %get3A_961 = arith.index_cast %add3A_942 : i32 to index
        %get3A_962 = arith.constant 32 : index
        %get3A_963 = tpu.vector_load %arg14[%get3A_961, %get3A_962] {strides = array<i32>} : memref<128x128xf32, #tpu.memory_space<vmem>>, vector<16xf32>,
        %mul3A_964 = arith.mulf %get3A_960, %get3A_963 : vector<16xf32>
        %add3A_965 = arith.addf %add3A_957, %mul3A_964 : vector<16xf32>
        %get3A_966 = arith.index_cast %add3A_942 : i32 to index
        %get3A_967 = arith.constant 48 : index
        %get3A_968 = tpu.vector_load %arg12[%get3A_966, %get3A_967] {strides = array<i32>} : memref<128x128xf32, #tpu.memory_space<vmem>>, vector<16xf32>,
        %get3A_969 = arith.index_cast %add3A_942 : i32 to index
        %get3A_970 = arith.constant 48 : index
        %get3A_971 = tpu.vector_load %arg14[%get3A_969, %get3A_970] {strides = array<i32>} : memref<128x128xf32, #tpu.memory_space<vmem>>, vector<16xf32>,
        %mul3A_972 = arith.mulf %get3A_968, %get3A_971 : vector<16xf32>
        %add3A_973 = arith.addf %add3A_965, %mul3A_972 : vector<16xf32>
        %get3A_974 = arith.index_cast %add3A_942 : i32 to index
        %get3A_975 = arith.constant 64 : index
        %get3A_976 = tpu.vector_load %arg12[%get3A_974, %get3A_975] {strides = array<i32>} : memref<128x128xf32, #tpu.memory_space<vmem>>, vector<16xf32>,
        %get3A_977 = arith.index_cast %add3A_942 : i32 to index
        %get3A_978 = arith.constant 64 : index
        %get3A_979 = tpu.vector_load %arg14[%get3A_977, %get3A_978] {strides = array<i32>} : memref<128x128xf32, #tpu.memory_space<vmem>>, vector<16xf32>,
        %mul3A_980 = arith.mulf %get3A_976, %get3A_979 : vector<16xf32>
        %add3A_981 = arith.addf %add3A_973, %mul3A_980 : vector<16xf32>
        %get3A_982 = arith.index_cast %add3A_942 : i32 to index
        %get3A_983 = arith.constant 80 : index
        %get3A_984 = tpu.vector_load %arg12[%get3A_982, %get3A_983] {strides = array<i32>} : memref<128x128xf32, #tpu.memory_space<vmem>>, vector<16xf32>,
        %get3A_985 = arith.index_cast %add3A_942 : i32 to index
        %get3A_986 = arith.constant 80 : index
        %get3A_987 = tpu.vector_load %arg14[%get3A_985, %get3A_986] {strides = array<i32>} : memref<128x128xf32, #tpu.memory_space<vmem>>, vector<16xf32>,
        %mul3A_988 = arith.mulf %get3A_984, %get3A_987 : vector<16xf32>
        %add3A_989 = arith.addf %add3A_981, %mul3A_988 : vector<16xf32>
        %get3A_990 = arith.index_cast %add3A_942 : i32 to index
        %get3A_991 = arith.constant 96 : index
        %get3A_992 = tpu.vector_load %arg12[%get3A_990, %get3A_991] {strides = array<i32>} : memref<128x128xf32, #tpu.memory_space<vmem>>, vector<16xf32>,
        %get3A_993 = arith.index_cast %add3A_942 : i32 to index
        %get3A_994 = arith.constant 96 : index
        %get3A_995 = tpu.vector_load %arg14[%get3A_993, %get3A_994] {strides = array<i32>} : memref<128x128xf32, #tpu.memory_space<vmem>>, vector<16xf32>,
        %mul3A_996 = arith.mulf %get3A_992, %get3A_995 : vector<16xf32>
        %add3A_997 = arith.addf %add3A_989, %mul3A_996 : vector<16xf32>
        %get3A_998 = arith.index_cast %add3A_942 : i32 to index
        %get3A_999 = arith.constant 112 : index
        %get3A_1000 = tpu.vector_load %arg12[%get3A_998, %get3A_999] {strides = array<i32>} : memref<128x128xf32, #tpu.memory_space<vmem>>, vector<16xf32>,
        %get3A_1001 = arith.index_cast %add3A_942 : i32 to index
        %get3A_1002 = arith.constant 112 : index
        %get3A_1003 = tpu.vector_load %arg14[%get3A_1001, %get3A_1002] {strides = array<i32>} : memref<128x128xf32, #tpu.memory_space<vmem>>, vector<16xf32>,
        %mul3A_1004 = arith.mulf %get3A_1000, %get3A_1003 : vector<16xf32>
        %add3A_1005 = arith.addf %add3A_997, %mul3A_1004 : vector<16xf32>
        %reduce_sum3A_1006 = arith.constant true
        %reduce_sum3A_1007 = vector.broadcast %reduce_sum3A_1006 : i1 to vector<16xi1>
        %reduce_sum3A_1008 = tpu.scan <sum>, %add3A_1005 masked %reduce_sum3A_1007 : vector<16xf32>, vector<16xi1> -> vector<16xf32>
        %reduce_sum3A_1009 = vector.extract %reduce_sum3A_1008[15] : f32 from vector<16xf32>
        %mul3A_1010 = arith.constant 8 : i32
        %mul3A_1011 = arith.muli %scan3A_363, %mul3A_1010 : i32
        %add3A_1012 = arith.constant 7 : i32
        %add3A_1013 = arith.addi %mul3A_1011, %add3A_1012 : i32
        %eq3A_1014 = vector.broadcast %add3A_1013 : i32 to vector<16xi32>
        %eq3A_1015 = arith.cmpi eq, %iota3A_284, %eq3A_1014 : vector<16xi32>
        %broadcast_in_dim3A_1016 = vector.broadcast %reduce_sum3A_1009 : f32 to vector<16xf32>
        %select_n3A_1017 = arith.select %eq3A_1015, %broadcast_in_dim3A_1016, %select_n3A_935 : vector<16xi1>, vector<16xf32>
        scf.yield %select_n3A_1017 : vector<16xf32>
      }
      %scan3A_345 = arith.constant 2 : i32
      %mul3A_346 = arith.constant 16 : i32
      %mul3A_347 = arith.muli %scan3A_338, %mul3A_346 : i32
      %add3A_348 = arith.constant 384 : i32
      %add3A_349 = arith.addi %add3A_348, %mul3A_347 : i32
      %get3A = arith.index_cast %add3A_349 : i32 to index
      %get3A_350 = tpu.vector_load %arg15[%get3A] {strides = array<i32>} : memref<512xf32, #tpu.memory_space<vmem>>, vector<16xf32>,
      %add3A_351 = arith.addf %scan3A_344, %get3A_350 : vector<16xf32>
      %get3A_352 = arith.index_cast %add3A_349 : i32 to index
      %get3A_353 = tpu.vector_load %arg16[%get3A_352] {strides = array<i32>} : memref<512xf32, #tpu.memory_space<vmem>>, vector<16xf32>,
      %add3A_354 = arith.addf %add3A_351, %get3A_353 : vector<16xf32>
      %neg3A = arith.constant 0.000000e+00 : f32
      %neg3A_355 = vector.broadcast %neg3A : f32 to vector<16xf32>
      %neg3A_356 = arith.subf %neg3A_355, %add3A_354 : vector<16xf32>
      %exp3A = math.exp %neg3A_356 : vector<16xf32>
      %add3A_357 = arith.constant 1.000000e+00 : f32
      %add3A_358 = vector.broadcast %add3A_357 : f32 to vector<16xf32>
      %add3A_359 = arith.addf %add3A_358, %exp3A : vector<16xf32>
      %div3A = arith.constant 5.000000e+00 : f32
      %div3A_360 = vector.broadcast %div3A : f32 to vector<16xf32>
      %div3A_361 = arith.divf %div3A_360, %add3A_359 : vector<16xf32>
      %swap3A = arith.index_cast %add3A_349 : i32 to index
      %swap3A_362 = tpu.vector_load %arg17[%swap3A] {strides = array<i32>} : memref<512xf32, #tpu.memory_space<vmem>>, vector<16xf32>,
      tpu.vector_store %arg17[%swap3A], %div3A_361 {strides = array<i32>} : memref<512xf32, #tpu.memory_space<vmem>>, vector<16xf32>,
    }
    %scan3A_290 = arith.constant 8 : i32
    %add3A_291 = arith.constant 384 : i32
    %add3A_292 = arith.addi %mul3A_2, %add3A_291 : i32
    %dma_start3A_293 = arith.constant 2 : i32
    %dma_start3A_294 = arith.constant 384 : i32
    %dma_start3A_295 = tpu.memref_slice %arg17[%dma_start3A_294] : memref<512xf32, #tpu.memory_space<vmem>> -> memref<128xf32, #tpu.memory_space<vmem>>
    %dma_start3A_296 = tpu.memref_slice %arg8[%add3A_292] : memref<16384xf32, #tpu.memory_space<hbm>> -> memref<128xf32, #tpu.memory_space<hbm>>
    %dma_start3A_297 = tpu.memref_slice %arg18[%dma_start3A_293] : memref<3x!tpu.dma_semaphore, #tpu.memory_space<semaphore_mem>> -> memref<1x!tpu.dma_semaphore, #tpu.memory_space<semaphore_mem>>
    %dma_start3A_298 = tpu.memref_squeeze %dma_start3A_297 : memref<1x!tpu.dma_semaphore, #tpu.memory_space<semaphore_mem>> -> memref<!tpu.dma_semaphore, #tpu.memory_space<semaphore_mem>>
    %dma_start3A_299 = tpu.memref_slice %arg8[%add3A_292] : memref<16384xf32, #tpu.memory_space<hbm>> -> memref<128xf32, #tpu.memory_space<hbm>>
    %dma_start3A_300 = arith.constant 384 : i32
    %dma_start3A_301 = tpu.memref_slice %arg17[%dma_start3A_300] : memref<512xf32, #tpu.memory_space<vmem>> -> memref<128xf32, #tpu.memory_space<vmem>>
    tpu.enqueue_dma source(%dma_start3A_301 : memref<128xf32, #tpu.memory_space<vmem>>) target(%dma_start3A_299 : memref<128xf32, #tpu.memory_space<hbm>>) target_semaphore(%dma_start3A_298 : memref<!tpu.dma_semaphore, #tpu.memory_space<semaphore_mem>>)
    %dma_wait3A_302 = arith.constant 2 : i32
    %dma_wait3A_303 = arith.constant 0 : i32
    %dma_wait3A_304 = tpu.memref_slice %arg17[%dma_wait3A_303] : memref<512xf32, #tpu.memory_space<vmem>> -> memref<128xf32, #tpu.memory_space<vmem>>
    %dma_wait3A_305 = tpu.memref_slice %arg8[%add3A_158] : memref<16384xf32, #tpu.memory_space<hbm>> -> memref<128xf32, #tpu.memory_space<hbm>>
    %dma_wait3A_306 = tpu.memref_slice %arg18[%dma_wait3A_302] : memref<3x!tpu.dma_semaphore, #tpu.memory_space<semaphore_mem>> -> memref<1x!tpu.dma_semaphore, #tpu.memory_space<semaphore_mem>>
    %dma_wait3A_307 = tpu.memref_squeeze %dma_wait3A_306 : memref<1x!tpu.dma_semaphore, #tpu.memory_space<semaphore_mem>> -> memref<!tpu.dma_semaphore, #tpu.memory_space<semaphore_mem>>
    %dma_wait3A_308 = tpu.memref_slice %arg8[%add3A_158] : memref<16384xf32, #tpu.memory_space<hbm>> -> memref<128xf32, #tpu.memory_space<hbm>>
    %dma_wait3A_309 = arith.constant 0 : i32
    %dma_wait3A_310 = tpu.memref_slice %arg17[%dma_wait3A_309] : memref<512xf32, #tpu.memory_space<vmem>> -> memref<128xf32, #tpu.memory_space<vmem>>
    tpu.wait_dma2 semaphore(%dma_wait3A_307 : memref<!tpu.dma_semaphore, #tpu.memory_space<semaphore_mem>>) src(%dma_wait3A_310 : memref<128xf32, #tpu.memory_space<vmem>>) dst(%dma_wait3A_308 : memref<128xf32, #tpu.memory_space<hbm>>)
    %dma_wait3A_311 = arith.constant 2 : i32
    %dma_wait3A_312 = arith.constant 128 : i32
    %dma_wait3A_313 = tpu.memref_slice %arg17[%dma_wait3A_312] : memref<512xf32, #tpu.memory_space<vmem>> -> memref<128xf32, #tpu.memory_space<vmem>>
    %dma_wait3A_314 = tpu.memref_slice %arg8[%add3A_208] : memref<16384xf32, #tpu.memory_space<hbm>> -> memref<128xf32, #tpu.memory_space<hbm>>
    %dma_wait3A_315 = tpu.memref_slice %arg18[%dma_wait3A_311] : memref<3x!tpu.dma_semaphore, #tpu.memory_space<semaphore_mem>> -> memref<1x!tpu.dma_semaphore, #tpu.memory_space<semaphore_mem>>
    %dma_wait3A_316 = tpu.memref_squeeze %dma_wait3A_315 : memref<1x!tpu.dma_semaphore, #tpu.memory_space<semaphore_mem>> -> memref<!tpu.dma_semaphore, #tpu.memory_space<semaphore_mem>>
    %dma_wait3A_317 = tpu.memref_slice %arg8[%add3A_208] : memref<16384xf32, #tpu.memory_space<hbm>> -> memref<128xf32, #tpu.memory_space<hbm>>
    %dma_wait3A_318 = arith.constant 128 : i32
    %dma_wait3A_319 = tpu.memref_slice %arg17[%dma_wait3A_318] : memref<512xf32, #tpu.memory_space<vmem>> -> memref<128xf32, #tpu.memory_space<vmem>>
    tpu.wait_dma2 semaphore(%dma_wait3A_316 : memref<!tpu.dma_semaphore, #tpu.memory_space<semaphore_mem>>) src(%dma_wait3A_319 : memref<128xf32, #tpu.memory_space<vmem>>) dst(%dma_wait3A_317 : memref<128xf32, #tpu.memory_space<hbm>>)
    %dma_wait3A_320 = arith.constant 2 : i32
    %dma_wait3A_321 = arith.constant 256 : i32
    %dma_wait3A_322 = tpu.memref_slice %arg17[%dma_wait3A_321] : memref<512xf32, #tpu.memory_space<vmem>> -> memref<128xf32, #tpu.memory_space<vmem>>
    %dma_wait3A_323 = tpu.memref_slice %arg8[%add3A_258] : memref<16384xf32, #tpu.memory_space<hbm>> -> memref<128xf32, #tpu.memory_space<hbm>>
    %dma_wait3A_324 = tpu.memref_slice %arg18[%dma_wait3A_320] : memref<3x!tpu.dma_semaphore, #tpu.memory_space<semaphore_mem>> -> memref<1x!tpu.dma_semaphore, #tpu.memory_space<semaphore_mem>>
    %dma_wait3A_325 = tpu.memref_squeeze %dma_wait3A_324 : memref<1x!tpu.dma_semaphore, #tpu.memory_space<semaphore_mem>> -> memref<!tpu.dma_semaphore, #tpu.memory_space<semaphore_mem>>
    %dma_wait3A_326 = tpu.memref_slice %arg8[%add3A_258] : memref<16384xf32, #tpu.memory_space<hbm>> -> memref<128xf32, #tpu.memory_space<hbm>>
    %dma_wait3A_327 = arith.constant 256 : i32
    %dma_wait3A_328 = tpu.memref_slice %arg17[%dma_wait3A_327] : memref<512xf32, #tpu.memory_space<vmem>> -> memref<128xf32, #tpu.memory_space<vmem>>
    tpu.wait_dma2 semaphore(%dma_wait3A_325 : memref<!tpu.dma_semaphore, #tpu.memory_space<semaphore_mem>>) src(%dma_wait3A_328 : memref<128xf32, #tpu.memory_space<vmem>>) dst(%dma_wait3A_326 : memref<128xf32, #tpu.memory_space<hbm>>)
    %dma_wait3A_329 = arith.constant 2 : i32
    %dma_wait3A_330 = arith.constant 384 : i32
    %dma_wait3A_331 = tpu.memref_slice %arg17[%dma_wait3A_330] : memref<512xf32, #tpu.memory_space<vmem>> -> memref<128xf32, #tpu.memory_space<vmem>>
    %dma_wait3A_332 = tpu.memref_slice %arg8[%add3A_292] : memref<16384xf32, #tpu.memory_space<hbm>> -> memref<128xf32, #tpu.memory_space<hbm>>
    %dma_wait3A_333 = tpu.memref_slice %arg18[%dma_wait3A_329] : memref<3x!tpu.dma_semaphore, #tpu.memory_space<semaphore_mem>> -> memref<1x!tpu.dma_semaphore, #tpu.memory_space<semaphore_mem>>
    %dma_wait3A_334 = tpu.memref_squeeze %dma_wait3A_333 : memref<1x!tpu.dma_semaphore, #tpu.memory_space<semaphore_mem>> -> memref<!tpu.dma_semaphore, #tpu.memory_space<semaphore_mem>>
    %dma_wait3A_335 = tpu.memref_slice %arg8[%add3A_292] : memref<16384xf32, #tpu.memory_space<hbm>> -> memref<128xf32, #tpu.memory_space<hbm>>
    %dma_wait3A_336 = arith.constant 384 : i32
    %dma_wait3A_337 = tpu.memref_slice %arg17[%dma_wait3A_336] : memref<512xf32, #tpu.memory_space<vmem>> -> memref<128xf32, #tpu.memory_space<vmem>>
    tpu.wait_dma2 semaphore(%dma_wait3A_334 : memref<!tpu.dma_semaphore, #tpu.memory_space<semaphore_mem>>) src(%dma_wait3A_337 : memref<128xf32, #tpu.memory_space<vmem>>) dst(%dma_wait3A_335 : memref<128xf32, #tpu.memory_space<hbm>>)
    return
  }
}

</mosaic_0001>

<sc_bundles>
// kernel: kernel.3.cloned.1.call-start
scs
__scs_entry_jumppad:
0x0: {  	(pc) =	sbr.rel $0x88, $3  }
0x1: {  	(tag) =	ssettag $0x0;
	lr =	simm.s32 $0x1  }
0x2: {  	[smem:$0x3F9B] =	sst lr;
	_ =	strace $0xD0000000  }
0x3: {  	_ = 	snop  }
0x4: {  	_ = 	snop  }
0x5: {  	_ = 	snop  }
0x6: {  	_ = 	snop  }
0x7: {  	_ = 	snop  }
__scs_overlays_trampoline_lowered:
0x8: {  	[smem:$0x3FAA] =	sst s0  }
0x9: {  	[smem:$0x3FAB] =	sst s1  }
0xa: {  	[smem:$0x3FAC] =	sst s2  }
0xb: {  	[smem:$0x3FAD] =	sst s3  }
0xc: {  	[smem:$0x3FAE] =	sst s4  }
0xd: {  	[smem:$0x3FAF] =	sst s5  }
0xe: {  	[smem:$0x3FB0] =	sst s6  }
0xf: {  	[smem:$0x3FB1] =	sst s7  }
0x10: {  	[smem:$0x3FB2] =	sst s8  }
0x11: {  	[smem:$0x3FB3] =	sst s9;
	s0 =	simm.s32 @!p0 $0x0  }
0x12: {  	s1 =	sld [smem:$0x3F99];
	s0 =	simm.s32 @p0 $0x1  }
0x13: {  	[smem:$0x3FB4] =	sst s0;
	s0 =	simm.s32 @!p1 $0x0  }
0x14: {  	s2 =	sld [smem:$0x3F98];
	s0 =	simm.s32 @p1 $0x1  }
0x15: {  	[smem:$0x3FB5] =	sst s0;
	s0 =	simm.s32 @!p2 $0x0  }
0x16: {  	s3 =	sld [smem:$0x3FDB];
	s0 =	simm.s32 @p2 $0x1  }
0x17: {  	s4 =	simm.s32 $0x1BF5;
	[smem:$0x3FB7] =	sst s0  }
0x18: {  	s0 =	sld [smem:$0x3F9A];
	_ =	swait.ge [sflag:s4], $0x0  }
0x19: {  	s7 =	sld [smem:$0x3F9B]  }
0x1a: {  	s8 =	sadd.s32 $0xFFFFE003, lr  }
0x1b: {  	s9 =	sadd.s32 $0xFFFFFEF7, lr;
	s5 =	simm.s32 $0xFFFFFFFF;
	p2 =	slt.u32 s8, $0xFFFFF086  }
0x1c: {  	p1 =	slt.u32 s9, $0xF7A;
	s5 =	simm.s32 @!p2 $0x0  }
0x1d: {  	s5 =	simm.s32 @p1 $0x1;
	p0 =	seq.s32 s7, s2  }
0x1e: {  	s7 =	smul.u32 @!p0 $0xF7A, s2;
	p2 =	seq.s32 @!p0 s5, $0x0  }
0x1f: {  	s9 =	smul.u32 $0xF7A, s1;
	s8 =	simm.s32 @!p0 $0x1BF5;
	p2 =	por !p2, p0  }
0x20: {  	[sflag:s8] =	ssyncset.s32 @!p0 $0xFFFFF086;
	s6 =	sadd.s32 @!p0 s3, s7;
	s7 =	simm.s32 @!p0 $0x108  }
0x21: {  	s3 =	sadd.s32 s3, s9;
	s6 =	sadd.s32 @!p0 $0x88, s6;
	s7 =	simm.s32 @p2 $0x1082  }
0x22: {  	[simem:s7], [sflag:s8] =	dma.local @!p0 [hbm:s6], $0xF7A  }
0x23: {  	s9 =	sor.u32 $0xD0000000, s2;
	s6 =	simm.s32 $0x108;
	_ =	swait.ge @!p0 [sflag:s8], $0x0  }
0x24: {  	s3 =	sadd.s32 $0x88, s3;
	s6 =	simm.s32 @!p1 $0x1082;
	[sflag:s4] =	ssyncset.s32 $0xFFFFF086  }
0x25: {  	[simem:s6], [sflag:s4] =	dma.local [hbm:s3], $0xF7A  }
0x26: {  	[smem:$0x3F9B] =	sst s1;
	(tag) =	ssettag s2;
	_ =	strace s9  }
0x27: {  	s1 =	sld [smem:$0x3FAB]  }
0x28: {  	s2 =	sld [smem:$0x3FAC]  }
0x29: {  	s4 =	sld [smem:$0x3FAE]  }
0x2a: {  	p0 =	seq.s32 s5, $0x0;
	s5 =	sld [smem:$0x3FAF]  }
0x2b: {  	s6 =	sld [smem:$0x3FB0]  }
0x2c: {  	s7 =	sld [smem:$0x3FB1]  }
0x2d: {  	s3 =	simm.s32 $0x108;
	s8 =	sld [smem:$0x3FB2]  }
0x2e: {  	s3 =	simm.s32 @!p0 $0x1082;
	s9 =	sld [smem:$0x3FB3]  }
0x2f: {  	lr =	sadd.s32 s0, s3;
	s0 =	sld [smem:$0x3FAA]  }
0x30: {  	s3 =	sld [smem:$0x3FAD]  }
0x31: {  	[smem:$0x3FB6] =	sst s10  }
0x32: {  	s10 =	sld [smem:$0x3FB4];
	_ =	sdelay $0x3  }
0x33: {  	p0 =	seq.s32 s10, $0x1;
	s10 =	sld [smem:$0x3FB6];
	_ =	sdelay $0x3  }
0x34: {  	[smem:$0x3FB6] =	sst s10  }
0x35: {  	s10 =	sld [smem:$0x3FB5];
	_ =	sdelay $0x3  }
0x36: {  	p1 =	seq.s32 s10, $0x1;
	s10 =	sld [smem:$0x3FB6];
	_ =	sdelay $0x3  }
0x37: {  	[smem:$0x3FB6] =	sst s10  }
0x38: {  	s10 =	sld [smem:$0x3FB7]  }
0x39: {  	_ = 	snop;
	(pc) =	sbr.ind lr, $3  }
0x3a: {  	_ = 	snop  }
0x3b: {  	_ = 	snop  }
0x3c: {  	p2 =	seq.s32 s10, $0x1;
	s10 =	sld [smem:$0x3FB6]  }
0x3d: {  	_ =	shalt  }
0x3e: {  	_ =	shalt  }
0x3f: {  	_ =	shalt  }
0x40: {  	_ =	shalt  }
0x41: {  	_ =	shalt  }
0x42: {  	_ =	shalt  }
0x43: {  	_ =	shalt  }
0x44: {  	_ =	shalt  }
0x45: {  	_ =	shalt  }
0x46: {  	_ =	shalt  }
0x47: {  	_ =	shalt  }
0x48: {  	_ =	shalt  }
0x49: {  	_ =	shalt  }
0x4a: {  	_ =	shalt  }
0x4b: {  	_ =	shalt  }
0x4c: {  	_ =	shalt  }
0x4d: {  	_ =	shalt  }
0x4e: {  	_ =	shalt  }
0x4f: {  	_ =	shalt  }
0x50: {  	_ =	shalt  }
0x51: {  	_ =	shalt  }
0x52: {  	_ =	shalt  }
0x53: {  	_ =	shalt  }
0x54: {  	_ =	shalt  }
0x55: {  	_ =	shalt  }
0x56: {  	_ =	shalt  }
0x57: {  	_ =	shalt  }
0x58: {  	_ =	shalt  }
0x59: {  	_ =	shalt  }
0x5a: {  	_ =	shalt  }
0x5b: {  	_ =	shalt  }
0x5c: {  	_ =	shalt  }
0x5d: {  	_ =	shalt  }
0x5e: {  	_ =	shalt  }
0x5f: {  	_ =	shalt  }
0x60: {  	_ =	shalt  }
0x61: {  	_ =	shalt  }
0x62: {  	_ =	shalt  }
0x63: {  	_ =	shalt  }
0x64: {  	_ =	shalt  }
0x65: {  	_ =	shalt  }
0x66: {  	_ =	shalt  }
0x67: {  	_ =	shalt  }
0x68: {  	_ =	shalt  }
0x69: {  	_ =	shalt  }
0x6a: {  	_ =	shalt  }
0x6b: {  	_ =	shalt  }
0x6c: {  	_ =	shalt  }
0x6d: {  	_ =	shalt  }
0x6e: {  	_ =	shalt  }
0x6f: {  	_ =	shalt  }
0x70: {  	_ =	shalt  }
0x71: {  	_ =	shalt  }
0x72: {  	_ =	shalt  }
0x73: {  	_ =	shalt  }
0x74: {  	_ =	shalt  }
0x75: {  	_ =	shalt  }
0x76: {  	_ =	shalt  }
0x77: {  	_ =	shalt  }
0x78: {  	_ =	shalt  }
0x79: {  	_ =	shalt  }
0x7a: {  	_ =	shalt  }
0x7b: {  	_ =	shalt  }
0x7c: {  	_ =	shalt  }
0x7d: {  	_ =	shalt  }
0x7e: {  	_ =	shalt  }
0x7f: {  	_ =	shalt  }
0x80: {  	_ =	shalt  }
0x81: {  	_ =	shalt  }
0x82: {  	_ =	shalt  }
0x83: {  	_ =	shalt  }
0x84: {  	_ =	shalt  }
0x85: {  	_ =	shalt  }
0x86: {  	_ =	shalt  }
0x87: {  	_ =	shalt  }
.Lfunc_end0:
.L_simem_size_0:
called_computation_lowered:
.L_overlay_start_0:
0x88: {  	s2 =	sld [smem:$0x3FD9]  }
0x89: {  	s3 =	sld [smem:$0x3FFE];
	_ =	sdelay $0x1  }
0x8a: {  	s1 =	srdreg.scid  }
0x8b: {  	s0 =	sand.u32 $0x1, s1  }
0x8c: {  	s17 =	sshll.u32 s0, $0xA;
	s2 =	sadd.s32 s3, s2  }
0x8d: {  	s2 =	sadd.s32 s2, s17  }
0x8e: {  	[smem:$0x3FC2] =	sst s2  }
0x8f: {  	_ = 	snop  }
0x90: {  	s2 =	sld [smem:$0x3FC9]  }
0x91: {  	s18 =	sld [smem:$0x3FC8]  }
0x92: {  	s4 =	sld [smem:$0x3FC7]  }
0x93: {  	s5 =	sld [smem:$0x3FC6]  }
0x94: {  	s6 =	sld [smem:$0x3FD0];
	(tm) =	ssettm $0x1  }
0x95: {  	s7 =	sld [smem:$0x3FFB];
	_ =	sdelay $0x3  }
0x96: {  	_ =	strace s7  }
0x97: {  	s7 =	sld [smem:$0x3FFC];
	_ =	sdelay $0x3  }
0x98: {  	_ =	strace s7  }
0x99: {  	s7 =	sld [smem:$0x3FFD];
	_ =	sdelay $0x3  }
0x9a: {  	_ =	strace s7  }
0x9b: {  	_ =	strace $0x8FFFFFFF  }
0x9c: {  	s19 =	sld [smem:$0x3FDB];
	_ =	sdelay $0x1  }
0x9d: {  	s8 =	simm.s32 $_scs_section_size  }
0x9e: {  	s9 =	simm.s32 $_size__tile_overlayer_lowered;
	s10 =	simm.s32 $_tile_overlayer_lowered  }
0x9f: {  	s22 =	simm.s32 $0x1BFF;
	s21 =	sshll.u32 s10, $0x1;
	s7 =	sadd.s32 s8, s19  }
0xa0: {  	s11 =	simm.s32 $0x0;
	s20 =	sshll.u32 s9, $0x1;
	s9 =	sadd.s32 s21, s7  }
0xa1: {  	[timem:s11], [sflag:s22] =	dma.local [hbm:s9], s20  }
0xa2: {  	_ =	swait.ge [sflag:s22], s20  }
0xa3: {  	s8 =	ssub.s32 $0x0, s20;
	[sflag:s22] =	ssyncset.done $0x0  }
0xa4: {  	[sflag:s22] =	ssyncadd.s32 s8;
	_ =	sdelay $0x1  }
0xa5: {  	s23 =	simm.s32 $0x1B8B  }
0xa6: {  	_ =	swait.ge [sflag:s23], $0x1  }
0xa7: {  	[sflag:s23] =	ssyncset.done $0x0  }
0xa8: {  	s25 =	simm.s32 $0x1B8E;
	s24 =	sld [smem:$0x3FFE];
	[sflag:s23] =	ssyncadd.s32 $0xFFFFFFFF  }
0xa9: {  	s26 =	simm.s32 $execute0_lowered;
	[smem:$0x3FD2] =	sst s25  }
0xaa: {  	s9 =	sshll.u32 s26, $0x1;
	_ =	strace $0x80000046;
	[dreg:$0x1] =	wrdreg $0xFFFFFFFF  }
0xab: {  	s28 =	simm.s32 $_size_execute0_lowered;
	s7 =	sadd.s32 s7, s9;
	[dreg:$0x0] =	wrdreg $0x0  }
0xac: {  	s9 =	sshll.u32 s28, $0x1;
	[dreg:$0x2] =	wrdreg s7  }
0xad: {  	[dreg:$0x3] =	wrdreg s9  }
0xae: {  	[dreg:$0x4] =	wrdreg $0xC0  }
0xaf: {  	_ =	task [dreg:s11], $0x5FFFF  }
0xb0: {  	[dreg:$0x1] =	wrdreg $0xFFFFFFFF  }
0xb1: {  	[dreg:$0x0] =	wrdreg $0x60  }
0xb2: {  	[dreg:$0x2] =	wrdreg s2  }
0xb3: {  	[dreg:$0x3] =	wrdreg s18  }
0xb4: {  	[dreg:$0x4] =	wrdreg s4  }
0xb5: {  	[dreg:$0x5] =	wrdreg s5  }
0xb6: {  	[dreg:$0x6] =	wrdreg s24  }
0xb7: {  	[dreg:$0x7] =	wrdreg s6  }
0xb8: {  	[dreg:$0x8] =	wrdreg $0x9  }
0xb9: {  	_ =	task.clear_ibuf [dreg:s11], $0x9FFFF;
	_ =	strace $0x90000046  }
0xba: {  	s29 =	simm.s32 $0x9;
	_ =	strace $0x80000048  }
0xbb: {  	_ =	swait.ge [sflag:s29], $0x1  }
0xbc: {  	[sflag:s29] =	ssyncadd.s32 $0xFFFFFFFF  }
0xbd: {  	_ =	strace $0x90000048  }
0xbe: {  	_ =	sfence  }
0xbf: {  	s30 =	sld [smem:$0x0];
	_ =	sdelay $0x2  }
0xc0: {  	s31 =	sshll.u32 s1, $0xD;
	s1 =	sshrl.u32 s1, $0x2  }
0xc1: {  	s3 =	sand.u32 $0x4000, s31;
	s1 =	sadd.s32 s1, s30  }
0xc2: {  	s0 =	sor.u32 s3, s0;
	s1 =	sshll.u32 s1, $0x11  }
0xc3: {  	s0 =	sor.u32 s1, s0  }
0xc4: {  	s0 =	sadd.s32 $0x8F2B, s0  }
0xc5: {  	[sflag:s0] =	ssyncadd.remote.s32 $0x1  }
0xc6: {  	_ =	sfence.sel $0xFFFF  }
0xc7: {  	[dreg:$0x0] =	wrdreg $0xFFFFFFFF;
	(pc) =	sbr.abs _section_cstart, $3  }
0xc8: {  	[dreg:$0x1] =	wrdreg $0xFFFFFFFF  }
0xc9: {  	_ =	task.clear_ibuf [dreg:s11], $0x2FFFF;
	_ =	strace $0x9FFFFFFF  }
0xca: {  	(tm) =	ssettm $0x7FFFFFFF  }
0xcb: {  	_ =	shalt  }
tec
execute0_lowered:
.L_overlay_start_1:
0x0: {  	(tag) =	ssettag $0x1  }
0x1: {  	s0 =	rddreg [dreg:$0x0]  }
0x2: {  	s4 =	rddreg [dreg:$0x1]  }
0x3: {  	s1 =	rddreg [dreg:$0x2]  }
0x4: {  	s2 =	rddreg [dreg:$0x3]  }
0x5: {  	s3 =	rddreg [dreg:$0x4]  }
0x6: {  	s8 =	rddreg [dreg:$0x5];
	s5 =	simm.s32 $0x0  }
0x7: {  	s6 =	srdreg.scid;
	s9 =	stileid.u32;
	s14 =	simm.s32 $0x200  }
0x8: {  	s15 =	simm.s32 $0x1;
	s16 =	simm.s32 $0x2;
	s17 =	simm.s32 $0x40  }
0x9: {  	s18 =	simm.s32 $0x400;
	s19 =	simm.s32 $0x8400;
	s25 =	simm.s32 $0x80  }
0xa: {  	s26 =	simm.s32 $0x4400;
	s29 =	simm.s32 $0xC400;
	s21 =	simm.s32 $0x380  }
0xb: {  	s22 =	simm.s32 $0x10900;
	s23 =	simm.s32 $0x10980;
	s24 =	simm.s32 $0x3  }
0xc: {  	s28 =	simm.s32 $0x0;
	[smem:$0x7FF] =	sst s5;
	s6 =	sand.u32 $0x1, s6  }
0xd: {  	s9 =	sshll.u32 s9, $0x7;
	s7 =	ssub.s32 $0x2, s6;
	s10 =	sshll.u32 s6, $0x6  }
0xe: {  	_ =	strace $0x80000047;
	s11 =	sshrl.u32 s7, $0x1;
	s9 =	sor.u32 s10, s9  }
0xf: {  	s6 =	sadd.s32 $0x3200, s3;
	s13 =	ssub.s32 s7, s11;
	s8 =	sadd.s32 s8, s9  }
0x10: {  	s7 =	sadd.s32 s0, s9;
	s9 =	sadd.s32 s4, s9;
	s10 =	sadd.s32 $0x10, s8  }
0x11: {  	s11 =	sadd.s32 $0x20, s8;
	s12 =	sadd.s32 $0x30, s8;
	s13 =	smax.u32 s13, $0x1  }
.LBB2_1:
0x12: {  	[tilespmem:s5], [sflag:$0x1] =	stream.linear.gather [hbm4b:s7+s5], $0x200, $0x38;
	[tilespmem:$0x10A00] =	vst v63  }
0x13: {  	_ = 	snop  }
0x14: {  	[tilespmem:s14], [sflag:$0x2] =	stream.linear.gather [hbm4b:s9+s5], $0x200, $0x38;
	[tilespmem:$0x10A00] =	vst v63  }
0x15: {  	_ =	swait.ge [sflag:s15], $0x200  }
0x16: {  	[sflag:s15] =	ssyncset.done $0x0  }
0x17: {  	[sflag:s15] =	ssyncadd.s32 $0xFFFFFE00  }
0x18: {  	_ =	swait.ge [sflag:s16], $0x200  }
0x19: {  	[sflag:s16] =	ssyncset.done $0x0  }
0x1a: {  	[sflag:s16] =	ssyncadd.s32 $0xFFFFFE00  }
0x1b: {  	[tilespmem:s18], [sflag:$0x1] =	stream.indirect.gather [hbm4b:s1+s17], $0x80, s5, s17, $0xb8;
	[tilespmem:$0x10A00] =	vst v63  }
0x1c: {  	_ = 	snop  }
0x1d: {  	[tilespmem:s19], [sflag:$0x1] =	stream.indirect.gather [hbm4b:s2+s17], $0x80, s14, s17, $0xb8;
	[tilespmem:$0x10A00] =	vst v63  }
0x1e: {  	s0 =	simm.s32 $0x2400  }
0x1f: {  	[tilespmem:s0], [sflag:$0x1] =	stream.indirect.gather [hbm4b:s1+s17], $0x80, s17, s17, $0xb8;
	[tilespmem:$0x10A00] =	vst v63  }
0x20: {  	s31 =	simm.s32 $0x240;
	s4 =	simm.s32 $0xA400  }
0x21: {  	[tilespmem:s4], [sflag:$0x1] =	stream.indirect.gather [hbm4b:s2+s17], $0x80, s31, s17, $0xb8;
	[tilespmem:$0x10A00] =	vst v63  }
0x22: {  	s4 =	simm.s32 $0x10400  }
0x23: {  	[tilespmem:s4], [sflag:$0x2] =	stream.indirect.gather [hbm4b:s3+s14], $0x1, s5, s14, $0xb8;
	[tilespmem:$0x10A00] =	vst v63  }
0x24: {  	s20 =	simm.s32 $0x10600  }
0x25: {  	[tilespmem:s20], [sflag:$0x2] =	stream.indirect.gather [hbm4b:s6+s14], $0x1, s14, s14, $0xb8;
	[tilespmem:$0x10A00] =	vst v63  }
0x26: {  	_ = 	snop  }
0x27: {  	[tilespmem:s26], [sflag:$0x2] =	stream.indirect.gather [hbm4b:s1+s25], $0x80, s25, s25, $0xb8;
	[tilespmem:$0x10A00] =	vst v63  }
0x28: {  	s31 =	simm.s32 $0x280  }
0x29: {  	[tilespmem:s29], [sflag:$0x2] =	stream.indirect.gather [hbm4b:s2+s25], $0x80, s31, s25, $0xb8;
	[tilespmem:$0x10A00] =	vst v63  }
0x2a: {  	_ =	swait.ge [sflag:s15], $0x2000  }
0x2b: {  	[sflag:s15] =	ssyncset.done $0x0  }
0x2c: {  	[sflag:s15] =	ssyncadd.s32 $0xFFFFE000  }
0x2d: {  	_ =	swait.ge [sflag:s15], $0x2000  }
0x2e: {  	[sflag:s15] =	ssyncset.done $0x0  }
0x2f: {  	[sflag:s15] =	ssyncadd.s32 $0xFFFFE000  }
0x30: {  	_ =	swait.ge [sflag:s16], $0x200  }
0x31: {  	[sflag:s16] =	ssyncset.done $0x0  }
0x32: {  	[sflag:s16] =	ssyncadd.s32 $0xFFFFFE00  }
0x33: {  	_ =	swait.ge [sflag:s16], $0x200  }
0x34: {  	[sflag:s16] =	ssyncset.done $0x0  }
0x35: {  	s30 =	simm.s32 $0x0;
	[sflag:s16] =	ssyncadd.s32 $0xFFFFFE00  }
.LBB2_2:
0x36: {  	s31 =	sshll.u32 s30, $0xB;
	s0 =	simm.s32 $0x0;
	p0 =	por $0x1, $0x1;
	v2 =	vimm.f32 $0.0e+00  }
.LBB2_3:
0x37: {  	s4 =	sshll.u32 s0, $0xA  }
0x38: {  	s4 =	sor.u32 s31, s4  }
0x39: {  	v4 =	vld [tilespmem:s4+$0x400]  }
0x3a: {  	v5 =	vld [tilespmem:s4+$0x8400]  }
0x3b: {  	v6 =	vld [tilespmem:s4+$0x410]  }
0x3c: {  	v7 =	vld [tilespmem:s4+$0x8410]  }
0x3d: {  	v8 =	vld [tilespmem:s4+$0x420]  }
0x3e: {  	v9 =	vld [tilespmem:s4+$0x8420]  }
0x3f: {  	v10 =	vld [tilespmem:s4+$0x430]  }
0x40: {  	v11 =	vld [tilespmem:s4+$0x8430]  }
0x41: {  	v12 =	vld [tilespmem:s4+$0x440]  }
0x42: {  	v13 =	vld [tilespmem:s4+$0x8440]  }
0x43: {  	v14 =	vld [tilespmem:s4+$0x450]  }
0x44: {  	v15 =	vld [tilespmem:s4+$0x8450]  }
0x45: {  	v33 =	vld [tilespmem:s4+$0x460]  }
0x46: {  	v32 =	vld [tilespmem:s4+$0x8460]  }
0x47: {  	v0 =	vld [tilespmem:s4+$0x470]  }
0x48: {  	v20 =	vld [tilespmem:s4+$0x480]  }
0x49: {  	v21 =	vld [tilespmem:s4+$0x8480]  }
0x4a: {  	v22 =	vld [tilespmem:s4+$0x490]  }
0x4b: {  	v23 =	vld [tilespmem:s4+$0x8490]  }
0x4c: {  	v24 =	vld [tilespmem:s4+$0x4A0]  }
0x4d: {  	v25 =	vld [tilespmem:s4+$0x84A0]  }
0x4e: {  	v26 =	vld [tilespmem:s4+$0x4B0]  }
0x4f: {  	v27 =	vld [tilespmem:s4+$0x84B0]  }
0x50: {  	v28 =	vld [tilespmem:s4+$0x4C0]  }
0x51: {  	v29 =	vld [tilespmem:s4+$0x84C0]  }
0x52: {  	v30 =	vld [tilespmem:s4+$0x4D0]  }
0x53: {  	v31 =	vld [tilespmem:s4+$0x84D0]  }
0x54: {  	v36 =	vld [tilespmem:s4+$0x500]  }
0x55: {  	v37 =	vld [tilespmem:s4+$0x8500]  }
0x56: {  	v38 =	vld [tilespmem:s4+$0x510]  }
0x57: {  	v39 =	vld [tilespmem:s4+$0x8510]  }
0x58: {  	v40 =	vld [tilespmem:s4+$0x520]  }
0x59: {  	v41 =	vld [tilespmem:s4+$0x8520]  }
0x5a: {  	v42 =	vld [tilespmem:s4+$0x530]  }
0x5b: {  	v43 =	vld [tilespmem:s4+$0x8530]  }
0x5c: {  	v44 =	vld [tilespmem:s4+$0x540]  }
0x5d: {  	v45 =	vld [tilespmem:s4+$0x8540]  }
0x5e: {  	v48 =	vld [tilespmem:s4+$0x8550]  }
0x5f: {  	v52 =	vld [tilespmem:s4+$0x580]  }
0x60: {  	v53 =	vld [tilespmem:s4+$0x8580]  }
0x61: {  	v54 =	vld [tilespmem:s4+$0x590]  }
0x62: {  	v55 =	vld [tilespmem:s4+$0x8590]  }
0x63: {  	v56 =	vld [tilespmem:s4+$0x5A0]  }
0x64: {  	v57 =	vld [tilespmem:s4+$0x85A0]  }
0x65: {  	v58 =	vld [tilespmem:s4+$0x5B0]  }
0x66: {  	v59 =	vld [tilespmem:s4+$0x85B0]  }
0x67: {  	v60 =	vld [tilespmem:s4+$0x5C0]  }
0x68: {  	v61 =	vld [tilespmem:s4+$0x85C0]  }
0x69: {  	v62 =	vld [tilespmem:s4+$0x5D0]  }
0x6a: {  	v63 =	vld [tilespmem:s4+$0x85D0]  }
0x6b: {  	v50 =	vld [tilespmem:s4+$0x600]  }
0x6c: {  	v51 =	vld [tilespmem:s4+$0x8600]  }
0x6d: {  	v1 =	vld [tilespmem:s4+$0x610]  }
0x6e: {  	v19 =	vld [tilespmem:s4+$0x620]  }
0x6f: {  	v18 =	vld [tilespmem:s4+$0x8620]  }
0x70: {  	v47 =	vld [tilespmem:s4+$0x630]  }
0x71: {  	v46 =	vld [tilespmem:s4+$0x8630]  }
0x72: {  	[tilespmem:$0x1FFF0] =	vst v2;
	v2 =	vld [tilespmem:s4+$0x640]  }
0x73: {  	v17 =	vld [tilespmem:s4+$0x680]  }
0x74: {  	v16 =	vld [tilespmem:s4+$0x8680]  }
0x75: {  	v3 =	vld [tilespmem:s4+$0x690]  }
0x76: {  	v35 =	vld [tilespmem:s4+$0x6A0]  }
0x77: {  	v34 =	vld [tilespmem:s4+$0x86A0]  }
0x78: {  	v49 =	vld [tilespmem:s4+$0x6B0]  }
0x79: {  	[tilespmem:$0x1FE80] =	vst v0;
	v0 =	vld [tilespmem:s4+$0x8470]  }
0x7a: {  	[tilespmem:$0x1FF70] =	vst v2;
	v2 =	vld [tilespmem:s4+$0x8640]  }
0x7b: {  	v4 =	vmul.f32 v5, v4;
	v5 =	vmul.f32 v7, v6;
	v6 =	vld [tilespmem:s4+$0x86B0]  }
0x7c: {  	v7 =	vld [tilespmem:s4+$0x6C0]  }
0x7d: {  	v12 =	vmul.f32 v13, v12;
	v13 =	vld [tilespmem:s4+$0x86E0]  }
0x7e: {  	[tilespmem:$0x1FE90] =	vst v0;
	v0 =	vld [tilespmem:s4+$0x4E0]  }
0x7f: {  	v20 =	vmul.f32 v21, v20;
	v21 =	vmul.f32 v23, v22;
	v23 =	vld [tilespmem:s4+$0x710]  }
0x80: {  	v32 =	vmul.f32 v32, v33;
	v33 =	vmul.f32 v27, v26;
	v26 =	vld [tilespmem:s4+$0x8710]  }
0x81: {  	v22 =	vld [tilespmem:s4+$0x720]  }
0x82: {  	v38 =	vmul.f32 v39, v38;
	v39 =	vmul.f32 v29, v28;
	v28 =	vld [tilespmem:s4+$0x8720]  }
0x83: {  	[tilespmem:$0x1FEA0] =	vst v0;
	v0 =	vld [tilespmem:s4+$0x84E0]  }
0x84: {  	v27 =	vmul.f32 v31, v30;
	v30 =	vld [tilespmem:s4+$0x730]  }
0x85: {  	v29 =	vld [tilespmem:s4+$0x740]  }
0x86: {  	v18 =	vmul.f32 v18, v19;
	v19 =	vld [tilespmem:s4+$0x8770]  }
0x87: {  	v4 =	vadd.f32 v5, v4;
	v5 =	vmul.f32 v9, v8;
	v8 =	vld [tilespmem:s4+$0x86C0]  }
0x88: {  	[tilespmem:$0x1FEB0] =	vst v0;
	v0 =	vld [tilespmem:s4+$0x4F0]  }
0x89: {  	v37 =	vmul.f32 v37, v36;
	v9 =	vld [tilespmem:s4+$0x6D0]  }
0x8a: {  	v14 =	vmul.f32 v15, v14;
	v15 =	vadd.f32 v21, v20;
	v21 =	vld [tilespmem:s4+$0x700]  }
0x8b: {  	v25 =	vmul.f32 v25, v24;
	v24 =	vadd.f32 v38, v37;
	v38 =	vld [tilespmem:$0x1FE80]  }
0x8c: {  	v41 =	vmul.f32 v41, v40;
	v4 =	vadd.f32 v5, v4;
	v5 =	vmul.f32 v11, v10;
	v10 =	vld [tilespmem:s4+$0x86D0]  }
0x8d: {  	v36 =	vmul.f32 v53, v52;
	v37 =	vmul.f32 v55, v54;
	[tilespmem:$0x1FED0] =	vst v0;
	v0 =	vld [tilespmem:s4+$0x84F0]  }
0x8e: {  	v11 =	vld [tilespmem:s4+$0x6E0]  }
0x8f: {  	v24 =	vadd.f32 v41, v24;
	v20 =	vadd.f32 v37, v36;
	v41 =	vmul.f32 v57, v56;
	v36 =	vld [tilespmem:s4+$0x8740]  }
0x90: {  	v56 =	vmul.f32 v61, v60;
	v60 =	vmul.f32 v63, v62;
	v63 =	vld [tilespmem:s4+$0x780]  }
0x91: {  	v57 =	vmul.f32 v51, v50;
	v51 =	vld [tilespmem:s4+$0x8790]  }
0x92: {  	[tilespmem:$0x1FEE0] =	vst v0;
	v0 =	vld [tilespmem:s4+$0x550]  }
0x93: {  	[tilespmem:$0x1FF80] =	vst v2;
	v2 =	vld [tilespmem:s4+$0x650]  }
0x94: {  	v40 =	vmul.f32 v43, v42;
	v6 =	vmul.f32 v6, v49;
	v49 =	vld [tilespmem:s4+$0x87E0]  }
0x95: {  	v5 =	vadd.f32 v5, v4;
	v4 =	vld [tilespmem:s4+$0x6F0]  }
0x96: {  	v24 =	vadd.f32 v40, v24;
	v40 =	vld [tilespmem:s4+$0x770]  }
0x97: {  	[tilespmem:$0x1FEC0] =	vst v0;
	v0 =	vld [tilespmem:s4+$0x560]  }
0x98: {  	v50 =	vld [tilespmem:$0x1FF80]  }
0x99: {  	v15 =	vadd.f32 v25, v15;
	v20 =	vadd.f32 v41, v20;
	v41 =	vld [tilespmem:s4+$0x7D0]  }
0x9a: {  	v12 =	vadd.f32 v12, v5;
	v5 =	vld [tilespmem:s4+$0x86F0]  }
0x9b: {  	v15 =	vadd.f32 v33, v15;
	[tilespmem:$0x1FF90] =	vst v2;
	v2 =	vld [tilespmem:s4+$0x8650]  }
0x9c: {  	v45 =	vmul.f32 v45, v44;
	[tilespmem:$0x1FEF0] =	vst v0;
	v0 =	vld [tilespmem:s4+$0x8560]  }
0x9d: {  	v15 =	vadd.f32 v39, v15;
	v39 =	vld [tilespmem:$0x1FE90]  }
0x9e: {  	v52 =	vmul.f32 v59, v58;
	v24 =	vadd.f32 v45, v24;
	v45 =	vld [tilespmem:s4+$0x8780]  }
0x9f: {  	v12 =	vadd.f32 v14, v12;
	v14 =	vld [tilespmem:s4+$0x8700]  }
0xa0: {  	v20 =	vadd.f32 v52, v20;
	[tilespmem:$0x1FFA0] =	vst v2;
	v2 =	vld [tilespmem:s4+$0x660]  }
0xa1: {  	[tilespmem:$0x1FF00] =	vst v0;
	v0 =	vld [tilespmem:s4+$0x570]  }
0xa2: {  	v20 =	vadd.f32 v56, v20;
	v56 =	vld [tilespmem:s4+$0x87A0]  }
0xa3: {  	v42 =	vld [tilespmem:$0x1FEA0]  }
0xa4: {  	v12 =	vadd.f32 v32, v12;
	v32 =	vld [tilespmem:s4+$0x8730]  }
0xa5: {  	[tilespmem:$0x1FFB0] =	vst v2;
	v2 =	vld [tilespmem:s4+$0x8660]  }
0xa6: {  	v31 =	vmul.f32 v39, v38;
	[tilespmem:$0x1FF30] =	vst v0;
	v0 =	vld [tilespmem:s4+$0x8570]  }
0xa7: {  	v38 =	vld [tilespmem:s4+$0x760]  }
0xa8: {  	v12 =	vadd.f32 v31, v12;
	v31 =	vld [tilespmem:s4+$0x750]  }
0xa9: {  	v43 =	vld [tilespmem:$0x1FEB0]  }
0xaa: {  	[tilespmem:$0x1FFC0] =	vst v2;
	v2 =	vld [tilespmem:s4+$0x670]  }
0xab: {  	[tilespmem:$0x1FF40] =	vst v0;
	v0 =	vld [tilespmem:s4+$0x5E0]  }
0xac: {  	v54 =	vld [tilespmem:$0x1FED0]  }
0xad: {  	v55 =	vld [tilespmem:$0x1FEE0]  }
0xae: {  	v20 =	vadd.f32 v60, v20;
	v60 =	vmul.f32 v45, v63;
	v63 =	vld [tilespmem:$0x1FFC0]  }
0xaf: {  	[tilespmem:$0x1FFD0] =	vst v2;
	v2 =	vld [tilespmem:s4+$0x8670]  }
0xb0: {  	[tilespmem:$0x1FF10] =	vst v0;
	v0 =	vld [tilespmem:s4+$0x85E0]  }
0xb1: {  	v53 =	vld [tilespmem:$0x1FEC0]  }
0xb2: {  	v37 =	vmul.f32 v55, v54;
	v54 =	vld [tilespmem:$0x1FF90]  }
0xb3: {  	v55 =	vld [tilespmem:$0x1FFA0]  }
0xb4: {  	[tilespmem:$0x1FFE0] =	vst v2;
	v2 =	vld [tilespmem:s4+$0x8690]  }
0xb5: {  	[tilespmem:$0x1FF20] =	vst v0;
	v0 =	vld [tilespmem:s4+$0x5F0]  }
0xb6: {  	v58 =	vld [tilespmem:$0x1FEF0]  }
0xb7: {  	v25 =	vmul.f32 v48, v53;
	v48 =	vld [tilespmem:$0x1FF70]  }
0xb8: {  	v53 =	vld [tilespmem:s4+$0x7A0]  }
0xb9: {  	v2 =	vmul.f32 v2, v3;
	v3 =	vld [tilespmem:s4+$0x790]  }
0xba: {  	v16 =	vmul.f32 v16, v17;
	[tilespmem:$0x1FF50] =	vst v0;
	v0 =	vld [tilespmem:s4+$0x85F0]  }
0xbb: {  	v59 =	vld [tilespmem:$0x1FF00]  }
0xbc: {  	v52 =	vmul.f32 v34, v35;
	v33 =	vmul.f32 v43, v42;
	v2 =	vadd.f32 v2, v16;
	v42 =	vld [tilespmem:$0x1FF30]  }
0xbd: {  	v43 =	vld [tilespmem:$0x1FF40]  }
0xbe: {  	v15 =	vadd.f32 v27, v15;
	v2 =	vadd.f32 v52, v2;
	v52 =	vld [tilespmem:$0x1FFD0]  }
0xbf: {  	[tilespmem:$0x1FF60] =	vst v0;
	v0 =	vld [tilespmem:s4+$0x8610]  }
0xc0: {  	v15 =	vadd.f32 v33, v15;
	v24 =	vadd.f32 v25, v24;
	v39 =	vmul.f32 v59, v58;
	v61 =	vld [tilespmem:$0x1FF10]  }
0xc1: {  	v44 =	vmul.f32 v46, v47;
	v62 =	vld [tilespmem:$0x1FF20]  }
0xc2: {  	v15 =	vadd.f32 v37, v15;
	v59 =	vld [tilespmem:s4+$0x87B0];
	v24 =	vadd.f32 v39, v24;
	v37 =	vmul.f32 v43, v42  }
0xc3: {  	v7 =	vmul.f32 v8, v7;
	v39 =	vmul.f32 v56, v53;
	v53 =	vld [tilespmem:$0x1FFE0]  }
0xc4: {  	v35 =	vmul.f32 v28, v22;
	v24 =	vadd.f32 v37, v24;
	v37 =	vld [tilespmem:s4+$0x87C0];
	v0 =	vmul.f32 v0, v1  }
0xc5: {  	v14 =	vmul.f32 v14, v21;
	v3 =	vmul.f32 v51, v3;
	v2 =	vadd.f32 v6, v2;
	v46 =	vld [tilespmem:$0x1FF50]  }
0xc6: {  	v58 =	vmul.f32 v26, v23;
	v25 =	vmul.f32 v62, v61;
	v62 =	vld [tilespmem:$0x1FFB0];
	v0 =	vadd.f32 v0, v57  }
0xc7: {  	v9 =	vmul.f32 v10, v9;
	v3 =	vadd.f32 v3, v60;
	v2 =	vadd.f32 v7, v2;
	v57 =	vld [tilespmem:s4+$0x7B0]  }
0xc8: {  	v11 =	vmul.f32 v13, v11;
	v14 =	vadd.f32 v58, v14;
	v47 =	vld [tilespmem:$0x1FF60];
	v0 =	vadd.f32 v18, v0  }
0xc9: {  	v4 =	vmul.f32 v5, v4;
	v3 =	vadd.f32 v39, v3;
	v2 =	vadd.f32 v9, v2;
	v61 =	vld [tilespmem:s4+$0x7C0]  }
0xca: {  	v33 =	vld [tilespmem:s4+$0x8750];
	v13 =	vmul.f32 v53, v52;
	v18 =	vmul.f32 v50, v48;
	v0 =	vadd.f32 v44, v0  }
0xcb: {  	v42 =	vadd.f32 v35, v14;
	v43 =	vmul.f32 v32, v30;
	v23 =	vmul.f32 v63, v62;
	v44 =	vld [tilespmem:s4+$0x87D0]  }
0xcc: {  	v1 =	vld [tilespmem:s4+$0x8760];
	v45 =	vmul.f32 v59, v57;
	v0 =	vadd.f32 v18, v0;
	v18 =	vmul.f32 v55, v54  }
0xcd: {  	v17 =	vmul.f32 v47, v46;
	v46 =	vld [tilespmem:s4+$0x7E0];
	v47 =	vadd.f32 v43, v42;
	v48 =	vmul.f32 v36, v29  }
0xce: {  	v51 =	vld [tilespmem:s4+$0x7F0];
	v50 =	vmul.f32 v37, v61;
	v3 =	vadd.f32 v45, v3;
	v0 =	vadd.f32 v18, v0  }
0xcf: {  	(xrf2) =	vadd.scan.msk.f32 $0xffff, v12;
	v20 =	vadd.f32 v25, v20;
	v9 =	vadd.f32 v48, v47;
	v54 =	vmul.f32 v33, v31;
	v55 =	vld [tilespmem:s4+$0x87F0]  }
0xd0: {  	(xrf2) =	vadd.scan.msk.f32 $0xffff, v15;
	v3 =	vadd.f32 v50, v3;
	v56 =	vmul.f32 v44, v41;
	v0 =	vadd.f32 v23, v0  }
0xd1: {  	v17 =	vadd.f32 v17, v20;
	v1 =	vmul.f32 v1, v38;
	v57 =	vadd.f32 v54, v9  }
0xd2: {  	(xrf2) =	vadd.scan.msk.f32 $0xffff, v24;
	v58 =	vmul.f32 v49, v46;
	v3 =	vadd.f32 v56, v3;
	v0 =	vadd.f32 v13, v0  }
0xd3: {  	v60 =	vmul.f32 v19, v40;
	v2 =	vadd.f32 v11, v2;
	(xrf2) =	vadd.scan.msk.f32 $0xffff, v17;
	v1 =	vadd.f32 v1, v57  }
0xd4: {  	(xrf2) =	vadd.scan.msk.f32 $0xffff, v0;
	v0 =	vadd.f32 v58, v3;
	v3 =	vmul.f32 v55, v51  }
0xd5: {  	v2 =	vadd.f32 v4, v2;
	v1 =	vadd.f32 v60, v1  }
0xd6: {  	v0 =	vadd.f32 v3, v0  }
0xd7: {  	v61 =	vld [tilespmem:$0x1FFF0];
	(xrf2) =	vadd.scan.msk.f32 $0xffff, v2;
	_ =	sdelay $0x1  }
0xd8: {  	s4 =	sshll.u32 s0, $0x3;
	(xrf2) =	vadd.scan.msk.f32 $0xffff, v1;
	v1, _, _ =	vpop (xrf2)  }
0xd9: {  	v59 =	vlaneseq.u32;
	s20 =	sor.u32 $0x1, s4;
	v2 =	vmov s4;
	v1 =	vbroadcast v1, $0xF;
	(xrf2) =	vadd.scan.msk.f32 $0xffff, v0;
	v0, _, _ =	vpop (xrf2)  }
0xda: {  	vm0 =	veq.s32 v2, v59;
	v2 =	vmov s20;
	v0 =	vbroadcast v0, $0xF  }
0xdb: {  	s20 =	sor.u32 $0x2, s4;
	vm9 =	veq.s32 v2, v59;
	v1 =	vsel vm0, v1, v61  }
0xdc: {  	v3, _, _ =	vpop (xrf2);
	v0 =	vsel vm9, v0, v1;
	v1 =	vmov s20;
	s20 =	sor.u32 $0x3, s4  }
0xdd: {  	v2, _, _ =	vpop (xrf2);
	v3 =	vbroadcast v3, $0xF;
	vm10 =	veq.s32 v1, v59;
	v1 =	vmov s20  }
0xde: {  	v2 =	vbroadcast v2, $0xF;
	v62, _, _ =	vpop (xrf2)  }
0xdf: {  	s20 =	sor.u32 $0x4, s4;
	v0 =	vsel vm10, v3, v0;
	vm11 =	veq.s32 v1, v59;
	v3 =	vbroadcast v62, $0xF  }
0xe0: {  	v0 =	vsel vm11, v2, v0;
	v2 =	vmov s20;
	s20 =	sor.u32 $0x5, s4;
	v1, _, _ =	vpop (xrf2)  }
0xe1: {  	p1 =	por p0, p0;
	vm12 =	veq.s32 v2, v59;
	v2 =	vmov s20;
	v1 =	vbroadcast v1, $0xF  }
.Ltmp0:
0xe2: {  	s4 =	sor.u32 $0x6, s4;
	v63, _, _ =	vpop (xrf2);
	v0 =	vsel vm12, v3, v0;
	vm13 =	veq.s32 v2, v59;
	(pc) =	sbr.rel @p1 .LBB2_3-.Ltmp0, $4  }
0xe3: {  	s20 =	sshllo.u32 s0, $0x3;
	v2 =	vbroadcast v63, $0xF;
	v3, _, _ =	vpop (xrf2);
	v0 =	vsel vm13, v1, v0;
	v1 =	vmov s4  }
0xe4: {  	v3 =	vbroadcast v3, $0xF;
	vm14 =	veq.s32 v1, v59;
	v1 =	vmov s20  }
0xe5: {  	v0 =	vsel vm14, v2, v0;
	vm15 =	veq.s32 v1, v59  }
0xe6: {  	p0 =	por $0x0, $0x0;
	s0 =	simm.s32 $0x1;
	v2 =	vsel vm15, v3, v0  }
0xe7: {  	s0 =	sshll.u32 s30, $0x4  }
0xe8: {  	v0 =	vld [tilespmem:s0+$0x10400];
	_ =	sdelay $0x1  }
0xe9: {  	v1 =	vld [tilespmem:s0+$0x10600];
	_ =	sdelay $0x2  }
0xea: {  	v0 =	vadd.f32 v0, v2;
	_ =	sdelay $0x1  }
0xeb: {  	v0 =	vadd.f32 v1, v0;
	_ =	sdelay $0x1  }
0xec: {  	v0 =	vsub.f32 $0.0e+00, v0;
	_ =	sdelay $0x1  }
0xed: {  	v0 =	vmul.f32 $1.442695020e+00, v0;
	_ =	sdelay $0x1  }
0xee: {  	(erf) = vpow2.f32 v0;
	_ =	sdelay $0x8  }
0xef: {  	v0 =	vpop (erf)  }
0xf0: {  	v0 =	vadd.f32 $1.000000000e+00, v0;
	_ =	sdelay $0x1  }
0xf1: {  	(erf) = vrcp.f32 v0;
	_ =	sdelay $0x5  }
0xf2: {  	s30 =	sadd.s32 $0x1, s30  }
0xf3: {  	p0 =	sne.s32 s30, $0x4  }
.Ltmp1:
0xf4: {  	_ = 	snop;
	(pc) =	sbr.rel @p0 .LBB2_2-.Ltmp1, $3  }
0xf5: {  	v0 =	vpop (erf)  }
0xf6: {  	v0 =	vmul.f32 $5.000000000e+00, v0;
	_ =	sdelay $0x1  }
0xf7: {  	[tilespmem:s0+$0x10800] =	vst v0  }
0xf8: {  	_ =	swait.ge [sflag:s15], $0x2000  }
0xf9: {  	[sflag:s15] =	ssyncset.done $0x0  }
0xfa: {  	[sflag:s15] =	ssyncadd.s32 $0xFFFFE000  }
0xfb: {  	_ =	swait.ge [sflag:s15], $0x2000  }
0xfc: {  	[sflag:s15] =	ssyncset.done $0x0  }
0xfd: {  	s30 =	simm.s32 $0x4;
	[sflag:s15] =	ssyncadd.s32 $0xFFFFE000  }
.LBB2_6:
0xfe: {  	s31 =	sshll.u32 s30, $0xB;
	s0 =	simm.s32 $0x0;
	p0 =	por $0x1, $0x1;
	v2 =	vimm.f32 $0.0e+00  }
.LBB2_7:
0xff: {  	s4 =	sshll.u32 s0, $0xA  }
0x100: {  	s4 =	sor.u32 s31, s4  }
0x101: {  	v0 =	vld [tilespmem:s4+$0x400]  }
0x102: {  	v4 =	vld [tilespmem:s4+$0x8400]  }
0x103: {  	v5 =	vld [tilespmem:s4+$0x410]  }
0x104: {  	v6 =	vld [tilespmem:s4+$0x8410]  }
0x105: {  	v7 =	vld [tilespmem:s4+$0x420]  }
0x106: {  	v8 =	vld [tilespmem:s4+$0x8420]  }
0x107: {  	v9 =	vld [tilespmem:s4+$0x430]  }
0x108: {  	v10 =	vld [tilespmem:s4+$0x8430]  }
0x109: {  	v11 =	vld [tilespmem:s4+$0x440]  }
0x10a: {  	v12 =	vld [tilespmem:s4+$0x8440]  }
0x10b: {  	v13 =	vld [tilespmem:s4+$0x450]  }
0x10c: {  	v14 =	vld [tilespmem:s4+$0x8450]  }
0x10d: {  	v33 =	vld [tilespmem:s4+$0x460]  }
0x10e: {  	v32 =	vld [tilespmem:s4+$0x8460]  }
0x10f: {  	v1 =	vld [tilespmem:s4+$0x470]  }
0x110: {  	v19 =	vld [tilespmem:s4+$0x480]  }
0x111: {  	v20 =	vld [tilespmem:s4+$0x8480]  }
0x112: {  	v21 =	vld [tilespmem:s4+$0x490]  }
0x113: {  	v22 =	vld [tilespmem:s4+$0x8490]  }
0x114: {  	v23 =	vld [tilespmem:s4+$0x4A0]  }
0x115: {  	v24 =	vld [tilespmem:s4+$0x84A0]  }
0x116: {  	v25 =	vld [tilespmem:s4+$0x4B0]  }
0x117: {  	v26 =	vld [tilespmem:s4+$0x84B0]  }
0x118: {  	v27 =	vld [tilespmem:s4+$0x4C0]  }
0x119: {  	v28 =	vld [tilespmem:s4+$0x84C0]  }
0x11a: {  	v29 =	vld [tilespmem:s4+$0x4D0]  }
0x11b: {  	v30 =	vld [tilespmem:s4+$0x84D0]  }
0x11c: {  	v35 =	vld [tilespmem:s4+$0x500]  }
0x11d: {  	v36 =	vld [tilespmem:s4+$0x8500]  }
0x11e: {  	v37 =	vld [tilespmem:s4+$0x510]  }
0x11f: {  	v38 =	vld [tilespmem:s4+$0x8510]  }
0x120: {  	v39 =	vld [tilespmem:s4+$0x520]  }
0x121: {  	v40 =	vld [tilespmem:s4+$0x8520]  }
0x122: {  	v41 =	vld [tilespmem:s4+$0x530]  }
0x123: {  	v42 =	vld [tilespmem:s4+$0x8530]  }
0x124: {  	v43 =	vld [tilespmem:s4+$0x540]  }
0x125: {  	v44 =	vld [tilespmem:s4+$0x8540]  }
0x126: {  	v48 =	vld [tilespmem:s4+$0x8550]  }
0x127: {  	v51 =	vld [tilespmem:s4+$0x580]  }
0x128: {  	v52 =	vld [tilespmem:s4+$0x8580]  }
0x129: {  	v53 =	vld [tilespmem:s4+$0x590]  }
0x12a: {  	v54 =	vld [tilespmem:s4+$0x8590]  }
0x12b: {  	v55 =	vld [tilespmem:s4+$0x5A0]  }
0x12c: {  	v56 =	vld [tilespmem:s4+$0x85A0]  }
0x12d: {  	v57 =	vld [tilespmem:s4+$0x5B0]  }
0x12e: {  	v58 =	vld [tilespmem:s4+$0x85B0]  }
0x12f: {  	v59 =	vld [tilespmem:s4+$0x5C0]  }
0x130: {  	v60 =	vld [tilespmem:s4+$0x85C0]  }
0x131: {  	v61 =	vld [tilespmem:s4+$0x5D0]  }
0x132: {  	v62 =	vld [tilespmem:s4+$0x85D0]  }
0x133: {  	v49 =	vld [tilespmem:s4+$0x600]  }
0x134: {  	v50 =	vld [tilespmem:s4+$0x8600]  }
0x135: {  	[tilespmem:$0x1FE70] =	vst v2;
	v2 =	vld [tilespmem:s4+$0x610]  }
0x136: {  	v31 =	vld [tilespmem:s4+$0x620]  }
0x137: {  	v18 =	vld [tilespmem:s4+$0x8620]  }
0x138: {  	v47 =	vld [tilespmem:s4+$0x630]  }
0x139: {  	v46 =	vld [tilespmem:s4+$0x8630]  }
0x13a: {  	v3 =	vld [tilespmem:s4+$0x640]  }
0x13b: {  	v17 =	vld [tilespmem:s4+$0x680]  }
0x13c: {  	v16 =	vld [tilespmem:s4+$0x8680]  }
0x13d: {  	v15 =	vld [tilespmem:s4+$0x690]  }
0x13e: {  	v45 =	vld [tilespmem:s4+$0x6A0]  }
0x13f: {  	v34 =	vld [tilespmem:s4+$0x86A0]  }
0x140: {  	v63 =	vld [tilespmem:s4+$0x6B0]  }
0x141: {  	[tilespmem:$0x1FD00] =	vst v1;
	v1 =	vld [tilespmem:s4+$0x8470]  }
0x142: {  	[tilespmem:$0x1FDF0] =	vst v3;
	v3 =	vld [tilespmem:s4+$0x8640]  }
0x143: {  	v0 =	vmul.f32 v4, v0;
	v4 =	vmul.f32 v6, v5;
	v6 =	vld [tilespmem:s4+$0x86B0]  }
0x144: {  	v5 =	vld [tilespmem:s4+$0x6C0]  }
0x145: {  	v11 =	vmul.f32 v12, v11;
	v12 =	vld [tilespmem:s4+$0x86E0]  }
0x146: {  	[tilespmem:$0x1FD10] =	vst v1;
	v1 =	vld [tilespmem:s4+$0x4E0]  }
0x147: {  	v19 =	vmul.f32 v20, v19;
	v20 =	vmul.f32 v22, v21;
	v22 =	vld [tilespmem:s4+$0x710]  }
0x148: {  	v32 =	vmul.f32 v32, v33;
	v33 =	vmul.f32 v26, v25;
	v25 =	vld [tilespmem:s4+$0x8710]  }
0x149: {  	v21 =	vld [tilespmem:s4+$0x720]  }
0x14a: {  	v37 =	vmul.f32 v38, v37;
	v38 =	vmul.f32 v28, v27;
	v27 =	vld [tilespmem:s4+$0x8720]  }
0x14b: {  	[tilespmem:$0x1FD20] =	vst v1;
	v1 =	vld [tilespmem:s4+$0x84E0]  }
0x14c: {  	v26 =	vmul.f32 v30, v29;
	v29 =	vld [tilespmem:s4+$0x730]  }
0x14d: {  	v28 =	vld [tilespmem:s4+$0x740]  }
0x14e: {  	v36 =	vmul.f32 v36, v35;
	v35 =	vld [tilespmem:s4+$0x8740]  }
0x14f: {  	v62 =	vmul.f32 v62, v61;
	v61 =	vld [tilespmem:s4+$0x7C0]  }
0x150: {  	[tilespmem:$0x1FD30] =	vst v1;
	v1 =	vld [tilespmem:s4+$0x4F0]  }
0x151: {  	v0 =	vadd.f32 v4, v0;
	v4 =	vmul.f32 v8, v7;
	v7 =	vld [tilespmem:s4+$0x86C0]  }
0x152: {  	v8 =	vld [tilespmem:s4+$0x6D0]  }
0x153: {  	v13 =	vmul.f32 v14, v13;
	v24 =	vmul.f32 v24, v23;
	v14 =	vadd.f32 v20, v19;
	v20 =	vld [tilespmem:s4+$0x700]  }
0x154: {  	v23 =	vadd.f32 v37, v36;
	v36 =	vmul.f32 v52, v51;
	v52 =	vmul.f32 v44, v43;
	v44 =	vld [tilespmem:s4+$0x8780]  }
0x155: {  	[tilespmem:$0x1FD50] =	vst v1;
	v1 =	vld [tilespmem:s4+$0x84F0]  }
0x156: {  	v37 =	vmul.f32 v54, v53;
	v43 =	vmul.f32 v46, v47;
	v46 =	vld [tilespmem:s4+$0x790]  }
0x157: {  	v53 =	vmul.f32 v58, v57;
	v58 =	vmul.f32 v50, v49;
	v49 =	vld [tilespmem:$0x1FDF0]  }
0x158: {  	v0 =	vadd.f32 v4, v0;
	v4 =	vmul.f32 v10, v9;
	v9 =	vld [tilespmem:s4+$0x86D0]  }
0x159: {  	v10 =	vld [tilespmem:s4+$0x6E0]  }
0x15a: {  	[tilespmem:$0x1FD60] =	vst v1;
	v1 =	vld [tilespmem:s4+$0x550]  }
0x15b: {  	v19 =	vadd.f32 v37, v36;
	v37 =	vld [tilespmem:s4+$0x760]  }
0x15c: {  	v40 =	vmul.f32 v40, v39;
	[tilespmem:$0x1FE00] =	vst v3;
	v3 =	vld [tilespmem:s4+$0x650]  }
0x15d: {  	v0 =	vadd.f32 v4, v0;
	v4 =	vld [tilespmem:s4+$0x6F0]  }
0x15e: {  	v23 =	vadd.f32 v40, v23;
	v40 =	vmul.f32 v42, v41;
	v39 =	vld [tilespmem:$0x1FD10]  }
0x15f: {  	[tilespmem:$0x1FD40] =	vst v1;
	v1 =	vld [tilespmem:s4+$0x560]  }
0x160: {  	v23 =	vadd.f32 v40, v23;
	v40 =	vld [tilespmem:s4+$0x780]  }
0x161: {  	v14 =	vadd.f32 v24, v14;
	v50 =	vld [tilespmem:$0x1FE00]  }
0x162: {  	v41 =	vmul.f32 v56, v55;
	v11 =	vadd.f32 v11, v0;
	v0 =	vld [tilespmem:s4+$0x86F0]  }
0x163: {  	v14 =	vadd.f32 v33, v14;
	[tilespmem:$0x1FE10] =	vst v3;
	v3 =	vld [tilespmem:s4+$0x8650]  }
0x164: {  	v19 =	vadd.f32 v41, v19;
	[tilespmem:$0x1FD70] =	vst v1;
	v1 =	vld [tilespmem:s4+$0x8560]  }
0x165: {  	v14 =	vadd.f32 v38, v14;
	v38 =	vld [tilespmem:$0x1FD00]  }
0x166: {  	v19 =	vadd.f32 v53, v19;
	v53 =	vld [tilespmem:s4+$0x7A0]  }
0x167: {  	v11 =	vadd.f32 v13, v11;
	v13 =	vld [tilespmem:s4+$0x8700]  }
0x168: {  	v57 =	vmul.f32 v60, v59;
	[tilespmem:$0x1FE20] =	vst v3;
	v3 =	vld [tilespmem:s4+$0x660]  }
0x169: {  	[tilespmem:$0x1FD80] =	vst v1;
	v1 =	vld [tilespmem:s4+$0x570]  }
0x16a: {  	v19 =	vadd.f32 v57, v19;
	v57 =	vld [tilespmem:s4+$0x7B0]  }
0x16b: {  	v42 =	vld [tilespmem:$0x1FD20]  }
0x16c: {  	v11 =	vadd.f32 v32, v11;
	v32 =	vld [tilespmem:s4+$0x8730]  }
0x16d: {  	[tilespmem:$0x1FE30] =	vst v3;
	v3 =	vld [tilespmem:s4+$0x8660]  }
0x16e: {  	[tilespmem:$0x1FDB0] =	vst v1;
	v1 =	vld [tilespmem:s4+$0x8570]  }
0x16f: {  	v30 =	vmul.f32 v39, v38;
	v39 =	vld [tilespmem:s4+$0x770]  }
0x170: {  	v51 =	vld [tilespmem:$0x1FD30]  }
0x171: {  	v11 =	vadd.f32 v30, v11;
	v30 =	vld [tilespmem:s4+$0x750]  }
0x172: {  	[tilespmem:$0x1FE40] =	vst v3;
	v3 =	vld [tilespmem:s4+$0x670]  }
0x173: {  	[tilespmem:$0x1FDC0] =	vst v1;
	v1 =	vld [tilespmem:s4+$0x5E0]  }
0x174: {  	v55 =	vld [tilespmem:$0x1FD50]  }
0x175: {  	v33 =	vmul.f32 v51, v42;
	v51 =	vld [tilespmem:s4+$0x8790]  }
0x176: {  	v19 =	vadd.f32 v62, v19;
	v62 =	vld [tilespmem:$0x1FE30]  }
0x177: {  	v14 =	vadd.f32 v26, v14;
	[tilespmem:$0x1FE50] =	vst v3;
	v3 =	vld [tilespmem:s4+$0x8670]  }
0x178: {  	[tilespmem:$0x1FD90] =	vst v1;
	v1 =	vld [tilespmem:s4+$0x85E0]  }
0x179: {  	v14 =	vadd.f32 v33, v14;
	v33 =	vld [tilespmem:s4+$0x8750]  }
0x17a: {  	v56 =	vld [tilespmem:$0x1FD60]  }
0x17b: {  	v6 =	vmul.f32 v6, v63;
	v63 =	vld [tilespmem:$0x1FE40]  }
0x17c: {  	[tilespmem:$0x1FE60] =	vst v3;
	v3 =	vld [tilespmem:s4+$0x8690]  }
0x17d: {  	[tilespmem:$0x1FDA0] =	vst v1;
	v1 =	vld [tilespmem:s4+$0x5F0]  }
0x17e: {  	v54 =	vld [tilespmem:$0x1FD40]  }
0x17f: {  	v36 =	vmul.f32 v56, v55;
	v55 =	vld [tilespmem:$0x1FE20]  }
0x180: {  	v59 =	vld [tilespmem:$0x1FD70]  }
0x181: {  	v16 =	vmul.f32 v16, v17;
	v3 =	vmul.f32 v3, v15;
	v60 =	vld [tilespmem:$0x1FD80]  }
0x182: {  	[tilespmem:$0x1FDD0] =	vst v1;
	v1 =	vld [tilespmem:s4+$0x85F0]  }
0x183: {  	v23 =	vadd.f32 v52, v23;
	v52 =	vmul.f32 v34, v45;
	v56 =	vld [tilespmem:s4+$0x87A0];
	v3 =	vadd.f32 v3, v16  }
0x184: {  	v24 =	vmul.f32 v48, v54;
	v54 =	vld [tilespmem:$0x1FE10]  }
0x185: {  	v3 =	vadd.f32 v52, v3;
	v52 =	vld [tilespmem:$0x1FE50]  }
0x186: {  	v41 =	vld [tilespmem:$0x1FDB0]  }
0x187: {  	v23 =	vadd.f32 v24, v23;
	v38 =	vmul.f32 v60, v59;
	[tilespmem:$0x1FDE0] =	vst v1;
	v1 =	vld [tilespmem:s4+$0x8610]  }
0x188: {  	v14 =	vadd.f32 v36, v14;
	v36 =	vld [tilespmem:$0x1FD90]  }
0x189: {  	v18 =	vmul.f32 v18, v31;
	v31 =	vmul.f32 v27, v21;
	v23 =	vadd.f32 v38, v23;
	v38 =	vld [tilespmem:$0x1FDA0]  }
0x18a: {  	v5 =	vmul.f32 v7, v5;
	v8 =	vmul.f32 v9, v8;
	v42 =	vld [tilespmem:$0x1FDC0]  }
0x18b: {  	v10 =	vmul.f32 v12, v10;
	v59 =	vld [tilespmem:s4+$0x87B0];
	v3 =	vadd.f32 v6, v3;
	v60 =	vmul.f32 v44, v40  }
0x18c: {  	v40 =	vmul.f32 v56, v53;
	v53 =	vld [tilespmem:$0x1FE60];
	v1 =	vmul.f32 v1, v2  }
0x18d: {  	v0 =	vmul.f32 v0, v4;
	v13 =	vmul.f32 v13, v20;
	v24 =	vld [tilespmem:s4+$0x8770];
	v3 =	vadd.f32 v5, v3  }
0x18e: {  	v15 =	vmul.f32 v51, v46;
	v46 =	vld [tilespmem:s4+$0x7E0];
	v26 =	vmul.f32 v38, v36;
	v1 =	vadd.f32 v1, v58  }
0x18f: {  	v3 =	vadd.f32 v8, v3;
	v36 =	vmul.f32 v42, v41;
	v47 =	vld [tilespmem:$0x1FDD0];
	v58 =	vmul.f32 v25, v22  }
0x190: {  	v45 =	vmul.f32 v59, v57;
	v38 =	vadd.f32 v15, v60;
	v48 =	vld [tilespmem:$0x1FDE0];
	v1 =	vadd.f32 v18, v1  }
0x191: {  	v12 =	vmul.f32 v53, v52;
	v23 =	vadd.f32 v36, v23;
	v36 =	vld [tilespmem:s4+$0x87C0];
	v13 =	vadd.f32 v58, v13  }
0x192: {  	v44 =	vld [tilespmem:s4+$0x87D0];
	v5 =	vadd.f32 v40, v38;
	v18 =	vmul.f32 v50, v49;
	v1 =	vadd.f32 v43, v1  }
0x193: {  	v3 =	vadd.f32 v10, v3;
	v41 =	vld [tilespmem:s4+$0x7D0];
	v42 =	vadd.f32 v31, v13;
	v43 =	vmul.f32 v32, v29  }
0x194: {  	v5 =	vadd.f32 v45, v5;
	v2 =	vld [tilespmem:s4+$0x8760];
	v1 =	vadd.f32 v18, v1;
	v18 =	vmul.f32 v55, v54  }
0x195: {  	v17 =	vmul.f32 v48, v47;
	v48 =	vmul.f32 v35, v28;
	v49 =	vld [tilespmem:s4+$0x87E0];
	v47 =	vadd.f32 v43, v42  }
0x196: {  	v51 =	vld [tilespmem:s4+$0x7F0];
	v22 =	vmul.f32 v63, v62;
	v50 =	vmul.f32 v36, v61;
	v1 =	vadd.f32 v18, v1  }
0x197: {  	(xrf2) =	vadd.scan.msk.f32 $0xffff, v11;
	v19 =	vadd.f32 v26, v19;
	v54 =	vmul.f32 v33, v30;
	v55 =	vld [tilespmem:s4+$0x87F0];
	v8 =	vadd.f32 v48, v47  }
0x198: {  	(xrf2) =	vadd.scan.msk.f32 $0xffff, v14;
	v56 =	vmul.f32 v44, v41;
	v5 =	vadd.f32 v50, v5;
	v1 =	vadd.f32 v22, v1  }
0x199: {  	v17 =	vadd.f32 v17, v19;
	v2 =	vmul.f32 v2, v37;
	v57 =	vadd.f32 v54, v8  }
0x19a: {  	(xrf2) =	vadd.scan.msk.f32 $0xffff, v23;
	v5 =	vadd.f32 v56, v5;
	v58 =	vmul.f32 v49, v46;
	v1 =	vadd.f32 v12, v1  }
0x19b: {  	v0 =	vadd.f32 v0, v3;
	v3 =	vmul.f32 v24, v39;
	(xrf2) =	vadd.scan.msk.f32 $0xffff, v17;
	v2 =	vadd.f32 v2, v57  }
0x19c: {  	v60 =	vmul.f32 v55, v51;
	(xrf2) =	vadd.scan.msk.f32 $0xffff, v1;
	v1 =	vadd.f32 v58, v5  }
0x19d: {  	(xrf2) =	vadd.scan.msk.f32 $0xffff, v0;
	v0 =	vadd.f32 v3, v2  }
0x19e: {  	v1 =	vadd.f32 v60, v1  }
0x19f: {  	v61 =	vld [tilespmem:$0x1FE70];
	_ =	sdelay $0x1  }
0x1a0: {  	s4 =	sshll.u32 s0, $0x3;
	(xrf2) =	vadd.scan.msk.f32 $0xffff, v0;
	v0, _, _ =	vpop (xrf2)  }
0x1a1: {  	v59 =	vlaneseq.u32;
	s20 =	sor.u32 $0x1, s4;
	v2 =	vmov s4;
	(xrf2) =	vadd.scan.msk.f32 $0xffff, v1;
	v1, _, _ =	vpop (xrf2);
	v0 =	vbroadcast v0, $0xF  }
0x1a2: {  	vm0 =	veq.s32 v2, v59;
	v2 =	vmov s20;
	v1 =	vbroadcast v1, $0xF  }
0x1a3: {  	s20 =	sor.u32 $0x2, s4;
	vm9 =	veq.s32 v2, v59;
	v0 =	vsel vm0, v0, v61  }
0x1a4: {  	v3, _, _ =	vpop (xrf2);
	v0 =	vsel vm9, v1, v0;
	v1 =	vmov s20;
	s20 =	sor.u32 $0x3, s4  }
0x1a5: {  	v2, _, _ =	vpop (xrf2);
	v3 =	vbroadcast v3, $0xF;
	vm10 =	veq.s32 v1, v59;
	v1 =	vmov s20  }
0x1a6: {  	v2 =	vbroadcast v2, $0xF;
	v62, _, _ =	vpop (xrf2)  }
0x1a7: {  	s20 =	sor.u32 $0x4, s4;
	v0 =	vsel vm10, v3, v0;
	vm11 =	veq.s32 v1, v59;
	v3 =	vbroadcast v62, $0xF  }
0x1a8: {  	v0 =	vsel vm11, v2, v0;
	v2 =	vmov s20;
	s20 =	sor.u32 $0x5, s4;
	v1, _, _ =	vpop (xrf2)  }
0x1a9: {  	p1 =	por p0, p0;
	vm12 =	veq.s32 v2, v59;
	v2 =	vmov s20;
	v1 =	vbroadcast v1, $0xF  }
.Ltmp2:
0x1aa: {  	s4 =	sor.u32 $0x6, s4;
	v63, _, _ =	vpop (xrf2);
	v0 =	vsel vm12, v3, v0;
	vm13 =	veq.s32 v2, v59;
	(pc) =	sbr.rel @p1 .LBB2_7-.Ltmp2, $4  }
0x1ab: {  	s20 =	sshllo.u32 s0, $0x3;
	v2 =	vbroadcast v63, $0xF;
	v3, _, _ =	vpop (xrf2);
	v0 =	vsel vm13, v1, v0;
	v1 =	vmov s4  }
0x1ac: {  	v3 =	vbroadcast v3, $0xF;
	vm14 =	veq.s32 v1, v59;
	v1 =	vmov s20  }
0x1ad: {  	v0 =	vsel vm14, v2, v0;
	vm15 =	veq.s32 v1, v59  }
0x1ae: {  	p0 =	por $0x0, $0x0;
	s0 =	simm.s32 $0x1;
	v2 =	vsel vm15, v3, v0  }
0x1af: {  	s0 =	sshll.u32 s30, $0x4  }
0x1b0: {  	v0 =	vld [tilespmem:s0+$0x10400];
	_ =	sdelay $0x1  }
0x1b1: {  	v1 =	vld [tilespmem:s0+$0x10600];
	_ =	sdelay $0x2  }
0x1b2: {  	v0 =	vadd.f32 v0, v2;
	_ =	sdelay $0x1  }
0x1b3: {  	v0 =	vadd.f32 v1, v0;
	_ =	sdelay $0x1  }
0x1b4: {  	v0 =	vsub.f32 $0.0e+00, v0;
	_ =	sdelay $0x1  }
0x1b5: {  	v0 =	vmul.f32 $1.442695020e+00, v0;
	_ =	sdelay $0x1  }
0x1b6: {  	(erf) = vpow2.f32 v0;
	_ =	sdelay $0x8  }
0x1b7: {  	v0 =	vpop (erf)  }
0x1b8: {  	v0 =	vadd.f32 $1.000000000e+00, v0;
	_ =	sdelay $0x1  }
0x1b9: {  	(erf) = vrcp.f32 v0;
	_ =	sdelay $0x5  }
0x1ba: {  	s30 =	sadd.s32 $0x1, s30  }
0x1bb: {  	p0 =	sne.s32 s30, $0x8  }
.Ltmp3:
0x1bc: {  	_ = 	snop;
	(pc) =	sbr.rel @p0 .LBB2_6-.Ltmp3, $3  }
0x1bd: {  	v0 =	vpop (erf)  }
0x1be: {  	v0 =	vmul.f32 $5.000000000e+00, v0;
	_ =	sdelay $0x1  }
0x1bf: {  	[tilespmem:s0+$0x10800] =	vst v0  }
0x1c0: {  	s30 =	simm.s32 $0x0;
	s0 =	simm.s32 $0x10800  }
0x1c1: {  	[hbm4b:s8+s30] =	stream.linear.scatter [tilespmem:s0], [sflag:$0x3], $0x80, $0x38;
	[tilespmem:$0x10A00] =	vst v63  }
0x1c2: {  	_ =	swait.ge [sflag:s16], $0x4000  }
0x1c3: {  	[sflag:s16] =	ssyncset.done $0x0  }
0x1c4: {  	[sflag:s16] =	ssyncadd.s32 $0xFFFFC000  }
0x1c5: {  	_ =	swait.ge [sflag:s16], $0x4000  }
0x1c6: {  	[sflag:s16] =	ssyncset.done $0x0  }
0x1c7: {  	s20 =	simm.s32 $0x100;
	[sflag:s16] =	ssyncadd.s32 $0xFFFFC000  }
0x1c8: {  	[tilespmem:s18], [sflag:$0x1] =	stream.indirect.gather [hbm4b:s1+s25], $0x80, s20, s25, $0xb8;
	[tilespmem:$0x10A00] =	vst v63  }
0x1c9: {  	s31 =	simm.s32 $0x300  }
0x1ca: {  	[tilespmem:s19], [sflag:$0x1] =	stream.indirect.gather [hbm4b:s2+s25], $0x80, s31, s25, $0xb8;
	[tilespmem:$0x10A00] =	vst v63  }
.LBB2_10:
0x1cb: {  	s31 =	sshll.u32 s30, $0xB;
	p0 =	por $0x1, $0x1;
	v2 =	vimm.f32 $0.0e+00;
	s0 =	simm.s32 $0x0  }
.LBB2_11:
0x1cc: {  	s4 =	sshll.u32 s0, $0xA  }
0x1cd: {  	s4 =	sor.u32 s31, s4  }
0x1ce: {  	v0 =	vld [tilespmem:s4+$0x4400]  }
0x1cf: {  	v4 =	vld [tilespmem:s4+$0xC400]  }
0x1d0: {  	v5 =	vld [tilespmem:s4+$0x4410]  }
0x1d1: {  	v6 =	vld [tilespmem:s4+$0xC410]  }
0x1d2: {  	v7 =	vld [tilespmem:s4+$0x4420]  }
0x1d3: {  	v8 =	vld [tilespmem:s4+$0xC420]  }
0x1d4: {  	v9 =	vld [tilespmem:s4+$0x4430]  }
0x1d5: {  	v10 =	vld [tilespmem:s4+$0xC430]  }
0x1d6: {  	v11 =	vld [tilespmem:s4+$0x4440]  }
0x1d7: {  	v12 =	vld [tilespmem:s4+$0xC440]  }
0x1d8: {  	v17 =	vld [tilespmem:s4+$0x4450]  }
0x1d9: {  	v14 =	vld [tilespmem:s4+$0xC450]  }
0x1da: {  	v34 =	vld [tilespmem:s4+$0x4460]  }
0x1db: {  	v33 =	vld [tilespmem:s4+$0xC460]  }
0x1dc: {  	v1 =	vld [tilespmem:s4+$0x4470]  }
0x1dd: {  	v19 =	vld [tilespmem:s4+$0x4480]  }
0x1de: {  	v20 =	vld [tilespmem:s4+$0xC480]  }
0x1df: {  	v21 =	vld [tilespmem:s4+$0x4490]  }
0x1e0: {  	v22 =	vld [tilespmem:s4+$0xC490]  }
0x1e1: {  	v23 =	vld [tilespmem:s4+$0x44A0]  }
0x1e2: {  	v24 =	vld [tilespmem:s4+$0xC4A0]  }
0x1e3: {  	v25 =	vld [tilespmem:s4+$0x44B0]  }
0x1e4: {  	v26 =	vld [tilespmem:s4+$0xC4B0]  }
0x1e5: {  	v32 =	vld [tilespmem:s4+$0x44C0]  }
0x1e6: {  	v28 =	vld [tilespmem:s4+$0xC4C0]  }
0x1e7: {  	v29 =	vld [tilespmem:s4+$0x44D0]  }
0x1e8: {  	v30 =	vld [tilespmem:s4+$0xC4D0]  }
0x1e9: {  	v35 =	vld [tilespmem:s4+$0x4500]  }
0x1ea: {  	v36 =	vld [tilespmem:s4+$0xC500]  }
0x1eb: {  	v37 =	vld [tilespmem:s4+$0x4510]  }
0x1ec: {  	v38 =	vld [tilespmem:s4+$0xC510]  }
0x1ed: {  	v39 =	vld [tilespmem:s4+$0x4520]  }
0x1ee: {  	v40 =	vld [tilespmem:s4+$0xC520]  }
0x1ef: {  	v41 =	vld [tilespmem:s4+$0x4530]  }
0x1f0: {  	v42 =	vld [tilespmem:s4+$0xC530]  }
0x1f1: {  	v46 =	vld [tilespmem:s4+$0x4540]  }
0x1f2: {  	v44 =	vld [tilespmem:s4+$0xC540]  }
0x1f3: {  	v50 =	vld [tilespmem:s4+$0xC550]  }
0x1f4: {  	v51 =	vld [tilespmem:s4+$0x4580]  }
0x1f5: {  	v52 =	vld [tilespmem:s4+$0xC580]  }
0x1f6: {  	v53 =	vld [tilespmem:s4+$0x4590]  }
0x1f7: {  	v54 =	vld [tilespmem:s4+$0xC590]  }
0x1f8: {  	v55 =	vld [tilespmem:s4+$0x45A0]  }
0x1f9: {  	v56 =	vld [tilespmem:s4+$0xC5A0]  }
0x1fa: {  	v57 =	vld [tilespmem:s4+$0x45B0]  }
0x1fb: {  	v58 =	vld [tilespmem:s4+$0xC5B0]  }
0x1fc: {  	v59 =	vld [tilespmem:s4+$0x45C0]  }
0x1fd: {  	[tilespmem:$0x1FB80] =	vst v1;
	v1 =	vld [tilespmem:s4+$0xC470]  }
0x1fe: {  	v60 =	vld [tilespmem:s4+$0xC5C0]  }
0x1ff: {  	v61 =	vld [tilespmem:s4+$0x45D0]  }
0x200: {  	v62 =	vld [tilespmem:s4+$0xC5D0]  }
0x201: {  	v49 =	vld [tilespmem:s4+$0x4600]  }
0x202: {  	[tilespmem:$0x1FB90] =	vst v1;
	v1 =	vld [tilespmem:s4+$0x44E0]  }
0x203: {  	v3 =	vld [tilespmem:s4+$0xC600]  }
0x204: {  	[tilespmem:$0x1FCF0] =	vst v2;
	v2 =	vld [tilespmem:s4+$0x4610]  }
0x205: {  	v31 =	vld [tilespmem:s4+$0x4620]  }
0x206: {  	v27 =	vld [tilespmem:s4+$0xC620]  }
0x207: {  	[tilespmem:$0x1FBA0] =	vst v1;
	v1 =	vld [tilespmem:s4+$0xC4E0]  }
0x208: {  	v48 =	vld [tilespmem:s4+$0x4630]  }
0x209: {  	v47 =	vld [tilespmem:s4+$0xC630]  }
0x20a: {  	v13 =	vld [tilespmem:s4+$0x4640]  }
0x20b: {  	v16 =	vld [tilespmem:s4+$0xC640]  }
0x20c: {  	[tilespmem:$0x1FBB0] =	vst v1;
	v1 =	vld [tilespmem:s4+$0x44F0]  }
0x20d: {  	v18 =	vld [tilespmem:s4+$0x4650]  }
0x20e: {  	v43 =	vld [tilespmem:s4+$0xC650]  }
0x20f: {  	v45 =	vld [tilespmem:s4+$0x4660]  }
0x210: {  	v63 =	vld [tilespmem:s4+$0xC660]  }
0x211: {  	[tilespmem:$0x1FBD0] =	vst v1;
	v1 =	vld [tilespmem:s4+$0xC4F0]  }
0x212: {  	v15 =	vld [tilespmem:s4+$0xC680]  }
0x213: {  	[tilespmem:$0x1FC80] =	vst v16;
	v16 =	vld [tilespmem:s4+$0x4670]  }
0x214: {  	[tilespmem:$0x1FC90] =	vst v18;
	v18 =	vld [tilespmem:s4+$0xC670]  }
0x215: {  	[tilespmem:$0x1FC70] =	vst v13;
	v13 =	vld [tilespmem:s4+$0xC690]  }
0x216: {  	[tilespmem:$0x1FBE0] =	vst v1;
	v1 =	vld [tilespmem:s4+$0x4550]  }
0x217: {  	[tilespmem:$0x1FCB0] =	vst v45;
	v45 =	vld [tilespmem:s4+$0x46A0]  }
0x218: {  	[tilespmem:$0x1FCA0] =	vst v43;
	v43 =	vld [tilespmem:s4+$0xC6A0]  }
0x219: {  	[tilespmem:$0x1FCC0] =	vst v63;
	v63 =	vld [tilespmem:s4+$0x46B0]  }
0x21a: {  	v0 =	vmul.f32 v4, v0;
	v4 =	vmul.f32 v6, v5;
	v6 =	vld [tilespmem:s4+$0xC6B0]  }
0x21b: {  	[tilespmem:$0x1FBC0] =	vst v1;
	v1 =	vld [tilespmem:s4+$0x4560]  }
0x21c: {  	v5 =	vld [tilespmem:s4+$0x46C0]  }
0x21d: {  	v11 =	vmul.f32 v12, v11;
	v12 =	vld [tilespmem:s4+$0xC6E0];
	v19 =	vmul.f32 v20, v19  }
0x21e: {  	v20 =	vmul.f32 v22, v21;
	v21 =	vmul.f32 v33, v34;
	v22 =	vld [tilespmem:s4+$0x4710]  }
0x21f: {  	v33 =	vmul.f32 v36, v35;
	v35 =	vmul.f32 v28, v32;
	v28 =	vld [tilespmem:s4+$0xC720]  }
0x220: {  	[tilespmem:$0x1FBF0] =	vst v1;
	v1 =	vld [tilespmem:s4+$0xC560]  }
0x221: {  	v3 =	vmul.f32 v3, v49;
	v49 =	vld [tilespmem:s4+$0xC780]  }
0x222: {  	v62 =	vmul.f32 v62, v61;
	v61 =	vld [tilespmem:s4+$0xC7B0]  }
0x223: {  	v36 =	vmul.f32 v40, v39;
	v39 =	vld [tilespmem:$0x1FB80]  }
0x224: {  	v0 =	vadd.f32 v4, v0;
	v4 =	vmul.f32 v8, v7;
	v7 =	vld [tilespmem:s4+$0xC6C0]  }
0x225: {  	[tilespmem:$0x1FC00] =	vst v1;
	v1 =	vld [tilespmem:s4+$0x4570]  }
0x226: {  	v8 =	vld [tilespmem:s4+$0x46D0]  }
0x227: {  	v14 =	vmul.f32 v14, v17;
	v17 =	vadd.f32 v20, v19;
	v20 =	vld [tilespmem:s4+$0x4700]  }
0x228: {  	v19 =	vmul.f32 v26, v25;
	v25 =	vld [tilespmem:s4+$0xC710]  }
0x229: {  	v34 =	vmul.f32 v38, v37;
	v26 =	vmul.f32 v30, v29;
	v30 =	vld [tilespmem:s4+$0x4730]  }
0x22a: {  	[tilespmem:$0x1FC30] =	vst v1;
	v1 =	vld [tilespmem:s4+$0xC570]  }
0x22b: {  	v24 =	vmul.f32 v24, v23;
	v23 =	vadd.f32 v34, v33;
	v33 =	vld [tilespmem:s4+$0xC730]  }
0x22c: {  	v29 =	vld [tilespmem:s4+$0x4740]  }
0x22d: {  	v0 =	vadd.f32 v4, v0;
	v4 =	vmul.f32 v10, v9;
	v9 =	vld [tilespmem:s4+$0xC6D0]  }
0x22e: {  	v10 =	vld [tilespmem:s4+$0x46E0]  }
0x22f: {  	[tilespmem:$0x1FC40] =	vst v1;
	v1 =	vld [tilespmem:s4+$0x45E0]  }
0x230: {  	[tilespmem:$0x1FCE0] =	vst v18;
	v18 =	vld [tilespmem:s4+$0x4680]  }
0x231: {  	[tilespmem:$0x1FCD0] =	vst v16;
	v16 =	vld [tilespmem:s4+$0x4690]  }
0x232: {  	v6 =	vmul.f32 v6, v63;
	v63 =	vld [tilespmem:s4+$0x47C0]  }
0x233: {  	v0 =	vadd.f32 v4, v0;
	v4 =	vld [tilespmem:s4+$0x46F0]  }
0x234: {  	v37 =	vmul.f32 v52, v51;
	v38 =	vmul.f32 v54, v53;
	v17 =	vadd.f32 v24, v17;
	[tilespmem:$0x1FC10] =	vst v1;
	v1 =	vld [tilespmem:s4+$0xC5E0]  }
0x235: {  	v40 =	vld [tilespmem:$0x1FB90]  }
0x236: {  	v17 =	vadd.f32 v19, v17;
	v19 =	vadd.f32 v38, v37;
	v37 =	vld [tilespmem:s4+$0x4760]  }
0x237: {  	v38 =	vld [tilespmem:s4+$0x4770]  }
0x238: {  	v41 =	vmul.f32 v42, v41;
	v23 =	vadd.f32 v36, v23;
	v11 =	vadd.f32 v11, v0;
	v0 =	vld [tilespmem:s4+$0xC6F0]  }
0x239: {  	v42 =	vmul.f32 v56, v55;
	[tilespmem:$0x1FC20] =	vst v1;
	v1 =	vld [tilespmem:s4+$0x45F0]  }
0x23a: {  	v53 =	vmul.f32 v44, v46;
	v23 =	vadd.f32 v41, v23;
	v17 =	vadd.f32 v35, v17;
	v35 =	vld [tilespmem:s4+$0xC740]  }
0x23b: {  	v19 =	vadd.f32 v42, v19;
	v42 =	vld [tilespmem:s4+$0x4780]  }
0x23c: {  	v23 =	vadd.f32 v53, v23;
	v53 =	vld [tilespmem:$0x1FC80]  }
0x23d: {  	v54 =	vmul.f32 v58, v57;
	v11 =	vadd.f32 v14, v11;
	v14 =	vld [tilespmem:s4+$0xC700]  }
0x23e: {  	[tilespmem:$0x1FC50] =	vst v1;
	v1 =	vld [tilespmem:s4+$0xC5F0]  }
0x23f: {  	v19 =	vadd.f32 v54, v19;
	v54 =	vld [tilespmem:s4+$0xC790]  }
0x240: {  	v51 =	vld [tilespmem:$0x1FBA0]  }
0x241: {  	v32 =	vmul.f32 v40, v39;
	v39 =	vld [tilespmem:$0x1FCC0]  }
0x242: {  	v52 =	vld [tilespmem:$0x1FBB0]  }
0x243: {  	v58 =	vmul.f32 v60, v59;
	[tilespmem:$0x1FC60] =	vst v1;
	v1 =	vld [tilespmem:s4+$0xC610]  }
0x244: {  	v11 =	vadd.f32 v21, v11;
	v21 =	vld [tilespmem:s4+$0x4720]  }
0x245: {  	v19 =	vadd.f32 v58, v19;
	v58 =	vld [tilespmem:s4+$0xC7A0]  }
0x246: {  	v56 =	vld [tilespmem:$0x1FBD0]  }
0x247: {  	v17 =	vadd.f32 v26, v17;
	v57 =	vld [tilespmem:$0x1FBE0]  }
0x248: {  	v11 =	vadd.f32 v32, v11;
	v32 =	vld [tilespmem:s4+$0x4750];
	v34 =	vmul.f32 v52, v51;
	v1 =	vmul.f32 v1, v2  }
0x249: {  	v19 =	vadd.f32 v62, v19;
	v62 =	vmul.f32 v49, v42;
	v49 =	vld [tilespmem:s4+$0xC7E0]  }
0x24a: {  	v17 =	vadd.f32 v34, v17;
	v34 =	vld [tilespmem:s4+$0xC750];
	v1 =	vadd.f32 v1, v3;
	v3 =	vmul.f32 v27, v31  }
0x24b: {  	v55 =	vld [tilespmem:$0x1FBC0]  }
0x24c: {  	v36 =	vmul.f32 v57, v56;
	v56 =	vld [tilespmem:s4+$0x47A0];
	v1 =	vadd.f32 v3, v1;
	v3 =	vmul.f32 v47, v48  }
0x24d: {  	v57 =	vld [tilespmem:$0x1FCA0]  }
0x24e: {  	v1 =	vadd.f32 v3, v1;
	v3 =	vld [tilespmem:$0x1FC70]  }
0x24f: {  	v17 =	vadd.f32 v36, v17;
	v36 =	vld [tilespmem:$0x1FCB0]  }
0x250: {  	v59 =	vld [tilespmem:$0x1FBF0]  }
0x251: {  	v24 =	vmul.f32 v50, v55;
	v50 =	vld [tilespmem:s4+$0x4790]  }
0x252: {  	v60 =	vld [tilespmem:$0x1FC00]  }
0x253: {  	v44 =	vld [tilespmem:$0x1FC30];
	v3 =	vmul.f32 v53, v3  }
0x254: {  	v15 =	vmul.f32 v15, v18;
	v13 =	vmul.f32 v13, v16;
	v40 =	vld [tilespmem:$0x1FC10]  }
0x255: {  	v1 =	vadd.f32 v3, v1;
	v3 =	vld [tilespmem:$0x1FC90]  }
0x256: {  	v13 =	vadd.f32 v13, v15;
	v55 =	vmul.f32 v43, v45;
	v41 =	vld [tilespmem:$0x1FC20]  }
0x257: {  	v51 =	vld [tilespmem:$0x1FC50]  }
0x258: {  	v5 =	vmul.f32 v7, v5;
	v13 =	vadd.f32 v55, v13;
	v52 =	vld [tilespmem:$0x1FC60]  }
0x259: {  	v8 =	vmul.f32 v9, v8;
	v23 =	vadd.f32 v24, v23;
	v24 =	vmul.f32 v60, v59;
	v46 =	vld [tilespmem:$0x1FC40]  }
0x25a: {  	v43 =	vmul.f32 v58, v56;
	v6 =	vadd.f32 v6, v13;
	v59 =	vld [tilespmem:s4+$0x47B0];
	v3 =	vmul.f32 v57, v3  }
0x25b: {  	v55 =	vld [tilespmem:s4+$0xC7F0];
	v16 =	vmul.f32 v54, v50;
	v60 =	vmul.f32 v25, v22;
	v23 =	vadd.f32 v24, v23  }
0x25c: {  	v24 =	vmul.f32 v41, v40;
	v41 =	vld [tilespmem:s4+$0xC7C0];
	v1 =	vadd.f32 v3, v1;
	v3 =	vmul.f32 v14, v20  }
0x25d: {  	v5 =	vadd.f32 v5, v6;
	v42 =	vadd.f32 v16, v62;
	v18 =	vmul.f32 v52, v51;
	v52 =	vld [tilespmem:$0x1FCD0]  }
0x25e: {  	v40 =	vmul.f32 v28, v21;
	v31 =	vmul.f32 v46, v44;
	v44 =	vld [tilespmem:s4+$0x47D0];
	v3 =	vadd.f32 v60, v3  }
0x25f: {  	v10 =	vmul.f32 v12, v10;
	v6 =	vadd.f32 v43, v42;
	v7 =	vmul.f32 v61, v59;
	v46 =	vld [tilespmem:s4+$0xC7D0]  }
0x260: {  	v45 =	vmul.f32 v33, v30;
	v5 =	vadd.f32 v8, v5;
	v53 =	vld [tilespmem:$0x1FCE0];
	v3 =	vadd.f32 v40, v3  }
0x261: {  	v0 =	vmul.f32 v0, v4;
	v6 =	vadd.f32 v7, v6;
	v50 =	vmul.f32 v41, v63;
	v2 =	vld [tilespmem:s4+$0xC760]  }
0x262: {  	v5 =	vadd.f32 v10, v5;
	v47 =	vld [tilespmem:s4+$0x47E0];
	v48 =	vmul.f32 v35, v29;
	v3 =	vadd.f32 v45, v3  }
0x263: {  	v22 =	vmul.f32 v39, v36;
	v19 =	vadd.f32 v24, v19;
	v6 =	vadd.f32 v50, v6;
	v27 =	vld [tilespmem:s4+$0xC770]  }
0x264: {  	(xrf2) =	vadd.scan.msk.f32 $0xffff, v11;
	v54 =	vmul.f32 v34, v32;
	v51 =	vld [tilespmem:s4+$0x47F0];
	v23 =	vadd.f32 v31, v23;
	v3 =	vadd.f32 v48, v3  }
0x265: {  	(xrf2) =	vadd.scan.msk.f32 $0xffff, v17;
	v56 =	vmul.f32 v46, v44;
	v12 =	vmul.f32 v53, v52;
	v1 =	vadd.f32 v22, v1  }
0x266: {  	v18 =	vadd.f32 v18, v19;
	v2 =	vmul.f32 v2, v37;
	v3 =	vadd.f32 v54, v3  }
0x267: {  	(xrf2) =	vadd.scan.msk.f32 $0xffff, v23;
	v58 =	vmul.f32 v49, v47;
	v57 =	vadd.f32 v56, v6;
	v1 =	vadd.f32 v12, v1  }
0x268: {  	v0 =	vadd.f32 v0, v5;
	(xrf2) =	vadd.scan.msk.f32 $0xffff, v18;
	v2 =	vadd.f32 v2, v3;
	v3 =	vmul.f32 v27, v38  }
0x269: {  	v60 =	vmul.f32 v55, v51;
	(xrf2) =	vadd.scan.msk.f32 $0xffff, v1;
	v1 =	vadd.f32 v58, v57  }
0x26a: {  	(xrf2) =	vadd.scan.msk.f32 $0xffff, v0;
	v0 =	vadd.f32 v3, v2  }
0x26b: {  	v1 =	vadd.f32 v60, v1  }
0x26c: {  	v61 =	vld [tilespmem:$0x1FCF0];
	_ =	sdelay $0x1  }
0x26d: {  	s4 =	sshll.u32 s0, $0x3;
	(xrf2) =	vadd.scan.msk.f32 $0xffff, v0;
	v0, _, _ =	vpop (xrf2)  }
0x26e: {  	v59 =	vlaneseq.u32;
	s20 =	sor.u32 $0x1, s4;
	v2 =	vmov s4;
	(xrf2) =	vadd.scan.msk.f32 $0xffff, v1;
	v1, _, _ =	vpop (xrf2);
	v0 =	vbroadcast v0, $0xF  }
0x26f: {  	vm0 =	veq.s32 v2, v59;
	v2 =	vmov s20;
	v1 =	vbroadcast v1, $0xF  }
0x270: {  	s20 =	sor.u32 $0x2, s4;
	vm9 =	veq.s32 v2, v59;
	v0 =	vsel vm0, v0, v61  }
0x271: {  	v3, _, _ =	vpop (xrf2);
	v0 =	vsel vm9, v1, v0;
	v1 =	vmov s20;
	s20 =	sor.u32 $0x3, s4  }
0x272: {  	v2, _, _ =	vpop (xrf2);
	v3 =	vbroadcast v3, $0xF;
	vm10 =	veq.s32 v1, v59;
	v1 =	vmov s20  }
0x273: {  	v2 =	vbroadcast v2, $0xF;
	v62, _, _ =	vpop (xrf2)  }
0x274: {  	s20 =	sor.u32 $0x4, s4;
	v0 =	vsel vm10, v3, v0;
	vm11 =	veq.s32 v1, v59;
	v3 =	vbroadcast v62, $0xF  }
0x275: {  	v0 =	vsel vm11, v2, v0;
	v2 =	vmov s20;
	s20 =	sor.u32 $0x5, s4;
	v1, _, _ =	vpop (xrf2)  }
0x276: {  	p1 =	por p0, p0;
	vm12 =	veq.s32 v2, v59;
	v2 =	vmov s20;
	v1 =	vbroadcast v1, $0xF  }
.Ltmp4:
0x277: {  	s4 =	sor.u32 $0x6, s4;
	v63, _, _ =	vpop (xrf2);
	v0 =	vsel vm12, v3, v0;
	vm13 =	veq.s32 v2, v59;
	(pc) =	sbr.rel @p1 .LBB2_11-.Ltmp4, $4  }
0x278: {  	s20 =	sshllo.u32 s0, $0x3;
	v2 =	vbroadcast v63, $0xF;
	v3, _, _ =	vpop (xrf2);
	v0 =	vsel vm13, v1, v0;
	v1 =	vmov s4  }
0x279: {  	v3 =	vbroadcast v3, $0xF;
	vm14 =	veq.s32 v1, v59;
	v1 =	vmov s20  }
0x27a: {  	v0 =	vsel vm14, v2, v0;
	vm15 =	veq.s32 v1, v59  }
0x27b: {  	p0 =	por $0x0, $0x0;
	s0 =	simm.s32 $0x1;
	v2 =	vsel vm15, v3, v0  }
0x27c: {  	s0 =	sshll.u32 s30, $0x4  }
0x27d: {  	v0 =	vld [tilespmem:s0+$0x10480];
	_ =	sdelay $0x1  }
0x27e: {  	v1 =	vld [tilespmem:s0+$0x10680];
	_ =	sdelay $0x2  }
0x27f: {  	v0 =	vadd.f32 v0, v2;
	_ =	sdelay $0x1  }
0x280: {  	v0 =	vadd.f32 v1, v0;
	_ =	sdelay $0x1  }
0x281: {  	v0 =	vsub.f32 $0.0e+00, v0;
	_ =	sdelay $0x1  }
0x282: {  	v0 =	vmul.f32 $1.442695020e+00, v0;
	_ =	sdelay $0x1  }
0x283: {  	(erf) = vpow2.f32 v0;
	_ =	sdelay $0x8  }
0x284: {  	v0 =	vpop (erf)  }
0x285: {  	v0 =	vadd.f32 $1.000000000e+00, v0;
	_ =	sdelay $0x1  }
0x286: {  	(erf) = vrcp.f32 v0;
	_ =	sdelay $0x5  }
0x287: {  	s30 =	sadd.s32 $0x1, s30  }
0x288: {  	p0 =	sne.s32 s30, $0x8  }
.Ltmp5:
0x289: {  	_ = 	snop;
	(pc) =	sbr.rel @p0 .LBB2_10-.Ltmp5, $3  }
0x28a: {  	v0 =	vpop (erf)  }
0x28b: {  	v0 =	vmul.f32 $5.000000000e+00, v0;
	_ =	sdelay $0x1  }
0x28c: {  	[tilespmem:s0+$0x10880] =	vst v0  }
0x28d: {  	s30 =	simm.s32 $0x0;
	s0 =	simm.s32 $0x10880  }
0x28e: {  	[hbm4b:s10+s30] =	stream.linear.scatter [tilespmem:s0], [sflag:$0x3], $0x80, $0x38;
	[tilespmem:$0x10A00] =	vst v63  }
0x28f: {  	_ =	swait.ge [sflag:s15], $0x4000  }
0x290: {  	[sflag:s15] =	ssyncset.done $0x0  }
0x291: {  	[sflag:s15] =	ssyncadd.s32 $0xFFFFC000  }
0x292: {  	_ =	swait.ge [sflag:s15], $0x4000  }
0x293: {  	[sflag:s15] =	ssyncset.done $0x0  }
0x294: {  	s31 =	simm.s32 $0x180;
	[sflag:s15] =	ssyncadd.s32 $0xFFFFC000  }
0x295: {  	[tilespmem:s26], [sflag:$0x2] =	stream.indirect.gather [hbm4b:s1+s25], $0x80, s31, s25, $0xb8;
	[tilespmem:$0x10A00] =	vst v63  }
0x296: {  	_ = 	snop  }
0x297: {  	[tilespmem:s29], [sflag:$0x2] =	stream.indirect.gather [hbm4b:s2+s25], $0x80, s21, s25, $0xb8;
	[tilespmem:$0x10A00] =	vst v63  }
.LBB2_14:
0x298: {  	s31 =	sshll.u32 s30, $0xB;
	p0 =	por $0x1, $0x1;
	v2 =	vimm.f32 $0.0e+00;
	s0 =	simm.s32 $0x0  }
.LBB2_15:
0x299: {  	s4 =	sshll.u32 s0, $0xA  }
0x29a: {  	s4 =	sor.u32 s31, s4  }
0x29b: {  	v0 =	vld [tilespmem:s4+$0x400]  }
0x29c: {  	v4 =	vld [tilespmem:s4+$0x8400]  }
0x29d: {  	v5 =	vld [tilespmem:s4+$0x410]  }
0x29e: {  	v6 =	vld [tilespmem:s4+$0x8410]  }
0x29f: {  	v7 =	vld [tilespmem:s4+$0x420]  }
0x2a0: {  	v8 =	vld [tilespmem:s4+$0x8420]  }
0x2a1: {  	v9 =	vld [tilespmem:s4+$0x430]  }
0x2a2: {  	v10 =	vld [tilespmem:s4+$0x8430]  }
0x2a3: {  	v11 =	vld [tilespmem:s4+$0x440]  }
0x2a4: {  	v12 =	vld [tilespmem:s4+$0x8440]  }
0x2a5: {  	v17 =	vld [tilespmem:s4+$0x450]  }
0x2a6: {  	v14 =	vld [tilespmem:s4+$0x8450]  }
0x2a7: {  	v34 =	vld [tilespmem:s4+$0x460]  }
0x2a8: {  	v33 =	vld [tilespmem:s4+$0x8460]  }
0x2a9: {  	v1 =	vld [tilespmem:s4+$0x470]  }
0x2aa: {  	v19 =	vld [tilespmem:s4+$0x480]  }
0x2ab: {  	v20 =	vld [tilespmem:s4+$0x8480]  }
0x2ac: {  	v21 =	vld [tilespmem:s4+$0x490]  }
0x2ad: {  	v22 =	vld [tilespmem:s4+$0x8490]  }
0x2ae: {  	v23 =	vld [tilespmem:s4+$0x4A0]  }
0x2af: {  	v24 =	vld [tilespmem:s4+$0x84A0]  }
0x2b0: {  	v25 =	vld [tilespmem:s4+$0x4B0]  }
0x2b1: {  	v26 =	vld [tilespmem:s4+$0x84B0]  }
0x2b2: {  	v32 =	vld [tilespmem:s4+$0x4C0]  }
0x2b3: {  	v28 =	vld [tilespmem:s4+$0x84C0]  }
0x2b4: {  	v29 =	vld [tilespmem:s4+$0x4D0]  }
0x2b5: {  	v30 =	vld [tilespmem:s4+$0x84D0]  }
0x2b6: {  	v35 =	vld [tilespmem:s4+$0x500]  }
0x2b7: {  	v36 =	vld [tilespmem:s4+$0x8500]  }
0x2b8: {  	v37 =	vld [tilespmem:s4+$0x510]  }
0x2b9: {  	v38 =	vld [tilespmem:s4+$0x8510]  }
0x2ba: {  	v39 =	vld [tilespmem:s4+$0x520]  }
0x2bb: {  	v40 =	vld [tilespmem:s4+$0x8520]  }
0x2bc: {  	v41 =	vld [tilespmem:s4+$0x530]  }
0x2bd: {  	v42 =	vld [tilespmem:s4+$0x8530]  }
0x2be: {  	v46 =	vld [tilespmem:s4+$0x540]  }
0x2bf: {  	v44 =	vld [tilespmem:s4+$0x8540]  }
0x2c0: {  	v50 =	vld [tilespmem:s4+$0x8550]  }
0x2c1: {  	v51 =	vld [tilespmem:s4+$0x580]  }
0x2c2: {  	v52 =	vld [tilespmem:s4+$0x8580]  }
0x2c3: {  	v53 =	vld [tilespmem:s4+$0x590]  }
0x2c4: {  	v54 =	vld [tilespmem:s4+$0x8590]  }
0x2c5: {  	v55 =	vld [tilespmem:s4+$0x5A0]  }
0x2c6: {  	v56 =	vld [tilespmem:s4+$0x85A0]  }
0x2c7: {  	v57 =	vld [tilespmem:s4+$0x5B0]  }
0x2c8: {  	v58 =	vld [tilespmem:s4+$0x85B0]  }
0x2c9: {  	v59 =	vld [tilespmem:s4+$0x5C0]  }
0x2ca: {  	[tilespmem:$0x1FA00] =	vst v1;
	v1 =	vld [tilespmem:s4+$0x8470]  }
0x2cb: {  	v60 =	vld [tilespmem:s4+$0x85C0]  }
0x2cc: {  	v61 =	vld [tilespmem:s4+$0x5D0]  }
0x2cd: {  	v62 =	vld [tilespmem:s4+$0x85D0]  }
0x2ce: {  	v49 =	vld [tilespmem:s4+$0x600]  }
0x2cf: {  	[tilespmem:$0x1FA10] =	vst v1;
	v1 =	vld [tilespmem:s4+$0x4E0]  }
0x2d0: {  	v3 =	vld [tilespmem:s4+$0x8600]  }
0x2d1: {  	[tilespmem:$0x1FB70] =	vst v2;
	v2 =	vld [tilespmem:s4+$0x610]  }
0x2d2: {  	v31 =	vld [tilespmem:s4+$0x620]  }
0x2d3: {  	v27 =	vld [tilespmem:s4+$0x8620]  }
0x2d4: {  	[tilespmem:$0x1FA20] =	vst v1;
	v1 =	vld [tilespmem:s4+$0x84E0]  }
0x2d5: {  	v48 =	vld [tilespmem:s4+$0x630]  }
0x2d6: {  	v47 =	vld [tilespmem:s4+$0x8630]  }
0x2d7: {  	v13 =	vld [tilespmem:s4+$0x640]  }
0x2d8: {  	v16 =	vld [tilespmem:s4+$0x8640]  }
0x2d9: {  	[tilespmem:$0x1FA30] =	vst v1;
	v1 =	vld [tilespmem:s4+$0x4F0]  }
0x2da: {  	v18 =	vld [tilespmem:s4+$0x650]  }
0x2db: {  	v43 =	vld [tilespmem:s4+$0x8650]  }
0x2dc: {  	v45 =	vld [tilespmem:s4+$0x660]  }
0x2dd: {  	v63 =	vld [tilespmem:s4+$0x8660]  }
0x2de: {  	[tilespmem:$0x1FA50] =	vst v1;
	v1 =	vld [tilespmem:s4+$0x84F0]  }
0x2df: {  	v15 =	vld [tilespmem:s4+$0x8680]  }
0x2e0: {  	[tilespmem:$0x1FB00] =	vst v16;
	v16 =	vld [tilespmem:s4+$0x670]  }
0x2e1: {  	[tilespmem:$0x1FB10] =	vst v18;
	v18 =	vld [tilespmem:s4+$0x8670]  }
0x2e2: {  	[tilespmem:$0x1FAF0] =	vst v13;
	v13 =	vld [tilespmem:s4+$0x8690]  }
0x2e3: {  	[tilespmem:$0x1FA60] =	vst v1;
	v1 =	vld [tilespmem:s4+$0x550]  }
0x2e4: {  	[tilespmem:$0x1FB30] =	vst v45;
	v45 =	vld [tilespmem:s4+$0x6A0]  }
0x2e5: {  	[tilespmem:$0x1FB20] =	vst v43;
	v43 =	vld [tilespmem:s4+$0x86A0]  }
0x2e6: {  	[tilespmem:$0x1FB40] =	vst v63;
	v63 =	vld [tilespmem:s4+$0x6B0]  }
0x2e7: {  	v0 =	vmul.f32 v4, v0;
	v4 =	vmul.f32 v6, v5;
	v6 =	vld [tilespmem:s4+$0x86B0]  }
0x2e8: {  	[tilespmem:$0x1FA40] =	vst v1;
	v1 =	vld [tilespmem:s4+$0x560]  }
0x2e9: {  	v5 =	vld [tilespmem:s4+$0x6C0]  }
0x2ea: {  	v11 =	vmul.f32 v12, v11;
	v12 =	vld [tilespmem:s4+$0x86E0];
	v19 =	vmul.f32 v20, v19  }
0x2eb: {  	v20 =	vmul.f32 v22, v21;
	v21 =	vmul.f32 v33, v34;
	v22 =	vld [tilespmem:s4+$0x710]  }
0x2ec: {  	v33 =	vmul.f32 v36, v35;
	v35 =	vmul.f32 v28, v32;
	v28 =	vld [tilespmem:s4+$0x8720]  }
0x2ed: {  	[tilespmem:$0x1FA70] =	vst v1;
	v1 =	vld [tilespmem:s4+$0x8560]  }
0x2ee: {  	v3 =	vmul.f32 v3, v49;
	v49 =	vld [tilespmem:s4+$0x8780]  }
0x2ef: {  	v62 =	vmul.f32 v62, v61;
	v61 =	vld [tilespmem:s4+$0x87B0]  }
0x2f0: {  	v36 =	vmul.f32 v40, v39;
	v39 =	vld [tilespmem:$0x1FA00]  }
0x2f1: {  	v0 =	vadd.f32 v4, v0;
	v4 =	vmul.f32 v8, v7;
	v7 =	vld [tilespmem:s4+$0x86C0]  }
0x2f2: {  	[tilespmem:$0x1FA80] =	vst v1;
	v1 =	vld [tilespmem:s4+$0x570]  }
0x2f3: {  	v8 =	vld [tilespmem:s4+$0x6D0]  }
0x2f4: {  	v14 =	vmul.f32 v14, v17;
	v17 =	vadd.f32 v20, v19;
	v20 =	vld [tilespmem:s4+$0x700]  }
0x2f5: {  	v19 =	vmul.f32 v26, v25;
	v25 =	vld [tilespmem:s4+$0x8710]  }
0x2f6: {  	v34 =	vmul.f32 v38, v37;
	v26 =	vmul.f32 v30, v29;
	v30 =	vld [tilespmem:s4+$0x730]  }
0x2f7: {  	[tilespmem:$0x1FAB0] =	vst v1;
	v1 =	vld [tilespmem:s4+$0x8570]  }
0x2f8: {  	v24 =	vmul.f32 v24, v23;
	v23 =	vadd.f32 v34, v33;
	v33 =	vld [tilespmem:s4+$0x8730]  }
0x2f9: {  	v29 =	vld [tilespmem:s4+$0x740]  }
0x2fa: {  	v0 =	vadd.f32 v4, v0;
	v4 =	vmul.f32 v10, v9;
	v9 =	vld [tilespmem:s4+$0x86D0]  }
0x2fb: {  	v10 =	vld [tilespmem:s4+$0x6E0]  }
0x2fc: {  	[tilespmem:$0x1FAC0] =	vst v1;
	v1 =	vld [tilespmem:s4+$0x5E0]  }
0x2fd: {  	[tilespmem:$0x1FB60] =	vst v18;
	v18 =	vld [tilespmem:s4+$0x680]  }
0x2fe: {  	[tilespmem:$0x1FB50] =	vst v16;
	v16 =	vld [tilespmem:s4+$0x690]  }
0x2ff: {  	v6 =	vmul.f32 v6, v63;
	v63 =	vld [tilespmem:s4+$0x7C0]  }
0x300: {  	v0 =	vadd.f32 v4, v0;
	v4 =	vld [tilespmem:s4+$0x6F0]  }
0x301: {  	v37 =	vmul.f32 v52, v51;
	v38 =	vmul.f32 v54, v53;
	v17 =	vadd.f32 v24, v17;
	[tilespmem:$0x1FA90] =	vst v1;
	v1 =	vld [tilespmem:s4+$0x85E0]  }
0x302: {  	v40 =	vld [tilespmem:$0x1FA10]  }
0x303: {  	v17 =	vadd.f32 v19, v17;
	v19 =	vadd.f32 v38, v37;
	v37 =	vld [tilespmem:s4+$0x760]  }
0x304: {  	v38 =	vld [tilespmem:s4+$0x770]  }
0x305: {  	v41 =	vmul.f32 v42, v41;
	v23 =	vadd.f32 v36, v23;
	v11 =	vadd.f32 v11, v0;
	v0 =	vld [tilespmem:s4+$0x86F0]  }
0x306: {  	v42 =	vmul.f32 v56, v55;
	[tilespmem:$0x1FAA0] =	vst v1;
	v1 =	vld [tilespmem:s4+$0x5F0]  }
0x307: {  	v53 =	vmul.f32 v44, v46;
	v23 =	vadd.f32 v41, v23;
	v17 =	vadd.f32 v35, v17;
	v35 =	vld [tilespmem:s4+$0x8740]  }
0x308: {  	v19 =	vadd.f32 v42, v19;
	v42 =	vld [tilespmem:s4+$0x780]  }
0x309: {  	v23 =	vadd.f32 v53, v23;
	v53 =	vld [tilespmem:$0x1FB00]  }
0x30a: {  	v54 =	vmul.f32 v58, v57;
	v11 =	vadd.f32 v14, v11;
	v14 =	vld [tilespmem:s4+$0x8700]  }
0x30b: {  	[tilespmem:$0x1FAD0] =	vst v1;
	v1 =	vld [tilespmem:s4+$0x85F0]  }
0x30c: {  	v19 =	vadd.f32 v54, v19;
	v54 =	vld [tilespmem:s4+$0x8790]  }
0x30d: {  	v51 =	vld [tilespmem:$0x1FA20]  }
0x30e: {  	v32 =	vmul.f32 v40, v39;
	v39 =	vld [tilespmem:$0x1FB40]  }
0x30f: {  	v52 =	vld [tilespmem:$0x1FA30]  }
0x310: {  	v58 =	vmul.f32 v60, v59;
	[tilespmem:$0x1FAE0] =	vst v1;
	v1 =	vld [tilespmem:s4+$0x8610]  }
0x311: {  	v11 =	vadd.f32 v21, v11;
	v21 =	vld [tilespmem:s4+$0x720]  }
0x312: {  	v19 =	vadd.f32 v58, v19;
	v58 =	vld [tilespmem:s4+$0x87A0]  }
0x313: {  	v56 =	vld [tilespmem:$0x1FA50]  }
0x314: {  	v17 =	vadd.f32 v26, v17;
	v57 =	vld [tilespmem:$0x1FA60]  }
0x315: {  	v11 =	vadd.f32 v32, v11;
	v32 =	vld [tilespmem:s4+$0x750];
	v34 =	vmul.f32 v52, v51;
	v1 =	vmul.f32 v1, v2  }
0x316: {  	v19 =	vadd.f32 v62, v19;
	v62 =	vmul.f32 v49, v42;
	v49 =	vld [tilespmem:s4+$0x87E0]  }
0x317: {  	v17 =	vadd.f32 v34, v17;
	v34 =	vld [tilespmem:s4+$0x8750];
	v1 =	vadd.f32 v1, v3;
	v3 =	vmul.f32 v27, v31  }
0x318: {  	v55 =	vld [tilespmem:$0x1FA40]  }
0x319: {  	v36 =	vmul.f32 v57, v56;
	v56 =	vld [tilespmem:s4+$0x7A0];
	v1 =	vadd.f32 v3, v1;
	v3 =	vmul.f32 v47, v48  }
0x31a: {  	v57 =	vld [tilespmem:$0x1FB20]  }
0x31b: {  	v1 =	vadd.f32 v3, v1;
	v3 =	vld [tilespmem:$0x1FAF0]  }
0x31c: {  	v17 =	vadd.f32 v36, v17;
	v36 =	vld [tilespmem:$0x1FB30]  }
0x31d: {  	v59 =	vld [tilespmem:$0x1FA70]  }
0x31e: {  	v24 =	vmul.f32 v50, v55;
	v50 =	vld [tilespmem:s4+$0x790]  }
0x31f: {  	v60 =	vld [tilespmem:$0x1FA80]  }
0x320: {  	v44 =	vld [tilespmem:$0x1FAB0];
	v3 =	vmul.f32 v53, v3  }
0x321: {  	v15 =	vmul.f32 v15, v18;
	v13 =	vmul.f32 v13, v16;
	v40 =	vld [tilespmem:$0x1FA90]  }
0x322: {  	v1 =	vadd.f32 v3, v1;
	v3 =	vld [tilespmem:$0x1FB10]  }
0x323: {  	v13 =	vadd.f32 v13, v15;
	v55 =	vmul.f32 v43, v45;
	v41 =	vld [tilespmem:$0x1FAA0]  }
0x324: {  	v51 =	vld [tilespmem:$0x1FAD0]  }
0x325: {  	v5 =	vmul.f32 v7, v5;
	v13 =	vadd.f32 v55, v13;
	v52 =	vld [tilespmem:$0x1FAE0]  }
0x326: {  	v8 =	vmul.f32 v9, v8;
	v23 =	vadd.f32 v24, v23;
	v24 =	vmul.f32 v60, v59;
	v46 =	vld [tilespmem:$0x1FAC0]  }
0x327: {  	v43 =	vmul.f32 v58, v56;
	v6 =	vadd.f32 v6, v13;
	v59 =	vld [tilespmem:s4+$0x7B0];
	v3 =	vmul.f32 v57, v3  }
0x328: {  	v55 =	vld [tilespmem:s4+$0x87F0];
	v16 =	vmul.f32 v54, v50;
	v60 =	vmul.f32 v25, v22;
	v23 =	vadd.f32 v24, v23  }
0x329: {  	v24 =	vmul.f32 v41, v40;
	v41 =	vld [tilespmem:s4+$0x87C0];
	v1 =	vadd.f32 v3, v1;
	v3 =	vmul.f32 v14, v20  }
0x32a: {  	v5 =	vadd.f32 v5, v6;
	v42 =	vadd.f32 v16, v62;
	v18 =	vmul.f32 v52, v51;
	v52 =	vld [tilespmem:$0x1FB50]  }
0x32b: {  	v40 =	vmul.f32 v28, v21;
	v31 =	vmul.f32 v46, v44;
	v44 =	vld [tilespmem:s4+$0x7D0];
	v3 =	vadd.f32 v60, v3  }
0x32c: {  	v10 =	vmul.f32 v12, v10;
	v6 =	vadd.f32 v43, v42;
	v7 =	vmul.f32 v61, v59;
	v46 =	vld [tilespmem:s4+$0x87D0]  }
0x32d: {  	v45 =	vmul.f32 v33, v30;
	v5 =	vadd.f32 v8, v5;
	v53 =	vld [tilespmem:$0x1FB60];
	v3 =	vadd.f32 v40, v3  }
0x32e: {  	v0 =	vmul.f32 v0, v4;
	v6 =	vadd.f32 v7, v6;
	v50 =	vmul.f32 v41, v63;
	v2 =	vld [tilespmem:s4+$0x8760]  }
0x32f: {  	v5 =	vadd.f32 v10, v5;
	v47 =	vld [tilespmem:s4+$0x7E0];
	v48 =	vmul.f32 v35, v29;
	v3 =	vadd.f32 v45, v3  }
0x330: {  	v22 =	vmul.f32 v39, v36;
	v19 =	vadd.f32 v24, v19;
	v6 =	vadd.f32 v50, v6;
	v27 =	vld [tilespmem:s4+$0x8770]  }
0x331: {  	(xrf2) =	vadd.scan.msk.f32 $0xffff, v11;
	v54 =	vmul.f32 v34, v32;
	v51 =	vld [tilespmem:s4+$0x7F0];
	v23 =	vadd.f32 v31, v23;
	v3 =	vadd.f32 v48, v3  }
0x332: {  	(xrf2) =	vadd.scan.msk.f32 $0xffff, v17;
	v56 =	vmul.f32 v46, v44;
	v12 =	vmul.f32 v53, v52;
	v1 =	vadd.f32 v22, v1  }
0x333: {  	v18 =	vadd.f32 v18, v19;
	v2 =	vmul.f32 v2, v37;
	v3 =	vadd.f32 v54, v3  }
0x334: {  	(xrf2) =	vadd.scan.msk.f32 $0xffff, v23;
	v58 =	vmul.f32 v49, v47;
	v57 =	vadd.f32 v56, v6;
	v1 =	vadd.f32 v12, v1  }
0x335: {  	v0 =	vadd.f32 v0, v5;
	(xrf2) =	vadd.scan.msk.f32 $0xffff, v18;
	v2 =	vadd.f32 v2, v3;
	v3 =	vmul.f32 v27, v38  }
0x336: {  	v60 =	vmul.f32 v55, v51;
	(xrf2) =	vadd.scan.msk.f32 $0xffff, v1;
	v1 =	vadd.f32 v58, v57  }
0x337: {  	(xrf2) =	vadd.scan.msk.f32 $0xffff, v0;
	v0 =	vadd.f32 v3, v2  }
0x338: {  	v1 =	vadd.f32 v60, v1  }
0x339: {  	v61 =	vld [tilespmem:$0x1FB70];
	_ =	sdelay $0x1  }
0x33a: {  	s4 =	sshll.u32 s0, $0x3;
	(xrf2) =	vadd.scan.msk.f32 $0xffff, v0;
	v0, _, _ =	vpop (xrf2)  }
0x33b: {  	v59 =	vlaneseq.u32;
	s20 =	sor.u32 $0x1, s4;
	v2 =	vmov s4;
	(xrf2) =	vadd.scan.msk.f32 $0xffff, v1;
	v1, _, _ =	vpop (xrf2);
	v0 =	vbroadcast v0, $0xF  }
0x33c: {  	vm0 =	veq.s32 v2, v59;
	v2 =	vmov s20;
	v1 =	vbroadcast v1, $0xF  }
0x33d: {  	s20 =	sor.u32 $0x2, s4;
	vm9 =	veq.s32 v2, v59;
	v0 =	vsel vm0, v0, v61  }
0x33e: {  	v3, _, _ =	vpop (xrf2);
	v0 =	vsel vm9, v1, v0;
	v1 =	vmov s20;
	s20 =	sor.u32 $0x3, s4  }
0x33f: {  	v2, _, _ =	vpop (xrf2);
	v3 =	vbroadcast v3, $0xF;
	vm10 =	veq.s32 v1, v59;
	v1 =	vmov s20  }
0x340: {  	v2 =	vbroadcast v2, $0xF;
	v62, _, _ =	vpop (xrf2)  }
0x341: {  	s20 =	sor.u32 $0x4, s4;
	v0 =	vsel vm10, v3, v0;
	vm11 =	veq.s32 v1, v59;
	v3 =	vbroadcast v62, $0xF  }
0x342: {  	v0 =	vsel vm11, v2, v0;
	v2 =	vmov s20;
	s20 =	sor.u32 $0x5, s4;
	v1, _, _ =	vpop (xrf2)  }
0x343: {  	p1 =	por p0, p0;
	vm12 =	veq.s32 v2, v59;
	v2 =	vmov s20;
	v1 =	vbroadcast v1, $0xF  }
.Ltmp6:
0x344: {  	s4 =	sor.u32 $0x6, s4;
	v63, _, _ =	vpop (xrf2);
	v0 =	vsel vm12, v3, v0;
	vm13 =	veq.s32 v2, v59;
	(pc) =	sbr.rel @p1 .LBB2_15-.Ltmp6, $4  }
0x345: {  	s20 =	sshllo.u32 s0, $0x3;
	v2 =	vbroadcast v63, $0xF;
	v3, _, _ =	vpop (xrf2);
	v0 =	vsel vm13, v1, v0;
	v1 =	vmov s4  }
0x346: {  	v3 =	vbroadcast v3, $0xF;
	vm14 =	veq.s32 v1, v59;
	v1 =	vmov s20  }
0x347: {  	v0 =	vsel vm14, v2, v0;
	vm15 =	veq.s32 v1, v59  }
0x348: {  	p0 =	por $0x0, $0x0;
	s0 =	simm.s32 $0x1;
	v2 =	vsel vm15, v3, v0  }
0x349: {  	s0 =	sshll.u32 s30, $0x4  }
0x34a: {  	v0 =	vld [tilespmem:s0+$0x10500];
	_ =	sdelay $0x1  }
0x34b: {  	v1 =	vld [tilespmem:s0+$0x10700];
	_ =	sdelay $0x2  }
0x34c: {  	v0 =	vadd.f32 v0, v2;
	_ =	sdelay $0x1  }
0x34d: {  	v0 =	vadd.f32 v1, v0;
	_ =	sdelay $0x1  }
0x34e: {  	v0 =	vsub.f32 $0.0e+00, v0;
	_ =	sdelay $0x1  }
0x34f: {  	v0 =	vmul.f32 $1.442695020e+00, v0;
	_ =	sdelay $0x1  }
0x350: {  	(erf) = vpow2.f32 v0;
	_ =	sdelay $0x8  }
0x351: {  	v0 =	vpop (erf)  }
0x352: {  	v0 =	vadd.f32 $1.000000000e+00, v0;
	_ =	sdelay $0x1  }
0x353: {  	(erf) = vrcp.f32 v0;
	_ =	sdelay $0x5  }
0x354: {  	s30 =	sadd.s32 $0x1, s30  }
0x355: {  	p0 =	sne.s32 s30, $0x8  }
.Ltmp7:
0x356: {  	_ = 	snop;
	(pc) =	sbr.rel @p0 .LBB2_14-.Ltmp7, $3  }
0x357: {  	v0 =	vpop (erf)  }
0x358: {  	v0 =	vmul.f32 $5.000000000e+00, v0;
	_ =	sdelay $0x1  }
0x359: {  	[tilespmem:s0+$0x10900] =	vst v0  }
0x35a: {  	s30 =	simm.s32 $0x0  }
0x35b: {  	[hbm4b:s11+s30] =	stream.linear.scatter [tilespmem:s22], [sflag:$0x3], $0x80, $0x38;
	[tilespmem:$0x10A00] =	vst v63  }
0x35c: {  	_ =	swait.ge [sflag:s16], $0x4000  }
0x35d: {  	[sflag:s16] =	ssyncset.done $0x0  }
0x35e: {  	[sflag:s16] =	ssyncadd.s32 $0xFFFFC000  }
0x35f: {  	_ =	swait.ge [sflag:s16], $0x4000  }
0x360: {  	[sflag:s16] =	ssyncset.done $0x0  }
0x361: {  	[sflag:s16] =	ssyncadd.s32 $0xFFFFC000  }
.LBB2_18:
0x362: {  	s31 =	sshll.u32 s30, $0xB;
	p0 =	por $0x1, $0x1;
	v2 =	vimm.f32 $0.0e+00;
	s0 =	simm.s32 $0x0  }
.LBB2_19:
0x363: {  	s4 =	sshll.u32 s0, $0xA  }
0x364: {  	s4 =	sor.u32 s31, s4  }
0x365: {  	v0 =	vld [tilespmem:s4+$0x4400]  }
0x366: {  	v4 =	vld [tilespmem:s4+$0xC400]  }
0x367: {  	v5 =	vld [tilespmem:s4+$0x4410]  }
0x368: {  	v6 =	vld [tilespmem:s4+$0xC410]  }
0x369: {  	v7 =	vld [tilespmem:s4+$0x4420]  }
0x36a: {  	v8 =	vld [tilespmem:s4+$0xC420]  }
0x36b: {  	v9 =	vld [tilespmem:s4+$0x4430]  }
0x36c: {  	v10 =	vld [tilespmem:s4+$0xC430]  }
0x36d: {  	v11 =	vld [tilespmem:s4+$0x4440]  }
0x36e: {  	v12 =	vld [tilespmem:s4+$0xC440]  }
0x36f: {  	v17 =	vld [tilespmem:s4+$0x4450]  }
0x370: {  	v14 =	vld [tilespmem:s4+$0xC450]  }
0x371: {  	v34 =	vld [tilespmem:s4+$0x4460]  }
0x372: {  	v33 =	vld [tilespmem:s4+$0xC460]  }
0x373: {  	v1 =	vld [tilespmem:s4+$0x4470]  }
0x374: {  	v19 =	vld [tilespmem:s4+$0x4480]  }
0x375: {  	v20 =	vld [tilespmem:s4+$0xC480]  }
0x376: {  	v21 =	vld [tilespmem:s4+$0x4490]  }
0x377: {  	v22 =	vld [tilespmem:s4+$0xC490]  }
0x378: {  	v23 =	vld [tilespmem:s4+$0x44A0]  }
0x379: {  	v24 =	vld [tilespmem:s4+$0xC4A0]  }
0x37a: {  	v25 =	vld [tilespmem:s4+$0x44B0]  }
0x37b: {  	v26 =	vld [tilespmem:s4+$0xC4B0]  }
0x37c: {  	v32 =	vld [tilespmem:s4+$0x44C0]  }
0x37d: {  	v28 =	vld [tilespmem:s4+$0xC4C0]  }
0x37e: {  	v29 =	vld [tilespmem:s4+$0x44D0]  }
0x37f: {  	v30 =	vld [tilespmem:s4+$0xC4D0]  }
0x380: {  	v35 =	vld [tilespmem:s4+$0x4500]  }
0x381: {  	v36 =	vld [tilespmem:s4+$0xC500]  }
0x382: {  	v37 =	vld [tilespmem:s4+$0x4510]  }
0x383: {  	v38 =	vld [tilespmem:s4+$0xC510]  }
0x384: {  	v39 =	vld [tilespmem:s4+$0x4520]  }
0x385: {  	v40 =	vld [tilespmem:s4+$0xC520]  }
0x386: {  	v41 =	vld [tilespmem:s4+$0x4530]  }
0x387: {  	v42 =	vld [tilespmem:s4+$0xC530]  }
0x388: {  	v46 =	vld [tilespmem:s4+$0x4540]  }
0x389: {  	v44 =	vld [tilespmem:s4+$0xC540]  }
0x38a: {  	v50 =	vld [tilespmem:s4+$0xC550]  }
0x38b: {  	v51 =	vld [tilespmem:s4+$0x4580]  }
0x38c: {  	v52 =	vld [tilespmem:s4+$0xC580]  }
0x38d: {  	v53 =	vld [tilespmem:s4+$0x4590]  }
0x38e: {  	v54 =	vld [tilespmem:s4+$0xC590]  }
0x38f: {  	v55 =	vld [tilespmem:s4+$0x45A0]  }
0x390: {  	v56 =	vld [tilespmem:s4+$0xC5A0]  }
0x391: {  	v57 =	vld [tilespmem:s4+$0x45B0]  }
0x392: {  	v58 =	vld [tilespmem:s4+$0xC5B0]  }
0x393: {  	v59 =	vld [tilespmem:s4+$0x45C0]  }
0x394: {  	[tilespmem:$0x1F880] =	vst v1;
	v1 =	vld [tilespmem:s4+$0xC470]  }
0x395: {  	v60 =	vld [tilespmem:s4+$0xC5C0]  }
0x396: {  	v61 =	vld [tilespmem:s4+$0x45D0]  }
0x397: {  	v62 =	vld [tilespmem:s4+$0xC5D0]  }
0x398: {  	v49 =	vld [tilespmem:s4+$0x4600]  }
0x399: {  	[tilespmem:$0x1F890] =	vst v1;
	v1 =	vld [tilespmem:s4+$0x44E0]  }
0x39a: {  	v3 =	vld [tilespmem:s4+$0xC600]  }
0x39b: {  	[tilespmem:$0x1F9F0] =	vst v2;
	v2 =	vld [tilespmem:s4+$0x4610]  }
0x39c: {  	v31 =	vld [tilespmem:s4+$0x4620]  }
0x39d: {  	v27 =	vld [tilespmem:s4+$0xC620]  }
0x39e: {  	[tilespmem:$0x1F8A0] =	vst v1;
	v1 =	vld [tilespmem:s4+$0xC4E0]  }
0x39f: {  	v48 =	vld [tilespmem:s4+$0x4630]  }
0x3a0: {  	v47 =	vld [tilespmem:s4+$0xC630]  }
0x3a1: {  	v13 =	vld [tilespmem:s4+$0x4640]  }
0x3a2: {  	v16 =	vld [tilespmem:s4+$0xC640]  }
0x3a3: {  	[tilespmem:$0x1F8B0] =	vst v1;
	v1 =	vld [tilespmem:s4+$0x44F0]  }
0x3a4: {  	v18 =	vld [tilespmem:s4+$0x4650]  }
0x3a5: {  	v43 =	vld [tilespmem:s4+$0xC650]  }
0x3a6: {  	v45 =	vld [tilespmem:s4+$0x4660]  }
0x3a7: {  	v63 =	vld [tilespmem:s4+$0xC660]  }
0x3a8: {  	[tilespmem:$0x1F8D0] =	vst v1;
	v1 =	vld [tilespmem:s4+$0xC4F0]  }
0x3a9: {  	v15 =	vld [tilespmem:s4+$0xC680]  }
0x3aa: {  	[tilespmem:$0x1F980] =	vst v16;
	v16 =	vld [tilespmem:s4+$0x4670]  }
0x3ab: {  	[tilespmem:$0x1F990] =	vst v18;
	v18 =	vld [tilespmem:s4+$0xC670]  }
0x3ac: {  	[tilespmem:$0x1F970] =	vst v13;
	v13 =	vld [tilespmem:s4+$0xC690]  }
0x3ad: {  	[tilespmem:$0x1F8E0] =	vst v1;
	v1 =	vld [tilespmem:s4+$0x4550]  }
0x3ae: {  	[tilespmem:$0x1F9B0] =	vst v45;
	v45 =	vld [tilespmem:s4+$0x46A0]  }
0x3af: {  	[tilespmem:$0x1F9A0] =	vst v43;
	v43 =	vld [tilespmem:s4+$0xC6A0]  }
0x3b0: {  	[tilespmem:$0x1F9C0] =	vst v63;
	v63 =	vld [tilespmem:s4+$0x46B0]  }
0x3b1: {  	v0 =	vmul.f32 v4, v0;
	v4 =	vmul.f32 v6, v5;
	v6 =	vld [tilespmem:s4+$0xC6B0]  }
0x3b2: {  	[tilespmem:$0x1F8C0] =	vst v1;
	v1 =	vld [tilespmem:s4+$0x4560]  }
0x3b3: {  	v5 =	vld [tilespmem:s4+$0x46C0]  }
0x3b4: {  	v11 =	vmul.f32 v12, v11;
	v12 =	vld [tilespmem:s4+$0xC6E0];
	v19 =	vmul.f32 v20, v19  }
0x3b5: {  	v20 =	vmul.f32 v22, v21;
	v21 =	vmul.f32 v33, v34;
	v22 =	vld [tilespmem:s4+$0x4710]  }
0x3b6: {  	v33 =	vmul.f32 v36, v35;
	v35 =	vmul.f32 v28, v32;
	v28 =	vld [tilespmem:s4+$0xC720]  }
0x3b7: {  	[tilespmem:$0x1F8F0] =	vst v1;
	v1 =	vld [tilespmem:s4+$0xC560]  }
0x3b8: {  	v3 =	vmul.f32 v3, v49;
	v49 =	vld [tilespmem:s4+$0xC780]  }
0x3b9: {  	v62 =	vmul.f32 v62, v61;
	v61 =	vld [tilespmem:s4+$0xC7B0]  }
0x3ba: {  	v36 =	vmul.f32 v40, v39;
	v39 =	vld [tilespmem:$0x1F880]  }
0x3bb: {  	v0 =	vadd.f32 v4, v0;
	v4 =	vmul.f32 v8, v7;
	v7 =	vld [tilespmem:s4+$0xC6C0]  }
0x3bc: {  	[tilespmem:$0x1F900] =	vst v1;
	v1 =	vld [tilespmem:s4+$0x4570]  }
0x3bd: {  	v8 =	vld [tilespmem:s4+$0x46D0]  }
0x3be: {  	v14 =	vmul.f32 v14, v17;
	v17 =	vadd.f32 v20, v19;
	v20 =	vld [tilespmem:s4+$0x4700]  }
0x3bf: {  	v19 =	vmul.f32 v26, v25;
	v25 =	vld [tilespmem:s4+$0xC710]  }
0x3c0: {  	v34 =	vmul.f32 v38, v37;
	v26 =	vmul.f32 v30, v29;
	v30 =	vld [tilespmem:s4+$0x4730]  }
0x3c1: {  	[tilespmem:$0x1F930] =	vst v1;
	v1 =	vld [tilespmem:s4+$0xC570]  }
0x3c2: {  	v24 =	vmul.f32 v24, v23;
	v23 =	vadd.f32 v34, v33;
	v33 =	vld [tilespmem:s4+$0xC730]  }
0x3c3: {  	v29 =	vld [tilespmem:s4+$0x4740]  }
0x3c4: {  	v0 =	vadd.f32 v4, v0;
	v4 =	vmul.f32 v10, v9;
	v9 =	vld [tilespmem:s4+$0xC6D0]  }
0x3c5: {  	v10 =	vld [tilespmem:s4+$0x46E0]  }
0x3c6: {  	[tilespmem:$0x1F940] =	vst v1;
	v1 =	vld [tilespmem:s4+$0x45E0]  }
0x3c7: {  	[tilespmem:$0x1F9E0] =	vst v18;
	v18 =	vld [tilespmem:s4+$0x4680]  }
0x3c8: {  	[tilespmem:$0x1F9D0] =	vst v16;
	v16 =	vld [tilespmem:s4+$0x4690]  }
0x3c9: {  	v6 =	vmul.f32 v6, v63;
	v63 =	vld [tilespmem:s4+$0x47C0]  }
0x3ca: {  	v0 =	vadd.f32 v4, v0;
	v4 =	vld [tilespmem:s4+$0x46F0]  }
0x3cb: {  	v37 =	vmul.f32 v52, v51;
	v38 =	vmul.f32 v54, v53;
	v17 =	vadd.f32 v24, v17;
	[tilespmem:$0x1F910] =	vst v1;
	v1 =	vld [tilespmem:s4+$0xC5E0]  }
0x3cc: {  	v40 =	vld [tilespmem:$0x1F890]  }
0x3cd: {  	v17 =	vadd.f32 v19, v17;
	v19 =	vadd.f32 v38, v37;
	v37 =	vld [tilespmem:s4+$0x4760]  }
0x3ce: {  	v38 =	vld [tilespmem:s4+$0x4770]  }
0x3cf: {  	v41 =	vmul.f32 v42, v41;
	v23 =	vadd.f32 v36, v23;
	v11 =	vadd.f32 v11, v0;
	v0 =	vld [tilespmem:s4+$0xC6F0]  }
0x3d0: {  	v42 =	vmul.f32 v56, v55;
	[tilespmem:$0x1F920] =	vst v1;
	v1 =	vld [tilespmem:s4+$0x45F0]  }
0x3d1: {  	v53 =	vmul.f32 v44, v46;
	v23 =	vadd.f32 v41, v23;
	v17 =	vadd.f32 v35, v17;
	v35 =	vld [tilespmem:s4+$0xC740]  }
0x3d2: {  	v19 =	vadd.f32 v42, v19;
	v42 =	vld [tilespmem:s4+$0x4780]  }
0x3d3: {  	v23 =	vadd.f32 v53, v23;
	v53 =	vld [tilespmem:$0x1F980]  }
0x3d4: {  	v54 =	vmul.f32 v58, v57;
	v11 =	vadd.f32 v14, v11;
	v14 =	vld [tilespmem:s4+$0xC700]  }
0x3d5: {  	[tilespmem:$0x1F950] =	vst v1;
	v1 =	vld [tilespmem:s4+$0xC5F0]  }
0x3d6: {  	v19 =	vadd.f32 v54, v19;
	v54 =	vld [tilespmem:s4+$0xC790]  }
0x3d7: {  	v51 =	vld [tilespmem:$0x1F8A0]  }
0x3d8: {  	v32 =	vmul.f32 v40, v39;
	v39 =	vld [tilespmem:$0x1F9C0]  }
0x3d9: {  	v52 =	vld [tilespmem:$0x1F8B0]  }
0x3da: {  	v58 =	vmul.f32 v60, v59;
	[tilespmem:$0x1F960] =	vst v1;
	v1 =	vld [tilespmem:s4+$0xC610]  }
0x3db: {  	v11 =	vadd.f32 v21, v11;
	v21 =	vld [tilespmem:s4+$0x4720]  }
0x3dc: {  	v19 =	vadd.f32 v58, v19;
	v58 =	vld [tilespmem:s4+$0xC7A0]  }
0x3dd: {  	v56 =	vld [tilespmem:$0x1F8D0]  }
0x3de: {  	v17 =	vadd.f32 v26, v17;
	v57 =	vld [tilespmem:$0x1F8E0]  }
0x3df: {  	v11 =	vadd.f32 v32, v11;
	v32 =	vld [tilespmem:s4+$0x4750];
	v34 =	vmul.f32 v52, v51;
	v1 =	vmul.f32 v1, v2  }
0x3e0: {  	v19 =	vadd.f32 v62, v19;
	v62 =	vmul.f32 v49, v42;
	v49 =	vld [tilespmem:s4+$0xC7E0]  }
0x3e1: {  	v17 =	vadd.f32 v34, v17;
	v34 =	vld [tilespmem:s4+$0xC750];
	v1 =	vadd.f32 v1, v3;
	v3 =	vmul.f32 v27, v31  }
0x3e2: {  	v55 =	vld [tilespmem:$0x1F8C0]  }
0x3e3: {  	v36 =	vmul.f32 v57, v56;
	v56 =	vld [tilespmem:s4+$0x47A0];
	v1 =	vadd.f32 v3, v1;
	v3 =	vmul.f32 v47, v48  }
0x3e4: {  	v57 =	vld [tilespmem:$0x1F9A0]  }
0x3e5: {  	v1 =	vadd.f32 v3, v1;
	v3 =	vld [tilespmem:$0x1F970]  }
0x3e6: {  	v17 =	vadd.f32 v36, v17;
	v36 =	vld [tilespmem:$0x1F9B0]  }
0x3e7: {  	v59 =	vld [tilespmem:$0x1F8F0]  }
0x3e8: {  	v24 =	vmul.f32 v50, v55;
	v50 =	vld [tilespmem:s4+$0x4790]  }
0x3e9: {  	v60 =	vld [tilespmem:$0x1F900]  }
0x3ea: {  	v44 =	vld [tilespmem:$0x1F930];
	v3 =	vmul.f32 v53, v3  }
0x3eb: {  	v15 =	vmul.f32 v15, v18;
	v13 =	vmul.f32 v13, v16;
	v40 =	vld [tilespmem:$0x1F910]  }
0x3ec: {  	v1 =	vadd.f32 v3, v1;
	v3 =	vld [tilespmem:$0x1F990]  }
0x3ed: {  	v13 =	vadd.f32 v13, v15;
	v55 =	vmul.f32 v43, v45;
	v41 =	vld [tilespmem:$0x1F920]  }
0x3ee: {  	v51 =	vld [tilespmem:$0x1F950]  }
0x3ef: {  	v5 =	vmul.f32 v7, v5;
	v13 =	vadd.f32 v55, v13;
	v52 =	vld [tilespmem:$0x1F960]  }
0x3f0: {  	v8 =	vmul.f32 v9, v8;
	v23 =	vadd.f32 v24, v23;
	v24 =	vmul.f32 v60, v59;
	v46 =	vld [tilespmem:$0x1F940]  }
0x3f1: {  	v43 =	vmul.f32 v58, v56;
	v6 =	vadd.f32 v6, v13;
	v59 =	vld [tilespmem:s4+$0x47B0];
	v3 =	vmul.f32 v57, v3  }
0x3f2: {  	v55 =	vld [tilespmem:s4+$0xC7F0];
	v16 =	vmul.f32 v54, v50;
	v60 =	vmul.f32 v25, v22;
	v23 =	vadd.f32 v24, v23  }
0x3f3: {  	v24 =	vmul.f32 v41, v40;
	v41 =	vld [tilespmem:s4+$0xC7C0];
	v1 =	vadd.f32 v3, v1;
	v3 =	vmul.f32 v14, v20  }
0x3f4: {  	v5 =	vadd.f32 v5, v6;
	v42 =	vadd.f32 v16, v62;
	v18 =	vmul.f32 v52, v51;
	v52 =	vld [tilespmem:$0x1F9D0]  }
0x3f5: {  	v40 =	vmul.f32 v28, v21;
	v31 =	vmul.f32 v46, v44;
	v44 =	vld [tilespmem:s4+$0x47D0];
	v3 =	vadd.f32 v60, v3  }
0x3f6: {  	v10 =	vmul.f32 v12, v10;
	v6 =	vadd.f32 v43, v42;
	v7 =	vmul.f32 v61, v59;
	v46 =	vld [tilespmem:s4+$0xC7D0]  }
0x3f7: {  	v45 =	vmul.f32 v33, v30;
	v5 =	vadd.f32 v8, v5;
	v53 =	vld [tilespmem:$0x1F9E0];
	v3 =	vadd.f32 v40, v3  }
0x3f8: {  	v0 =	vmul.f32 v0, v4;
	v6 =	vadd.f32 v7, v6;
	v50 =	vmul.f32 v41, v63;
	v2 =	vld [tilespmem:s4+$0xC760]  }
0x3f9: {  	v5 =	vadd.f32 v10, v5;
	v47 =	vld [tilespmem:s4+$0x47E0];
	v48 =	vmul.f32 v35, v29;
	v3 =	vadd.f32 v45, v3  }
0x3fa: {  	v22 =	vmul.f32 v39, v36;
	v19 =	vadd.f32 v24, v19;
	v6 =	vadd.f32 v50, v6;
	v27 =	vld [tilespmem:s4+$0xC770]  }
0x3fb: {  	(xrf2) =	vadd.scan.msk.f32 $0xffff, v11;
	v54 =	vmul.f32 v34, v32;
	v51 =	vld [tilespmem:s4+$0x47F0];
	v23 =	vadd.f32 v31, v23;
	v3 =	vadd.f32 v48, v3  }
0x3fc: {  	(xrf2) =	vadd.scan.msk.f32 $0xffff, v17;
	v56 =	vmul.f32 v46, v44;
	v12 =	vmul.f32 v53, v52;
	v1 =	vadd.f32 v22, v1  }
0x3fd: {  	v18 =	vadd.f32 v18, v19;
	v2 =	vmul.f32 v2, v37;
	v3 =	vadd.f32 v54, v3  }
0x3fe: {  	(xrf2) =	vadd.scan.msk.f32 $0xffff, v23;
	v58 =	vmul.f32 v49, v47;
	v57 =	vadd.f32 v56, v6;
	v1 =	vadd.f32 v12, v1  }
0x3ff: {  	v0 =	vadd.f32 v0, v5;
	(xrf2) =	vadd.scan.msk.f32 $0xffff, v18;
	v2 =	vadd.f32 v2, v3;
	v3 =	vmul.f32 v27, v38  }
0x400: {  	v60 =	vmul.f32 v55, v51;
	(xrf2) =	vadd.scan.msk.f32 $0xffff, v1;
	v1 =	vadd.f32 v58, v57  }
0x401: {  	(xrf2) =	vadd.scan.msk.f32 $0xffff, v0;
	v0 =	vadd.f32 v3, v2  }
0x402: {  	v1 =	vadd.f32 v60, v1  }
0x403: {  	v61 =	vld [tilespmem:$0x1F9F0];
	_ =	sdelay $0x1  }
0x404: {  	s4 =	sshll.u32 s0, $0x3;
	(xrf2) =	vadd.scan.msk.f32 $0xffff, v0;
	v0, _, _ =	vpop (xrf2)  }
0x405: {  	v59 =	vlaneseq.u32;
	s20 =	sor.u32 $0x1, s4;
	v2 =	vmov s4;
	(xrf2) =	vadd.scan.msk.f32 $0xffff, v1;
	v1, _, _ =	vpop (xrf2);
	v0 =	vbroadcast v0, $0xF  }
0x406: {  	vm0 =	veq.s32 v2, v59;
	v2 =	vmov s20;
	v1 =	vbroadcast v1, $0xF  }
0x407: {  	s20 =	sor.u32 $0x2, s4;
	vm9 =	veq.s32 v2, v59;
	v0 =	vsel vm0, v0, v61  }
0x408: {  	v3, _, _ =	vpop (xrf2);
	v0 =	vsel vm9, v1, v0;
	v1 =	vmov s20;
	s20 =	sor.u32 $0x3, s4  }
0x409: {  	v2, _, _ =	vpop (xrf2);
	v3 =	vbroadcast v3, $0xF;
	vm10 =	veq.s32 v1, v59;
	v1 =	vmov s20  }
0x40a: {  	v2 =	vbroadcast v2, $0xF;
	v62, _, _ =	vpop (xrf2)  }
0x40b: {  	s20 =	sor.u32 $0x4, s4;
	v0 =	vsel vm10, v3, v0;
	vm11 =	veq.s32 v1, v59;
	v3 =	vbroadcast v62, $0xF  }
0x40c: {  	v0 =	vsel vm11, v2, v0;
	v2 =	vmov s20;
	s20 =	sor.u32 $0x5, s4;
	v1, _, _ =	vpop (xrf2)  }
0x40d: {  	p1 =	por p0, p0;
	vm12 =	veq.s32 v2, v59;
	v2 =	vmov s20;
	v1 =	vbroadcast v1, $0xF  }
.Ltmp8:
0x40e: {  	s4 =	sor.u32 $0x6, s4;
	v63, _, _ =	vpop (xrf2);
	v0 =	vsel vm12, v3, v0;
	vm13 =	veq.s32 v2, v59;
	(pc) =	sbr.rel @p1 .LBB2_19-.Ltmp8, $4  }
0x40f: {  	s20 =	sshllo.u32 s0, $0x3;
	v2 =	vbroadcast v63, $0xF;
	v3, _, _ =	vpop (xrf2);
	v0 =	vsel vm13, v1, v0;
	v1 =	vmov s4  }
0x410: {  	v3 =	vbroadcast v3, $0xF;
	vm14 =	veq.s32 v1, v59;
	v1 =	vmov s20  }
0x411: {  	v0 =	vsel vm14, v2, v0;
	vm15 =	veq.s32 v1, v59  }
0x412: {  	p0 =	por $0x0, $0x0;
	s0 =	simm.s32 $0x1;
	v2 =	vsel vm15, v3, v0  }
0x413: {  	s0 =	sshll.u32 s30, $0x4  }
0x414: {  	v0 =	vld [tilespmem:s0+$0x10580];
	_ =	sdelay $0x1  }
0x415: {  	v1 =	vld [tilespmem:s0+$0x10780];
	_ =	sdelay $0x2  }
0x416: {  	v0 =	vadd.f32 v0, v2;
	_ =	sdelay $0x1  }
0x417: {  	v0 =	vadd.f32 v1, v0;
	_ =	sdelay $0x1  }
0x418: {  	v0 =	vsub.f32 $0.0e+00, v0;
	_ =	sdelay $0x1  }
0x419: {  	v0 =	vmul.f32 $1.442695020e+00, v0;
	_ =	sdelay $0x1  }
0x41a: {  	(erf) = vpow2.f32 v0;
	_ =	sdelay $0x8  }
0x41b: {  	v0 =	vpop (erf)  }
0x41c: {  	v0 =	vadd.f32 $1.000000000e+00, v0;
	_ =	sdelay $0x1  }
0x41d: {  	(erf) = vrcp.f32 v0;
	_ =	sdelay $0x5  }
0x41e: {  	s30 =	sadd.s32 $0x1, s30  }
0x41f: {  	p0 =	sne.s32 s30, $0x8  }
.Ltmp9:
0x420: {  	_ = 	snop;
	(pc) =	sbr.rel @p0 .LBB2_18-.Ltmp9, $3  }
0x421: {  	v0 =	vpop (erf)  }
0x422: {  	v0 =	vmul.f32 $5.000000000e+00, v0;
	_ =	sdelay $0x1  }
0x423: {  	[tilespmem:s0+$0x10980] =	vst v0  }
0x424: {  	[hbm4b:s12+s5] =	stream.linear.scatter [tilespmem:s23], [sflag:$0x3], $0x80, $0x38;
	[tilespmem:$0x10A00] =	vst v63  }
0x425: {  	_ =	swait.ge [sflag:s24], $0x80  }
0x426: {  	[sflag:s24] =	ssyncset.done $0x0  }
0x427: {  	[sflag:s24] =	ssyncadd.s32 $0xFFFFFF80  }
0x428: {  	_ =	swait.ge [sflag:s24], $0x80  }
0x429: {  	[sflag:s24] =	ssyncset.done $0x0  }
0x42a: {  	s28 =	sadd.s32 $0x1, s28;
	[sflag:s24] =	ssyncadd.s32 $0xFFFFFF80  }
0x42b: {  	p0 =	sne.s32 s28, s13;
	_ =	swait.ge [sflag:s24], $0x80  }
.Ltmp10:
0x42c: {  	[sflag:s24] =	ssyncset.done $0x0;
	(pc) =	sbr.rel @p0 .LBB2_1-.Ltmp10, $4  }
0x42d: {  	[sflag:s24] =	ssyncadd.s32 $0xFFFFFF80  }
0x42e: {  	_ =	swait.ge [sflag:s24], $0x80  }
0x42f: {  	[sflag:s24] =	ssyncset.done $0x0  }
0x430: {  	[sflag:s24] =	ssyncadd.s32 $0xFFFFFF80  }
0x431: {  	_ =	sfence.sel $0x180000  }
0x432: {  	[bflag:$0x0] =	sbarrier.arrive $0xFFFF  }
0x433: {  	_ =	strace $0x90000047  }
0x434: {  	s0 =	stileid.u32;
	[bflag:$0x2] =	sbarrier.arrive $0xFFFF  }
0x435: {  	p0 =	sne.s32 s0, $0x0;
	s0 =	rddreg [dreg:$0x6]  }
0x436: {  	s0 =	sadd.s32 @!p0 $0x100000, s0  }
0x437: {  	[sflag:s0] =	ssyncadd.tile.s32 @!p0 $0x1;
	_ =	shalt  }
.Lfunc_end2:
_tile_overlayer_lowered:
.L_overlay_start_2:
0x438: {  	(tag) =	ssettag $0x2  }
0x439: {  	s0 =	rddreg [dreg:$0x0];
	s2 =	stileid.u32  }
0x43a: {  	s1 =	rddreg [dreg:$0x1];
	p0 =	sne.s32 s2, $0x0  }
0x43b: {  	s3 =	rddreg [dreg:$0x2];
	[bflag:$0x3] =	sbarrier.arrive $0xFFFF;
	s2 =	simm.s32 @!p0 $0x1C04  }
0x43c: {  	[timem:s3], [sflag:s2] =	dma.local @!p0 [hbm:s0], s1  }
0x43d: {  	s0 =	simm.s32 @!p0 $0x4  }
0x43e: {  	_ =	swait.ge @!p0 [sflag:s0], s1  }
0x43f: {  	s1 =	ssub.s32 @!p0 $0x0, s1;
	[sflag:s0] =	ssyncset.done @!p0 $0x0  }
0x440: {  	[sflag:s0] =	ssyncadd.s32 @!p0 s1  }
0x441: {  	[bflag:$0x3] =	sbarrier.arrive $0xFFFF  }
0x442: {  	_ =	shalt  }

</sc_bundles>
